<compile_context>
chip_gen: v7x
topology: tpu7x:2x2x1
jax: 0.10.2.dev20260603
libtpu: 0.0.44.dev20260713+nightly
codegen_flags: <defaults>
</compile_context>

<pallas_src>
import functools

import jax
import jax.numpy as jnp
from jax import lax
from jax.experimental import pallas as pl
from jax.experimental.pallas import tpu as pltpu
from jax.experimental.pallas import tpu_sc as plsc

_NC = 2
_NS = 16
_NW = _NC * _NS
_K = 80
_C0 = 104


@functools.lru_cache(maxsize=None)
def _make_sc_agg(N, D, E, gather=True):
    e_per_w = E // _NW
    assert e_per_w * _NW == E and e_per_w % _K == 0
    nchunk = e_per_w // _K
    stripe = (N // _NS) // 8 * 8
    rem = N - stripe * _NS
    assert rem % 8 == 0 and 0 <= rem <= _C0
    assert stripe % _C0 == 0

    mesh = plsc.VectorSubcoreMesh(core_axis_name="c", subcore_axis_name="s")

    if gather:
        assert nchunk % 2 == 1 and nchunk >= 3
    out_type = jax.ShapeDtypeStruct((_NC, N, D), jnp.float32)
    scratch = [
        pltpu.VMEM((_K,), jnp.int32),
        pltpu.VMEM((_K,), jnp.int32),
        pltpu.VMEM((_K, D), jnp.float32),
        pltpu.VMEM((_K,), jnp.int32),
        pltpu.VMEM((_K,), jnp.int32),
        pltpu.VMEM((_K, D), jnp.float32),
        pltpu.VMEM((_C0, D), jnp.float32),
        pltpu.VMEM_SHARED((N, D), jnp.float32),
        pltpu.SemaphoreType.DMA,
        pltpu.SemaphoreType.DMA,
    ]

    def body(zrows_hbm, h_hbm, src_hbm, dst_hbm, agg_out,
             src_v, dst_v, rows_v, src_w, dst_w, rows_w, stage_v, agg_sh,
             sem0, sem1):
        c = lax.axis_index("c")
        s = lax.axis_index("s")
        wid = s * _NC + c
        r0 = s * stripe
        last = s == (_NS - 1)

        pltpu.sync_copy(zrows_hbm, stage_v)
        for j in range(stripe // _C0):
            pltpu.sync_copy(stage_v, agg_sh.at[pl.ds(r0 + j * _C0, _C0)])
        if rem:
            @pl.when(last)
            def _():
                pltpu.sync_copy(stage_v.at[pl.ds(0, rem)],
                                agg_sh.at[pl.ds(_NS * stripe, rem)])
        plsc.subcore_barrier()

        base0 = wid * e_per_w

        def start_gather(i, sv, dv, rv, sem):
            base = base0 + i * _K
            pltpu.sync_copy(src_hbm.at[pl.ds(base, _K)], sv)
            pltpu.sync_copy(dst_hbm.at[pl.ds(base, _K)], dv)
            pltpu.async_copy(h_hbm.at[sv], rv, sem)

        def drain(rv, sem):
            pltpu.make_async_copy(h_hbm.at[pl.ds(0, _K)], rv, sem).wait()

        if gather:
            start_gather(0, src_v, dst_v, rows_v, sem0)

            def step(j, carry):
                i0 = 2 * j
                start_gather(i0 + 1, src_w, dst_w, rows_w, sem1)
                drain(rows_v, sem0)
                pltpu.sync_copy(rows_v, agg_sh.at[dst_v], add=True)
                start_gather(i0 + 2, src_v, dst_v, rows_v, sem0)
                drain(rows_w, sem1)
                pltpu.sync_copy(rows_w, agg_sh.at[dst_w], add=True)
                return carry

            lax.fori_loop(0, (nchunk - 1) // 2, step, 0)
            drain(rows_v, sem0)
            pltpu.sync_copy(rows_v, agg_sh.at[dst_v], add=True)
        else:
            pltpu.sync_copy(h_hbm, rows_v)

            def step(i, carry):
                base = base0 + i * _K
                pltpu.sync_copy(dst_hbm.at[pl.ds(base, _K)], dst_v)
                pltpu.sync_copy(rows_v, agg_sh.at[dst_v], add=True)
                return carry

            lax.fori_loop(0, nchunk, step, 0)
        plsc.subcore_barrier()

        def publish(nrows, base):
            pltpu.sync_copy(agg_sh.at[pl.ds(base, nrows)],
                            stage_v.at[pl.ds(0, nrows)])
            pltpu.sync_copy(stage_v.at[pl.ds(0, nrows)],
                            agg_out.at[c, pl.ds(base, nrows)])

        for j in range(stripe // _C0):
            publish(_C0, r0 + j * _C0)
        if rem:
            @pl.when(last)
            def _():
                publish(rem, _NS * stripe)

    return pl.kernel(body, out_type=out_type, mesh=mesh, scratch_types=scratch)


def _dense_body(h_ref, agg_a, agg_b, deg_a, deg_b, w_top, w_bot, b_ref,
                out_ref, *, softmax):
    deg = deg_a[:, :1] + deg_b[:, :1]
    mean = (agg_a[...] + agg_b[...]) / jnp.maximum(deg, 1.0)
    z = (jnp.dot(h_ref[...], w_top[...], preferred_element_type=jnp.float32)
         + jnp.dot(mean, w_bot[...], preferred_element_type=jnp.float32)
         + b_ref[...])
    z = jnp.maximum(z, 0.0)
    if softmax:
        z = z - jnp.max(z, axis=-1, keepdims=True)
        e = jnp.exp(z)
        z = e / jnp.sum(e, axis=-1, keepdims=True)
    out_ref[...] = z


@functools.lru_cache(maxsize=None)
def _make_dense(N, D, F, softmax):
    BN = 400
    assert N % BN == 0
    grid = (N // BN,)
    return pl.pallas_call(
        functools.partial(_dense_body, softmax=softmax),
        grid=grid,
        in_specs=[
            pl.BlockSpec((BN, D), lambda i: (i, 0)),
            pl.BlockSpec((BN, D), lambda i: (i, 0)),
            pl.BlockSpec((BN, D), lambda i: (i, 0)),
            pl.BlockSpec((BN, 128), lambda i: (i, 0)),
            pl.BlockSpec((BN, 128), lambda i: (i, 0)),
            pl.BlockSpec((D, F), lambda i: (0, 0)),
            pl.BlockSpec((D, F), lambda i: (0, 0)),
            pl.BlockSpec((1, F), lambda i: (0, 0)),
        ],
        out_specs=pl.BlockSpec((BN, F), lambda i: (i, 0)),
        out_shape=jax.ShapeDtypeStruct((N, F), jnp.float32),
    )


def kernel(feats, edge_index, max_nodes, W0, b0, W1, b1):
    del max_nodes
    N, D = feats.shape
    E = edge_index.shape[1]
    F0 = W0.shape[1]
    F1 = W1.shape[1]
    src = edge_index[0]
    dst = edge_index[1]
    zrows = jnp.zeros((_C0, D), jnp.float32)
    ones_rows = jnp.ones((_K, D), jnp.float32)

    sc_agg = _make_sc_agg(N, D, E)

    deg = _make_sc_agg(N, D, E, False)(zrows, ones_rows, src, dst)
    agg0 = sc_agg(zrows, feats, src, dst)
    h1 = _make_dense(N, D, F0, False)(
        feats, agg0[0], agg0[1], deg[0], deg[1], W0[:D], W0[D:],
        b0.reshape(1, F0))
    agg1 = sc_agg(zrows, h1, src, dst)
    out = _make_dense(N, F0, F1, True)(
        h1, agg1[0], agg1[1], deg[0], deg[1], W1[:F0], W1[F0:],
        b1.reshape(1, F1))
    return out

# --- scband reference (transcript-rebuilt; emitter-appended) ---
"""Pipeline reference for scband-graph-sage-34986803593269 (READ-ONLY COPY).

The authoritative reference and input builder live on the scoring server;
editing this copy changes nothing except your own understanding.
"""

import jax, jax.numpy as jnp
import numpy as np

N = 10000
E = 320000
D = 128
FEATURES = [128, 128]


def setup_inputs(seed: int = 0) -> dict:
    key = jax.random.key(seed)
    k1, k2, k3, k4, k5, k6 = jax.random.split(key, 6)
    feats = jax.random.normal(k1, (N, D), dtype=jnp.float32)
    edge_index = jax.random.randint(k2, (2, E), 0, N, dtype=jnp.int32)
    # GraphSAGE mean-aggregator layer weights: Dense over [self || neigh_mean]
    W0 = jax.random.normal(k3, (2 * D, FEATURES[0]), dtype=jnp.float32) / np.sqrt(2 * D)
    b0 = jnp.zeros((FEATURES[0],), dtype=jnp.float32)
    W1 = jax.random.normal(k4, (2 * FEATURES[0], FEATURES[1]), dtype=jnp.float32) / np.sqrt(2 * FEATURES[0])
    b1 = jnp.zeros((FEATURES[1],), dtype=jnp.float32)
    return {"feats": feats, "edge_index": edge_index, "max_nodes": 32,
            "W0": W0, "b0": b0, "W1": W1, "b1": b1}


def reference(feats, edge_index, max_nodes, W0, b0, W1, b1):
    # GraphSAGE (Algorithm 1, mean aggregator). The original flax module samples up
    # to max_nodes neighbours per node; the dense-graph equivalent aggregates all
    # neighbours with a mean (segment-sum gather/scatter over edges).
    src = edge_index[0]
    dst = edge_index[1]

    def sage_layer(h, W, b):
        msgs = jnp.take(h, src, axis=0)                       # gather over edges
        agg = jax.ops.segment_sum(msgs, dst, num_segments=N)  # scatter-add
        deg = jax.ops.segment_sum(jnp.ones((E,), dtype=h.dtype), dst, num_segments=N)
        neigh_mean = agg / jnp.clip(deg, 1.0)[:, None]
        z = jnp.concatenate([h, neigh_mean], axis=-1) @ W + b
        return jax.nn.relu(z)

    h = sage_layer(feats, W0, b0)
    h = sage_layer(h, W1, b1)
    out = jax.nn.softmax(h, axis=-1)
    return out

if __name__ == "__main__":
    import jax
    _d = setup_inputs()
    print(jax.jit(kernel)(*tuple(_d.values())))

</pallas_src>

<mosaic_0001>
#map = affine_map<(d0, d1) -> (0, 0)>
#map1 = affine_map<(d0, d1) -> (0)>
#map2 = affine_map<(d0, d1) -> (0, 0, 0)>
module attributes {stable_mosaic.version = 14 : i64} {
  func.func @body(%arg0: i32, %arg1: i32, %arg2: memref<104x128xf32, #tpu.memory_space<hbm>>, %arg3: memref<10000x128xf32, #tpu.memory_space<hbm>>, %arg4: memref<320000xi32, #tpu.memory_space<hbm>>, %arg5: memref<320000xi32, #tpu.memory_space<hbm>>, %arg6: memref<2x10000x128xf32, #tpu.memory_space<hbm>>, %arg7: memref<80xi32, #tpu.memory_space<vmem>>, %arg8: memref<80xi32, #tpu.memory_space<vmem>>, %arg9: memref<80x128xf32, #tpu.memory_space<vmem>>, %arg10: memref<80xi32, #tpu.memory_space<vmem>>, %arg11: memref<80xi32, #tpu.memory_space<vmem>>, %arg12: memref<80x128xf32, #tpu.memory_space<vmem>>, %arg13: memref<104x128xf32, #tpu.memory_space<vmem>>, %arg14: memref<10000x128xf32, #tpu.memory_space<vmem_shared>>, %arg15: memref<!tpu.dma_semaphore, #tpu.memory_space<semaphore_mem>>, %arg16: memref<!tpu.dma_semaphore, #tpu.memory_space<semaphore_mem>>) attributes {dimension_semantics = [#tpu.dimension_semantics<core_parallel>, #tpu.dimension_semantics<subcore_parallel>], iteration_bounds = array<i64: 2, 16>, scalar_prefetch = 0 : i64, scratch_operands = 10 : i64, tpu.core_type = #tpu.core_type<sc_vector_subcore>, window_params = [{transform_indices = #map}, {transform_indices = #map}, {transform_indices = #map1}, {transform_indices = #map1}, {transform_indices = #map2}]} {
    %mul3A = arith.constant 2 : i32
    %mul3A_0 = arith.muli %arg1, %mul3A : i32
    %add3A = arith.addi %mul3A_0, %arg0 : i32
    %mul3A_1 = arith.constant 624 : i32
    %mul3A_2 = arith.muli %arg1, %mul3A_1 : i32
    %eq3A = arith.constant 15 : i32
    %eq3A_3 = arith.cmpi eq, %arg1, %eq3A : i32
    "tpu.region"() ({
      %run_scoped3A = tpu.sem_alloc : memref<!tpu.dma_semaphore, #tpu.memory_space<semaphore_mem>>
      tpu.enqueue_dma source(%arg2 : memref<104x128xf32, #tpu.memory_space<hbm>>) target(%arg13 : memref<104x128xf32, #tpu.memory_space<vmem>>) target_semaphore(%run_scoped3A : memref<!tpu.dma_semaphore, #tpu.memory_space<semaphore_mem>>)
      tpu.wait_dma2 semaphore(%run_scoped3A : memref<!tpu.dma_semaphore, #tpu.memory_space<semaphore_mem>>) src(%arg2 : memref<104x128xf32, #tpu.memory_space<hbm>>) dst(%arg13 : memref<104x128xf32, #tpu.memory_space<vmem>>)
      tpu.yield
    }) : () -> ()
    %add3A_4 = arith.constant 0 : i32
    %add3A_5 = arith.addi %mul3A_2, %add3A_4 : i32
    "tpu.region"() ({
      %run_scoped3A = tpu.sem_alloc : memref<!tpu.dma_semaphore, #tpu.memory_space<semaphore_mem>>
      %dma_start3A_49 = arith.constant 0 : i32
      %dma_start3A_50 = tpu.memref_slice %arg14[%add3A_5, %dma_start3A_49] : memref<10000x128xf32, #tpu.memory_space<vmem_shared>> -> memref<104x128xf32, #tpu.memory_space<vmem_shared>>
      %dma_start3A_51 = arith.constant 0 : i32
      %dma_start3A_52 = tpu.memref_slice %arg14[%add3A_5, %dma_start3A_51] : memref<10000x128xf32, #tpu.memory_space<vmem_shared>> -> memref<104x128xf32, #tpu.memory_space<vmem_shared>>
      tpu.enqueue_dma source(%arg13 : memref<104x128xf32, #tpu.memory_space<vmem>>) target(%dma_start3A_52 : memref<104x128xf32, #tpu.memory_space<vmem_shared>>) target_semaphore(%run_scoped3A : memref<!tpu.dma_semaphore, #tpu.memory_space<semaphore_mem>>)
      %dma_wait3A_53 = arith.constant 0 : i32
      %dma_wait3A_54 = tpu.memref_slice %arg14[%add3A_5, %dma_wait3A_53] : memref<10000x128xf32, #tpu.memory_space<vmem_shared>> -> memref<104x128xf32, #tpu.memory_space<vmem_shared>>
      %dma_wait3A_55 = arith.constant 0 : i32
      %dma_wait3A_56 = tpu.memref_slice %arg14[%add3A_5, %dma_wait3A_55] : memref<10000x128xf32, #tpu.memory_space<vmem_shared>> -> memref<104x128xf32, #tpu.memory_space<vmem_shared>>
      tpu.wait_dma2 semaphore(%run_scoped3A : memref<!tpu.dma_semaphore, #tpu.memory_space<semaphore_mem>>) src(%arg13 : memref<104x128xf32, #tpu.memory_space<vmem>>) dst(%dma_wait3A_56 : memref<104x128xf32, #tpu.memory_space<vmem_shared>>)
      tpu.yield
    }) : () -> ()
    %add3A_6 = arith.constant 104 : i32
    %add3A_7 = arith.addi %mul3A_2, %add3A_6 : i32
    "tpu.region"() ({
      %run_scoped3A = tpu.sem_alloc : memref<!tpu.dma_semaphore, #tpu.memory_space<semaphore_mem>>
      %dma_start3A_49 = arith.constant 0 : i32
      %dma_start3A_50 = tpu.memref_slice %arg14[%add3A_7, %dma_start3A_49] : memref<10000x128xf32, #tpu.memory_space<vmem_shared>> -> memref<104x128xf32, #tpu.memory_space<vmem_shared>>
      %dma_start3A_51 = arith.constant 0 : i32
      %dma_start3A_52 = tpu.memref_slice %arg14[%add3A_7, %dma_start3A_51] : memref<10000x128xf32, #tpu.memory_space<vmem_shared>> -> memref<104x128xf32, #tpu.memory_space<vmem_shared>>
      tpu.enqueue_dma source(%arg13 : memref<104x128xf32, #tpu.memory_space<vmem>>) target(%dma_start3A_52 : memref<104x128xf32, #tpu.memory_space<vmem_shared>>) target_semaphore(%run_scoped3A : memref<!tpu.dma_semaphore, #tpu.memory_space<semaphore_mem>>)
      %dma_wait3A_53 = arith.constant 0 : i32
      %dma_wait3A_54 = tpu.memref_slice %arg14[%add3A_7, %dma_wait3A_53] : memref<10000x128xf32, #tpu.memory_space<vmem_shared>> -> memref<104x128xf32, #tpu.memory_space<vmem_shared>>
      %dma_wait3A_55 = arith.constant 0 : i32
      %dma_wait3A_56 = tpu.memref_slice %arg14[%add3A_7, %dma_wait3A_55] : memref<10000x128xf32, #tpu.memory_space<vmem_shared>> -> memref<104x128xf32, #tpu.memory_space<vmem_shared>>
      tpu.wait_dma2 semaphore(%run_scoped3A : memref<!tpu.dma_semaphore, #tpu.memory_space<semaphore_mem>>) src(%arg13 : memref<104x128xf32, #tpu.memory_space<vmem>>) dst(%dma_wait3A_56 : memref<104x128xf32, #tpu.memory_space<vmem_shared>>)
      tpu.yield
    }) : () -> ()
    %add3A_8 = arith.constant 208 : i32
    %add3A_9 = arith.addi %mul3A_2, %add3A_8 : i32
    "tpu.region"() ({
      %run_scoped3A = tpu.sem_alloc : memref<!tpu.dma_semaphore, #tpu.memory_space<semaphore_mem>>
      %dma_start3A_49 = arith.constant 0 : i32
      %dma_start3A_50 = tpu.memref_slice %arg14[%add3A_9, %dma_start3A_49] : memref<10000x128xf32, #tpu.memory_space<vmem_shared>> -> memref<104x128xf32, #tpu.memory_space<vmem_shared>>
      %dma_start3A_51 = arith.constant 0 : i32
      %dma_start3A_52 = tpu.memref_slice %arg14[%add3A_9, %dma_start3A_51] : memref<10000x128xf32, #tpu.memory_space<vmem_shared>> -> memref<104x128xf32, #tpu.memory_space<vmem_shared>>
      tpu.enqueue_dma source(%arg13 : memref<104x128xf32, #tpu.memory_space<vmem>>) target(%dma_start3A_52 : memref<104x128xf32, #tpu.memory_space<vmem_shared>>) target_semaphore(%run_scoped3A : memref<!tpu.dma_semaphore, #tpu.memory_space<semaphore_mem>>)
      %dma_wait3A_53 = arith.constant 0 : i32
      %dma_wait3A_54 = tpu.memref_slice %arg14[%add3A_9, %dma_wait3A_53] : memref<10000x128xf32, #tpu.memory_space<vmem_shared>> -> memref<104x128xf32, #tpu.memory_space<vmem_shared>>
      %dma_wait3A_55 = arith.constant 0 : i32
      %dma_wait3A_56 = tpu.memref_slice %arg14[%add3A_9, %dma_wait3A_55] : memref<10000x128xf32, #tpu.memory_space<vmem_shared>> -> memref<104x128xf32, #tpu.memory_space<vmem_shared>>
      tpu.wait_dma2 semaphore(%run_scoped3A : memref<!tpu.dma_semaphore, #tpu.memory_space<semaphore_mem>>) src(%arg13 : memref<104x128xf32, #tpu.memory_space<vmem>>) dst(%dma_wait3A_56 : memref<104x128xf32, #tpu.memory_space<vmem_shared>>)
      tpu.yield
    }) : () -> ()
    %add3A_10 = arith.constant 312 : i32
    %add3A_11 = arith.addi %mul3A_2, %add3A_10 : i32
    "tpu.region"() ({
      %run_scoped3A = tpu.sem_alloc : memref<!tpu.dma_semaphore, #tpu.memory_space<semaphore_mem>>
      %dma_start3A_49 = arith.constant 0 : i32
      %dma_start3A_50 = tpu.memref_slice %arg14[%add3A_11, %dma_start3A_49] : memref<10000x128xf32, #tpu.memory_space<vmem_shared>> -> memref<104x128xf32, #tpu.memory_space<vmem_shared>>
      %dma_start3A_51 = arith.constant 0 : i32
      %dma_start3A_52 = tpu.memref_slice %arg14[%add3A_11, %dma_start3A_51] : memref<10000x128xf32, #tpu.memory_space<vmem_shared>> -> memref<104x128xf32, #tpu.memory_space<vmem_shared>>
      tpu.enqueue_dma source(%arg13 : memref<104x128xf32, #tpu.memory_space<vmem>>) target(%dma_start3A_52 : memref<104x128xf32, #tpu.memory_space<vmem_shared>>) target_semaphore(%run_scoped3A : memref<!tpu.dma_semaphore, #tpu.memory_space<semaphore_mem>>)
      %dma_wait3A_53 = arith.constant 0 : i32
      %dma_wait3A_54 = tpu.memref_slice %arg14[%add3A_11, %dma_wait3A_53] : memref<10000x128xf32, #tpu.memory_space<vmem_shared>> -> memref<104x128xf32, #tpu.memory_space<vmem_shared>>
      %dma_wait3A_55 = arith.constant 0 : i32
      %dma_wait3A_56 = tpu.memref_slice %arg14[%add3A_11, %dma_wait3A_55] : memref<10000x128xf32, #tpu.memory_space<vmem_shared>> -> memref<104x128xf32, #tpu.memory_space<vmem_shared>>
      tpu.wait_dma2 semaphore(%run_scoped3A : memref<!tpu.dma_semaphore, #tpu.memory_space<semaphore_mem>>) src(%arg13 : memref<104x128xf32, #tpu.memory_space<vmem>>) dst(%dma_wait3A_56 : memref<104x128xf32, #tpu.memory_space<vmem_shared>>)
      tpu.yield
    }) : () -> ()
    %add3A_12 = arith.constant 416 : i32
    %add3A_13 = arith.addi %mul3A_2, %add3A_12 : i32
    "tpu.region"() ({
      %run_scoped3A = tpu.sem_alloc : memref<!tpu.dma_semaphore, #tpu.memory_space<semaphore_mem>>
      %dma_start3A_49 = arith.constant 0 : i32
      %dma_start3A_50 = tpu.memref_slice %arg14[%add3A_13, %dma_start3A_49] : memref<10000x128xf32, #tpu.memory_space<vmem_shared>> -> memref<104x128xf32, #tpu.memory_space<vmem_shared>>
      %dma_start3A_51 = arith.constant 0 : i32
      %dma_start3A_52 = tpu.memref_slice %arg14[%add3A_13, %dma_start3A_51] : memref<10000x128xf32, #tpu.memory_space<vmem_shared>> -> memref<104x128xf32, #tpu.memory_space<vmem_shared>>
      tpu.enqueue_dma source(%arg13 : memref<104x128xf32, #tpu.memory_space<vmem>>) target(%dma_start3A_52 : memref<104x128xf32, #tpu.memory_space<vmem_shared>>) target_semaphore(%run_scoped3A : memref<!tpu.dma_semaphore, #tpu.memory_space<semaphore_mem>>)
      %dma_wait3A_53 = arith.constant 0 : i32
      %dma_wait3A_54 = tpu.memref_slice %arg14[%add3A_13, %dma_wait3A_53] : memref<10000x128xf32, #tpu.memory_space<vmem_shared>> -> memref<104x128xf32, #tpu.memory_space<vmem_shared>>
      %dma_wait3A_55 = arith.constant 0 : i32
      %dma_wait3A_56 = tpu.memref_slice %arg14[%add3A_13, %dma_wait3A_55] : memref<10000x128xf32, #tpu.memory_space<vmem_shared>> -> memref<104x128xf32, #tpu.memory_space<vmem_shared>>
      tpu.wait_dma2 semaphore(%run_scoped3A : memref<!tpu.dma_semaphore, #tpu.memory_space<semaphore_mem>>) src(%arg13 : memref<104x128xf32, #tpu.memory_space<vmem>>) dst(%dma_wait3A_56 : memref<104x128xf32, #tpu.memory_space<vmem_shared>>)
      tpu.yield
    }) : () -> ()
    %add3A_14 = arith.constant 520 : i32
    %add3A_15 = arith.addi %mul3A_2, %add3A_14 : i32
    "tpu.region"() ({
      %run_scoped3A = tpu.sem_alloc : memref<!tpu.dma_semaphore, #tpu.memory_space<semaphore_mem>>
      %dma_start3A_49 = arith.constant 0 : i32
      %dma_start3A_50 = tpu.memref_slice %arg14[%add3A_15, %dma_start3A_49] : memref<10000x128xf32, #tpu.memory_space<vmem_shared>> -> memref<104x128xf32, #tpu.memory_space<vmem_shared>>
      %dma_start3A_51 = arith.constant 0 : i32
      %dma_start3A_52 = tpu.memref_slice %arg14[%add3A_15, %dma_start3A_51] : memref<10000x128xf32, #tpu.memory_space<vmem_shared>> -> memref<104x128xf32, #tpu.memory_space<vmem_shared>>
      tpu.enqueue_dma source(%arg13 : memref<104x128xf32, #tpu.memory_space<vmem>>) target(%dma_start3A_52 : memref<104x128xf32, #tpu.memory_space<vmem_shared>>) target_semaphore(%run_scoped3A : memref<!tpu.dma_semaphore, #tpu.memory_space<semaphore_mem>>)
      %dma_wait3A_53 = arith.constant 0 : i32
      %dma_wait3A_54 = tpu.memref_slice %arg14[%add3A_15, %dma_wait3A_53] : memref<10000x128xf32, #tpu.memory_space<vmem_shared>> -> memref<104x128xf32, #tpu.memory_space<vmem_shared>>
      %dma_wait3A_55 = arith.constant 0 : i32
      %dma_wait3A_56 = tpu.memref_slice %arg14[%add3A_15, %dma_wait3A_55] : memref<10000x128xf32, #tpu.memory_space<vmem_shared>> -> memref<104x128xf32, #tpu.memory_space<vmem_shared>>
      tpu.wait_dma2 semaphore(%run_scoped3A : memref<!tpu.dma_semaphore, #tpu.memory_space<semaphore_mem>>) src(%arg13 : memref<104x128xf32, #tpu.memory_space<vmem>>) dst(%dma_wait3A_56 : memref<104x128xf32, #tpu.memory_space<vmem_shared>>)
      tpu.yield
    }) : () -> ()
    %convert_element_type3A = arith.extui %eq3A_3 : i1 to i32
    %cond3A = arith.constant 0 : i32
    %cond3A_16 = arith.cmpi ne, %convert_element_type3A, %cond3A : i32
    scf.if %cond3A_16 {
      "tpu.region"() ({
        %run_scoped3A = tpu.sem_alloc : memref<!tpu.dma_semaphore, #tpu.memory_space<semaphore_mem>>
        %dma_start3A_49 = arith.constant 0 : i32
        %dma_start3A_50 = arith.constant 0 : i32
        %dma_start3A_51 = tpu.memref_slice %arg13[%dma_start3A_49, %dma_start3A_50] : memref<104x128xf32, #tpu.memory_space<vmem>> -> memref<16x128xf32, #tpu.memory_space<vmem>>
        %dma_start3A_52 = arith.constant 9984 : i32
        %dma_start3A_53 = arith.constant 0 : i32
        %dma_start3A_54 = tpu.memref_slice %arg14[%dma_start3A_52, %dma_start3A_53] : memref<10000x128xf32, #tpu.memory_space<vmem_shared>> -> memref<16x128xf32, #tpu.memory_space<vmem_shared>>
        %dma_start3A_55 = arith.constant 9984 : i32
        %dma_start3A_56 = arith.constant 0 : i32
        %dma_start3A_57 = tpu.memref_slice %arg14[%dma_start3A_55, %dma_start3A_56] : memref<10000x128xf32, #tpu.memory_space<vmem_shared>> -> memref<16x128xf32, #tpu.memory_space<vmem_shared>>
        %dma_start3A_58 = arith.constant 0 : i32
        %dma_start3A_59 = arith.constant 0 : i32
        %dma_start3A_60 = tpu.memref_slice %arg13[%dma_start3A_58, %dma_start3A_59] : memref<104x128xf32, #tpu.memory_space<vmem>> -> memref<16x128xf32, #tpu.memory_space<vmem>>
        tpu.enqueue_dma source(%dma_start3A_60 : memref<16x128xf32, #tpu.memory_space<vmem>>) target(%dma_start3A_57 : memref<16x128xf32, #tpu.memory_space<vmem_shared>>) target_semaphore(%run_scoped3A : memref<!tpu.dma_semaphore, #tpu.memory_space<semaphore_mem>>)
        %dma_wait3A_61 = arith.constant 0 : i32
        %dma_wait3A_62 = arith.constant 0 : i32
        %dma_wait3A_63 = tpu.memref_slice %arg13[%dma_wait3A_61, %dma_wait3A_62] : memref<104x128xf32, #tpu.memory_space<vmem>> -> memref<16x128xf32, #tpu.memory_space<vmem>>
        %dma_wait3A_64 = arith.constant 9984 : i32
        %dma_wait3A_65 = arith.constant 0 : i32
        %dma_wait3A_66 = tpu.memref_slice %arg14[%dma_wait3A_64, %dma_wait3A_65] : memref<10000x128xf32, #tpu.memory_space<vmem_shared>> -> memref<16x128xf32, #tpu.memory_space<vmem_shared>>
        %dma_wait3A_67 = arith.constant 9984 : i32
        %dma_wait3A_68 = arith.constant 0 : i32
        %dma_wait3A_69 = tpu.memref_slice %arg14[%dma_wait3A_67, %dma_wait3A_68] : memref<10000x128xf32, #tpu.memory_space<vmem_shared>> -> memref<16x128xf32, #tpu.memory_space<vmem_shared>>
        %dma_wait3A_70 = arith.constant 0 : i32
        %dma_wait3A_71 = arith.constant 0 : i32
        %dma_wait3A_72 = tpu.memref_slice %arg13[%dma_wait3A_70, %dma_wait3A_71] : memref<104x128xf32, #tpu.memory_space<vmem>> -> memref<16x128xf32, #tpu.memory_space<vmem>>
        tpu.wait_dma2 semaphore(%run_scoped3A : memref<!tpu.dma_semaphore, #tpu.memory_space<semaphore_mem>>) src(%dma_wait3A_72 : memref<16x128xf32, #tpu.memory_space<vmem>>) dst(%dma_wait3A_69 : memref<16x128xf32, #tpu.memory_space<vmem_shared>>)
        tpu.yield
      }) : () -> ()
    } else {
    }
    %barrier3A = arith.constant 0 : index
    tpu.barrier barrier_id(%barrier3A)
    %mul3A_17 = arith.constant 10000 : i32
    %mul3A_18 = arith.muli %add3A, %mul3A_17 : i32
    %add3A_19 = arith.constant 0 : i32
    %add3A_20 = arith.addi %mul3A_18, %add3A_19 : i32
    "tpu.region"() ({
      %run_scoped3A = tpu.sem_alloc : memref<!tpu.dma_semaphore, #tpu.memory_space<semaphore_mem>>
      %dma_start3A_49 = tpu.memref_slice %arg4[%add3A_20] : memref<320000xi32, #tpu.memory_space<hbm>> -> memref<80xi32, #tpu.memory_space<hbm>>
      %dma_start3A_50 = tpu.memref_slice %arg4[%add3A_20] : memref<320000xi32, #tpu.memory_space<hbm>> -> memref<80xi32, #tpu.memory_space<hbm>>
      tpu.enqueue_dma source(%dma_start3A_50 : memref<80xi32, #tpu.memory_space<hbm>>) target(%arg7 : memref<80xi32, #tpu.memory_space<vmem>>) target_semaphore(%run_scoped3A : memref<!tpu.dma_semaphore, #tpu.memory_space<semaphore_mem>>)
      %dma_wait3A_51 = tpu.memref_slice %arg4[%add3A_20] : memref<320000xi32, #tpu.memory_space<hbm>> -> memref<80xi32, #tpu.memory_space<hbm>>
      %dma_wait3A_52 = tpu.memref_slice %arg4[%add3A_20] : memref<320000xi32, #tpu.memory_space<hbm>> -> memref<80xi32, #tpu.memory_space<hbm>>
      tpu.wait_dma2 semaphore(%run_scoped3A : memref<!tpu.dma_semaphore, #tpu.memory_space<semaphore_mem>>) src(%dma_wait3A_52 : memref<80xi32, #tpu.memory_space<hbm>>) dst(%arg7 : memref<80xi32, #tpu.memory_space<vmem>>)
      tpu.yield
    }) : () -> ()
    "tpu.region"() ({
      %run_scoped3A = tpu.sem_alloc : memref<!tpu.dma_semaphore, #tpu.memory_space<semaphore_mem>>
      %dma_start3A_49 = tpu.memref_slice %arg5[%add3A_20] : memref<320000xi32, #tpu.memory_space<hbm>> -> memref<80xi32, #tpu.memory_space<hbm>>
      %dma_start3A_50 = tpu.memref_slice %arg5[%add3A_20] : memref<320000xi32, #tpu.memory_space<hbm>> -> memref<80xi32, #tpu.memory_space<hbm>>
      tpu.enqueue_dma source(%dma_start3A_50 : memref<80xi32, #tpu.memory_space<hbm>>) target(%arg8 : memref<80xi32, #tpu.memory_space<vmem>>) target_semaphore(%run_scoped3A : memref<!tpu.dma_semaphore, #tpu.memory_space<semaphore_mem>>)
      %dma_wait3A_51 = tpu.memref_slice %arg5[%add3A_20] : memref<320000xi32, #tpu.memory_space<hbm>> -> memref<80xi32, #tpu.memory_space<hbm>>
      %dma_wait3A_52 = tpu.memref_slice %arg5[%add3A_20] : memref<320000xi32, #tpu.memory_space<hbm>> -> memref<80xi32, #tpu.memory_space<hbm>>
      tpu.wait_dma2 semaphore(%run_scoped3A : memref<!tpu.dma_semaphore, #tpu.memory_space<semaphore_mem>>) src(%dma_wait3A_52 : memref<80xi32, #tpu.memory_space<hbm>>) dst(%arg8 : memref<80xi32, #tpu.memory_space<vmem>>)
      tpu.yield
    }) : () -> ()
    %dma_start3A = arith.constant 0 : i32
    %dma_start3A_21 = arith.constant 0 : i32
    %dma_start3A_22 = tpu.memref_slice %arg3[%dma_start3A, %dma_start3A_21] : memref<10000x128xf32, #tpu.memory_space<hbm>> -> memref<10000x128xf32, #tpu.memory_space<hbm>>
    tpu.enqueue_indirect_dma source(%dma_start3A_22 : memref<10000x128xf32, #tpu.memory_space<hbm>>) target(%arg9 : memref<80x128xf32, #tpu.memory_space<vmem>>) offsets(%arg7 : memref<80xi32, #tpu.memory_space<vmem>>) semaphore(%arg15 : memref<!tpu.dma_semaphore, #tpu.memory_space<semaphore_mem>>)
    %scan3A = arith.constant 0 : i32
    %scan3A_23 = arith.constant 0 : i32
    %scan3A_24 = arith.constant 62 : i32
    %scan3A_25 = arith.addi %scan3A_23, %scan3A_24 : i32
    %scan3A_26 = arith.constant 1 : i32
    scf.for %scan3A_49 = %scan3A_23 to %scan3A_25 step %scan3A_26  : i32 {
      %mul3A_50 = arith.constant 2 : i32
      %mul3A_51 = arith.muli %mul3A_50, %scan3A_49 : i32
      %add3A_52 = arith.constant 1 : i32
      %add3A_53 = arith.addi %mul3A_51, %add3A_52 : i32
      %mul3A_54 = arith.constant 80 : i32
      %mul3A_55 = arith.muli %add3A_53, %mul3A_54 : i32
      %add3A_56 = arith.addi %mul3A_18, %mul3A_55 : i32
      "tpu.region"() ({
        %run_scoped3A = tpu.sem_alloc : memref<!tpu.dma_semaphore, #tpu.memory_space<semaphore_mem>>
        %dma_start3A_80 = tpu.memref_slice %arg4[%add3A_56] : memref<320000xi32, #tpu.memory_space<hbm>> -> memref<80xi32, #tpu.memory_space<hbm>>
        %dma_start3A_81 = tpu.memref_slice %arg4[%add3A_56] : memref<320000xi32, #tpu.memory_space<hbm>> -> memref<80xi32, #tpu.memory_space<hbm>>
        tpu.enqueue_dma source(%dma_start3A_81 : memref<80xi32, #tpu.memory_space<hbm>>) target(%arg10 : memref<80xi32, #tpu.memory_space<vmem>>) target_semaphore(%run_scoped3A : memref<!tpu.dma_semaphore, #tpu.memory_space<semaphore_mem>>)
        %dma_wait3A_82 = tpu.memref_slice %arg4[%add3A_56] : memref<320000xi32, #tpu.memory_space<hbm>> -> memref<80xi32, #tpu.memory_space<hbm>>
        %dma_wait3A_83 = tpu.memref_slice %arg4[%add3A_56] : memref<320000xi32, #tpu.memory_space<hbm>> -> memref<80xi32, #tpu.memory_space<hbm>>
        tpu.wait_dma2 semaphore(%run_scoped3A : memref<!tpu.dma_semaphore, #tpu.memory_space<semaphore_mem>>) src(%dma_wait3A_83 : memref<80xi32, #tpu.memory_space<hbm>>) dst(%arg10 : memref<80xi32, #tpu.memory_space<vmem>>)
        tpu.yield
      }) : () -> ()
      "tpu.region"() ({
        %run_scoped3A = tpu.sem_alloc : memref<!tpu.dma_semaphore, #tpu.memory_space<semaphore_mem>>
        %dma_start3A_80 = tpu.memref_slice %arg5[%add3A_56] : memref<320000xi32, #tpu.memory_space<hbm>> -> memref<80xi32, #tpu.memory_space<hbm>>
        %dma_start3A_81 = tpu.memref_slice %arg5[%add3A_56] : memref<320000xi32, #tpu.memory_space<hbm>> -> memref<80xi32, #tpu.memory_space<hbm>>
        tpu.enqueue_dma source(%dma_start3A_81 : memref<80xi32, #tpu.memory_space<hbm>>) target(%arg11 : memref<80xi32, #tpu.memory_space<vmem>>) target_semaphore(%run_scoped3A : memref<!tpu.dma_semaphore, #tpu.memory_space<semaphore_mem>>)
        %dma_wait3A_82 = tpu.memref_slice %arg5[%add3A_56] : memref<320000xi32, #tpu.memory_space<hbm>> -> memref<80xi32, #tpu.memory_space<hbm>>
        %dma_wait3A_83 = tpu.memref_slice %arg5[%add3A_56] : memref<320000xi32, #tpu.memory_space<hbm>> -> memref<80xi32, #tpu.memory_space<hbm>>
        tpu.wait_dma2 semaphore(%run_scoped3A : memref<!tpu.dma_semaphore, #tpu.memory_space<semaphore_mem>>) src(%dma_wait3A_83 : memref<80xi32, #tpu.memory_space<hbm>>) dst(%arg11 : memref<80xi32, #tpu.memory_space<vmem>>)
        tpu.yield
      }) : () -> ()
      %dma_start3A_57 = arith.constant 0 : i32
      %dma_start3A_58 = arith.constant 0 : i32
      %dma_start3A_59 = tpu.memref_slice %arg3[%dma_start3A_57, %dma_start3A_58] : memref<10000x128xf32, #tpu.memory_space<hbm>> -> memref<10000x128xf32, #tpu.memory_space<hbm>>
      tpu.enqueue_indirect_dma source(%dma_start3A_59 : memref<10000x128xf32, #tpu.memory_space<hbm>>) target(%arg12 : memref<80x128xf32, #tpu.memory_space<vmem>>) offsets(%arg10 : memref<80xi32, #tpu.memory_space<vmem>>) semaphore(%arg16 : memref<!tpu.dma_semaphore, #tpu.memory_space<semaphore_mem>>)
      %dma_wait3A_60 = arith.constant 0 : i32
      %dma_wait3A_61 = arith.constant 0 : i32
      %dma_wait3A_62 = tpu.memref_slice %arg3[%dma_wait3A_60, %dma_wait3A_61] : memref<10000x128xf32, #tpu.memory_space<hbm>> -> memref<80x128xf32, #tpu.memory_space<hbm>>
      %dma_wait3A_63 = arith.constant 0 : i32
      %dma_wait3A_64 = arith.constant 0 : i32
      %dma_wait3A_65 = tpu.memref_slice %arg3[%dma_wait3A_63, %dma_wait3A_64] : memref<10000x128xf32, #tpu.memory_space<hbm>> -> memref<80x128xf32, #tpu.memory_space<hbm>>
      tpu.wait_dma2 semaphore(%arg15 : memref<!tpu.dma_semaphore, #tpu.memory_space<semaphore_mem>>) src(%dma_wait3A_65 : memref<80x128xf32, #tpu.memory_space<hbm>>) dst(%arg9 : memref<80x128xf32, #tpu.memory_space<vmem>>)
      "tpu.region"() ({
        %run_scoped3A = tpu.sem_alloc : memref<!tpu.dma_semaphore, #tpu.memory_space<semaphore_mem>>
        %dma_start3A_80 = arith.constant 0 : i32
        %dma_start3A_81 = arith.constant 0 : i32
        %dma_start3A_82 = tpu.memref_slice %arg14[%dma_start3A_80, %dma_start3A_81] : memref<10000x128xf32, #tpu.memory_space<vmem_shared>> -> memref<10000x128xf32, #tpu.memory_space<vmem_shared>>
        tpu.enqueue_indirect_dma source(%arg9 : memref<80x128xf32, #tpu.memory_space<vmem>>) target(%dma_start3A_82 : memref<10000x128xf32, #tpu.memory_space<vmem_shared>>) offsets(%arg8 : memref<80xi32, #tpu.memory_space<vmem>>) semaphore(%run_scoped3A : memref<!tpu.dma_semaphore, #tpu.memory_space<semaphore_mem>>) {add = true}
        %dma_wait3A_83 = arith.constant 0 : i32
        %dma_wait3A_84 = arith.constant 0 : i32
        %dma_wait3A_85 = tpu.memref_slice %arg14[%dma_wait3A_83, %dma_wait3A_84] : memref<10000x128xf32, #tpu.memory_space<vmem_shared>> -> memref<10000x128xf32, #tpu.memory_space<vmem_shared>>
        tpu.wait_indirect_dma semaphore(%run_scoped3A : memref<!tpu.dma_semaphore, #tpu.memory_space<semaphore_mem>>) src(%arg9 : memref<80x128xf32, #tpu.memory_space<vmem>>) dst(%dma_wait3A_85 : memref<10000x128xf32, #tpu.memory_space<vmem_shared>>)
        tpu.yield
      }) : () -> ()
      %add3A_66 = arith.constant 2 : i32
      %add3A_67 = arith.addi %mul3A_51, %add3A_66 : i32
      %mul3A_68 = arith.constant 80 : i32
      %mul3A_69 = arith.muli %add3A_67, %mul3A_68 : i32
      %add3A_70 = arith.addi %mul3A_18, %mul3A_69 : i32
      "tpu.region"() ({
        %run_scoped3A = tpu.sem_alloc : memref<!tpu.dma_semaphore, #tpu.memory_space<semaphore_mem>>
        %dma_start3A_80 = tpu.memref_slice %arg4[%add3A_70] : memref<320000xi32, #tpu.memory_space<hbm>> -> memref<80xi32, #tpu.memory_space<hbm>>
        %dma_start3A_81 = tpu.memref_slice %arg4[%add3A_70] : memref<320000xi32, #tpu.memory_space<hbm>> -> memref<80xi32, #tpu.memory_space<hbm>>
        tpu.enqueue_dma source(%dma_start3A_81 : memref<80xi32, #tpu.memory_space<hbm>>) target(%arg7 : memref<80xi32, #tpu.memory_space<vmem>>) target_semaphore(%run_scoped3A : memref<!tpu.dma_semaphore, #tpu.memory_space<semaphore_mem>>)
        %dma_wait3A_82 = tpu.memref_slice %arg4[%add3A_70] : memref<320000xi32, #tpu.memory_space<hbm>> -> memref<80xi32, #tpu.memory_space<hbm>>
        %dma_wait3A_83 = tpu.memref_slice %arg4[%add3A_70] : memref<320000xi32, #tpu.memory_space<hbm>> -> memref<80xi32, #tpu.memory_space<hbm>>
        tpu.wait_dma2 semaphore(%run_scoped3A : memref<!tpu.dma_semaphore, #tpu.memory_space<semaphore_mem>>) src(%dma_wait3A_83 : memref<80xi32, #tpu.memory_space<hbm>>) dst(%arg7 : memref<80xi32, #tpu.memory_space<vmem>>)
        tpu.yield
      }) : () -> ()
      "tpu.region"() ({
        %run_scoped3A = tpu.sem_alloc : memref<!tpu.dma_semaphore, #tpu.memory_space<semaphore_mem>>
        %dma_start3A_80 = tpu.memref_slice %arg5[%add3A_70] : memref<320000xi32, #tpu.memory_space<hbm>> -> memref<80xi32, #tpu.memory_space<hbm>>
        %dma_start3A_81 = tpu.memref_slice %arg5[%add3A_70] : memref<320000xi32, #tpu.memory_space<hbm>> -> memref<80xi32, #tpu.memory_space<hbm>>
        tpu.enqueue_dma source(%dma_start3A_81 : memref<80xi32, #tpu.memory_space<hbm>>) target(%arg8 : memref<80xi32, #tpu.memory_space<vmem>>) target_semaphore(%run_scoped3A : memref<!tpu.dma_semaphore, #tpu.memory_space<semaphore_mem>>)
        %dma_wait3A_82 = tpu.memref_slice %arg5[%add3A_70] : memref<320000xi32, #tpu.memory_space<hbm>> -> memref<80xi32, #tpu.memory_space<hbm>>
        %dma_wait3A_83 = tpu.memref_slice %arg5[%add3A_70] : memref<320000xi32, #tpu.memory_space<hbm>> -> memref<80xi32, #tpu.memory_space<hbm>>
        tpu.wait_dma2 semaphore(%run_scoped3A : memref<!tpu.dma_semaphore, #tpu.memory_space<semaphore_mem>>) src(%dma_wait3A_83 : memref<80xi32, #tpu.memory_space<hbm>>) dst(%arg8 : memref<80xi32, #tpu.memory_space<vmem>>)
        tpu.yield
      }) : () -> ()
      %dma_start3A_71 = arith.constant 0 : i32
      %dma_start3A_72 = arith.constant 0 : i32
      %dma_start3A_73 = tpu.memref_slice %arg3[%dma_start3A_71, %dma_start3A_72] : memref<10000x128xf32, #tpu.memory_space<hbm>> -> memref<10000x128xf32, #tpu.memory_space<hbm>>
      tpu.enqueue_indirect_dma source(%dma_start3A_73 : memref<10000x128xf32, #tpu.memory_space<hbm>>) target(%arg9 : memref<80x128xf32, #tpu.memory_space<vmem>>) offsets(%arg7 : memref<80xi32, #tpu.memory_space<vmem>>) semaphore(%arg15 : memref<!tpu.dma_semaphore, #tpu.memory_space<semaphore_mem>>)
      %dma_wait3A_74 = arith.constant 0 : i32
      %dma_wait3A_75 = arith.constant 0 : i32
      %dma_wait3A_76 = tpu.memref_slice %arg3[%dma_wait3A_74, %dma_wait3A_75] : memref<10000x128xf32, #tpu.memory_space<hbm>> -> memref<80x128xf32, #tpu.memory_space<hbm>>
      %dma_wait3A_77 = arith.constant 0 : i32
      %dma_wait3A_78 = arith.constant 0 : i32
      %dma_wait3A_79 = tpu.memref_slice %arg3[%dma_wait3A_77, %dma_wait3A_78] : memref<10000x128xf32, #tpu.memory_space<hbm>> -> memref<80x128xf32, #tpu.memory_space<hbm>>
      tpu.wait_dma2 semaphore(%arg16 : memref<!tpu.dma_semaphore, #tpu.memory_space<semaphore_mem>>) src(%dma_wait3A_79 : memref<80x128xf32, #tpu.memory_space<hbm>>) dst(%arg12 : memref<80x128xf32, #tpu.memory_space<vmem>>)
      "tpu.region"() ({
        %run_scoped3A = tpu.sem_alloc : memref<!tpu.dma_semaphore, #tpu.memory_space<semaphore_mem>>
        %dma_start3A_80 = arith.constant 0 : i32
        %dma_start3A_81 = arith.constant 0 : i32
        %dma_start3A_82 = tpu.memref_slice %arg14[%dma_start3A_80, %dma_start3A_81] : memref<10000x128xf32, #tpu.memory_space<vmem_shared>> -> memref<10000x128xf32, #tpu.memory_space<vmem_shared>>
        tpu.enqueue_indirect_dma source(%arg12 : memref<80x128xf32, #tpu.memory_space<vmem>>) target(%dma_start3A_82 : memref<10000x128xf32, #tpu.memory_space<vmem_shared>>) offsets(%arg11 : memref<80xi32, #tpu.memory_space<vmem>>) semaphore(%run_scoped3A : memref<!tpu.dma_semaphore, #tpu.memory_space<semaphore_mem>>) {add = true}
        %dma_wait3A_83 = arith.constant 0 : i32
        %dma_wait3A_84 = arith.constant 0 : i32
        %dma_wait3A_85 = tpu.memref_slice %arg14[%dma_wait3A_83, %dma_wait3A_84] : memref<10000x128xf32, #tpu.memory_space<vmem_shared>> -> memref<10000x128xf32, #tpu.memory_space<vmem_shared>>
        tpu.wait_indirect_dma semaphore(%run_scoped3A : memref<!tpu.dma_semaphore, #tpu.memory_space<semaphore_mem>>) src(%arg12 : memref<80x128xf32, #tpu.memory_space<vmem>>) dst(%dma_wait3A_85 : memref<10000x128xf32, #tpu.memory_space<vmem_shared>>)
        tpu.yield
      }) : () -> ()
    }
    %scan3A_27 = arith.constant 62 : i32
    %dma_wait3A = arith.constant 0 : i32
    %dma_wait3A_28 = arith.constant 0 : i32
    %dma_wait3A_29 = tpu.memref_slice %arg3[%dma_wait3A, %dma_wait3A_28] : memref<10000x128xf32, #tpu.memory_space<hbm>> -> memref<80x128xf32, #tpu.memory_space<hbm>>
    %dma_wait3A_30 = arith.constant 0 : i32
    %dma_wait3A_31 = arith.constant 0 : i32
    %dma_wait3A_32 = tpu.memref_slice %arg3[%dma_wait3A_30, %dma_wait3A_31] : memref<10000x128xf32, #tpu.memory_space<hbm>> -> memref<80x128xf32, #tpu.memory_space<hbm>>
    tpu.wait_dma2 semaphore(%arg15 : memref<!tpu.dma_semaphore, #tpu.memory_space<semaphore_mem>>) src(%dma_wait3A_32 : memref<80x128xf32, #tpu.memory_space<hbm>>) dst(%arg9 : memref<80x128xf32, #tpu.memory_space<vmem>>)
    "tpu.region"() ({
      %run_scoped3A = tpu.sem_alloc : memref<!tpu.dma_semaphore, #tpu.memory_space<semaphore_mem>>
      %dma_start3A_49 = arith.constant 0 : i32
      %dma_start3A_50 = arith.constant 0 : i32
      %dma_start3A_51 = tpu.memref_slice %arg14[%dma_start3A_49, %dma_start3A_50] : memref<10000x128xf32, #tpu.memory_space<vmem_shared>> -> memref<10000x128xf32, #tpu.memory_space<vmem_shared>>
      tpu.enqueue_indirect_dma source(%arg9 : memref<80x128xf32, #tpu.memory_space<vmem>>) target(%dma_start3A_51 : memref<10000x128xf32, #tpu.memory_space<vmem_shared>>) offsets(%arg8 : memref<80xi32, #tpu.memory_space<vmem>>) semaphore(%run_scoped3A : memref<!tpu.dma_semaphore, #tpu.memory_space<semaphore_mem>>) {add = true}
      %dma_wait3A_52 = arith.constant 0 : i32
      %dma_wait3A_53 = arith.constant 0 : i32
      %dma_wait3A_54 = tpu.memref_slice %arg14[%dma_wait3A_52, %dma_wait3A_53] : memref<10000x128xf32, #tpu.memory_space<vmem_shared>> -> memref<10000x128xf32, #tpu.memory_space<vmem_shared>>
      tpu.wait_indirect_dma semaphore(%run_scoped3A : memref<!tpu.dma_semaphore, #tpu.memory_space<semaphore_mem>>) src(%arg9 : memref<80x128xf32, #tpu.memory_space<vmem>>) dst(%dma_wait3A_54 : memref<10000x128xf32, #tpu.memory_space<vmem_shared>>)
      tpu.yield
    }) : () -> ()
    %barrier3A_33 = arith.constant 0 : index
    tpu.barrier barrier_id(%barrier3A_33)
    %add3A_34 = arith.constant 0 : i32
    %add3A_35 = arith.addi %mul3A_2, %add3A_34 : i32
    "tpu.region"() ({
      %run_scoped3A = tpu.sem_alloc : memref<!tpu.dma_semaphore, #tpu.memory_space<semaphore_mem>>
      %dma_start3A_49 = arith.constant 0 : i32
      %dma_start3A_50 = arith.constant 0 : i32
      %dma_start3A_51 = tpu.memref_slice %arg13[%dma_start3A_49, %dma_start3A_50] : memref<104x128xf32, #tpu.memory_space<vmem>> -> memref<104x128xf32, #tpu.memory_space<vmem>>
      %dma_start3A_52 = arith.constant 0 : i32
      %dma_start3A_53 = tpu.memref_slice %arg14[%add3A_35, %dma_start3A_52] : memref<10000x128xf32, #tpu.memory_space<vmem_shared>> -> memref<104x128xf32, #tpu.memory_space<vmem_shared>>
      %dma_start3A_54 = arith.constant 0 : i32
      %dma_start3A_55 = arith.constant 0 : i32
      %dma_start3A_56 = tpu.memref_slice %arg13[%dma_start3A_54, %dma_start3A_55] : memref<104x128xf32, #tpu.memory_space<vmem>> -> memref<104x128xf32, #tpu.memory_space<vmem>>
      %dma_start3A_57 = arith.constant 0 : i32
      %dma_start3A_58 = tpu.memref_slice %arg14[%add3A_35, %dma_start3A_57] : memref<10000x128xf32, #tpu.memory_space<vmem_shared>> -> memref<104x128xf32, #tpu.memory_space<vmem_shared>>
      tpu.enqueue_dma source(%dma_start3A_58 : memref<104x128xf32, #tpu.memory_space<vmem_shared>>) target(%dma_start3A_56 : memref<104x128xf32, #tpu.memory_space<vmem>>) target_semaphore(%run_scoped3A : memref<!tpu.dma_semaphore, #tpu.memory_space<semaphore_mem>>)
      %dma_wait3A_59 = arith.constant 0 : i32
      %dma_wait3A_60 = arith.constant 0 : i32
      %dma_wait3A_61 = tpu.memref_slice %arg13[%dma_wait3A_59, %dma_wait3A_60] : memref<104x128xf32, #tpu.memory_space<vmem>> -> memref<104x128xf32, #tpu.memory_space<vmem>>
      %dma_wait3A_62 = arith.constant 0 : i32
      %dma_wait3A_63 = tpu.memref_slice %arg14[%add3A_35, %dma_wait3A_62] : memref<10000x128xf32, #tpu.memory_space<vmem_shared>> -> memref<104x128xf32, #tpu.memory_space<vmem_shared>>
      %dma_wait3A_64 = arith.constant 0 : i32
      %dma_wait3A_65 = arith.constant 0 : i32
      %dma_wait3A_66 = tpu.memref_slice %arg13[%dma_wait3A_64, %dma_wait3A_65] : memref<104x128xf32, #tpu.memory_space<vmem>> -> memref<104x128xf32, #tpu.memory_space<vmem>>
      %dma_wait3A_67 = arith.constant 0 : i32
      %dma_wait3A_68 = tpu.memref_slice %arg14[%add3A_35, %dma_wait3A_67] : memref<10000x128xf32, #tpu.memory_space<vmem_shared>> -> memref<104x128xf32, #tpu.memory_space<vmem_shared>>
      tpu.wait_dma2 semaphore(%run_scoped3A : memref<!tpu.dma_semaphore, #tpu.memory_space<semaphore_mem>>) src(%dma_wait3A_68 : memref<104x128xf32, #tpu.memory_space<vmem_shared>>) dst(%dma_wait3A_66 : memref<104x128xf32, #tpu.memory_space<vmem>>)
      tpu.yield
    }) : () -> ()
    "tpu.region"() ({
      %run_scoped3A = tpu.sem_alloc : memref<!tpu.dma_semaphore, #tpu.memory_space<semaphore_mem>>
      %dma_start3A_49 = arith.constant 0 : i32
      %dma_start3A_50 = arith.constant 0 : i32
      %dma_start3A_51 = tpu.memref_slice %arg13[%dma_start3A_49, %dma_start3A_50] : memref<104x128xf32, #tpu.memory_space<vmem>> -> memref<104x128xf32, #tpu.memory_space<vmem>>
      %dma_start3A_52 = arith.constant 0 : i32
      %dma_start3A_53 = tpu.memref_slice %arg6[%arg0, %add3A_35, %dma_start3A_52] : memref<2x10000x128xf32, #tpu.memory_space<hbm>> -> memref<1x104x128xf32, #tpu.memory_space<hbm>>
      %dma_start3A_54 = tpu.memref_squeeze %dma_start3A_53 : memref<1x104x128xf32, #tpu.memory_space<hbm>> -> memref<104x128xf32, #tpu.memory_space<hbm>>
      %dma_start3A_55 = arith.constant 0 : i32
      %dma_start3A_56 = tpu.memref_slice %arg6[%arg0, %add3A_35, %dma_start3A_55] : memref<2x10000x128xf32, #tpu.memory_space<hbm>> -> memref<1x104x128xf32, #tpu.memory_space<hbm>>
      %dma_start3A_57 = tpu.memref_squeeze %dma_start3A_56 : memref<1x104x128xf32, #tpu.memory_space<hbm>> -> memref<104x128xf32, #tpu.memory_space<hbm>>
      %dma_start3A_58 = arith.constant 0 : i32
      %dma_start3A_59 = arith.constant 0 : i32
      %dma_start3A_60 = tpu.memref_slice %arg13[%dma_start3A_58, %dma_start3A_59] : memref<104x128xf32, #tpu.memory_space<vmem>> -> memref<104x128xf32, #tpu.memory_space<vmem>>
      tpu.enqueue_dma source(%dma_start3A_60 : memref<104x128xf32, #tpu.memory_space<vmem>>) target(%dma_start3A_57 : memref<104x128xf32, #tpu.memory_space<hbm>>) target_semaphore(%run_scoped3A : memref<!tpu.dma_semaphore, #tpu.memory_space<semaphore_mem>>)
      %dma_wait3A_61 = arith.constant 0 : i32
      %dma_wait3A_62 = arith.constant 0 : i32
      %dma_wait3A_63 = tpu.memref_slice %arg13[%dma_wait3A_61, %dma_wait3A_62] : memref<104x128xf32, #tpu.memory_space<vmem>> -> memref<104x128xf32, #tpu.memory_space<vmem>>
      %dma_wait3A_64 = arith.constant 0 : i32
      %dma_wait3A_65 = tpu.memref_slice %arg6[%arg0, %add3A_35, %dma_wait3A_64] : memref<2x10000x128xf32, #tpu.memory_space<hbm>> -> memref<1x104x128xf32, #tpu.memory_space<hbm>>
      %dma_wait3A_66 = tpu.memref_squeeze %dma_wait3A_65 : memref<1x104x128xf32, #tpu.memory_space<hbm>> -> memref<104x128xf32, #tpu.memory_space<hbm>>
      %dma_wait3A_67 = arith.constant 0 : i32
      %dma_wait3A_68 = tpu.memref_slice %arg6[%arg0, %add3A_35, %dma_wait3A_67] : memref<2x10000x128xf32, #tpu.memory_space<hbm>> -> memref<1x104x128xf32, #tpu.memory_space<hbm>>
      %dma_wait3A_69 = tpu.memref_squeeze %dma_wait3A_68 : memref<1x104x128xf32, #tpu.memory_space<hbm>> -> memref<104x128xf32, #tpu.memory_space<hbm>>
      %dma_wait3A_70 = arith.constant 0 : i32
      %dma_wait3A_71 = arith.constant 0 : i32
      %dma_wait3A_72 = tpu.memref_slice %arg13[%dma_wait3A_70, %dma_wait3A_71] : memref<104x128xf32, #tpu.memory_space<vmem>> -> memref<104x128xf32, #tpu.memory_space<vmem>>
      tpu.wait_dma2 semaphore(%run_scoped3A : memref<!tpu.dma_semaphore, #tpu.memory_space<semaphore_mem>>) src(%dma_wait3A_72 : memref<104x128xf32, #tpu.memory_space<vmem>>) dst(%dma_wait3A_69 : memref<104x128xf32, #tpu.memory_space<hbm>>)
      tpu.yield
    }) : () -> ()
    %add3A_36 = arith.constant 104 : i32
    %add3A_37 = arith.addi %mul3A_2, %add3A_36 : i32
    "tpu.region"() ({
      %run_scoped3A = tpu.sem_alloc : memref<!tpu.dma_semaphore, #tpu.memory_space<semaphore_mem>>
      %dma_start3A_49 = arith.constant 0 : i32
      %dma_start3A_50 = arith.constant 0 : i32
      %dma_start3A_51 = tpu.memref_slice %arg13[%dma_start3A_49, %dma_start3A_50] : memref<104x128xf32, #tpu.memory_space<vmem>> -> memref<104x128xf32, #tpu.memory_space<vmem>>
      %dma_start3A_52 = arith.constant 0 : i32
      %dma_start3A_53 = tpu.memref_slice %arg14[%add3A_37, %dma_start3A_52] : memref<10000x128xf32, #tpu.memory_space<vmem_shared>> -> memref<104x128xf32, #tpu.memory_space<vmem_shared>>
      %dma_start3A_54 = arith.constant 0 : i32
      %dma_start3A_55 = arith.constant 0 : i32
      %dma_start3A_56 = tpu.memref_slice %arg13[%dma_start3A_54, %dma_start3A_55] : memref<104x128xf32, #tpu.memory_space<vmem>> -> memref<104x128xf32, #tpu.memory_space<vmem>>
      %dma_start3A_57 = arith.constant 0 : i32
      %dma_start3A_58 = tpu.memref_slice %arg14[%add3A_37, %dma_start3A_57] : memref<10000x128xf32, #tpu.memory_space<vmem_shared>> -> memref<104x128xf32, #tpu.memory_space<vmem_shared>>
      tpu.enqueue_dma source(%dma_start3A_58 : memref<104x128xf32, #tpu.memory_space<vmem_shared>>) target(%dma_start3A_56 : memref<104x128xf32, #tpu.memory_space<vmem>>) target_semaphore(%run_scoped3A : memref<!tpu.dma_semaphore, #tpu.memory_space<semaphore_mem>>)
      %dma_wait3A_59 = arith.constant 0 : i32
      %dma_wait3A_60 = arith.constant 0 : i32
      %dma_wait3A_61 = tpu.memref_slice %arg13[%dma_wait3A_59, %dma_wait3A_60] : memref<104x128xf32, #tpu.memory_space<vmem>> -> memref<104x128xf32, #tpu.memory_space<vmem>>
      %dma_wait3A_62 = arith.constant 0 : i32
      %dma_wait3A_63 = tpu.memref_slice %arg14[%add3A_37, %dma_wait3A_62] : memref<10000x128xf32, #tpu.memory_space<vmem_shared>> -> memref<104x128xf32, #tpu.memory_space<vmem_shared>>
      %dma_wait3A_64 = arith.constant 0 : i32
      %dma_wait3A_65 = arith.constant 0 : i32
      %dma_wait3A_66 = tpu.memref_slice %arg13[%dma_wait3A_64, %dma_wait3A_65] : memref<104x128xf32, #tpu.memory_space<vmem>> -> memref<104x128xf32, #tpu.memory_space<vmem>>
      %dma_wait3A_67 = arith.constant 0 : i32
      %dma_wait3A_68 = tpu.memref_slice %arg14[%add3A_37, %dma_wait3A_67] : memref<10000x128xf32, #tpu.memory_space<vmem_shared>> -> memref<104x128xf32, #tpu.memory_space<vmem_shared>>
      tpu.wait_dma2 semaphore(%run_scoped3A : memref<!tpu.dma_semaphore, #tpu.memory_space<semaphore_mem>>) src(%dma_wait3A_68 : memref<104x128xf32, #tpu.memory_space<vmem_shared>>) dst(%dma_wait3A_66 : memref<104x128xf32, #tpu.memory_space<vmem>>)
      tpu.yield
    }) : () -> ()
    "tpu.region"() ({
      %run_scoped3A = tpu.sem_alloc : memref<!tpu.dma_semaphore, #tpu.memory_space<semaphore_mem>>
      %dma_start3A_49 = arith.constant 0 : i32
      %dma_start3A_50 = arith.constant 0 : i32
      %dma_start3A_51 = tpu.memref_slice %arg13[%dma_start3A_49, %dma_start3A_50] : memref<104x128xf32, #tpu.memory_space<vmem>> -> memref<104x128xf32, #tpu.memory_space<vmem>>
      %dma_start3A_52 = arith.constant 0 : i32
      %dma_start3A_53 = tpu.memref_slice %arg6[%arg0, %add3A_37, %dma_start3A_52] : memref<2x10000x128xf32, #tpu.memory_space<hbm>> -> memref<1x104x128xf32, #tpu.memory_space<hbm>>
      %dma_start3A_54 = tpu.memref_squeeze %dma_start3A_53 : memref<1x104x128xf32, #tpu.memory_space<hbm>> -> memref<104x128xf32, #tpu.memory_space<hbm>>
      %dma_start3A_55 = arith.constant 0 : i32
      %dma_start3A_56 = tpu.memref_slice %arg6[%arg0, %add3A_37, %dma_start3A_55] : memref<2x10000x128xf32, #tpu.memory_space<hbm>> -> memref<1x104x128xf32, #tpu.memory_space<hbm>>
      %dma_start3A_57 = tpu.memref_squeeze %dma_start3A_56 : memref<1x104x128xf32, #tpu.memory_space<hbm>> -> memref<104x128xf32, #tpu.memory_space<hbm>>
      %dma_start3A_58 = arith.constant 0 : i32
      %dma_start3A_59 = arith.constant 0 : i32
      %dma_start3A_60 = tpu.memref_slice %arg13[%dma_start3A_58, %dma_start3A_59] : memref<104x128xf32, #tpu.memory_space<vmem>> -> memref<104x128xf32, #tpu.memory_space<vmem>>
      tpu.enqueue_dma source(%dma_start3A_60 : memref<104x128xf32, #tpu.memory_space<vmem>>) target(%dma_start3A_57 : memref<104x128xf32, #tpu.memory_space<hbm>>) target_semaphore(%run_scoped3A : memref<!tpu.dma_semaphore, #tpu.memory_space<semaphore_mem>>)
      %dma_wait3A_61 = arith.constant 0 : i32
      %dma_wait3A_62 = arith.constant 0 : i32
      %dma_wait3A_63 = tpu.memref_slice %arg13[%dma_wait3A_61, %dma_wait3A_62] : memref<104x128xf32, #tpu.memory_space<vmem>> -> memref<104x128xf32, #tpu.memory_space<vmem>>
      %dma_wait3A_64 = arith.constant 0 : i32
      %dma_wait3A_65 = tpu.memref_slice %arg6[%arg0, %add3A_37, %dma_wait3A_64] : memref<2x10000x128xf32, #tpu.memory_space<hbm>> -> memref<1x104x128xf32, #tpu.memory_space<hbm>>
      %dma_wait3A_66 = tpu.memref_squeeze %dma_wait3A_65 : memref<1x104x128xf32, #tpu.memory_space<hbm>> -> memref<104x128xf32, #tpu.memory_space<hbm>>
      %dma_wait3A_67 = arith.constant 0 : i32
      %dma_wait3A_68 = tpu.memref_slice %arg6[%arg0, %add3A_37, %dma_wait3A_67] : memref<2x10000x128xf32, #tpu.memory_space<hbm>> -> memref<1x104x128xf32, #tpu.memory_space<hbm>>
      %dma_wait3A_69 = tpu.memref_squeeze %dma_wait3A_68 : memref<1x104x128xf32, #tpu.memory_space<hbm>> -> memref<104x128xf32, #tpu.memory_space<hbm>>
      %dma_wait3A_70 = arith.constant 0 : i32
      %dma_wait3A_71 = arith.constant 0 : i32
      %dma_wait3A_72 = tpu.memref_slice %arg13[%dma_wait3A_70, %dma_wait3A_71] : memref<104x128xf32, #tpu.memory_space<vmem>> -> memref<104x128xf32, #tpu.memory_space<vmem>>
      tpu.wait_dma2 semaphore(%run_scoped3A : memref<!tpu.dma_semaphore, #tpu.memory_space<semaphore_mem>>) src(%dma_wait3A_72 : memref<104x128xf32, #tpu.memory_space<vmem>>) dst(%dma_wait3A_69 : memref<104x128xf32, #tpu.memory_space<hbm>>)
      tpu.yield
    }) : () -> ()
    %add3A_38 = arith.constant 208 : i32
    %add3A_39 = arith.addi %mul3A_2, %add3A_38 : i32
    "tpu.region"() ({
      %run_scoped3A = tpu.sem_alloc : memref<!tpu.dma_semaphore, #tpu.memory_space<semaphore_mem>>
      %dma_start3A_49 = arith.constant 0 : i32
      %dma_start3A_50 = arith.constant 0 : i32
      %dma_start3A_51 = tpu.memref_slice %arg13[%dma_start3A_49, %dma_start3A_50] : memref<104x128xf32, #tpu.memory_space<vmem>> -> memref<104x128xf32, #tpu.memory_space<vmem>>
      %dma_start3A_52 = arith.constant 0 : i32
      %dma_start3A_53 = tpu.memref_slice %arg14[%add3A_39, %dma_start3A_52] : memref<10000x128xf32, #tpu.memory_space<vmem_shared>> -> memref<104x128xf32, #tpu.memory_space<vmem_shared>>
      %dma_start3A_54 = arith.constant 0 : i32
      %dma_start3A_55 = arith.constant 0 : i32
      %dma_start3A_56 = tpu.memref_slice %arg13[%dma_start3A_54, %dma_start3A_55] : memref<104x128xf32, #tpu.memory_space<vmem>> -> memref<104x128xf32, #tpu.memory_space<vmem>>
      %dma_start3A_57 = arith.constant 0 : i32
      %dma_start3A_58 = tpu.memref_slice %arg14[%add3A_39, %dma_start3A_57] : memref<10000x128xf32, #tpu.memory_space<vmem_shared>> -> memref<104x128xf32, #tpu.memory_space<vmem_shared>>
      tpu.enqueue_dma source(%dma_start3A_58 : memref<104x128xf32, #tpu.memory_space<vmem_shared>>) target(%dma_start3A_56 : memref<104x128xf32, #tpu.memory_space<vmem>>) target_semaphore(%run_scoped3A : memref<!tpu.dma_semaphore, #tpu.memory_space<semaphore_mem>>)
      %dma_wait3A_59 = arith.constant 0 : i32
      %dma_wait3A_60 = arith.constant 0 : i32
      %dma_wait3A_61 = tpu.memref_slice %arg13[%dma_wait3A_59, %dma_wait3A_60] : memref<104x128xf32, #tpu.memory_space<vmem>> -> memref<104x128xf32, #tpu.memory_space<vmem>>
      %dma_wait3A_62 = arith.constant 0 : i32
      %dma_wait3A_63 = tpu.memref_slice %arg14[%add3A_39, %dma_wait3A_62] : memref<10000x128xf32, #tpu.memory_space<vmem_shared>> -> memref<104x128xf32, #tpu.memory_space<vmem_shared>>
      %dma_wait3A_64 = arith.constant 0 : i32
      %dma_wait3A_65 = arith.constant 0 : i32
      %dma_wait3A_66 = tpu.memref_slice %arg13[%dma_wait3A_64, %dma_wait3A_65] : memref<104x128xf32, #tpu.memory_space<vmem>> -> memref<104x128xf32, #tpu.memory_space<vmem>>
      %dma_wait3A_67 = arith.constant 0 : i32
      %dma_wait3A_68 = tpu.memref_slice %arg14[%add3A_39, %dma_wait3A_67] : memref<10000x128xf32, #tpu.memory_space<vmem_shared>> -> memref<104x128xf32, #tpu.memory_space<vmem_shared>>
      tpu.wait_dma2 semaphore(%run_scoped3A : memref<!tpu.dma_semaphore, #tpu.memory_space<semaphore_mem>>) src(%dma_wait3A_68 : memref<104x128xf32, #tpu.memory_space<vmem_shared>>) dst(%dma_wait3A_66 : memref<104x128xf32, #tpu.memory_space<vmem>>)
      tpu.yield
    }) : () -> ()
    "tpu.region"() ({
      %run_scoped3A = tpu.sem_alloc : memref<!tpu.dma_semaphore, #tpu.memory_space<semaphore_mem>>
      %dma_start3A_49 = arith.constant 0 : i32
      %dma_start3A_50 = arith.constant 0 : i32
      %dma_start3A_51 = tpu.memref_slice %arg13[%dma_start3A_49, %dma_start3A_50] : memref<104x128xf32, #tpu.memory_space<vmem>> -> memref<104x128xf32, #tpu.memory_space<vmem>>
      %dma_start3A_52 = arith.constant 0 : i32
      %dma_start3A_53 = tpu.memref_slice %arg6[%arg0, %add3A_39, %dma_start3A_52] : memref<2x10000x128xf32, #tpu.memory_space<hbm>> -> memref<1x104x128xf32, #tpu.memory_space<hbm>>
      %dma_start3A_54 = tpu.memref_squeeze %dma_start3A_53 : memref<1x104x128xf32, #tpu.memory_space<hbm>> -> memref<104x128xf32, #tpu.memory_space<hbm>>
      %dma_start3A_55 = arith.constant 0 : i32
      %dma_start3A_56 = tpu.memref_slice %arg6[%arg0, %add3A_39, %dma_start3A_55] : memref<2x10000x128xf32, #tpu.memory_space<hbm>> -> memref<1x104x128xf32, #tpu.memory_space<hbm>>
      %dma_start3A_57 = tpu.memref_squeeze %dma_start3A_56 : memref<1x104x128xf32, #tpu.memory_space<hbm>> -> memref<104x128xf32, #tpu.memory_space<hbm>>
      %dma_start3A_58 = arith.constant 0 : i32
      %dma_start3A_59 = arith.constant 0 : i32
      %dma_start3A_60 = tpu.memref_slice %arg13[%dma_start3A_58, %dma_start3A_59] : memref<104x128xf32, #tpu.memory_space<vmem>> -> memref<104x128xf32, #tpu.memory_space<vmem>>
      tpu.enqueue_dma source(%dma_start3A_60 : memref<104x128xf32, #tpu.memory_space<vmem>>) target(%dma_start3A_57 : memref<104x128xf32, #tpu.memory_space<hbm>>) target_semaphore(%run_scoped3A : memref<!tpu.dma_semaphore, #tpu.memory_space<semaphore_mem>>)
      %dma_wait3A_61 = arith.constant 0 : i32
      %dma_wait3A_62 = arith.constant 0 : i32
      %dma_wait3A_63 = tpu.memref_slice %arg13[%dma_wait3A_61, %dma_wait3A_62] : memref<104x128xf32, #tpu.memory_space<vmem>> -> memref<104x128xf32, #tpu.memory_space<vmem>>
      %dma_wait3A_64 = arith.constant 0 : i32
      %dma_wait3A_65 = tpu.memref_slice %arg6[%arg0, %add3A_39, %dma_wait3A_64] : memref<2x10000x128xf32, #tpu.memory_space<hbm>> -> memref<1x104x128xf32, #tpu.memory_space<hbm>>
      %dma_wait3A_66 = tpu.memref_squeeze %dma_wait3A_65 : memref<1x104x128xf32, #tpu.memory_space<hbm>> -> memref<104x128xf32, #tpu.memory_space<hbm>>
      %dma_wait3A_67 = arith.constant 0 : i32
      %dma_wait3A_68 = tpu.memref_slice %arg6[%arg0, %add3A_39, %dma_wait3A_67] : memref<2x10000x128xf32, #tpu.memory_space<hbm>> -> memref<1x104x128xf32, #tpu.memory_space<hbm>>
      %dma_wait3A_69 = tpu.memref_squeeze %dma_wait3A_68 : memref<1x104x128xf32, #tpu.memory_space<hbm>> -> memref<104x128xf32, #tpu.memory_space<hbm>>
      %dma_wait3A_70 = arith.constant 0 : i32
      %dma_wait3A_71 = arith.constant 0 : i32
      %dma_wait3A_72 = tpu.memref_slice %arg13[%dma_wait3A_70, %dma_wait3A_71] : memref<104x128xf32, #tpu.memory_space<vmem>> -> memref<104x128xf32, #tpu.memory_space<vmem>>
      tpu.wait_dma2 semaphore(%run_scoped3A : memref<!tpu.dma_semaphore, #tpu.memory_space<semaphore_mem>>) src(%dma_wait3A_72 : memref<104x128xf32, #tpu.memory_space<vmem>>) dst(%dma_wait3A_69 : memref<104x128xf32, #tpu.memory_space<hbm>>)
      tpu.yield
    }) : () -> ()
    %add3A_40 = arith.constant 312 : i32
    %add3A_41 = arith.addi %mul3A_2, %add3A_40 : i32
    "tpu.region"() ({
      %run_scoped3A = tpu.sem_alloc : memref<!tpu.dma_semaphore, #tpu.memory_space<semaphore_mem>>
      %dma_start3A_49 = arith.constant 0 : i32
      %dma_start3A_50 = arith.constant 0 : i32
      %dma_start3A_51 = tpu.memref_slice %arg13[%dma_start3A_49, %dma_start3A_50] : memref<104x128xf32, #tpu.memory_space<vmem>> -> memref<104x128xf32, #tpu.memory_space<vmem>>
      %dma_start3A_52 = arith.constant 0 : i32
      %dma_start3A_53 = tpu.memref_slice %arg14[%add3A_41, %dma_start3A_52] : memref<10000x128xf32, #tpu.memory_space<vmem_shared>> -> memref<104x128xf32, #tpu.memory_space<vmem_shared>>
      %dma_start3A_54 = arith.constant 0 : i32
      %dma_start3A_55 = arith.constant 0 : i32
      %dma_start3A_56 = tpu.memref_slice %arg13[%dma_start3A_54, %dma_start3A_55] : memref<104x128xf32, #tpu.memory_space<vmem>> -> memref<104x128xf32, #tpu.memory_space<vmem>>
      %dma_start3A_57 = arith.constant 0 : i32
      %dma_start3A_58 = tpu.memref_slice %arg14[%add3A_41, %dma_start3A_57] : memref<10000x128xf32, #tpu.memory_space<vmem_shared>> -> memref<104x128xf32, #tpu.memory_space<vmem_shared>>
      tpu.enqueue_dma source(%dma_start3A_58 : memref<104x128xf32, #tpu.memory_space<vmem_shared>>) target(%dma_start3A_56 : memref<104x128xf32, #tpu.memory_space<vmem>>) target_semaphore(%run_scoped3A : memref<!tpu.dma_semaphore, #tpu.memory_space<semaphore_mem>>)
      %dma_wait3A_59 = arith.constant 0 : i32
      %dma_wait3A_60 = arith.constant 0 : i32
      %dma_wait3A_61 = tpu.memref_slice %arg13[%dma_wait3A_59, %dma_wait3A_60] : memref<104x128xf32, #tpu.memory_space<vmem>> -> memref<104x128xf32, #tpu.memory_space<vmem>>
      %dma_wait3A_62 = arith.constant 0 : i32
      %dma_wait3A_63 = tpu.memref_slice %arg14[%add3A_41, %dma_wait3A_62] : memref<10000x128xf32, #tpu.memory_space<vmem_shared>> -> memref<104x128xf32, #tpu.memory_space<vmem_shared>>
      %dma_wait3A_64 = arith.constant 0 : i32
      %dma_wait3A_65 = arith.constant 0 : i32
      %dma_wait3A_66 = tpu.memref_slice %arg13[%dma_wait3A_64, %dma_wait3A_65] : memref<104x128xf32, #tpu.memory_space<vmem>> -> memref<104x128xf32, #tpu.memory_space<vmem>>
      %dma_wait3A_67 = arith.constant 0 : i32
      %dma_wait3A_68 = tpu.memref_slice %arg14[%add3A_41, %dma_wait3A_67] : memref<10000x128xf32, #tpu.memory_space<vmem_shared>> -> memref<104x128xf32, #tpu.memory_space<vmem_shared>>
      tpu.wait_dma2 semaphore(%run_scoped3A : memref<!tpu.dma_semaphore, #tpu.memory_space<semaphore_mem>>) src(%dma_wait3A_68 : memref<104x128xf32, #tpu.memory_space<vmem_shared>>) dst(%dma_wait3A_66 : memref<104x128xf32, #tpu.memory_space<vmem>>)
      tpu.yield
    }) : () -> ()
    "tpu.region"() ({
      %run_scoped3A = tpu.sem_alloc : memref<!tpu.dma_semaphore, #tpu.memory_space<semaphore_mem>>
      %dma_start3A_49 = arith.constant 0 : i32
      %dma_start3A_50 = arith.constant 0 : i32
      %dma_start3A_51 = tpu.memref_slice %arg13[%dma_start3A_49, %dma_start3A_50] : memref<104x128xf32, #tpu.memory_space<vmem>> -> memref<104x128xf32, #tpu.memory_space<vmem>>
      %dma_start3A_52 = arith.constant 0 : i32
      %dma_start3A_53 = tpu.memref_slice %arg6[%arg0, %add3A_41, %dma_start3A_52] : memref<2x10000x128xf32, #tpu.memory_space<hbm>> -> memref<1x104x128xf32, #tpu.memory_space<hbm>>
      %dma_start3A_54 = tpu.memref_squeeze %dma_start3A_53 : memref<1x104x128xf32, #tpu.memory_space<hbm>> -> memref<104x128xf32, #tpu.memory_space<hbm>>
      %dma_start3A_55 = arith.constant 0 : i32
      %dma_start3A_56 = tpu.memref_slice %arg6[%arg0, %add3A_41, %dma_start3A_55] : memref<2x10000x128xf32, #tpu.memory_space<hbm>> -> memref<1x104x128xf32, #tpu.memory_space<hbm>>
      %dma_start3A_57 = tpu.memref_squeeze %dma_start3A_56 : memref<1x104x128xf32, #tpu.memory_space<hbm>> -> memref<104x128xf32, #tpu.memory_space<hbm>>
      %dma_start3A_58 = arith.constant 0 : i32
      %dma_start3A_59 = arith.constant 0 : i32
      %dma_start3A_60 = tpu.memref_slice %arg13[%dma_start3A_58, %dma_start3A_59] : memref<104x128xf32, #tpu.memory_space<vmem>> -> memref<104x128xf32, #tpu.memory_space<vmem>>
      tpu.enqueue_dma source(%dma_start3A_60 : memref<104x128xf32, #tpu.memory_space<vmem>>) target(%dma_start3A_57 : memref<104x128xf32, #tpu.memory_space<hbm>>) target_semaphore(%run_scoped3A : memref<!tpu.dma_semaphore, #tpu.memory_space<semaphore_mem>>)
      %dma_wait3A_61 = arith.constant 0 : i32
      %dma_wait3A_62 = arith.constant 0 : i32
      %dma_wait3A_63 = tpu.memref_slice %arg13[%dma_wait3A_61, %dma_wait3A_62] : memref<104x128xf32, #tpu.memory_space<vmem>> -> memref<104x128xf32, #tpu.memory_space<vmem>>
      %dma_wait3A_64 = arith.constant 0 : i32
      %dma_wait3A_65 = tpu.memref_slice %arg6[%arg0, %add3A_41, %dma_wait3A_64] : memref<2x10000x128xf32, #tpu.memory_space<hbm>> -> memref<1x104x128xf32, #tpu.memory_space<hbm>>
      %dma_wait3A_66 = tpu.memref_squeeze %dma_wait3A_65 : memref<1x104x128xf32, #tpu.memory_space<hbm>> -> memref<104x128xf32, #tpu.memory_space<hbm>>
      %dma_wait3A_67 = arith.constant 0 : i32
      %dma_wait3A_68 = tpu.memref_slice %arg6[%arg0, %add3A_41, %dma_wait3A_67] : memref<2x10000x128xf32, #tpu.memory_space<hbm>> -> memref<1x104x128xf32, #tpu.memory_space<hbm>>
      %dma_wait3A_69 = tpu.memref_squeeze %dma_wait3A_68 : memref<1x104x128xf32, #tpu.memory_space<hbm>> -> memref<104x128xf32, #tpu.memory_space<hbm>>
      %dma_wait3A_70 = arith.constant 0 : i32
      %dma_wait3A_71 = arith.constant 0 : i32
      %dma_wait3A_72 = tpu.memref_slice %arg13[%dma_wait3A_70, %dma_wait3A_71] : memref<104x128xf32, #tpu.memory_space<vmem>> -> memref<104x128xf32, #tpu.memory_space<vmem>>
      tpu.wait_dma2 semaphore(%run_scoped3A : memref<!tpu.dma_semaphore, #tpu.memory_space<semaphore_mem>>) src(%dma_wait3A_72 : memref<104x128xf32, #tpu.memory_space<vmem>>) dst(%dma_wait3A_69 : memref<104x128xf32, #tpu.memory_space<hbm>>)
      tpu.yield
    }) : () -> ()
    %add3A_42 = arith.constant 416 : i32
    %add3A_43 = arith.addi %mul3A_2, %add3A_42 : i32
    "tpu.region"() ({
      %run_scoped3A = tpu.sem_alloc : memref<!tpu.dma_semaphore, #tpu.memory_space<semaphore_mem>>
      %dma_start3A_49 = arith.constant 0 : i32
      %dma_start3A_50 = arith.constant 0 : i32
      %dma_start3A_51 = tpu.memref_slice %arg13[%dma_start3A_49, %dma_start3A_50] : memref<104x128xf32, #tpu.memory_space<vmem>> -> memref<104x128xf32, #tpu.memory_space<vmem>>
      %dma_start3A_52 = arith.constant 0 : i32
      %dma_start3A_53 = tpu.memref_slice %arg14[%add3A_43, %dma_start3A_52] : memref<10000x128xf32, #tpu.memory_space<vmem_shared>> -> memref<104x128xf32, #tpu.memory_space<vmem_shared>>
      %dma_start3A_54 = arith.constant 0 : i32
      %dma_start3A_55 = arith.constant 0 : i32
      %dma_start3A_56 = tpu.memref_slice %arg13[%dma_start3A_54, %dma_start3A_55] : memref<104x128xf32, #tpu.memory_space<vmem>> -> memref<104x128xf32, #tpu.memory_space<vmem>>
      %dma_start3A_57 = arith.constant 0 : i32
      %dma_start3A_58 = tpu.memref_slice %arg14[%add3A_43, %dma_start3A_57] : memref<10000x128xf32, #tpu.memory_space<vmem_shared>> -> memref<104x128xf32, #tpu.memory_space<vmem_shared>>
      tpu.enqueue_dma source(%dma_start3A_58 : memref<104x128xf32, #tpu.memory_space<vmem_shared>>) target(%dma_start3A_56 : memref<104x128xf32, #tpu.memory_space<vmem>>) target_semaphore(%run_scoped3A : memref<!tpu.dma_semaphore, #tpu.memory_space<semaphore_mem>>)
      %dma_wait3A_59 = arith.constant 0 : i32
      %dma_wait3A_60 = arith.constant 0 : i32
      %dma_wait3A_61 = tpu.memref_slice %arg13[%dma_wait3A_59, %dma_wait3A_60] : memref<104x128xf32, #tpu.memory_space<vmem>> -> memref<104x128xf32, #tpu.memory_space<vmem>>
      %dma_wait3A_62 = arith.constant 0 : i32
      %dma_wait3A_63 = tpu.memref_slice %arg14[%add3A_43, %dma_wait3A_62] : memref<10000x128xf32, #tpu.memory_space<vmem_shared>> -> memref<104x128xf32, #tpu.memory_space<vmem_shared>>
      %dma_wait3A_64 = arith.constant 0 : i32
      %dma_wait3A_65 = arith.constant 0 : i32
      %dma_wait3A_66 = tpu.memref_slice %arg13[%dma_wait3A_64, %dma_wait3A_65] : memref<104x128xf32, #tpu.memory_space<vmem>> -> memref<104x128xf32, #tpu.memory_space<vmem>>
      %dma_wait3A_67 = arith.constant 0 : i32
      %dma_wait3A_68 = tpu.memref_slice %arg14[%add3A_43, %dma_wait3A_67] : memref<10000x128xf32, #tpu.memory_space<vmem_shared>> -> memref<104x128xf32, #tpu.memory_space<vmem_shared>>
      tpu.wait_dma2 semaphore(%run_scoped3A : memref<!tpu.dma_semaphore, #tpu.memory_space<semaphore_mem>>) src(%dma_wait3A_68 : memref<104x128xf32, #tpu.memory_space<vmem_shared>>) dst(%dma_wait3A_66 : memref<104x128xf32, #tpu.memory_space<vmem>>)
      tpu.yield
    }) : () -> ()
    "tpu.region"() ({
      %run_scoped3A = tpu.sem_alloc : memref<!tpu.dma_semaphore, #tpu.memory_space<semaphore_mem>>
      %dma_start3A_49 = arith.constant 0 : i32
      %dma_start3A_50 = arith.constant 0 : i32
      %dma_start3A_51 = tpu.memref_slice %arg13[%dma_start3A_49, %dma_start3A_50] : memref<104x128xf32, #tpu.memory_space<vmem>> -> memref<104x128xf32, #tpu.memory_space<vmem>>
      %dma_start3A_52 = arith.constant 0 : i32
      %dma_start3A_53 = tpu.memref_slice %arg6[%arg0, %add3A_43, %dma_start3A_52] : memref<2x10000x128xf32, #tpu.memory_space<hbm>> -> memref<1x104x128xf32, #tpu.memory_space<hbm>>
      %dma_start3A_54 = tpu.memref_squeeze %dma_start3A_53 : memref<1x104x128xf32, #tpu.memory_space<hbm>> -> memref<104x128xf32, #tpu.memory_space<hbm>>
      %dma_start3A_55 = arith.constant 0 : i32
      %dma_start3A_56 = tpu.memref_slice %arg6[%arg0, %add3A_43, %dma_start3A_55] : memref<2x10000x128xf32, #tpu.memory_space<hbm>> -> memref<1x104x128xf32, #tpu.memory_space<hbm>>
      %dma_start3A_57 = tpu.memref_squeeze %dma_start3A_56 : memref<1x104x128xf32, #tpu.memory_space<hbm>> -> memref<104x128xf32, #tpu.memory_space<hbm>>
      %dma_start3A_58 = arith.constant 0 : i32
      %dma_start3A_59 = arith.constant 0 : i32
      %dma_start3A_60 = tpu.memref_slice %arg13[%dma_start3A_58, %dma_start3A_59] : memref<104x128xf32, #tpu.memory_space<vmem>> -> memref<104x128xf32, #tpu.memory_space<vmem>>
      tpu.enqueue_dma source(%dma_start3A_60 : memref<104x128xf32, #tpu.memory_space<vmem>>) target(%dma_start3A_57 : memref<104x128xf32, #tpu.memory_space<hbm>>) target_semaphore(%run_scoped3A : memref<!tpu.dma_semaphore, #tpu.memory_space<semaphore_mem>>)
      %dma_wait3A_61 = arith.constant 0 : i32
      %dma_wait3A_62 = arith.constant 0 : i32
      %dma_wait3A_63 = tpu.memref_slice %arg13[%dma_wait3A_61, %dma_wait3A_62] : memref<104x128xf32, #tpu.memory_space<vmem>> -> memref<104x128xf32, #tpu.memory_space<vmem>>
      %dma_wait3A_64 = arith.constant 0 : i32
      %dma_wait3A_65 = tpu.memref_slice %arg6[%arg0, %add3A_43, %dma_wait3A_64] : memref<2x10000x128xf32, #tpu.memory_space<hbm>> -> memref<1x104x128xf32, #tpu.memory_space<hbm>>
      %dma_wait3A_66 = tpu.memref_squeeze %dma_wait3A_65 : memref<1x104x128xf32, #tpu.memory_space<hbm>> -> memref<104x128xf32, #tpu.memory_space<hbm>>
      %dma_wait3A_67 = arith.constant 0 : i32
      %dma_wait3A_68 = tpu.memref_slice %arg6[%arg0, %add3A_43, %dma_wait3A_67] : memref<2x10000x128xf32, #tpu.memory_space<hbm>> -> memref<1x104x128xf32, #tpu.memory_space<hbm>>
      %dma_wait3A_69 = tpu.memref_squeeze %dma_wait3A_68 : memref<1x104x128xf32, #tpu.memory_space<hbm>> -> memref<104x128xf32, #tpu.memory_space<hbm>>
      %dma_wait3A_70 = arith.constant 0 : i32
      %dma_wait3A_71 = arith.constant 0 : i32
      %dma_wait3A_72 = tpu.memref_slice %arg13[%dma_wait3A_70, %dma_wait3A_71] : memref<104x128xf32, #tpu.memory_space<vmem>> -> memref<104x128xf32, #tpu.memory_space<vmem>>
      tpu.wait_dma2 semaphore(%run_scoped3A : memref<!tpu.dma_semaphore, #tpu.memory_space<semaphore_mem>>) src(%dma_wait3A_72 : memref<104x128xf32, #tpu.memory_space<vmem>>) dst(%dma_wait3A_69 : memref<104x128xf32, #tpu.memory_space<hbm>>)
      tpu.yield
    }) : () -> ()
    %add3A_44 = arith.constant 520 : i32
    %add3A_45 = arith.addi %mul3A_2, %add3A_44 : i32
    "tpu.region"() ({
      %run_scoped3A = tpu.sem_alloc : memref<!tpu.dma_semaphore, #tpu.memory_space<semaphore_mem>>
      %dma_start3A_49 = arith.constant 0 : i32
      %dma_start3A_50 = arith.constant 0 : i32
      %dma_start3A_51 = tpu.memref_slice %arg13[%dma_start3A_49, %dma_start3A_50] : memref<104x128xf32, #tpu.memory_space<vmem>> -> memref<104x128xf32, #tpu.memory_space<vmem>>
      %dma_start3A_52 = arith.constant 0 : i32
      %dma_start3A_53 = tpu.memref_slice %arg14[%add3A_45, %dma_start3A_52] : memref<10000x128xf32, #tpu.memory_space<vmem_shared>> -> memref<104x128xf32, #tpu.memory_space<vmem_shared>>
      %dma_start3A_54 = arith.constant 0 : i32
      %dma_start3A_55 = arith.constant 0 : i32
      %dma_start3A_56 = tpu.memref_slice %arg13[%dma_start3A_54, %dma_start3A_55] : memref<104x128xf32, #tpu.memory_space<vmem>> -> memref<104x128xf32, #tpu.memory_space<vmem>>
      %dma_start3A_57 = arith.constant 0 : i32
      %dma_start3A_58 = tpu.memref_slice %arg14[%add3A_45, %dma_start3A_57] : memref<10000x128xf32, #tpu.memory_space<vmem_shared>> -> memref<104x128xf32, #tpu.memory_space<vmem_shared>>
      tpu.enqueue_dma source(%dma_start3A_58 : memref<104x128xf32, #tpu.memory_space<vmem_shared>>) target(%dma_start3A_56 : memref<104x128xf32, #tpu.memory_space<vmem>>) target_semaphore(%run_scoped3A : memref<!tpu.dma_semaphore, #tpu.memory_space<semaphore_mem>>)
      %dma_wait3A_59 = arith.constant 0 : i32
      %dma_wait3A_60 = arith.constant 0 : i32
      %dma_wait3A_61 = tpu.memref_slice %arg13[%dma_wait3A_59, %dma_wait3A_60] : memref<104x128xf32, #tpu.memory_space<vmem>> -> memref<104x128xf32, #tpu.memory_space<vmem>>
      %dma_wait3A_62 = arith.constant 0 : i32
      %dma_wait3A_63 = tpu.memref_slice %arg14[%add3A_45, %dma_wait3A_62] : memref<10000x128xf32, #tpu.memory_space<vmem_shared>> -> memref<104x128xf32, #tpu.memory_space<vmem_shared>>
      %dma_wait3A_64 = arith.constant 0 : i32
      %dma_wait3A_65 = arith.constant 0 : i32
      %dma_wait3A_66 = tpu.memref_slice %arg13[%dma_wait3A_64, %dma_wait3A_65] : memref<104x128xf32, #tpu.memory_space<vmem>> -> memref<104x128xf32, #tpu.memory_space<vmem>>
      %dma_wait3A_67 = arith.constant 0 : i32
      %dma_wait3A_68 = tpu.memref_slice %arg14[%add3A_45, %dma_wait3A_67] : memref<10000x128xf32, #tpu.memory_space<vmem_shared>> -> memref<104x128xf32, #tpu.memory_space<vmem_shared>>
      tpu.wait_dma2 semaphore(%run_scoped3A : memref<!tpu.dma_semaphore, #tpu.memory_space<semaphore_mem>>) src(%dma_wait3A_68 : memref<104x128xf32, #tpu.memory_space<vmem_shared>>) dst(%dma_wait3A_66 : memref<104x128xf32, #tpu.memory_space<vmem>>)
      tpu.yield
    }) : () -> ()
    "tpu.region"() ({
      %run_scoped3A = tpu.sem_alloc : memref<!tpu.dma_semaphore, #tpu.memory_space<semaphore_mem>>
      %dma_start3A_49 = arith.constant 0 : i32
      %dma_start3A_50 = arith.constant 0 : i32
      %dma_start3A_51 = tpu.memref_slice %arg13[%dma_start3A_49, %dma_start3A_50] : memref<104x128xf32, #tpu.memory_space<vmem>> -> memref<104x128xf32, #tpu.memory_space<vmem>>
      %dma_start3A_52 = arith.constant 0 : i32
      %dma_start3A_53 = tpu.memref_slice %arg6[%arg0, %add3A_45, %dma_start3A_52] : memref<2x10000x128xf32, #tpu.memory_space<hbm>> -> memref<1x104x128xf32, #tpu.memory_space<hbm>>
      %dma_start3A_54 = tpu.memref_squeeze %dma_start3A_53 : memref<1x104x128xf32, #tpu.memory_space<hbm>> -> memref<104x128xf32, #tpu.memory_space<hbm>>
      %dma_start3A_55 = arith.constant 0 : i32
      %dma_start3A_56 = tpu.memref_slice %arg6[%arg0, %add3A_45, %dma_start3A_55] : memref<2x10000x128xf32, #tpu.memory_space<hbm>> -> memref<1x104x128xf32, #tpu.memory_space<hbm>>
      %dma_start3A_57 = tpu.memref_squeeze %dma_start3A_56 : memref<1x104x128xf32, #tpu.memory_space<hbm>> -> memref<104x128xf32, #tpu.memory_space<hbm>>
      %dma_start3A_58 = arith.constant 0 : i32
      %dma_start3A_59 = arith.constant 0 : i32
      %dma_start3A_60 = tpu.memref_slice %arg13[%dma_start3A_58, %dma_start3A_59] : memref<104x128xf32, #tpu.memory_space<vmem>> -> memref<104x128xf32, #tpu.memory_space<vmem>>
      tpu.enqueue_dma source(%dma_start3A_60 : memref<104x128xf32, #tpu.memory_space<vmem>>) target(%dma_start3A_57 : memref<104x128xf32, #tpu.memory_space<hbm>>) target_semaphore(%run_scoped3A : memref<!tpu.dma_semaphore, #tpu.memory_space<semaphore_mem>>)
      %dma_wait3A_61 = arith.constant 0 : i32
      %dma_wait3A_62 = arith.constant 0 : i32
      %dma_wait3A_63 = tpu.memref_slice %arg13[%dma_wait3A_61, %dma_wait3A_62] : memref<104x128xf32, #tpu.memory_space<vmem>> -> memref<104x128xf32, #tpu.memory_space<vmem>>
      %dma_wait3A_64 = arith.constant 0 : i32
      %dma_wait3A_65 = tpu.memref_slice %arg6[%arg0, %add3A_45, %dma_wait3A_64] : memref<2x10000x128xf32, #tpu.memory_space<hbm>> -> memref<1x104x128xf32, #tpu.memory_space<hbm>>
      %dma_wait3A_66 = tpu.memref_squeeze %dma_wait3A_65 : memref<1x104x128xf32, #tpu.memory_space<hbm>> -> memref<104x128xf32, #tpu.memory_space<hbm>>
      %dma_wait3A_67 = arith.constant 0 : i32
      %dma_wait3A_68 = tpu.memref_slice %arg6[%arg0, %add3A_45, %dma_wait3A_67] : memref<2x10000x128xf32, #tpu.memory_space<hbm>> -> memref<1x104x128xf32, #tpu.memory_space<hbm>>
      %dma_wait3A_69 = tpu.memref_squeeze %dma_wait3A_68 : memref<1x104x128xf32, #tpu.memory_space<hbm>> -> memref<104x128xf32, #tpu.memory_space<hbm>>
      %dma_wait3A_70 = arith.constant 0 : i32
      %dma_wait3A_71 = arith.constant 0 : i32
      %dma_wait3A_72 = tpu.memref_slice %arg13[%dma_wait3A_70, %dma_wait3A_71] : memref<104x128xf32, #tpu.memory_space<vmem>> -> memref<104x128xf32, #tpu.memory_space<vmem>>
      tpu.wait_dma2 semaphore(%run_scoped3A : memref<!tpu.dma_semaphore, #tpu.memory_space<semaphore_mem>>) src(%dma_wait3A_72 : memref<104x128xf32, #tpu.memory_space<vmem>>) dst(%dma_wait3A_69 : memref<104x128xf32, #tpu.memory_space<hbm>>)
      tpu.yield
    }) : () -> ()
    %convert_element_type3A_46 = arith.extui %eq3A_3 : i1 to i32
    %cond3A_47 = arith.constant 0 : i32
    %cond3A_48 = arith.cmpi ne, %convert_element_type3A_46, %cond3A_47 : i32
    scf.if %cond3A_48 {
      "tpu.region"() ({
        %run_scoped3A = tpu.sem_alloc : memref<!tpu.dma_semaphore, #tpu.memory_space<semaphore_mem>>
        %dma_start3A_49 = arith.constant 0 : i32
        %dma_start3A_50 = arith.constant 0 : i32
        %dma_start3A_51 = tpu.memref_slice %arg13[%dma_start3A_49, %dma_start3A_50] : memref<104x128xf32, #tpu.memory_space<vmem>> -> memref<16x128xf32, #tpu.memory_space<vmem>>
        %dma_start3A_52 = arith.constant 9984 : i32
        %dma_start3A_53 = arith.constant 0 : i32
        %dma_start3A_54 = tpu.memref_slice %arg14[%dma_start3A_52, %dma_start3A_53] : memref<10000x128xf32, #tpu.memory_space<vmem_shared>> -> memref<16x128xf32, #tpu.memory_space<vmem_shared>>
        %dma_start3A_55 = arith.constant 0 : i32
        %dma_start3A_56 = arith.constant 0 : i32
        %dma_start3A_57 = tpu.memref_slice %arg13[%dma_start3A_55, %dma_start3A_56] : memref<104x128xf32, #tpu.memory_space<vmem>> -> memref<16x128xf32, #tpu.memory_space<vmem>>
        %dma_start3A_58 = arith.constant 9984 : i32
        %dma_start3A_59 = arith.constant 0 : i32
        %dma_start3A_60 = tpu.memref_slice %arg14[%dma_start3A_58, %dma_start3A_59] : memref<10000x128xf32, #tpu.memory_space<vmem_shared>> -> memref<16x128xf32, #tpu.memory_space<vmem_shared>>
        tpu.enqueue_dma source(%dma_start3A_60 : memref<16x128xf32, #tpu.memory_space<vmem_shared>>) target(%dma_start3A_57 : memref<16x128xf32, #tpu.memory_space<vmem>>) target_semaphore(%run_scoped3A : memref<!tpu.dma_semaphore, #tpu.memory_space<semaphore_mem>>)
        %dma_wait3A_61 = arith.constant 0 : i32
        %dma_wait3A_62 = arith.constant 0 : i32
        %dma_wait3A_63 = tpu.memref_slice %arg13[%dma_wait3A_61, %dma_wait3A_62] : memref<104x128xf32, #tpu.memory_space<vmem>> -> memref<16x128xf32, #tpu.memory_space<vmem>>
        %dma_wait3A_64 = arith.constant 9984 : i32
        %dma_wait3A_65 = arith.constant 0 : i32
        %dma_wait3A_66 = tpu.memref_slice %arg14[%dma_wait3A_64, %dma_wait3A_65] : memref<10000x128xf32, #tpu.memory_space<vmem_shared>> -> memref<16x128xf32, #tpu.memory_space<vmem_shared>>
        %dma_wait3A_67 = arith.constant 0 : i32
        %dma_wait3A_68 = arith.constant 0 : i32
        %dma_wait3A_69 = tpu.memref_slice %arg13[%dma_wait3A_67, %dma_wait3A_68] : memref<104x128xf32, #tpu.memory_space<vmem>> -> memref<16x128xf32, #tpu.memory_space<vmem>>
        %dma_wait3A_70 = arith.constant 9984 : i32
        %dma_wait3A_71 = arith.constant 0 : i32
        %dma_wait3A_72 = tpu.memref_slice %arg14[%dma_wait3A_70, %dma_wait3A_71] : memref<10000x128xf32, #tpu.memory_space<vmem_shared>> -> memref<16x128xf32, #tpu.memory_space<vmem_shared>>
        tpu.wait_dma2 semaphore(%run_scoped3A : memref<!tpu.dma_semaphore, #tpu.memory_space<semaphore_mem>>) src(%dma_wait3A_72 : memref<16x128xf32, #tpu.memory_space<vmem_shared>>) dst(%dma_wait3A_69 : memref<16x128xf32, #tpu.memory_space<vmem>>)
        tpu.yield
      }) : () -> ()
      "tpu.region"() ({
        %run_scoped3A = tpu.sem_alloc : memref<!tpu.dma_semaphore, #tpu.memory_space<semaphore_mem>>
        %dma_start3A_49 = arith.constant 0 : i32
        %dma_start3A_50 = arith.constant 0 : i32
        %dma_start3A_51 = tpu.memref_slice %arg13[%dma_start3A_49, %dma_start3A_50] : memref<104x128xf32, #tpu.memory_space<vmem>> -> memref<16x128xf32, #tpu.memory_space<vmem>>
        %dma_start3A_52 = arith.constant 9984 : i32
        %dma_start3A_53 = arith.constant 0 : i32
        %dma_start3A_54 = tpu.memref_slice %arg6[%arg0, %dma_start3A_52, %dma_start3A_53] : memref<2x10000x128xf32, #tpu.memory_space<hbm>> -> memref<1x16x128xf32, #tpu.memory_space<hbm>>
        %dma_start3A_55 = tpu.memref_squeeze %dma_start3A_54 : memref<1x16x128xf32, #tpu.memory_space<hbm>> -> memref<16x128xf32, #tpu.memory_space<hbm>>
        %dma_start3A_56 = arith.constant 9984 : i32
        %dma_start3A_57 = arith.constant 0 : i32
        %dma_start3A_58 = tpu.memref_slice %arg6[%arg0, %dma_start3A_56, %dma_start3A_57] : memref<2x10000x128xf32, #tpu.memory_space<hbm>> -> memref<1x16x128xf32, #tpu.memory_space<hbm>>
        %dma_start3A_59 = tpu.memref_squeeze %dma_start3A_58 : memref<1x16x128xf32, #tpu.memory_space<hbm>> -> memref<16x128xf32, #tpu.memory_space<hbm>>
        %dma_start3A_60 = arith.constant 0 : i32
        %dma_start3A_61 = arith.constant 0 : i32
        %dma_start3A_62 = tpu.memref_slice %arg13[%dma_start3A_60, %dma_start3A_61] : memref<104x128xf32, #tpu.memory_space<vmem>> -> memref<16x128xf32, #tpu.memory_space<vmem>>
        tpu.enqueue_dma source(%dma_start3A_62 : memref<16x128xf32, #tpu.memory_space<vmem>>) target(%dma_start3A_59 : memref<16x128xf32, #tpu.memory_space<hbm>>) target_semaphore(%run_scoped3A : memref<!tpu.dma_semaphore, #tpu.memory_space<semaphore_mem>>)
        %dma_wait3A_63 = arith.constant 0 : i32
        %dma_wait3A_64 = arith.constant 0 : i32
        %dma_wait3A_65 = tpu.memref_slice %arg13[%dma_wait3A_63, %dma_wait3A_64] : memref<104x128xf32, #tpu.memory_space<vmem>> -> memref<16x128xf32, #tpu.memory_space<vmem>>
        %dma_wait3A_66 = arith.constant 9984 : i32
        %dma_wait3A_67 = arith.constant 0 : i32
        %dma_wait3A_68 = tpu.memref_slice %arg6[%arg0, %dma_wait3A_66, %dma_wait3A_67] : memref<2x10000x128xf32, #tpu.memory_space<hbm>> -> memref<1x16x128xf32, #tpu.memory_space<hbm>>
        %dma_wait3A_69 = tpu.memref_squeeze %dma_wait3A_68 : memref<1x16x128xf32, #tpu.memory_space<hbm>> -> memref<16x128xf32, #tpu.memory_space<hbm>>
        %dma_wait3A_70 = arith.constant 9984 : i32
        %dma_wait3A_71 = arith.constant 0 : i32
        %dma_wait3A_72 = tpu.memref_slice %arg6[%arg0, %dma_wait3A_70, %dma_wait3A_71] : memref<2x10000x128xf32, #tpu.memory_space<hbm>> -> memref<1x16x128xf32, #tpu.memory_space<hbm>>
        %dma_wait3A_73 = tpu.memref_squeeze %dma_wait3A_72 : memref<1x16x128xf32, #tpu.memory_space<hbm>> -> memref<16x128xf32, #tpu.memory_space<hbm>>
        %dma_wait3A_74 = arith.constant 0 : i32
        %dma_wait3A_75 = arith.constant 0 : i32
        %dma_wait3A_76 = tpu.memref_slice %arg13[%dma_wait3A_74, %dma_wait3A_75] : memref<104x128xf32, #tpu.memory_space<vmem>> -> memref<16x128xf32, #tpu.memory_space<vmem>>
        tpu.wait_dma2 semaphore(%run_scoped3A : memref<!tpu.dma_semaphore, #tpu.memory_space<semaphore_mem>>) src(%dma_wait3A_76 : memref<16x128xf32, #tpu.memory_space<vmem>>) dst(%dma_wait3A_73 : memref<16x128xf32, #tpu.memory_space<hbm>>)
        tpu.yield
      }) : () -> ()
    } else {
    }
    return
  }
}

#map = affine_map<(d0, d1) -> (0, 0)>
#map1 = affine_map<(d0, d1) -> (0)>
#map2 = affine_map<(d0, d1) -> (0, 0, 0)>
module attributes {stable_mosaic.version = 14 : i64} {
  func.func @body(%arg0: i32, %arg1: i32, %arg2: memref<104x128xf32, #tpu.memory_space<hbm>>, %arg3: memref<80x128xf32, #tpu.memory_space<hbm>>, %arg4: memref<320000xi32, #tpu.memory_space<hbm>>, %arg5: memref<320000xi32, #tpu.memory_space<hbm>>, %arg6: memref<2x10000x128xf32, #tpu.memory_space<hbm>>, %arg7: memref<80xi32, #tpu.memory_space<vmem>>, %arg8: memref<80xi32, #tpu.memory_space<vmem>>, %arg9: memref<80x128xf32, #tpu.memory_space<vmem>>, %arg10: memref<80xi32, #tpu.memory_space<vmem>>, %arg11: memref<80xi32, #tpu.memory_space<vmem>>, %arg12: memref<80x128xf32, #tpu.memory_space<vmem>>, %arg13: memref<104x128xf32, #tpu.memory_space<vmem>>, %arg14: memref<10000x128xf32, #tpu.memory_space<vmem_shared>>, %arg15: memref<!tpu.dma_semaphore, #tpu.memory_space<semaphore_mem>>, %arg16: memref<!tpu.dma_semaphore, #tpu.memory_space<semaphore_mem>>) attributes {dimension_semantics = [#tpu.dimension_semantics<core_parallel>, #tpu.dimension_semantics<subcore_parallel>], iteration_bounds = array<i64: 2, 16>, scalar_prefetch = 0 : i64, scratch_operands = 10 : i64, tpu.core_type = #tpu.core_type<sc_vector_subcore>, window_params = [{transform_indices = #map}, {transform_indices = #map}, {transform_indices = #map1}, {transform_indices = #map1}, {transform_indices = #map2}]} {
    %mul3A = arith.constant 2 : i32
    %mul3A_0 = arith.muli %arg1, %mul3A : i32
    %add3A = arith.addi %mul3A_0, %arg0 : i32
    %mul3A_1 = arith.constant 624 : i32
    %mul3A_2 = arith.muli %arg1, %mul3A_1 : i32
    %eq3A = arith.constant 15 : i32
    %eq3A_3 = arith.cmpi eq, %arg1, %eq3A : i32
    "tpu.region"() ({
      %run_scoped3A = tpu.sem_alloc : memref<!tpu.dma_semaphore, #tpu.memory_space<semaphore_mem>>
      tpu.enqueue_dma source(%arg2 : memref<104x128xf32, #tpu.memory_space<hbm>>) target(%arg13 : memref<104x128xf32, #tpu.memory_space<vmem>>) target_semaphore(%run_scoped3A : memref<!tpu.dma_semaphore, #tpu.memory_space<semaphore_mem>>)
      tpu.wait_dma2 semaphore(%run_scoped3A : memref<!tpu.dma_semaphore, #tpu.memory_space<semaphore_mem>>) src(%arg2 : memref<104x128xf32, #tpu.memory_space<hbm>>) dst(%arg13 : memref<104x128xf32, #tpu.memory_space<vmem>>)
      tpu.yield
    }) : () -> ()
    %add3A_4 = arith.constant 0 : i32
    %add3A_5 = arith.addi %mul3A_2, %add3A_4 : i32
    "tpu.region"() ({
      %run_scoped3A = tpu.sem_alloc : memref<!tpu.dma_semaphore, #tpu.memory_space<semaphore_mem>>
      %dma_start3A = arith.constant 0 : i32
      %dma_start3A_40 = tpu.memref_slice %arg14[%add3A_5, %dma_start3A] : memref<10000x128xf32, #tpu.memory_space<vmem_shared>> -> memref<104x128xf32, #tpu.memory_space<vmem_shared>>
      %dma_start3A_41 = arith.constant 0 : i32
      %dma_start3A_42 = tpu.memref_slice %arg14[%add3A_5, %dma_start3A_41] : memref<10000x128xf32, #tpu.memory_space<vmem_shared>> -> memref<104x128xf32, #tpu.memory_space<vmem_shared>>
      tpu.enqueue_dma source(%arg13 : memref<104x128xf32, #tpu.memory_space<vmem>>) target(%dma_start3A_42 : memref<104x128xf32, #tpu.memory_space<vmem_shared>>) target_semaphore(%run_scoped3A : memref<!tpu.dma_semaphore, #tpu.memory_space<semaphore_mem>>)
      %dma_wait3A = arith.constant 0 : i32
      %dma_wait3A_43 = tpu.memref_slice %arg14[%add3A_5, %dma_wait3A] : memref<10000x128xf32, #tpu.memory_space<vmem_shared>> -> memref<104x128xf32, #tpu.memory_space<vmem_shared>>
      %dma_wait3A_44 = arith.constant 0 : i32
      %dma_wait3A_45 = tpu.memref_slice %arg14[%add3A_5, %dma_wait3A_44] : memref<10000x128xf32, #tpu.memory_space<vmem_shared>> -> memref<104x128xf32, #tpu.memory_space<vmem_shared>>
      tpu.wait_dma2 semaphore(%run_scoped3A : memref<!tpu.dma_semaphore, #tpu.memory_space<semaphore_mem>>) src(%arg13 : memref<104x128xf32, #tpu.memory_space<vmem>>) dst(%dma_wait3A_45 : memref<104x128xf32, #tpu.memory_space<vmem_shared>>)
      tpu.yield
    }) : () -> ()
    %add3A_6 = arith.constant 104 : i32
    %add3A_7 = arith.addi %mul3A_2, %add3A_6 : i32
    "tpu.region"() ({
      %run_scoped3A = tpu.sem_alloc : memref<!tpu.dma_semaphore, #tpu.memory_space<semaphore_mem>>
      %dma_start3A = arith.constant 0 : i32
      %dma_start3A_40 = tpu.memref_slice %arg14[%add3A_7, %dma_start3A] : memref<10000x128xf32, #tpu.memory_space<vmem_shared>> -> memref<104x128xf32, #tpu.memory_space<vmem_shared>>
      %dma_start3A_41 = arith.constant 0 : i32
      %dma_start3A_42 = tpu.memref_slice %arg14[%add3A_7, %dma_start3A_41] : memref<10000x128xf32, #tpu.memory_space<vmem_shared>> -> memref<104x128xf32, #tpu.memory_space<vmem_shared>>
      tpu.enqueue_dma source(%arg13 : memref<104x128xf32, #tpu.memory_space<vmem>>) target(%dma_start3A_42 : memref<104x128xf32, #tpu.memory_space<vmem_shared>>) target_semaphore(%run_scoped3A : memref<!tpu.dma_semaphore, #tpu.memory_space<semaphore_mem>>)
      %dma_wait3A = arith.constant 0 : i32
      %dma_wait3A_43 = tpu.memref_slice %arg14[%add3A_7, %dma_wait3A] : memref<10000x128xf32, #tpu.memory_space<vmem_shared>> -> memref<104x128xf32, #tpu.memory_space<vmem_shared>>
      %dma_wait3A_44 = arith.constant 0 : i32
      %dma_wait3A_45 = tpu.memref_slice %arg14[%add3A_7, %dma_wait3A_44] : memref<10000x128xf32, #tpu.memory_space<vmem_shared>> -> memref<104x128xf32, #tpu.memory_space<vmem_shared>>
      tpu.wait_dma2 semaphore(%run_scoped3A : memref<!tpu.dma_semaphore, #tpu.memory_space<semaphore_mem>>) src(%arg13 : memref<104x128xf32, #tpu.memory_space<vmem>>) dst(%dma_wait3A_45 : memref<104x128xf32, #tpu.memory_space<vmem_shared>>)
      tpu.yield
    }) : () -> ()
    %add3A_8 = arith.constant 208 : i32
    %add3A_9 = arith.addi %mul3A_2, %add3A_8 : i32
    "tpu.region"() ({
      %run_scoped3A = tpu.sem_alloc : memref<!tpu.dma_semaphore, #tpu.memory_space<semaphore_mem>>
      %dma_start3A = arith.constant 0 : i32
      %dma_start3A_40 = tpu.memref_slice %arg14[%add3A_9, %dma_start3A] : memref<10000x128xf32, #tpu.memory_space<vmem_shared>> -> memref<104x128xf32, #tpu.memory_space<vmem_shared>>
      %dma_start3A_41 = arith.constant 0 : i32
      %dma_start3A_42 = tpu.memref_slice %arg14[%add3A_9, %dma_start3A_41] : memref<10000x128xf32, #tpu.memory_space<vmem_shared>> -> memref<104x128xf32, #tpu.memory_space<vmem_shared>>
      tpu.enqueue_dma source(%arg13 : memref<104x128xf32, #tpu.memory_space<vmem>>) target(%dma_start3A_42 : memref<104x128xf32, #tpu.memory_space<vmem_shared>>) target_semaphore(%run_scoped3A : memref<!tpu.dma_semaphore, #tpu.memory_space<semaphore_mem>>)
      %dma_wait3A = arith.constant 0 : i32
      %dma_wait3A_43 = tpu.memref_slice %arg14[%add3A_9, %dma_wait3A] : memref<10000x128xf32, #tpu.memory_space<vmem_shared>> -> memref<104x128xf32, #tpu.memory_space<vmem_shared>>
      %dma_wait3A_44 = arith.constant 0 : i32
      %dma_wait3A_45 = tpu.memref_slice %arg14[%add3A_9, %dma_wait3A_44] : memref<10000x128xf32, #tpu.memory_space<vmem_shared>> -> memref<104x128xf32, #tpu.memory_space<vmem_shared>>
      tpu.wait_dma2 semaphore(%run_scoped3A : memref<!tpu.dma_semaphore, #tpu.memory_space<semaphore_mem>>) src(%arg13 : memref<104x128xf32, #tpu.memory_space<vmem>>) dst(%dma_wait3A_45 : memref<104x128xf32, #tpu.memory_space<vmem_shared>>)
      tpu.yield
    }) : () -> ()
    %add3A_10 = arith.constant 312 : i32
    %add3A_11 = arith.addi %mul3A_2, %add3A_10 : i32
    "tpu.region"() ({
      %run_scoped3A = tpu.sem_alloc : memref<!tpu.dma_semaphore, #tpu.memory_space<semaphore_mem>>
      %dma_start3A = arith.constant 0 : i32
      %dma_start3A_40 = tpu.memref_slice %arg14[%add3A_11, %dma_start3A] : memref<10000x128xf32, #tpu.memory_space<vmem_shared>> -> memref<104x128xf32, #tpu.memory_space<vmem_shared>>
      %dma_start3A_41 = arith.constant 0 : i32
      %dma_start3A_42 = tpu.memref_slice %arg14[%add3A_11, %dma_start3A_41] : memref<10000x128xf32, #tpu.memory_space<vmem_shared>> -> memref<104x128xf32, #tpu.memory_space<vmem_shared>>
      tpu.enqueue_dma source(%arg13 : memref<104x128xf32, #tpu.memory_space<vmem>>) target(%dma_start3A_42 : memref<104x128xf32, #tpu.memory_space<vmem_shared>>) target_semaphore(%run_scoped3A : memref<!tpu.dma_semaphore, #tpu.memory_space<semaphore_mem>>)
      %dma_wait3A = arith.constant 0 : i32
      %dma_wait3A_43 = tpu.memref_slice %arg14[%add3A_11, %dma_wait3A] : memref<10000x128xf32, #tpu.memory_space<vmem_shared>> -> memref<104x128xf32, #tpu.memory_space<vmem_shared>>
      %dma_wait3A_44 = arith.constant 0 : i32
      %dma_wait3A_45 = tpu.memref_slice %arg14[%add3A_11, %dma_wait3A_44] : memref<10000x128xf32, #tpu.memory_space<vmem_shared>> -> memref<104x128xf32, #tpu.memory_space<vmem_shared>>
      tpu.wait_dma2 semaphore(%run_scoped3A : memref<!tpu.dma_semaphore, #tpu.memory_space<semaphore_mem>>) src(%arg13 : memref<104x128xf32, #tpu.memory_space<vmem>>) dst(%dma_wait3A_45 : memref<104x128xf32, #tpu.memory_space<vmem_shared>>)
      tpu.yield
    }) : () -> ()
    %add3A_12 = arith.constant 416 : i32
    %add3A_13 = arith.addi %mul3A_2, %add3A_12 : i32
    "tpu.region"() ({
      %run_scoped3A = tpu.sem_alloc : memref<!tpu.dma_semaphore, #tpu.memory_space<semaphore_mem>>
      %dma_start3A = arith.constant 0 : i32
      %dma_start3A_40 = tpu.memref_slice %arg14[%add3A_13, %dma_start3A] : memref<10000x128xf32, #tpu.memory_space<vmem_shared>> -> memref<104x128xf32, #tpu.memory_space<vmem_shared>>
      %dma_start3A_41 = arith.constant 0 : i32
      %dma_start3A_42 = tpu.memref_slice %arg14[%add3A_13, %dma_start3A_41] : memref<10000x128xf32, #tpu.memory_space<vmem_shared>> -> memref<104x128xf32, #tpu.memory_space<vmem_shared>>
      tpu.enqueue_dma source(%arg13 : memref<104x128xf32, #tpu.memory_space<vmem>>) target(%dma_start3A_42 : memref<104x128xf32, #tpu.memory_space<vmem_shared>>) target_semaphore(%run_scoped3A : memref<!tpu.dma_semaphore, #tpu.memory_space<semaphore_mem>>)
      %dma_wait3A = arith.constant 0 : i32
      %dma_wait3A_43 = tpu.memref_slice %arg14[%add3A_13, %dma_wait3A] : memref<10000x128xf32, #tpu.memory_space<vmem_shared>> -> memref<104x128xf32, #tpu.memory_space<vmem_shared>>
      %dma_wait3A_44 = arith.constant 0 : i32
      %dma_wait3A_45 = tpu.memref_slice %arg14[%add3A_13, %dma_wait3A_44] : memref<10000x128xf32, #tpu.memory_space<vmem_shared>> -> memref<104x128xf32, #tpu.memory_space<vmem_shared>>
      tpu.wait_dma2 semaphore(%run_scoped3A : memref<!tpu.dma_semaphore, #tpu.memory_space<semaphore_mem>>) src(%arg13 : memref<104x128xf32, #tpu.memory_space<vmem>>) dst(%dma_wait3A_45 : memref<104x128xf32, #tpu.memory_space<vmem_shared>>)
      tpu.yield
    }) : () -> ()
    %add3A_14 = arith.constant 520 : i32
    %add3A_15 = arith.addi %mul3A_2, %add3A_14 : i32
    "tpu.region"() ({
      %run_scoped3A = tpu.sem_alloc : memref<!tpu.dma_semaphore, #tpu.memory_space<semaphore_mem>>
      %dma_start3A = arith.constant 0 : i32
      %dma_start3A_40 = tpu.memref_slice %arg14[%add3A_15, %dma_start3A] : memref<10000x128xf32, #tpu.memory_space<vmem_shared>> -> memref<104x128xf32, #tpu.memory_space<vmem_shared>>
      %dma_start3A_41 = arith.constant 0 : i32
      %dma_start3A_42 = tpu.memref_slice %arg14[%add3A_15, %dma_start3A_41] : memref<10000x128xf32, #tpu.memory_space<vmem_shared>> -> memref<104x128xf32, #tpu.memory_space<vmem_shared>>
      tpu.enqueue_dma source(%arg13 : memref<104x128xf32, #tpu.memory_space<vmem>>) target(%dma_start3A_42 : memref<104x128xf32, #tpu.memory_space<vmem_shared>>) target_semaphore(%run_scoped3A : memref<!tpu.dma_semaphore, #tpu.memory_space<semaphore_mem>>)
      %dma_wait3A = arith.constant 0 : i32
      %dma_wait3A_43 = tpu.memref_slice %arg14[%add3A_15, %dma_wait3A] : memref<10000x128xf32, #tpu.memory_space<vmem_shared>> -> memref<104x128xf32, #tpu.memory_space<vmem_shared>>
      %dma_wait3A_44 = arith.constant 0 : i32
      %dma_wait3A_45 = tpu.memref_slice %arg14[%add3A_15, %dma_wait3A_44] : memref<10000x128xf32, #tpu.memory_space<vmem_shared>> -> memref<104x128xf32, #tpu.memory_space<vmem_shared>>
      tpu.wait_dma2 semaphore(%run_scoped3A : memref<!tpu.dma_semaphore, #tpu.memory_space<semaphore_mem>>) src(%arg13 : memref<104x128xf32, #tpu.memory_space<vmem>>) dst(%dma_wait3A_45 : memref<104x128xf32, #tpu.memory_space<vmem_shared>>)
      tpu.yield
    }) : () -> ()
    %convert_element_type3A = arith.extui %eq3A_3 : i1 to i32
    %cond3A = arith.constant 0 : i32
    %cond3A_16 = arith.cmpi ne, %convert_element_type3A, %cond3A : i32
    scf.if %cond3A_16 {
      "tpu.region"() ({
        %run_scoped3A = tpu.sem_alloc : memref<!tpu.dma_semaphore, #tpu.memory_space<semaphore_mem>>
        %dma_start3A = arith.constant 0 : i32
        %dma_start3A_40 = arith.constant 0 : i32
        %dma_start3A_41 = tpu.memref_slice %arg13[%dma_start3A, %dma_start3A_40] : memref<104x128xf32, #tpu.memory_space<vmem>> -> memref<16x128xf32, #tpu.memory_space<vmem>>
        %dma_start3A_42 = arith.constant 9984 : i32
        %dma_start3A_43 = arith.constant 0 : i32
        %dma_start3A_44 = tpu.memref_slice %arg14[%dma_start3A_42, %dma_start3A_43] : memref<10000x128xf32, #tpu.memory_space<vmem_shared>> -> memref<16x128xf32, #tpu.memory_space<vmem_shared>>
        %dma_start3A_45 = arith.constant 9984 : i32
        %dma_start3A_46 = arith.constant 0 : i32
        %dma_start3A_47 = tpu.memref_slice %arg14[%dma_start3A_45, %dma_start3A_46] : memref<10000x128xf32, #tpu.memory_space<vmem_shared>> -> memref<16x128xf32, #tpu.memory_space<vmem_shared>>
        %dma_start3A_48 = arith.constant 0 : i32
        %dma_start3A_49 = arith.constant 0 : i32
        %dma_start3A_50 = tpu.memref_slice %arg13[%dma_start3A_48, %dma_start3A_49] : memref<104x128xf32, #tpu.memory_space<vmem>> -> memref<16x128xf32, #tpu.memory_space<vmem>>
        tpu.enqueue_dma source(%dma_start3A_50 : memref<16x128xf32, #tpu.memory_space<vmem>>) target(%dma_start3A_47 : memref<16x128xf32, #tpu.memory_space<vmem_shared>>) target_semaphore(%run_scoped3A : memref<!tpu.dma_semaphore, #tpu.memory_space<semaphore_mem>>)
        %dma_wait3A = arith.constant 0 : i32
        %dma_wait3A_51 = arith.constant 0 : i32
        %dma_wait3A_52 = tpu.memref_slice %arg13[%dma_wait3A, %dma_wait3A_51] : memref<104x128xf32, #tpu.memory_space<vmem>> -> memref<16x128xf32, #tpu.memory_space<vmem>>
        %dma_wait3A_53 = arith.constant 9984 : i32
        %dma_wait3A_54 = arith.constant 0 : i32
        %dma_wait3A_55 = tpu.memref_slice %arg14[%dma_wait3A_53, %dma_wait3A_54] : memref<10000x128xf32, #tpu.memory_space<vmem_shared>> -> memref<16x128xf32, #tpu.memory_space<vmem_shared>>
        %dma_wait3A_56 = arith.constant 9984 : i32
        %dma_wait3A_57 = arith.constant 0 : i32
        %dma_wait3A_58 = tpu.memref_slice %arg14[%dma_wait3A_56, %dma_wait3A_57] : memref<10000x128xf32, #tpu.memory_space<vmem_shared>> -> memref<16x128xf32, #tpu.memory_space<vmem_shared>>
        %dma_wait3A_59 = arith.constant 0 : i32
        %dma_wait3A_60 = arith.constant 0 : i32
        %dma_wait3A_61 = tpu.memref_slice %arg13[%dma_wait3A_59, %dma_wait3A_60] : memref<104x128xf32, #tpu.memory_space<vmem>> -> memref<16x128xf32, #tpu.memory_space<vmem>>
        tpu.wait_dma2 semaphore(%run_scoped3A : memref<!tpu.dma_semaphore, #tpu.memory_space<semaphore_mem>>) src(%dma_wait3A_61 : memref<16x128xf32, #tpu.memory_space<vmem>>) dst(%dma_wait3A_58 : memref<16x128xf32, #tpu.memory_space<vmem_shared>>)
        tpu.yield
      }) : () -> ()
    } else {
    }
    %barrier3A = arith.constant 0 : index
    tpu.barrier barrier_id(%barrier3A)
    %mul3A_17 = arith.constant 10000 : i32
    %mul3A_18 = arith.muli %add3A, %mul3A_17 : i32
    "tpu.region"() ({
      %run_scoped3A = tpu.sem_alloc : memref<!tpu.dma_semaphore, #tpu.memory_space<semaphore_mem>>
      tpu.enqueue_dma source(%arg3 : memref<80x128xf32, #tpu.memory_space<hbm>>) target(%arg9 : memref<80x128xf32, #tpu.memory_space<vmem>>) target_semaphore(%run_scoped3A : memref<!tpu.dma_semaphore, #tpu.memory_space<semaphore_mem>>)
      tpu.wait_dma2 semaphore(%run_scoped3A : memref<!tpu.dma_semaphore, #tpu.memory_space<semaphore_mem>>) src(%arg3 : memref<80x128xf32, #tpu.memory_space<hbm>>) dst(%arg9 : memref<80x128xf32, #tpu.memory_space<vmem>>)
      tpu.yield
    }) : () -> ()
    %scan3A = arith.constant 0 : i32
    %scan3A_19 = arith.constant 0 : i32
    %scan3A_20 = arith.constant 125 : i32
    %scan3A_21 = arith.addi %scan3A_19, %scan3A_20 : i32
    %scan3A_22 = arith.constant 1 : i32
    scf.for %scan3A_40 = %scan3A_19 to %scan3A_21 step %scan3A_22  : i32 {
      %mul3A_41 = arith.constant 80 : i32
      %mul3A_42 = arith.muli %scan3A_40, %mul3A_41 : i32
      %add3A_43 = arith.addi %mul3A_18, %mul3A_42 : i32
      "tpu.region"() ({
        %run_scoped3A = tpu.sem_alloc : memref<!tpu.dma_semaphore, #tpu.memory_space<semaphore_mem>>
        %dma_start3A = tpu.memref_slice %arg5[%add3A_43] : memref<320000xi32, #tpu.memory_space<hbm>> -> memref<80xi32, #tpu.memory_space<hbm>>
        %dma_start3A_44 = tpu.memref_slice %arg5[%add3A_43] : memref<320000xi32, #tpu.memory_space<hbm>> -> memref<80xi32, #tpu.memory_space<hbm>>
        tpu.enqueue_dma source(%dma_start3A_44 : memref<80xi32, #tpu.memory_space<hbm>>) target(%arg8 : memref<80xi32, #tpu.memory_space<vmem>>) target_semaphore(%run_scoped3A : memref<!tpu.dma_semaphore, #tpu.memory_space<semaphore_mem>>)
        %dma_wait3A = tpu.memref_slice %arg5[%add3A_43] : memref<320000xi32, #tpu.memory_space<hbm>> -> memref<80xi32, #tpu.memory_space<hbm>>
        %dma_wait3A_45 = tpu.memref_slice %arg5[%add3A_43] : memref<320000xi32, #tpu.memory_space<hbm>> -> memref<80xi32, #tpu.memory_space<hbm>>
        tpu.wait_dma2 semaphore(%run_scoped3A : memref<!tpu.dma_semaphore, #tpu.memory_space<semaphore_mem>>) src(%dma_wait3A_45 : memref<80xi32, #tpu.memory_space<hbm>>) dst(%arg8 : memref<80xi32, #tpu.memory_space<vmem>>)
        tpu.yield
      }) : () -> ()
      "tpu.region"() ({
        %run_scoped3A = tpu.sem_alloc : memref<!tpu.dma_semaphore, #tpu.memory_space<semaphore_mem>>
        %dma_start3A = arith.constant 0 : i32
        %dma_start3A_44 = arith.constant 0 : i32
        %dma_start3A_45 = tpu.memref_slice %arg14[%dma_start3A, %dma_start3A_44] : memref<10000x128xf32, #tpu.memory_space<vmem_shared>> -> memref<10000x128xf32, #tpu.memory_space<vmem_shared>>
        tpu.enqueue_indirect_dma source(%arg9 : memref<80x128xf32, #tpu.memory_space<vmem>>) target(%dma_start3A_45 : memref<10000x128xf32, #tpu.memory_space<vmem_shared>>) offsets(%arg8 : memref<80xi32, #tpu.memory_space<vmem>>) semaphore(%run_scoped3A : memref<!tpu.dma_semaphore, #tpu.memory_space<semaphore_mem>>) {add = true}
        %dma_wait3A = arith.constant 0 : i32
        %dma_wait3A_46 = arith.constant 0 : i32
        %dma_wait3A_47 = tpu.memref_slice %arg14[%dma_wait3A, %dma_wait3A_46] : memref<10000x128xf32, #tpu.memory_space<vmem_shared>> -> memref<10000x128xf32, #tpu.memory_space<vmem_shared>>
        tpu.wait_indirect_dma semaphore(%run_scoped3A : memref<!tpu.dma_semaphore, #tpu.memory_space<semaphore_mem>>) src(%arg9 : memref<80x128xf32, #tpu.memory_space<vmem>>) dst(%dma_wait3A_47 : memref<10000x128xf32, #tpu.memory_space<vmem_shared>>)
        tpu.yield
      }) : () -> ()
    }
    %scan3A_23 = arith.constant 125 : i32
    %barrier3A_24 = arith.constant 0 : index
    tpu.barrier barrier_id(%barrier3A_24)
    %add3A_25 = arith.constant 0 : i32
    %add3A_26 = arith.addi %mul3A_2, %add3A_25 : i32
    "tpu.region"() ({
      %run_scoped3A = tpu.sem_alloc : memref<!tpu.dma_semaphore, #tpu.memory_space<semaphore_mem>>
      %dma_start3A = arith.constant 0 : i32
      %dma_start3A_40 = arith.constant 0 : i32
      %dma_start3A_41 = tpu.memref_slice %arg13[%dma_start3A, %dma_start3A_40] : memref<104x128xf32, #tpu.memory_space<vmem>> -> memref<104x128xf32, #tpu.memory_space<vmem>>
      %dma_start3A_42 = arith.constant 0 : i32
      %dma_start3A_43 = tpu.memref_slice %arg14[%add3A_26, %dma_start3A_42] : memref<10000x128xf32, #tpu.memory_space<vmem_shared>> -> memref<104x128xf32, #tpu.memory_space<vmem_shared>>
      %dma_start3A_44 = arith.constant 0 : i32
      %dma_start3A_45 = arith.constant 0 : i32
      %dma_start3A_46 = tpu.memref_slice %arg13[%dma_start3A_44, %dma_start3A_45] : memref<104x128xf32, #tpu.memory_space<vmem>> -> memref<104x128xf32, #tpu.memory_space<vmem>>
      %dma_start3A_47 = arith.constant 0 : i32
      %dma_start3A_48 = tpu.memref_slice %arg14[%add3A_26, %dma_start3A_47] : memref<10000x128xf32, #tpu.memory_space<vmem_shared>> -> memref<104x128xf32, #tpu.memory_space<vmem_shared>>
      tpu.enqueue_dma source(%dma_start3A_48 : memref<104x128xf32, #tpu.memory_space<vmem_shared>>) target(%dma_start3A_46 : memref<104x128xf32, #tpu.memory_space<vmem>>) target_semaphore(%run_scoped3A : memref<!tpu.dma_semaphore, #tpu.memory_space<semaphore_mem>>)
      %dma_wait3A = arith.constant 0 : i32
      %dma_wait3A_49 = arith.constant 0 : i32
      %dma_wait3A_50 = tpu.memref_slice %arg13[%dma_wait3A, %dma_wait3A_49] : memref<104x128xf32, #tpu.memory_space<vmem>> -> memref<104x128xf32, #tpu.memory_space<vmem>>
      %dma_wait3A_51 = arith.constant 0 : i32
      %dma_wait3A_52 = tpu.memref_slice %arg14[%add3A_26, %dma_wait3A_51] : memref<10000x128xf32, #tpu.memory_space<vmem_shared>> -> memref<104x128xf32, #tpu.memory_space<vmem_shared>>
      %dma_wait3A_53 = arith.constant 0 : i32
      %dma_wait3A_54 = arith.constant 0 : i32
      %dma_wait3A_55 = tpu.memref_slice %arg13[%dma_wait3A_53, %dma_wait3A_54] : memref<104x128xf32, #tpu.memory_space<vmem>> -> memref<104x128xf32, #tpu.memory_space<vmem>>
      %dma_wait3A_56 = arith.constant 0 : i32
      %dma_wait3A_57 = tpu.memref_slice %arg14[%add3A_26, %dma_wait3A_56] : memref<10000x128xf32, #tpu.memory_space<vmem_shared>> -> memref<104x128xf32, #tpu.memory_space<vmem_shared>>
      tpu.wait_dma2 semaphore(%run_scoped3A : memref<!tpu.dma_semaphore, #tpu.memory_space<semaphore_mem>>) src(%dma_wait3A_57 : memref<104x128xf32, #tpu.memory_space<vmem_shared>>) dst(%dma_wait3A_55 : memref<104x128xf32, #tpu.memory_space<vmem>>)
      tpu.yield
    }) : () -> ()
    "tpu.region"() ({
      %run_scoped3A = tpu.sem_alloc : memref<!tpu.dma_semaphore, #tpu.memory_space<semaphore_mem>>
      %dma_start3A = arith.constant 0 : i32
      %dma_start3A_40 = arith.constant 0 : i32
      %dma_start3A_41 = tpu.memref_slice %arg13[%dma_start3A, %dma_start3A_40] : memref<104x128xf32, #tpu.memory_space<vmem>> -> memref<104x128xf32, #tpu.memory_space<vmem>>
      %dma_start3A_42 = arith.constant 0 : i32
      %dma_start3A_43 = tpu.memref_slice %arg6[%arg0, %add3A_26, %dma_start3A_42] : memref<2x10000x128xf32, #tpu.memory_space<hbm>> -> memref<1x104x128xf32, #tpu.memory_space<hbm>>
      %dma_start3A_44 = tpu.memref_squeeze %dma_start3A_43 : memref<1x104x128xf32, #tpu.memory_space<hbm>> -> memref<104x128xf32, #tpu.memory_space<hbm>>
      %dma_start3A_45 = arith.constant 0 : i32
      %dma_start3A_46 = tpu.memref_slice %arg6[%arg0, %add3A_26, %dma_start3A_45] : memref<2x10000x128xf32, #tpu.memory_space<hbm>> -> memref<1x104x128xf32, #tpu.memory_space<hbm>>
      %dma_start3A_47 = tpu.memref_squeeze %dma_start3A_46 : memref<1x104x128xf32, #tpu.memory_space<hbm>> -> memref<104x128xf32, #tpu.memory_space<hbm>>
      %dma_start3A_48 = arith.constant 0 : i32
      %dma_start3A_49 = arith.constant 0 : i32
      %dma_start3A_50 = tpu.memref_slice %arg13[%dma_start3A_48, %dma_start3A_49] : memref<104x128xf32, #tpu.memory_space<vmem>> -> memref<104x128xf32, #tpu.memory_space<vmem>>
      tpu.enqueue_dma source(%dma_start3A_50 : memref<104x128xf32, #tpu.memory_space<vmem>>) target(%dma_start3A_47 : memref<104x128xf32, #tpu.memory_space<hbm>>) target_semaphore(%run_scoped3A : memref<!tpu.dma_semaphore, #tpu.memory_space<semaphore_mem>>)
      %dma_wait3A = arith.constant 0 : i32
      %dma_wait3A_51 = arith.constant 0 : i32
      %dma_wait3A_52 = tpu.memref_slice %arg13[%dma_wait3A, %dma_wait3A_51] : memref<104x128xf32, #tpu.memory_space<vmem>> -> memref<104x128xf32, #tpu.memory_space<vmem>>
      %dma_wait3A_53 = arith.constant 0 : i32
      %dma_wait3A_54 = tpu.memref_slice %arg6[%arg0, %add3A_26, %dma_wait3A_53] : memref<2x10000x128xf32, #tpu.memory_space<hbm>> -> memref<1x104x128xf32, #tpu.memory_space<hbm>>
      %dma_wait3A_55 = tpu.memref_squeeze %dma_wait3A_54 : memref<1x104x128xf32, #tpu.memory_space<hbm>> -> memref<104x128xf32, #tpu.memory_space<hbm>>
      %dma_wait3A_56 = arith.constant 0 : i32
      %dma_wait3A_57 = tpu.memref_slice %arg6[%arg0, %add3A_26, %dma_wait3A_56] : memref<2x10000x128xf32, #tpu.memory_space<hbm>> -> memref<1x104x128xf32, #tpu.memory_space<hbm>>
      %dma_wait3A_58 = tpu.memref_squeeze %dma_wait3A_57 : memref<1x104x128xf32, #tpu.memory_space<hbm>> -> memref<104x128xf32, #tpu.memory_space<hbm>>
      %dma_wait3A_59 = arith.constant 0 : i32
      %dma_wait3A_60 = arith.constant 0 : i32
      %dma_wait3A_61 = tpu.memref_slice %arg13[%dma_wait3A_59, %dma_wait3A_60] : memref<104x128xf32, #tpu.memory_space<vmem>> -> memref<104x128xf32, #tpu.memory_space<vmem>>
      tpu.wait_dma2 semaphore(%run_scoped3A : memref<!tpu.dma_semaphore, #tpu.memory_space<semaphore_mem>>) src(%dma_wait3A_61 : memref<104x128xf32, #tpu.memory_space<vmem>>) dst(%dma_wait3A_58 : memref<104x128xf32, #tpu.memory_space<hbm>>)
      tpu.yield
    }) : () -> ()
    %add3A_27 = arith.constant 104 : i32
    %add3A_28 = arith.addi %mul3A_2, %add3A_27 : i32
    "tpu.region"() ({
      %run_scoped3A = tpu.sem_alloc : memref<!tpu.dma_semaphore, #tpu.memory_space<semaphore_mem>>
      %dma_start3A = arith.constant 0 : i32
      %dma_start3A_40 = arith.constant 0 : i32
      %dma_start3A_41 = tpu.memref_slice %arg13[%dma_start3A, %dma_start3A_40] : memref<104x128xf32, #tpu.memory_space<vmem>> -> memref<104x128xf32, #tpu.memory_space<vmem>>
      %dma_start3A_42 = arith.constant 0 : i32
      %dma_start3A_43 = tpu.memref_slice %arg14[%add3A_28, %dma_start3A_42] : memref<10000x128xf32, #tpu.memory_space<vmem_shared>> -> memref<104x128xf32, #tpu.memory_space<vmem_shared>>
      %dma_start3A_44 = arith.constant 0 : i32
      %dma_start3A_45 = arith.constant 0 : i32
      %dma_start3A_46 = tpu.memref_slice %arg13[%dma_start3A_44, %dma_start3A_45] : memref<104x128xf32, #tpu.memory_space<vmem>> -> memref<104x128xf32, #tpu.memory_space<vmem>>
      %dma_start3A_47 = arith.constant 0 : i32
      %dma_start3A_48 = tpu.memref_slice %arg14[%add3A_28, %dma_start3A_47] : memref<10000x128xf32, #tpu.memory_space<vmem_shared>> -> memref<104x128xf32, #tpu.memory_space<vmem_shared>>
      tpu.enqueue_dma source(%dma_start3A_48 : memref<104x128xf32, #tpu.memory_space<vmem_shared>>) target(%dma_start3A_46 : memref<104x128xf32, #tpu.memory_space<vmem>>) target_semaphore(%run_scoped3A : memref<!tpu.dma_semaphore, #tpu.memory_space<semaphore_mem>>)
      %dma_wait3A = arith.constant 0 : i32
      %dma_wait3A_49 = arith.constant 0 : i32
      %dma_wait3A_50 = tpu.memref_slice %arg13[%dma_wait3A, %dma_wait3A_49] : memref<104x128xf32, #tpu.memory_space<vmem>> -> memref<104x128xf32, #tpu.memory_space<vmem>>
      %dma_wait3A_51 = arith.constant 0 : i32
      %dma_wait3A_52 = tpu.memref_slice %arg14[%add3A_28, %dma_wait3A_51] : memref<10000x128xf32, #tpu.memory_space<vmem_shared>> -> memref<104x128xf32, #tpu.memory_space<vmem_shared>>
      %dma_wait3A_53 = arith.constant 0 : i32
      %dma_wait3A_54 = arith.constant 0 : i32
      %dma_wait3A_55 = tpu.memref_slice %arg13[%dma_wait3A_53, %dma_wait3A_54] : memref<104x128xf32, #tpu.memory_space<vmem>> -> memref<104x128xf32, #tpu.memory_space<vmem>>
      %dma_wait3A_56 = arith.constant 0 : i32
      %dma_wait3A_57 = tpu.memref_slice %arg14[%add3A_28, %dma_wait3A_56] : memref<10000x128xf32, #tpu.memory_space<vmem_shared>> -> memref<104x128xf32, #tpu.memory_space<vmem_shared>>
      tpu.wait_dma2 semaphore(%run_scoped3A : memref<!tpu.dma_semaphore, #tpu.memory_space<semaphore_mem>>) src(%dma_wait3A_57 : memref<104x128xf32, #tpu.memory_space<vmem_shared>>) dst(%dma_wait3A_55 : memref<104x128xf32, #tpu.memory_space<vmem>>)
      tpu.yield
    }) : () -> ()
    "tpu.region"() ({
      %run_scoped3A = tpu.sem_alloc : memref<!tpu.dma_semaphore, #tpu.memory_space<semaphore_mem>>
      %dma_start3A = arith.constant 0 : i32
      %dma_start3A_40 = arith.constant 0 : i32
      %dma_start3A_41 = tpu.memref_slice %arg13[%dma_start3A, %dma_start3A_40] : memref<104x128xf32, #tpu.memory_space<vmem>> -> memref<104x128xf32, #tpu.memory_space<vmem>>
      %dma_start3A_42 = arith.constant 0 : i32
      %dma_start3A_43 = tpu.memref_slice %arg6[%arg0, %add3A_28, %dma_start3A_42] : memref<2x10000x128xf32, #tpu.memory_space<hbm>> -> memref<1x104x128xf32, #tpu.memory_space<hbm>>
      %dma_start3A_44 = tpu.memref_squeeze %dma_start3A_43 : memref<1x104x128xf32, #tpu.memory_space<hbm>> -> memref<104x128xf32, #tpu.memory_space<hbm>>
      %dma_start3A_45 = arith.constant 0 : i32
      %dma_start3A_46 = tpu.memref_slice %arg6[%arg0, %add3A_28, %dma_start3A_45] : memref<2x10000x128xf32, #tpu.memory_space<hbm>> -> memref<1x104x128xf32, #tpu.memory_space<hbm>>
      %dma_start3A_47 = tpu.memref_squeeze %dma_start3A_46 : memref<1x104x128xf32, #tpu.memory_space<hbm>> -> memref<104x128xf32, #tpu.memory_space<hbm>>
      %dma_start3A_48 = arith.constant 0 : i32
      %dma_start3A_49 = arith.constant 0 : i32
      %dma_start3A_50 = tpu.memref_slice %arg13[%dma_start3A_48, %dma_start3A_49] : memref<104x128xf32, #tpu.memory_space<vmem>> -> memref<104x128xf32, #tpu.memory_space<vmem>>
      tpu.enqueue_dma source(%dma_start3A_50 : memref<104x128xf32, #tpu.memory_space<vmem>>) target(%dma_start3A_47 : memref<104x128xf32, #tpu.memory_space<hbm>>) target_semaphore(%run_scoped3A : memref<!tpu.dma_semaphore, #tpu.memory_space<semaphore_mem>>)
      %dma_wait3A = arith.constant 0 : i32
      %dma_wait3A_51 = arith.constant 0 : i32
      %dma_wait3A_52 = tpu.memref_slice %arg13[%dma_wait3A, %dma_wait3A_51] : memref<104x128xf32, #tpu.memory_space<vmem>> -> memref<104x128xf32, #tpu.memory_space<vmem>>
      %dma_wait3A_53 = arith.constant 0 : i32
      %dma_wait3A_54 = tpu.memref_slice %arg6[%arg0, %add3A_28, %dma_wait3A_53] : memref<2x10000x128xf32, #tpu.memory_space<hbm>> -> memref<1x104x128xf32, #tpu.memory_space<hbm>>
      %dma_wait3A_55 = tpu.memref_squeeze %dma_wait3A_54 : memref<1x104x128xf32, #tpu.memory_space<hbm>> -> memref<104x128xf32, #tpu.memory_space<hbm>>
      %dma_wait3A_56 = arith.constant 0 : i32
      %dma_wait3A_57 = tpu.memref_slice %arg6[%arg0, %add3A_28, %dma_wait3A_56] : memref<2x10000x128xf32, #tpu.memory_space<hbm>> -> memref<1x104x128xf32, #tpu.memory_space<hbm>>
      %dma_wait3A_58 = tpu.memref_squeeze %dma_wait3A_57 : memref<1x104x128xf32, #tpu.memory_space<hbm>> -> memref<104x128xf32, #tpu.memory_space<hbm>>
      %dma_wait3A_59 = arith.constant 0 : i32
      %dma_wait3A_60 = arith.constant 0 : i32
      %dma_wait3A_61 = tpu.memref_slice %arg13[%dma_wait3A_59, %dma_wait3A_60] : memref<104x128xf32, #tpu.memory_space<vmem>> -> memref<104x128xf32, #tpu.memory_space<vmem>>
      tpu.wait_dma2 semaphore(%run_scoped3A : memref<!tpu.dma_semaphore, #tpu.memory_space<semaphore_mem>>) src(%dma_wait3A_61 : memref<104x128xf32, #tpu.memory_space<vmem>>) dst(%dma_wait3A_58 : memref<104x128xf32, #tpu.memory_space<hbm>>)
      tpu.yield
    }) : () -> ()
    %add3A_29 = arith.constant 208 : i32
    %add3A_30 = arith.addi %mul3A_2, %add3A_29 : i32
    "tpu.region"() ({
      %run_scoped3A = tpu.sem_alloc : memref<!tpu.dma_semaphore, #tpu.memory_space<semaphore_mem>>
      %dma_start3A = arith.constant 0 : i32
      %dma_start3A_40 = arith.constant 0 : i32
      %dma_start3A_41 = tpu.memref_slice %arg13[%dma_start3A, %dma_start3A_40] : memref<104x128xf32, #tpu.memory_space<vmem>> -> memref<104x128xf32, #tpu.memory_space<vmem>>
      %dma_start3A_42 = arith.constant 0 : i32
      %dma_start3A_43 = tpu.memref_slice %arg14[%add3A_30, %dma_start3A_42] : memref<10000x128xf32, #tpu.memory_space<vmem_shared>> -> memref<104x128xf32, #tpu.memory_space<vmem_shared>>
      %dma_start3A_44 = arith.constant 0 : i32
      %dma_start3A_45 = arith.constant 0 : i32
      %dma_start3A_46 = tpu.memref_slice %arg13[%dma_start3A_44, %dma_start3A_45] : memref<104x128xf32, #tpu.memory_space<vmem>> -> memref<104x128xf32, #tpu.memory_space<vmem>>
      %dma_start3A_47 = arith.constant 0 : i32
      %dma_start3A_48 = tpu.memref_slice %arg14[%add3A_30, %dma_start3A_47] : memref<10000x128xf32, #tpu.memory_space<vmem_shared>> -> memref<104x128xf32, #tpu.memory_space<vmem_shared>>
      tpu.enqueue_dma source(%dma_start3A_48 : memref<104x128xf32, #tpu.memory_space<vmem_shared>>) target(%dma_start3A_46 : memref<104x128xf32, #tpu.memory_space<vmem>>) target_semaphore(%run_scoped3A : memref<!tpu.dma_semaphore, #tpu.memory_space<semaphore_mem>>)
      %dma_wait3A = arith.constant 0 : i32
      %dma_wait3A_49 = arith.constant 0 : i32
      %dma_wait3A_50 = tpu.memref_slice %arg13[%dma_wait3A, %dma_wait3A_49] : memref<104x128xf32, #tpu.memory_space<vmem>> -> memref<104x128xf32, #tpu.memory_space<vmem>>
      %dma_wait3A_51 = arith.constant 0 : i32
      %dma_wait3A_52 = tpu.memref_slice %arg14[%add3A_30, %dma_wait3A_51] : memref<10000x128xf32, #tpu.memory_space<vmem_shared>> -> memref<104x128xf32, #tpu.memory_space<vmem_shared>>
      %dma_wait3A_53 = arith.constant 0 : i32
      %dma_wait3A_54 = arith.constant 0 : i32
      %dma_wait3A_55 = tpu.memref_slice %arg13[%dma_wait3A_53, %dma_wait3A_54] : memref<104x128xf32, #tpu.memory_space<vmem>> -> memref<104x128xf32, #tpu.memory_space<vmem>>
      %dma_wait3A_56 = arith.constant 0 : i32
      %dma_wait3A_57 = tpu.memref_slice %arg14[%add3A_30, %dma_wait3A_56] : memref<10000x128xf32, #tpu.memory_space<vmem_shared>> -> memref<104x128xf32, #tpu.memory_space<vmem_shared>>
      tpu.wait_dma2 semaphore(%run_scoped3A : memref<!tpu.dma_semaphore, #tpu.memory_space<semaphore_mem>>) src(%dma_wait3A_57 : memref<104x128xf32, #tpu.memory_space<vmem_shared>>) dst(%dma_wait3A_55 : memref<104x128xf32, #tpu.memory_space<vmem>>)
      tpu.yield
    }) : () -> ()
    "tpu.region"() ({
      %run_scoped3A = tpu.sem_alloc : memref<!tpu.dma_semaphore, #tpu.memory_space<semaphore_mem>>
      %dma_start3A = arith.constant 0 : i32
      %dma_start3A_40 = arith.constant 0 : i32
      %dma_start3A_41 = tpu.memref_slice %arg13[%dma_start3A, %dma_start3A_40] : memref<104x128xf32, #tpu.memory_space<vmem>> -> memref<104x128xf32, #tpu.memory_space<vmem>>
      %dma_start3A_42 = arith.constant 0 : i32
      %dma_start3A_43 = tpu.memref_slice %arg6[%arg0, %add3A_30, %dma_start3A_42] : memref<2x10000x128xf32, #tpu.memory_space<hbm>> -> memref<1x104x128xf32, #tpu.memory_space<hbm>>
      %dma_start3A_44 = tpu.memref_squeeze %dma_start3A_43 : memref<1x104x128xf32, #tpu.memory_space<hbm>> -> memref<104x128xf32, #tpu.memory_space<hbm>>
      %dma_start3A_45 = arith.constant 0 : i32
      %dma_start3A_46 = tpu.memref_slice %arg6[%arg0, %add3A_30, %dma_start3A_45] : memref<2x10000x128xf32, #tpu.memory_space<hbm>> -> memref<1x104x128xf32, #tpu.memory_space<hbm>>
      %dma_start3A_47 = tpu.memref_squeeze %dma_start3A_46 : memref<1x104x128xf32, #tpu.memory_space<hbm>> -> memref<104x128xf32, #tpu.memory_space<hbm>>
      %dma_start3A_48 = arith.constant 0 : i32
      %dma_start3A_49 = arith.constant 0 : i32
      %dma_start3A_50 = tpu.memref_slice %arg13[%dma_start3A_48, %dma_start3A_49] : memref<104x128xf32, #tpu.memory_space<vmem>> -> memref<104x128xf32, #tpu.memory_space<vmem>>
      tpu.enqueue_dma source(%dma_start3A_50 : memref<104x128xf32, #tpu.memory_space<vmem>>) target(%dma_start3A_47 : memref<104x128xf32, #tpu.memory_space<hbm>>) target_semaphore(%run_scoped3A : memref<!tpu.dma_semaphore, #tpu.memory_space<semaphore_mem>>)
      %dma_wait3A = arith.constant 0 : i32
      %dma_wait3A_51 = arith.constant 0 : i32
      %dma_wait3A_52 = tpu.memref_slice %arg13[%dma_wait3A, %dma_wait3A_51] : memref<104x128xf32, #tpu.memory_space<vmem>> -> memref<104x128xf32, #tpu.memory_space<vmem>>
      %dma_wait3A_53 = arith.constant 0 : i32
      %dma_wait3A_54 = tpu.memref_slice %arg6[%arg0, %add3A_30, %dma_wait3A_53] : memref<2x10000x128xf32, #tpu.memory_space<hbm>> -> memref<1x104x128xf32, #tpu.memory_space<hbm>>
      %dma_wait3A_55 = tpu.memref_squeeze %dma_wait3A_54 : memref<1x104x128xf32, #tpu.memory_space<hbm>> -> memref<104x128xf32, #tpu.memory_space<hbm>>
      %dma_wait3A_56 = arith.constant 0 : i32
      %dma_wait3A_57 = tpu.memref_slice %arg6[%arg0, %add3A_30, %dma_wait3A_56] : memref<2x10000x128xf32, #tpu.memory_space<hbm>> -> memref<1x104x128xf32, #tpu.memory_space<hbm>>
      %dma_wait3A_58 = tpu.memref_squeeze %dma_wait3A_57 : memref<1x104x128xf32, #tpu.memory_space<hbm>> -> memref<104x128xf32, #tpu.memory_space<hbm>>
      %dma_wait3A_59 = arith.constant 0 : i32
      %dma_wait3A_60 = arith.constant 0 : i32
      %dma_wait3A_61 = tpu.memref_slice %arg13[%dma_wait3A_59, %dma_wait3A_60] : memref<104x128xf32, #tpu.memory_space<vmem>> -> memref<104x128xf32, #tpu.memory_space<vmem>>
      tpu.wait_dma2 semaphore(%run_scoped3A : memref<!tpu.dma_semaphore, #tpu.memory_space<semaphore_mem>>) src(%dma_wait3A_61 : memref<104x128xf32, #tpu.memory_space<vmem>>) dst(%dma_wait3A_58 : memref<104x128xf32, #tpu.memory_space<hbm>>)
      tpu.yield
    }) : () -> ()
    %add3A_31 = arith.constant 312 : i32
    %add3A_32 = arith.addi %mul3A_2, %add3A_31 : i32
    "tpu.region"() ({
      %run_scoped3A = tpu.sem_alloc : memref<!tpu.dma_semaphore, #tpu.memory_space<semaphore_mem>>
      %dma_start3A = arith.constant 0 : i32
      %dma_start3A_40 = arith.constant 0 : i32
      %dma_start3A_41 = tpu.memref_slice %arg13[%dma_start3A, %dma_start3A_40] : memref<104x128xf32, #tpu.memory_space<vmem>> -> memref<104x128xf32, #tpu.memory_space<vmem>>
      %dma_start3A_42 = arith.constant 0 : i32
      %dma_start3A_43 = tpu.memref_slice %arg14[%add3A_32, %dma_start3A_42] : memref<10000x128xf32, #tpu.memory_space<vmem_shared>> -> memref<104x128xf32, #tpu.memory_space<vmem_shared>>
      %dma_start3A_44 = arith.constant 0 : i32
      %dma_start3A_45 = arith.constant 0 : i32
      %dma_start3A_46 = tpu.memref_slice %arg13[%dma_start3A_44, %dma_start3A_45] : memref<104x128xf32, #tpu.memory_space<vmem>> -> memref<104x128xf32, #tpu.memory_space<vmem>>
      %dma_start3A_47 = arith.constant 0 : i32
      %dma_start3A_48 = tpu.memref_slice %arg14[%add3A_32, %dma_start3A_47] : memref<10000x128xf32, #tpu.memory_space<vmem_shared>> -> memref<104x128xf32, #tpu.memory_space<vmem_shared>>
      tpu.enqueue_dma source(%dma_start3A_48 : memref<104x128xf32, #tpu.memory_space<vmem_shared>>) target(%dma_start3A_46 : memref<104x128xf32, #tpu.memory_space<vmem>>) target_semaphore(%run_scoped3A : memref<!tpu.dma_semaphore, #tpu.memory_space<semaphore_mem>>)
      %dma_wait3A = arith.constant 0 : i32
      %dma_wait3A_49 = arith.constant 0 : i32
      %dma_wait3A_50 = tpu.memref_slice %arg13[%dma_wait3A, %dma_wait3A_49] : memref<104x128xf32, #tpu.memory_space<vmem>> -> memref<104x128xf32, #tpu.memory_space<vmem>>
      %dma_wait3A_51 = arith.constant 0 : i32
      %dma_wait3A_52 = tpu.memref_slice %arg14[%add3A_32, %dma_wait3A_51] : memref<10000x128xf32, #tpu.memory_space<vmem_shared>> -> memref<104x128xf32, #tpu.memory_space<vmem_shared>>
      %dma_wait3A_53 = arith.constant 0 : i32
      %dma_wait3A_54 = arith.constant 0 : i32
      %dma_wait3A_55 = tpu.memref_slice %arg13[%dma_wait3A_53, %dma_wait3A_54] : memref<104x128xf32, #tpu.memory_space<vmem>> -> memref<104x128xf32, #tpu.memory_space<vmem>>
      %dma_wait3A_56 = arith.constant 0 : i32
      %dma_wait3A_57 = tpu.memref_slice %arg14[%add3A_32, %dma_wait3A_56] : memref<10000x128xf32, #tpu.memory_space<vmem_shared>> -> memref<104x128xf32, #tpu.memory_space<vmem_shared>>
      tpu.wait_dma2 semaphore(%run_scoped3A : memref<!tpu.dma_semaphore, #tpu.memory_space<semaphore_mem>>) src(%dma_wait3A_57 : memref<104x128xf32, #tpu.memory_space<vmem_shared>>) dst(%dma_wait3A_55 : memref<104x128xf32, #tpu.memory_space<vmem>>)
      tpu.yield
    }) : () -> ()
    "tpu.region"() ({
      %run_scoped3A = tpu.sem_alloc : memref<!tpu.dma_semaphore, #tpu.memory_space<semaphore_mem>>
      %dma_start3A = arith.constant 0 : i32
      %dma_start3A_40 = arith.constant 0 : i32
      %dma_start3A_41 = tpu.memref_slice %arg13[%dma_start3A, %dma_start3A_40] : memref<104x128xf32, #tpu.memory_space<vmem>> -> memref<104x128xf32, #tpu.memory_space<vmem>>
      %dma_start3A_42 = arith.constant 0 : i32
      %dma_start3A_43 = tpu.memref_slice %arg6[%arg0, %add3A_32, %dma_start3A_42] : memref<2x10000x128xf32, #tpu.memory_space<hbm>> -> memref<1x104x128xf32, #tpu.memory_space<hbm>>
      %dma_start3A_44 = tpu.memref_squeeze %dma_start3A_43 : memref<1x104x128xf32, #tpu.memory_space<hbm>> -> memref<104x128xf32, #tpu.memory_space<hbm>>
      %dma_start3A_45 = arith.constant 0 : i32
      %dma_start3A_46 = tpu.memref_slice %arg6[%arg0, %add3A_32, %dma_start3A_45] : memref<2x10000x128xf32, #tpu.memory_space<hbm>> -> memref<1x104x128xf32, #tpu.memory_space<hbm>>
      %dma_start3A_47 = tpu.memref_squeeze %dma_start3A_46 : memref<1x104x128xf32, #tpu.memory_space<hbm>> -> memref<104x128xf32, #tpu.memory_space<hbm>>
      %dma_start3A_48 = arith.constant 0 : i32
      %dma_start3A_49 = arith.constant 0 : i32
      %dma_start3A_50 = tpu.memref_slice %arg13[%dma_start3A_48, %dma_start3A_49] : memref<104x128xf32, #tpu.memory_space<vmem>> -> memref<104x128xf32, #tpu.memory_space<vmem>>
      tpu.enqueue_dma source(%dma_start3A_50 : memref<104x128xf32, #tpu.memory_space<vmem>>) target(%dma_start3A_47 : memref<104x128xf32, #tpu.memory_space<hbm>>) target_semaphore(%run_scoped3A : memref<!tpu.dma_semaphore, #tpu.memory_space<semaphore_mem>>)
      %dma_wait3A = arith.constant 0 : i32
      %dma_wait3A_51 = arith.constant 0 : i32
      %dma_wait3A_52 = tpu.memref_slice %arg13[%dma_wait3A, %dma_wait3A_51] : memref<104x128xf32, #tpu.memory_space<vmem>> -> memref<104x128xf32, #tpu.memory_space<vmem>>
      %dma_wait3A_53 = arith.constant 0 : i32
      %dma_wait3A_54 = tpu.memref_slice %arg6[%arg0, %add3A_32, %dma_wait3A_53] : memref<2x10000x128xf32, #tpu.memory_space<hbm>> -> memref<1x104x128xf32, #tpu.memory_space<hbm>>
      %dma_wait3A_55 = tpu.memref_squeeze %dma_wait3A_54 : memref<1x104x128xf32, #tpu.memory_space<hbm>> -> memref<104x128xf32, #tpu.memory_space<hbm>>
      %dma_wait3A_56 = arith.constant 0 : i32
      %dma_wait3A_57 = tpu.memref_slice %arg6[%arg0, %add3A_32, %dma_wait3A_56] : memref<2x10000x128xf32, #tpu.memory_space<hbm>> -> memref<1x104x128xf32, #tpu.memory_space<hbm>>
      %dma_wait3A_58 = tpu.memref_squeeze %dma_wait3A_57 : memref<1x104x128xf32, #tpu.memory_space<hbm>> -> memref<104x128xf32, #tpu.memory_space<hbm>>
      %dma_wait3A_59 = arith.constant 0 : i32
      %dma_wait3A_60 = arith.constant 0 : i32
      %dma_wait3A_61 = tpu.memref_slice %arg13[%dma_wait3A_59, %dma_wait3A_60] : memref<104x128xf32, #tpu.memory_space<vmem>> -> memref<104x128xf32, #tpu.memory_space<vmem>>
      tpu.wait_dma2 semaphore(%run_scoped3A : memref<!tpu.dma_semaphore, #tpu.memory_space<semaphore_mem>>) src(%dma_wait3A_61 : memref<104x128xf32, #tpu.memory_space<vmem>>) dst(%dma_wait3A_58 : memref<104x128xf32, #tpu.memory_space<hbm>>)
      tpu.yield
    }) : () -> ()
    %add3A_33 = arith.constant 416 : i32
    %add3A_34 = arith.addi %mul3A_2, %add3A_33 : i32
    "tpu.region"() ({
      %run_scoped3A = tpu.sem_alloc : memref<!tpu.dma_semaphore, #tpu.memory_space<semaphore_mem>>
      %dma_start3A = arith.constant 0 : i32
      %dma_start3A_40 = arith.constant 0 : i32
      %dma_start3A_41 = tpu.memref_slice %arg13[%dma_start3A, %dma_start3A_40] : memref<104x128xf32, #tpu.memory_space<vmem>> -> memref<104x128xf32, #tpu.memory_space<vmem>>
      %dma_start3A_42 = arith.constant 0 : i32
      %dma_start3A_43 = tpu.memref_slice %arg14[%add3A_34, %dma_start3A_42] : memref<10000x128xf32, #tpu.memory_space<vmem_shared>> -> memref<104x128xf32, #tpu.memory_space<vmem_shared>>
      %dma_start3A_44 = arith.constant 0 : i32
      %dma_start3A_45 = arith.constant 0 : i32
      %dma_start3A_46 = tpu.memref_slice %arg13[%dma_start3A_44, %dma_start3A_45] : memref<104x128xf32, #tpu.memory_space<vmem>> -> memref<104x128xf32, #tpu.memory_space<vmem>>
      %dma_start3A_47 = arith.constant 0 : i32
      %dma_start3A_48 = tpu.memref_slice %arg14[%add3A_34, %dma_start3A_47] : memref<10000x128xf32, #tpu.memory_space<vmem_shared>> -> memref<104x128xf32, #tpu.memory_space<vmem_shared>>
      tpu.enqueue_dma source(%dma_start3A_48 : memref<104x128xf32, #tpu.memory_space<vmem_shared>>) target(%dma_start3A_46 : memref<104x128xf32, #tpu.memory_space<vmem>>) target_semaphore(%run_scoped3A : memref<!tpu.dma_semaphore, #tpu.memory_space<semaphore_mem>>)
      %dma_wait3A = arith.constant 0 : i32
      %dma_wait3A_49 = arith.constant 0 : i32
      %dma_wait3A_50 = tpu.memref_slice %arg13[%dma_wait3A, %dma_wait3A_49] : memref<104x128xf32, #tpu.memory_space<vmem>> -> memref<104x128xf32, #tpu.memory_space<vmem>>
      %dma_wait3A_51 = arith.constant 0 : i32
      %dma_wait3A_52 = tpu.memref_slice %arg14[%add3A_34, %dma_wait3A_51] : memref<10000x128xf32, #tpu.memory_space<vmem_shared>> -> memref<104x128xf32, #tpu.memory_space<vmem_shared>>
      %dma_wait3A_53 = arith.constant 0 : i32
      %dma_wait3A_54 = arith.constant 0 : i32
      %dma_wait3A_55 = tpu.memref_slice %arg13[%dma_wait3A_53, %dma_wait3A_54] : memref<104x128xf32, #tpu.memory_space<vmem>> -> memref<104x128xf32, #tpu.memory_space<vmem>>
      %dma_wait3A_56 = arith.constant 0 : i32
      %dma_wait3A_57 = tpu.memref_slice %arg14[%add3A_34, %dma_wait3A_56] : memref<10000x128xf32, #tpu.memory_space<vmem_shared>> -> memref<104x128xf32, #tpu.memory_space<vmem_shared>>
      tpu.wait_dma2 semaphore(%run_scoped3A : memref<!tpu.dma_semaphore, #tpu.memory_space<semaphore_mem>>) src(%dma_wait3A_57 : memref<104x128xf32, #tpu.memory_space<vmem_shared>>) dst(%dma_wait3A_55 : memref<104x128xf32, #tpu.memory_space<vmem>>)
      tpu.yield
    }) : () -> ()
    "tpu.region"() ({
      %run_scoped3A = tpu.sem_alloc : memref<!tpu.dma_semaphore, #tpu.memory_space<semaphore_mem>>
      %dma_start3A = arith.constant 0 : i32
      %dma_start3A_40 = arith.constant 0 : i32
      %dma_start3A_41 = tpu.memref_slice %arg13[%dma_start3A, %dma_start3A_40] : memref<104x128xf32, #tpu.memory_space<vmem>> -> memref<104x128xf32, #tpu.memory_space<vmem>>
      %dma_start3A_42 = arith.constant 0 : i32
      %dma_start3A_43 = tpu.memref_slice %arg6[%arg0, %add3A_34, %dma_start3A_42] : memref<2x10000x128xf32, #tpu.memory_space<hbm>> -> memref<1x104x128xf32, #tpu.memory_space<hbm>>
      %dma_start3A_44 = tpu.memref_squeeze %dma_start3A_43 : memref<1x104x128xf32, #tpu.memory_space<hbm>> -> memref<104x128xf32, #tpu.memory_space<hbm>>
      %dma_start3A_45 = arith.constant 0 : i32
      %dma_start3A_46 = tpu.memref_slice %arg6[%arg0, %add3A_34, %dma_start3A_45] : memref<2x10000x128xf32, #tpu.memory_space<hbm>> -> memref<1x104x128xf32, #tpu.memory_space<hbm>>
      %dma_start3A_47 = tpu.memref_squeeze %dma_start3A_46 : memref<1x104x128xf32, #tpu.memory_space<hbm>> -> memref<104x128xf32, #tpu.memory_space<hbm>>
      %dma_start3A_48 = arith.constant 0 : i32
      %dma_start3A_49 = arith.constant 0 : i32
      %dma_start3A_50 = tpu.memref_slice %arg13[%dma_start3A_48, %dma_start3A_49] : memref<104x128xf32, #tpu.memory_space<vmem>> -> memref<104x128xf32, #tpu.memory_space<vmem>>
      tpu.enqueue_dma source(%dma_start3A_50 : memref<104x128xf32, #tpu.memory_space<vmem>>) target(%dma_start3A_47 : memref<104x128xf32, #tpu.memory_space<hbm>>) target_semaphore(%run_scoped3A : memref<!tpu.dma_semaphore, #tpu.memory_space<semaphore_mem>>)
      %dma_wait3A = arith.constant 0 : i32
      %dma_wait3A_51 = arith.constant 0 : i32
      %dma_wait3A_52 = tpu.memref_slice %arg13[%dma_wait3A, %dma_wait3A_51] : memref<104x128xf32, #tpu.memory_space<vmem>> -> memref<104x128xf32, #tpu.memory_space<vmem>>
      %dma_wait3A_53 = arith.constant 0 : i32
      %dma_wait3A_54 = tpu.memref_slice %arg6[%arg0, %add3A_34, %dma_wait3A_53] : memref<2x10000x128xf32, #tpu.memory_space<hbm>> -> memref<1x104x128xf32, #tpu.memory_space<hbm>>
      %dma_wait3A_55 = tpu.memref_squeeze %dma_wait3A_54 : memref<1x104x128xf32, #tpu.memory_space<hbm>> -> memref<104x128xf32, #tpu.memory_space<hbm>>
      %dma_wait3A_56 = arith.constant 0 : i32
      %dma_wait3A_57 = tpu.memref_slice %arg6[%arg0, %add3A_34, %dma_wait3A_56] : memref<2x10000x128xf32, #tpu.memory_space<hbm>> -> memref<1x104x128xf32, #tpu.memory_space<hbm>>
      %dma_wait3A_58 = tpu.memref_squeeze %dma_wait3A_57 : memref<1x104x128xf32, #tpu.memory_space<hbm>> -> memref<104x128xf32, #tpu.memory_space<hbm>>
      %dma_wait3A_59 = arith.constant 0 : i32
      %dma_wait3A_60 = arith.constant 0 : i32
      %dma_wait3A_61 = tpu.memref_slice %arg13[%dma_wait3A_59, %dma_wait3A_60] : memref<104x128xf32, #tpu.memory_space<vmem>> -> memref<104x128xf32, #tpu.memory_space<vmem>>
      tpu.wait_dma2 semaphore(%run_scoped3A : memref<!tpu.dma_semaphore, #tpu.memory_space<semaphore_mem>>) src(%dma_wait3A_61 : memref<104x128xf32, #tpu.memory_space<vmem>>) dst(%dma_wait3A_58 : memref<104x128xf32, #tpu.memory_space<hbm>>)
      tpu.yield
    }) : () -> ()
    %add3A_35 = arith.constant 520 : i32
    %add3A_36 = arith.addi %mul3A_2, %add3A_35 : i32
    "tpu.region"() ({
      %run_scoped3A = tpu.sem_alloc : memref<!tpu.dma_semaphore, #tpu.memory_space<semaphore_mem>>
      %dma_start3A = arith.constant 0 : i32
      %dma_start3A_40 = arith.constant 0 : i32
      %dma_start3A_41 = tpu.memref_slice %arg13[%dma_start3A, %dma_start3A_40] : memref<104x128xf32, #tpu.memory_space<vmem>> -> memref<104x128xf32, #tpu.memory_space<vmem>>
      %dma_start3A_42 = arith.constant 0 : i32
      %dma_start3A_43 = tpu.memref_slice %arg14[%add3A_36, %dma_start3A_42] : memref<10000x128xf32, #tpu.memory_space<vmem_shared>> -> memref<104x128xf32, #tpu.memory_space<vmem_shared>>
      %dma_start3A_44 = arith.constant 0 : i32
      %dma_start3A_45 = arith.constant 0 : i32
      %dma_start3A_46 = tpu.memref_slice %arg13[%dma_start3A_44, %dma_start3A_45] : memref<104x128xf32, #tpu.memory_space<vmem>> -> memref<104x128xf32, #tpu.memory_space<vmem>>
      %dma_start3A_47 = arith.constant 0 : i32
      %dma_start3A_48 = tpu.memref_slice %arg14[%add3A_36, %dma_start3A_47] : memref<10000x128xf32, #tpu.memory_space<vmem_shared>> -> memref<104x128xf32, #tpu.memory_space<vmem_shared>>
      tpu.enqueue_dma source(%dma_start3A_48 : memref<104x128xf32, #tpu.memory_space<vmem_shared>>) target(%dma_start3A_46 : memref<104x128xf32, #tpu.memory_space<vmem>>) target_semaphore(%run_scoped3A : memref<!tpu.dma_semaphore, #tpu.memory_space<semaphore_mem>>)
      %dma_wait3A = arith.constant 0 : i32
      %dma_wait3A_49 = arith.constant 0 : i32
      %dma_wait3A_50 = tpu.memref_slice %arg13[%dma_wait3A, %dma_wait3A_49] : memref<104x128xf32, #tpu.memory_space<vmem>> -> memref<104x128xf32, #tpu.memory_space<vmem>>
      %dma_wait3A_51 = arith.constant 0 : i32
      %dma_wait3A_52 = tpu.memref_slice %arg14[%add3A_36, %dma_wait3A_51] : memref<10000x128xf32, #tpu.memory_space<vmem_shared>> -> memref<104x128xf32, #tpu.memory_space<vmem_shared>>
      %dma_wait3A_53 = arith.constant 0 : i32
      %dma_wait3A_54 = arith.constant 0 : i32
      %dma_wait3A_55 = tpu.memref_slice %arg13[%dma_wait3A_53, %dma_wait3A_54] : memref<104x128xf32, #tpu.memory_space<vmem>> -> memref<104x128xf32, #tpu.memory_space<vmem>>
      %dma_wait3A_56 = arith.constant 0 : i32
      %dma_wait3A_57 = tpu.memref_slice %arg14[%add3A_36, %dma_wait3A_56] : memref<10000x128xf32, #tpu.memory_space<vmem_shared>> -> memref<104x128xf32, #tpu.memory_space<vmem_shared>>
      tpu.wait_dma2 semaphore(%run_scoped3A : memref<!tpu.dma_semaphore, #tpu.memory_space<semaphore_mem>>) src(%dma_wait3A_57 : memref<104x128xf32, #tpu.memory_space<vmem_shared>>) dst(%dma_wait3A_55 : memref<104x128xf32, #tpu.memory_space<vmem>>)
      tpu.yield
    }) : () -> ()
    "tpu.region"() ({
      %run_scoped3A = tpu.sem_alloc : memref<!tpu.dma_semaphore, #tpu.memory_space<semaphore_mem>>
      %dma_start3A = arith.constant 0 : i32
      %dma_start3A_40 = arith.constant 0 : i32
      %dma_start3A_41 = tpu.memref_slice %arg13[%dma_start3A, %dma_start3A_40] : memref<104x128xf32, #tpu.memory_space<vmem>> -> memref<104x128xf32, #tpu.memory_space<vmem>>
      %dma_start3A_42 = arith.constant 0 : i32
      %dma_start3A_43 = tpu.memref_slice %arg6[%arg0, %add3A_36, %dma_start3A_42] : memref<2x10000x128xf32, #tpu.memory_space<hbm>> -> memref<1x104x128xf32, #tpu.memory_space<hbm>>
      %dma_start3A_44 = tpu.memref_squeeze %dma_start3A_43 : memref<1x104x128xf32, #tpu.memory_space<hbm>> -> memref<104x128xf32, #tpu.memory_space<hbm>>
      %dma_start3A_45 = arith.constant 0 : i32
      %dma_start3A_46 = tpu.memref_slice %arg6[%arg0, %add3A_36, %dma_start3A_45] : memref<2x10000x128xf32, #tpu.memory_space<hbm>> -> memref<1x104x128xf32, #tpu.memory_space<hbm>>
      %dma_start3A_47 = tpu.memref_squeeze %dma_start3A_46 : memref<1x104x128xf32, #tpu.memory_space<hbm>> -> memref<104x128xf32, #tpu.memory_space<hbm>>
      %dma_start3A_48 = arith.constant 0 : i32
      %dma_start3A_49 = arith.constant 0 : i32
      %dma_start3A_50 = tpu.memref_slice %arg13[%dma_start3A_48, %dma_start3A_49] : memref<104x128xf32, #tpu.memory_space<vmem>> -> memref<104x128xf32, #tpu.memory_space<vmem>>
      tpu.enqueue_dma source(%dma_start3A_50 : memref<104x128xf32, #tpu.memory_space<vmem>>) target(%dma_start3A_47 : memref<104x128xf32, #tpu.memory_space<hbm>>) target_semaphore(%run_scoped3A : memref<!tpu.dma_semaphore, #tpu.memory_space<semaphore_mem>>)
      %dma_wait3A = arith.constant 0 : i32
      %dma_wait3A_51 = arith.constant 0 : i32
      %dma_wait3A_52 = tpu.memref_slice %arg13[%dma_wait3A, %dma_wait3A_51] : memref<104x128xf32, #tpu.memory_space<vmem>> -> memref<104x128xf32, #tpu.memory_space<vmem>>
      %dma_wait3A_53 = arith.constant 0 : i32
      %dma_wait3A_54 = tpu.memref_slice %arg6[%arg0, %add3A_36, %dma_wait3A_53] : memref<2x10000x128xf32, #tpu.memory_space<hbm>> -> memref<1x104x128xf32, #tpu.memory_space<hbm>>
      %dma_wait3A_55 = tpu.memref_squeeze %dma_wait3A_54 : memref<1x104x128xf32, #tpu.memory_space<hbm>> -> memref<104x128xf32, #tpu.memory_space<hbm>>
      %dma_wait3A_56 = arith.constant 0 : i32
      %dma_wait3A_57 = tpu.memref_slice %arg6[%arg0, %add3A_36, %dma_wait3A_56] : memref<2x10000x128xf32, #tpu.memory_space<hbm>> -> memref<1x104x128xf32, #tpu.memory_space<hbm>>
      %dma_wait3A_58 = tpu.memref_squeeze %dma_wait3A_57 : memref<1x104x128xf32, #tpu.memory_space<hbm>> -> memref<104x128xf32, #tpu.memory_space<hbm>>
      %dma_wait3A_59 = arith.constant 0 : i32
      %dma_wait3A_60 = arith.constant 0 : i32
      %dma_wait3A_61 = tpu.memref_slice %arg13[%dma_wait3A_59, %dma_wait3A_60] : memref<104x128xf32, #tpu.memory_space<vmem>> -> memref<104x128xf32, #tpu.memory_space<vmem>>
      tpu.wait_dma2 semaphore(%run_scoped3A : memref<!tpu.dma_semaphore, #tpu.memory_space<semaphore_mem>>) src(%dma_wait3A_61 : memref<104x128xf32, #tpu.memory_space<vmem>>) dst(%dma_wait3A_58 : memref<104x128xf32, #tpu.memory_space<hbm>>)
      tpu.yield
    }) : () -> ()
    %convert_element_type3A_37 = arith.extui %eq3A_3 : i1 to i32
    %cond3A_38 = arith.constant 0 : i32
    %cond3A_39 = arith.cmpi ne, %convert_element_type3A_37, %cond3A_38 : i32
    scf.if %cond3A_39 {
      "tpu.region"() ({
        %run_scoped3A = tpu.sem_alloc : memref<!tpu.dma_semaphore, #tpu.memory_space<semaphore_mem>>
        %dma_start3A = arith.constant 0 : i32
        %dma_start3A_40 = arith.constant 0 : i32
        %dma_start3A_41 = tpu.memref_slice %arg13[%dma_start3A, %dma_start3A_40] : memref<104x128xf32, #tpu.memory_space<vmem>> -> memref<16x128xf32, #tpu.memory_space<vmem>>
        %dma_start3A_42 = arith.constant 9984 : i32
        %dma_start3A_43 = arith.constant 0 : i32
        %dma_start3A_44 = tpu.memref_slice %arg14[%dma_start3A_42, %dma_start3A_43] : memref<10000x128xf32, #tpu.memory_space<vmem_shared>> -> memref<16x128xf32, #tpu.memory_space<vmem_shared>>
        %dma_start3A_45 = arith.constant 0 : i32
        %dma_start3A_46 = arith.constant 0 : i32
        %dma_start3A_47 = tpu.memref_slice %arg13[%dma_start3A_45, %dma_start3A_46] : memref<104x128xf32, #tpu.memory_space<vmem>> -> memref<16x128xf32, #tpu.memory_space<vmem>>
        %dma_start3A_48 = arith.constant 9984 : i32
        %dma_start3A_49 = arith.constant 0 : i32
        %dma_start3A_50 = tpu.memref_slice %arg14[%dma_start3A_48, %dma_start3A_49] : memref<10000x128xf32, #tpu.memory_space<vmem_shared>> -> memref<16x128xf32, #tpu.memory_space<vmem_shared>>
        tpu.enqueue_dma source(%dma_start3A_50 : memref<16x128xf32, #tpu.memory_space<vmem_shared>>) target(%dma_start3A_47 : memref<16x128xf32, #tpu.memory_space<vmem>>) target_semaphore(%run_scoped3A : memref<!tpu.dma_semaphore, #tpu.memory_space<semaphore_mem>>)
        %dma_wait3A = arith.constant 0 : i32
        %dma_wait3A_51 = arith.constant 0 : i32
        %dma_wait3A_52 = tpu.memref_slice %arg13[%dma_wait3A, %dma_wait3A_51] : memref<104x128xf32, #tpu.memory_space<vmem>> -> memref<16x128xf32, #tpu.memory_space<vmem>>
        %dma_wait3A_53 = arith.constant 9984 : i32
        %dma_wait3A_54 = arith.constant 0 : i32
        %dma_wait3A_55 = tpu.memref_slice %arg14[%dma_wait3A_53, %dma_wait3A_54] : memref<10000x128xf32, #tpu.memory_space<vmem_shared>> -> memref<16x128xf32, #tpu.memory_space<vmem_shared>>
        %dma_wait3A_56 = arith.constant 0 : i32
        %dma_wait3A_57 = arith.constant 0 : i32
        %dma_wait3A_58 = tpu.memref_slice %arg13[%dma_wait3A_56, %dma_wait3A_57] : memref<104x128xf32, #tpu.memory_space<vmem>> -> memref<16x128xf32, #tpu.memory_space<vmem>>
        %dma_wait3A_59 = arith.constant 9984 : i32
        %dma_wait3A_60 = arith.constant 0 : i32
        %dma_wait3A_61 = tpu.memref_slice %arg14[%dma_wait3A_59, %dma_wait3A_60] : memref<10000x128xf32, #tpu.memory_space<vmem_shared>> -> memref<16x128xf32, #tpu.memory_space<vmem_shared>>
        tpu.wait_dma2 semaphore(%run_scoped3A : memref<!tpu.dma_semaphore, #tpu.memory_space<semaphore_mem>>) src(%dma_wait3A_61 : memref<16x128xf32, #tpu.memory_space<vmem_shared>>) dst(%dma_wait3A_58 : memref<16x128xf32, #tpu.memory_space<vmem>>)
        tpu.yield
      }) : () -> ()
      "tpu.region"() ({
        %run_scoped3A = tpu.sem_alloc : memref<!tpu.dma_semaphore, #tpu.memory_space<semaphore_mem>>
        %dma_start3A = arith.constant 0 : i32
        %dma_start3A_40 = arith.constant 0 : i32
        %dma_start3A_41 = tpu.memref_slice %arg13[%dma_start3A, %dma_start3A_40] : memref<104x128xf32, #tpu.memory_space<vmem>> -> memref<16x128xf32, #tpu.memory_space<vmem>>
        %dma_start3A_42 = arith.constant 9984 : i32
        %dma_start3A_43 = arith.constant 0 : i32
        %dma_start3A_44 = tpu.memref_slice %arg6[%arg0, %dma_start3A_42, %dma_start3A_43] : memref<2x10000x128xf32, #tpu.memory_space<hbm>> -> memref<1x16x128xf32, #tpu.memory_space<hbm>>
        %dma_start3A_45 = tpu.memref_squeeze %dma_start3A_44 : memref<1x16x128xf32, #tpu.memory_space<hbm>> -> memref<16x128xf32, #tpu.memory_space<hbm>>
        %dma_start3A_46 = arith.constant 9984 : i32
        %dma_start3A_47 = arith.constant 0 : i32
        %dma_start3A_48 = tpu.memref_slice %arg6[%arg0, %dma_start3A_46, %dma_start3A_47] : memref<2x10000x128xf32, #tpu.memory_space<hbm>> -> memref<1x16x128xf32, #tpu.memory_space<hbm>>
        %dma_start3A_49 = tpu.memref_squeeze %dma_start3A_48 : memref<1x16x128xf32, #tpu.memory_space<hbm>> -> memref<16x128xf32, #tpu.memory_space<hbm>>
        %dma_start3A_50 = arith.constant 0 : i32
        %dma_start3A_51 = arith.constant 0 : i32
        %dma_start3A_52 = tpu.memref_slice %arg13[%dma_start3A_50, %dma_start3A_51] : memref<104x128xf32, #tpu.memory_space<vmem>> -> memref<16x128xf32, #tpu.memory_space<vmem>>
        tpu.enqueue_dma source(%dma_start3A_52 : memref<16x128xf32, #tpu.memory_space<vmem>>) target(%dma_start3A_49 : memref<16x128xf32, #tpu.memory_space<hbm>>) target_semaphore(%run_scoped3A : memref<!tpu.dma_semaphore, #tpu.memory_space<semaphore_mem>>)
        %dma_wait3A = arith.constant 0 : i32
        %dma_wait3A_53 = arith.constant 0 : i32
        %dma_wait3A_54 = tpu.memref_slice %arg13[%dma_wait3A, %dma_wait3A_53] : memref<104x128xf32, #tpu.memory_space<vmem>> -> memref<16x128xf32, #tpu.memory_space<vmem>>
        %dma_wait3A_55 = arith.constant 9984 : i32
        %dma_wait3A_56 = arith.constant 0 : i32
        %dma_wait3A_57 = tpu.memref_slice %arg6[%arg0, %dma_wait3A_55, %dma_wait3A_56] : memref<2x10000x128xf32, #tpu.memory_space<hbm>> -> memref<1x16x128xf32, #tpu.memory_space<hbm>>
        %dma_wait3A_58 = tpu.memref_squeeze %dma_wait3A_57 : memref<1x16x128xf32, #tpu.memory_space<hbm>> -> memref<16x128xf32, #tpu.memory_space<hbm>>
        %dma_wait3A_59 = arith.constant 9984 : i32
        %dma_wait3A_60 = arith.constant 0 : i32
        %dma_wait3A_61 = tpu.memref_slice %arg6[%arg0, %dma_wait3A_59, %dma_wait3A_60] : memref<2x10000x128xf32, #tpu.memory_space<hbm>> -> memref<1x16x128xf32, #tpu.memory_space<hbm>>
        %dma_wait3A_62 = tpu.memref_squeeze %dma_wait3A_61 : memref<1x16x128xf32, #tpu.memory_space<hbm>> -> memref<16x128xf32, #tpu.memory_space<hbm>>
        %dma_wait3A_63 = arith.constant 0 : i32
        %dma_wait3A_64 = arith.constant 0 : i32
        %dma_wait3A_65 = tpu.memref_slice %arg13[%dma_wait3A_63, %dma_wait3A_64] : memref<104x128xf32, #tpu.memory_space<vmem>> -> memref<16x128xf32, #tpu.memory_space<vmem>>
        tpu.wait_dma2 semaphore(%run_scoped3A : memref<!tpu.dma_semaphore, #tpu.memory_space<semaphore_mem>>) src(%dma_wait3A_65 : memref<16x128xf32, #tpu.memory_space<vmem>>) dst(%dma_wait3A_62 : memref<16x128xf32, #tpu.memory_space<hbm>>)
        tpu.yield
      }) : () -> ()
    } else {
    }
    return
  }
}

#map = affine_map<(d0, d1) -> (0, 0)>
#map1 = affine_map<(d0, d1) -> (0)>
#map2 = affine_map<(d0, d1) -> (0, 0, 0)>
module attributes {stable_mosaic.version = 14 : i64} {
  func.func @body(%arg0: i32, %arg1: i32, %arg2: memref<104x128xf32, #tpu.memory_space<hbm>>, %arg3: memref<10000x128xf32, #tpu.memory_space<hbm>>, %arg4: memref<320000xi32, #tpu.memory_space<hbm>>, %arg5: memref<320000xi32, #tpu.memory_space<hbm>>, %arg6: memref<2x10000x128xf32, #tpu.memory_space<hbm>>, %arg7: memref<80xi32, #tpu.memory_space<vmem>>, %arg8: memref<80xi32, #tpu.memory_space<vmem>>, %arg9: memref<80x128xf32, #tpu.memory_space<vmem>>, %arg10: memref<80xi32, #tpu.memory_space<vmem>>, %arg11: memref<80xi32, #tpu.memory_space<vmem>>, %arg12: memref<80x128xf32, #tpu.memory_space<vmem>>, %arg13: memref<104x128xf32, #tpu.memory_space<vmem>>, %arg14: memref<10000x128xf32, #tpu.memory_space<vmem_shared>>, %arg15: memref<!tpu.dma_semaphore, #tpu.memory_space<semaphore_mem>>, %arg16: memref<!tpu.dma_semaphore, #tpu.memory_space<semaphore_mem>>) attributes {dimension_semantics = [#tpu.dimension_semantics<core_parallel>, #tpu.dimension_semantics<subcore_parallel>], iteration_bounds = array<i64: 2, 16>, scalar_prefetch = 0 : i64, scratch_operands = 10 : i64, tpu.core_type = #tpu.core_type<sc_vector_subcore>, window_params = [{transform_indices = #map}, {transform_indices = #map}, {transform_indices = #map1}, {transform_indices = #map1}, {transform_indices = #map2}]} {
    %mul3A = arith.constant 2 : i32
    %mul3A_0 = arith.muli %arg1, %mul3A : i32
    %add3A = arith.addi %mul3A_0, %arg0 : i32
    %mul3A_1 = arith.constant 624 : i32
    %mul3A_2 = arith.muli %arg1, %mul3A_1 : i32
    %eq3A = arith.constant 15 : i32
    %eq3A_3 = arith.cmpi eq, %arg1, %eq3A : i32
    "tpu.region"() ({
      %run_scoped3A = tpu.sem_alloc : memref<!tpu.dma_semaphore, #tpu.memory_space<semaphore_mem>>
      tpu.enqueue_dma source(%arg2 : memref<104x128xf32, #tpu.memory_space<hbm>>) target(%arg13 : memref<104x128xf32, #tpu.memory_space<vmem>>) target_semaphore(%run_scoped3A : memref<!tpu.dma_semaphore, #tpu.memory_space<semaphore_mem>>)
      tpu.wait_dma2 semaphore(%run_scoped3A : memref<!tpu.dma_semaphore, #tpu.memory_space<semaphore_mem>>) src(%arg2 : memref<104x128xf32, #tpu.memory_space<hbm>>) dst(%arg13 : memref<104x128xf32, #tpu.memory_space<vmem>>)
      tpu.yield
    }) : () -> ()
    %add3A_4 = arith.constant 0 : i32
    %add3A_5 = arith.addi %mul3A_2, %add3A_4 : i32
    "tpu.region"() ({
      %run_scoped3A = tpu.sem_alloc : memref<!tpu.dma_semaphore, #tpu.memory_space<semaphore_mem>>
      %dma_start3A_49 = arith.constant 0 : i32
      %dma_start3A_50 = tpu.memref_slice %arg14[%add3A_5, %dma_start3A_49] : memref<10000x128xf32, #tpu.memory_space<vmem_shared>> -> memref<104x128xf32, #tpu.memory_space<vmem_shared>>
      %dma_start3A_51 = arith.constant 0 : i32
      %dma_start3A_52 = tpu.memref_slice %arg14[%add3A_5, %dma_start3A_51] : memref<10000x128xf32, #tpu.memory_space<vmem_shared>> -> memref<104x128xf32, #tpu.memory_space<vmem_shared>>
      tpu.enqueue_dma source(%arg13 : memref<104x128xf32, #tpu.memory_space<vmem>>) target(%dma_start3A_52 : memref<104x128xf32, #tpu.memory_space<vmem_shared>>) target_semaphore(%run_scoped3A : memref<!tpu.dma_semaphore, #tpu.memory_space<semaphore_mem>>)
      %dma_wait3A_53 = arith.constant 0 : i32
      %dma_wait3A_54 = tpu.memref_slice %arg14[%add3A_5, %dma_wait3A_53] : memref<10000x128xf32, #tpu.memory_space<vmem_shared>> -> memref<104x128xf32, #tpu.memory_space<vmem_shared>>
      %dma_wait3A_55 = arith.constant 0 : i32
      %dma_wait3A_56 = tpu.memref_slice %arg14[%add3A_5, %dma_wait3A_55] : memref<10000x128xf32, #tpu.memory_space<vmem_shared>> -> memref<104x128xf32, #tpu.memory_space<vmem_shared>>
      tpu.wait_dma2 semaphore(%run_scoped3A : memref<!tpu.dma_semaphore, #tpu.memory_space<semaphore_mem>>) src(%arg13 : memref<104x128xf32, #tpu.memory_space<vmem>>) dst(%dma_wait3A_56 : memref<104x128xf32, #tpu.memory_space<vmem_shared>>)
      tpu.yield
    }) : () -> ()
    %add3A_6 = arith.constant 104 : i32
    %add3A_7 = arith.addi %mul3A_2, %add3A_6 : i32
    "tpu.region"() ({
      %run_scoped3A = tpu.sem_alloc : memref<!tpu.dma_semaphore, #tpu.memory_space<semaphore_mem>>
      %dma_start3A_49 = arith.constant 0 : i32
      %dma_start3A_50 = tpu.memref_slice %arg14[%add3A_7, %dma_start3A_49] : memref<10000x128xf32, #tpu.memory_space<vmem_shared>> -> memref<104x128xf32, #tpu.memory_space<vmem_shared>>
      %dma_start3A_51 = arith.constant 0 : i32
      %dma_start3A_52 = tpu.memref_slice %arg14[%add3A_7, %dma_start3A_51] : memref<10000x128xf32, #tpu.memory_space<vmem_shared>> -> memref<104x128xf32, #tpu.memory_space<vmem_shared>>
      tpu.enqueue_dma source(%arg13 : memref<104x128xf32, #tpu.memory_space<vmem>>) target(%dma_start3A_52 : memref<104x128xf32, #tpu.memory_space<vmem_shared>>) target_semaphore(%run_scoped3A : memref<!tpu.dma_semaphore, #tpu.memory_space<semaphore_mem>>)
      %dma_wait3A_53 = arith.constant 0 : i32
      %dma_wait3A_54 = tpu.memref_slice %arg14[%add3A_7, %dma_wait3A_53] : memref<10000x128xf32, #tpu.memory_space<vmem_shared>> -> memref<104x128xf32, #tpu.memory_space<vmem_shared>>
      %dma_wait3A_55 = arith.constant 0 : i32
      %dma_wait3A_56 = tpu.memref_slice %arg14[%add3A_7, %dma_wait3A_55] : memref<10000x128xf32, #tpu.memory_space<vmem_shared>> -> memref<104x128xf32, #tpu.memory_space<vmem_shared>>
      tpu.wait_dma2 semaphore(%run_scoped3A : memref<!tpu.dma_semaphore, #tpu.memory_space<semaphore_mem>>) src(%arg13 : memref<104x128xf32, #tpu.memory_space<vmem>>) dst(%dma_wait3A_56 : memref<104x128xf32, #tpu.memory_space<vmem_shared>>)
      tpu.yield
    }) : () -> ()
    %add3A_8 = arith.constant 208 : i32
    %add3A_9 = arith.addi %mul3A_2, %add3A_8 : i32
    "tpu.region"() ({
      %run_scoped3A = tpu.sem_alloc : memref<!tpu.dma_semaphore, #tpu.memory_space<semaphore_mem>>
      %dma_start3A_49 = arith.constant 0 : i32
      %dma_start3A_50 = tpu.memref_slice %arg14[%add3A_9, %dma_start3A_49] : memref<10000x128xf32, #tpu.memory_space<vmem_shared>> -> memref<104x128xf32, #tpu.memory_space<vmem_shared>>
      %dma_start3A_51 = arith.constant 0 : i32
      %dma_start3A_52 = tpu.memref_slice %arg14[%add3A_9, %dma_start3A_51] : memref<10000x128xf32, #tpu.memory_space<vmem_shared>> -> memref<104x128xf32, #tpu.memory_space<vmem_shared>>
      tpu.enqueue_dma source(%arg13 : memref<104x128xf32, #tpu.memory_space<vmem>>) target(%dma_start3A_52 : memref<104x128xf32, #tpu.memory_space<vmem_shared>>) target_semaphore(%run_scoped3A : memref<!tpu.dma_semaphore, #tpu.memory_space<semaphore_mem>>)
      %dma_wait3A_53 = arith.constant 0 : i32
      %dma_wait3A_54 = tpu.memref_slice %arg14[%add3A_9, %dma_wait3A_53] : memref<10000x128xf32, #tpu.memory_space<vmem_shared>> -> memref<104x128xf32, #tpu.memory_space<vmem_shared>>
      %dma_wait3A_55 = arith.constant 0 : i32
      %dma_wait3A_56 = tpu.memref_slice %arg14[%add3A_9, %dma_wait3A_55] : memref<10000x128xf32, #tpu.memory_space<vmem_shared>> -> memref<104x128xf32, #tpu.memory_space<vmem_shared>>
      tpu.wait_dma2 semaphore(%run_scoped3A : memref<!tpu.dma_semaphore, #tpu.memory_space<semaphore_mem>>) src(%arg13 : memref<104x128xf32, #tpu.memory_space<vmem>>) dst(%dma_wait3A_56 : memref<104x128xf32, #tpu.memory_space<vmem_shared>>)
      tpu.yield
    }) : () -> ()
    %add3A_10 = arith.constant 312 : i32
    %add3A_11 = arith.addi %mul3A_2, %add3A_10 : i32
    "tpu.region"() ({
      %run_scoped3A = tpu.sem_alloc : memref<!tpu.dma_semaphore, #tpu.memory_space<semaphore_mem>>
      %dma_start3A_49 = arith.constant 0 : i32
      %dma_start3A_50 = tpu.memref_slice %arg14[%add3A_11, %dma_start3A_49] : memref<10000x128xf32, #tpu.memory_space<vmem_shared>> -> memref<104x128xf32, #tpu.memory_space<vmem_shared>>
      %dma_start3A_51 = arith.constant 0 : i32
      %dma_start3A_52 = tpu.memref_slice %arg14[%add3A_11, %dma_start3A_51] : memref<10000x128xf32, #tpu.memory_space<vmem_shared>> -> memref<104x128xf32, #tpu.memory_space<vmem_shared>>
      tpu.enqueue_dma source(%arg13 : memref<104x128xf32, #tpu.memory_space<vmem>>) target(%dma_start3A_52 : memref<104x128xf32, #tpu.memory_space<vmem_shared>>) target_semaphore(%run_scoped3A : memref<!tpu.dma_semaphore, #tpu.memory_space<semaphore_mem>>)
      %dma_wait3A_53 = arith.constant 0 : i32
      %dma_wait3A_54 = tpu.memref_slice %arg14[%add3A_11, %dma_wait3A_53] : memref<10000x128xf32, #tpu.memory_space<vmem_shared>> -> memref<104x128xf32, #tpu.memory_space<vmem_shared>>
      %dma_wait3A_55 = arith.constant 0 : i32
      %dma_wait3A_56 = tpu.memref_slice %arg14[%add3A_11, %dma_wait3A_55] : memref<10000x128xf32, #tpu.memory_space<vmem_shared>> -> memref<104x128xf32, #tpu.memory_space<vmem_shared>>
      tpu.wait_dma2 semaphore(%run_scoped3A : memref<!tpu.dma_semaphore, #tpu.memory_space<semaphore_mem>>) src(%arg13 : memref<104x128xf32, #tpu.memory_space<vmem>>) dst(%dma_wait3A_56 : memref<104x128xf32, #tpu.memory_space<vmem_shared>>)
      tpu.yield
    }) : () -> ()
    %add3A_12 = arith.constant 416 : i32
    %add3A_13 = arith.addi %mul3A_2, %add3A_12 : i32
    "tpu.region"() ({
      %run_scoped3A = tpu.sem_alloc : memref<!tpu.dma_semaphore, #tpu.memory_space<semaphore_mem>>
      %dma_start3A_49 = arith.constant 0 : i32
      %dma_start3A_50 = tpu.memref_slice %arg14[%add3A_13, %dma_start3A_49] : memref<10000x128xf32, #tpu.memory_space<vmem_shared>> -> memref<104x128xf32, #tpu.memory_space<vmem_shared>>
      %dma_start3A_51 = arith.constant 0 : i32
      %dma_start3A_52 = tpu.memref_slice %arg14[%add3A_13, %dma_start3A_51] : memref<10000x128xf32, #tpu.memory_space<vmem_shared>> -> memref<104x128xf32, #tpu.memory_space<vmem_shared>>
      tpu.enqueue_dma source(%arg13 : memref<104x128xf32, #tpu.memory_space<vmem>>) target(%dma_start3A_52 : memref<104x128xf32, #tpu.memory_space<vmem_shared>>) target_semaphore(%run_scoped3A : memref<!tpu.dma_semaphore, #tpu.memory_space<semaphore_mem>>)
      %dma_wait3A_53 = arith.constant 0 : i32
      %dma_wait3A_54 = tpu.memref_slice %arg14[%add3A_13, %dma_wait3A_53] : memref<10000x128xf32, #tpu.memory_space<vmem_shared>> -> memref<104x128xf32, #tpu.memory_space<vmem_shared>>
      %dma_wait3A_55 = arith.constant 0 : i32
      %dma_wait3A_56 = tpu.memref_slice %arg14[%add3A_13, %dma_wait3A_55] : memref<10000x128xf32, #tpu.memory_space<vmem_shared>> -> memref<104x128xf32, #tpu.memory_space<vmem_shared>>
      tpu.wait_dma2 semaphore(%run_scoped3A : memref<!tpu.dma_semaphore, #tpu.memory_space<semaphore_mem>>) src(%arg13 : memref<104x128xf32, #tpu.memory_space<vmem>>) dst(%dma_wait3A_56 : memref<104x128xf32, #tpu.memory_space<vmem_shared>>)
      tpu.yield
    }) : () -> ()
    %add3A_14 = arith.constant 520 : i32
    %add3A_15 = arith.addi %mul3A_2, %add3A_14 : i32
    "tpu.region"() ({
      %run_scoped3A = tpu.sem_alloc : memref<!tpu.dma_semaphore, #tpu.memory_space<semaphore_mem>>
      %dma_start3A_49 = arith.constant 0 : i32
      %dma_start3A_50 = tpu.memref_slice %arg14[%add3A_15, %dma_start3A_49] : memref<10000x128xf32, #tpu.memory_space<vmem_shared>> -> memref<104x128xf32, #tpu.memory_space<vmem_shared>>
      %dma_start3A_51 = arith.constant 0 : i32
      %dma_start3A_52 = tpu.memref_slice %arg14[%add3A_15, %dma_start3A_51] : memref<10000x128xf32, #tpu.memory_space<vmem_shared>> -> memref<104x128xf32, #tpu.memory_space<vmem_shared>>
      tpu.enqueue_dma source(%arg13 : memref<104x128xf32, #tpu.memory_space<vmem>>) target(%dma_start3A_52 : memref<104x128xf32, #tpu.memory_space<vmem_shared>>) target_semaphore(%run_scoped3A : memref<!tpu.dma_semaphore, #tpu.memory_space<semaphore_mem>>)
      %dma_wait3A_53 = arith.constant 0 : i32
      %dma_wait3A_54 = tpu.memref_slice %arg14[%add3A_15, %dma_wait3A_53] : memref<10000x128xf32, #tpu.memory_space<vmem_shared>> -> memref<104x128xf32, #tpu.memory_space<vmem_shared>>
      %dma_wait3A_55 = arith.constant 0 : i32
      %dma_wait3A_56 = tpu.memref_slice %arg14[%add3A_15, %dma_wait3A_55] : memref<10000x128xf32, #tpu.memory_space<vmem_shared>> -> memref<104x128xf32, #tpu.memory_space<vmem_shared>>
      tpu.wait_dma2 semaphore(%run_scoped3A : memref<!tpu.dma_semaphore, #tpu.memory_space<semaphore_mem>>) src(%arg13 : memref<104x128xf32, #tpu.memory_space<vmem>>) dst(%dma_wait3A_56 : memref<104x128xf32, #tpu.memory_space<vmem_shared>>)
      tpu.yield
    }) : () -> ()
    %convert_element_type3A = arith.extui %eq3A_3 : i1 to i32
    %cond3A = arith.constant 0 : i32
    %cond3A_16 = arith.cmpi ne, %convert_element_type3A, %cond3A : i32
    scf.if %cond3A_16 {
      "tpu.region"() ({
        %run_scoped3A = tpu.sem_alloc : memref<!tpu.dma_semaphore, #tpu.memory_space<semaphore_mem>>
        %dma_start3A_49 = arith.constant 0 : i32
        %dma_start3A_50 = arith.constant 0 : i32
        %dma_start3A_51 = tpu.memref_slice %arg13[%dma_start3A_49, %dma_start3A_50] : memref<104x128xf32, #tpu.memory_space<vmem>> -> memref<16x128xf32, #tpu.memory_space<vmem>>
        %dma_start3A_52 = arith.constant 9984 : i32
        %dma_start3A_53 = arith.constant 0 : i32
        %dma_start3A_54 = tpu.memref_slice %arg14[%dma_start3A_52, %dma_start3A_53] : memref<10000x128xf32, #tpu.memory_space<vmem_shared>> -> memref<16x128xf32, #tpu.memory_space<vmem_shared>>
        %dma_start3A_55 = arith.constant 9984 : i32
        %dma_start3A_56 = arith.constant 0 : i32
        %dma_start3A_57 = tpu.memref_slice %arg14[%dma_start3A_55, %dma_start3A_56] : memref<10000x128xf32, #tpu.memory_space<vmem_shared>> -> memref<16x128xf32, #tpu.memory_space<vmem_shared>>
        %dma_start3A_58 = arith.constant 0 : i32
        %dma_start3A_59 = arith.constant 0 : i32
        %dma_start3A_60 = tpu.memref_slice %arg13[%dma_start3A_58, %dma_start3A_59] : memref<104x128xf32, #tpu.memory_space<vmem>> -> memref<16x128xf32, #tpu.memory_space<vmem>>
        tpu.enqueue_dma source(%dma_start3A_60 : memref<16x128xf32, #tpu.memory_space<vmem>>) target(%dma_start3A_57 : memref<16x128xf32, #tpu.memory_space<vmem_shared>>) target_semaphore(%run_scoped3A : memref<!tpu.dma_semaphore, #tpu.memory_space<semaphore_mem>>)
        %dma_wait3A_61 = arith.constant 0 : i32
        %dma_wait3A_62 = arith.constant 0 : i32
        %dma_wait3A_63 = tpu.memref_slice %arg13[%dma_wait3A_61, %dma_wait3A_62] : memref<104x128xf32, #tpu.memory_space<vmem>> -> memref<16x128xf32, #tpu.memory_space<vmem>>
        %dma_wait3A_64 = arith.constant 9984 : i32
        %dma_wait3A_65 = arith.constant 0 : i32
        %dma_wait3A_66 = tpu.memref_slice %arg14[%dma_wait3A_64, %dma_wait3A_65] : memref<10000x128xf32, #tpu.memory_space<vmem_shared>> -> memref<16x128xf32, #tpu.memory_space<vmem_shared>>
        %dma_wait3A_67 = arith.constant 9984 : i32
        %dma_wait3A_68 = arith.constant 0 : i32
        %dma_wait3A_69 = tpu.memref_slice %arg14[%dma_wait3A_67, %dma_wait3A_68] : memref<10000x128xf32, #tpu.memory_space<vmem_shared>> -> memref<16x128xf32, #tpu.memory_space<vmem_shared>>
        %dma_wait3A_70 = arith.constant 0 : i32
        %dma_wait3A_71 = arith.constant 0 : i32
        %dma_wait3A_72 = tpu.memref_slice %arg13[%dma_wait3A_70, %dma_wait3A_71] : memref<104x128xf32, #tpu.memory_space<vmem>> -> memref<16x128xf32, #tpu.memory_space<vmem>>
        tpu.wait_dma2 semaphore(%run_scoped3A : memref<!tpu.dma_semaphore, #tpu.memory_space<semaphore_mem>>) src(%dma_wait3A_72 : memref<16x128xf32, #tpu.memory_space<vmem>>) dst(%dma_wait3A_69 : memref<16x128xf32, #tpu.memory_space<vmem_shared>>)
        tpu.yield
      }) : () -> ()
    } else {
    }
    %barrier3A = arith.constant 0 : index
    tpu.barrier barrier_id(%barrier3A)
    %mul3A_17 = arith.constant 10000 : i32
    %mul3A_18 = arith.muli %add3A, %mul3A_17 : i32
    %add3A_19 = arith.constant 0 : i32
    %add3A_20 = arith.addi %mul3A_18, %add3A_19 : i32
    "tpu.region"() ({
      %run_scoped3A = tpu.sem_alloc : memref<!tpu.dma_semaphore, #tpu.memory_space<semaphore_mem>>
      %dma_start3A_49 = tpu.memref_slice %arg4[%add3A_20] : memref<320000xi32, #tpu.memory_space<hbm>> -> memref<80xi32, #tpu.memory_space<hbm>>
      %dma_start3A_50 = tpu.memref_slice %arg4[%add3A_20] : memref<320000xi32, #tpu.memory_space<hbm>> -> memref<80xi32, #tpu.memory_space<hbm>>
      tpu.enqueue_dma source(%dma_start3A_50 : memref<80xi32, #tpu.memory_space<hbm>>) target(%arg7 : memref<80xi32, #tpu.memory_space<vmem>>) target_semaphore(%run_scoped3A : memref<!tpu.dma_semaphore, #tpu.memory_space<semaphore_mem>>)
      %dma_wait3A_51 = tpu.memref_slice %arg4[%add3A_20] : memref<320000xi32, #tpu.memory_space<hbm>> -> memref<80xi32, #tpu.memory_space<hbm>>
      %dma_wait3A_52 = tpu.memref_slice %arg4[%add3A_20] : memref<320000xi32, #tpu.memory_space<hbm>> -> memref<80xi32, #tpu.memory_space<hbm>>
      tpu.wait_dma2 semaphore(%run_scoped3A : memref<!tpu.dma_semaphore, #tpu.memory_space<semaphore_mem>>) src(%dma_wait3A_52 : memref<80xi32, #tpu.memory_space<hbm>>) dst(%arg7 : memref<80xi32, #tpu.memory_space<vmem>>)
      tpu.yield
    }) : () -> ()
    "tpu.region"() ({
      %run_scoped3A = tpu.sem_alloc : memref<!tpu.dma_semaphore, #tpu.memory_space<semaphore_mem>>
      %dma_start3A_49 = tpu.memref_slice %arg5[%add3A_20] : memref<320000xi32, #tpu.memory_space<hbm>> -> memref<80xi32, #tpu.memory_space<hbm>>
      %dma_start3A_50 = tpu.memref_slice %arg5[%add3A_20] : memref<320000xi32, #tpu.memory_space<hbm>> -> memref<80xi32, #tpu.memory_space<hbm>>
      tpu.enqueue_dma source(%dma_start3A_50 : memref<80xi32, #tpu.memory_space<hbm>>) target(%arg8 : memref<80xi32, #tpu.memory_space<vmem>>) target_semaphore(%run_scoped3A : memref<!tpu.dma_semaphore, #tpu.memory_space<semaphore_mem>>)
      %dma_wait3A_51 = tpu.memref_slice %arg5[%add3A_20] : memref<320000xi32, #tpu.memory_space<hbm>> -> memref<80xi32, #tpu.memory_space<hbm>>
      %dma_wait3A_52 = tpu.memref_slice %arg5[%add3A_20] : memref<320000xi32, #tpu.memory_space<hbm>> -> memref<80xi32, #tpu.memory_space<hbm>>
      tpu.wait_dma2 semaphore(%run_scoped3A : memref<!tpu.dma_semaphore, #tpu.memory_space<semaphore_mem>>) src(%dma_wait3A_52 : memref<80xi32, #tpu.memory_space<hbm>>) dst(%arg8 : memref<80xi32, #tpu.memory_space<vmem>>)
      tpu.yield
    }) : () -> ()
    %dma_start3A = arith.constant 0 : i32
    %dma_start3A_21 = arith.constant 0 : i32
    %dma_start3A_22 = tpu.memref_slice %arg3[%dma_start3A, %dma_start3A_21] : memref<10000x128xf32, #tpu.memory_space<hbm>> -> memref<10000x128xf32, #tpu.memory_space<hbm>>
    tpu.enqueue_indirect_dma source(%dma_start3A_22 : memref<10000x128xf32, #tpu.memory_space<hbm>>) target(%arg9 : memref<80x128xf32, #tpu.memory_space<vmem>>) offsets(%arg7 : memref<80xi32, #tpu.memory_space<vmem>>) semaphore(%arg15 : memref<!tpu.dma_semaphore, #tpu.memory_space<semaphore_mem>>)
    %scan3A = arith.constant 0 : i32
    %scan3A_23 = arith.constant 0 : i32
    %scan3A_24 = arith.constant 62 : i32
    %scan3A_25 = arith.addi %scan3A_23, %scan3A_24 : i32
    %scan3A_26 = arith.constant 1 : i32
    scf.for %scan3A_49 = %scan3A_23 to %scan3A_25 step %scan3A_26  : i32 {
      %mul3A_50 = arith.constant 2 : i32
      %mul3A_51 = arith.muli %mul3A_50, %scan3A_49 : i32
      %add3A_52 = arith.constant 1 : i32
      %add3A_53 = arith.addi %mul3A_51, %add3A_52 : i32
      %mul3A_54 = arith.constant 80 : i32
      %mul3A_55 = arith.muli %add3A_53, %mul3A_54 : i32
      %add3A_56 = arith.addi %mul3A_18, %mul3A_55 : i32
      "tpu.region"() ({
        %run_scoped3A = tpu.sem_alloc : memref<!tpu.dma_semaphore, #tpu.memory_space<semaphore_mem>>
        %dma_start3A_80 = tpu.memref_slice %arg4[%add3A_56] : memref<320000xi32, #tpu.memory_space<hbm>> -> memref<80xi32, #tpu.memory_space<hbm>>
        %dma_start3A_81 = tpu.memref_slice %arg4[%add3A_56] : memref<320000xi32, #tpu.memory_space<hbm>> -> memref<80xi32, #tpu.memory_space<hbm>>
        tpu.enqueue_dma source(%dma_start3A_81 : memref<80xi32, #tpu.memory_space<hbm>>) target(%arg10 : memref<80xi32, #tpu.memory_space<vmem>>) target_semaphore(%run_scoped3A : memref<!tpu.dma_semaphore, #tpu.memory_space<semaphore_mem>>)
        %dma_wait3A_82 = tpu.memref_slice %arg4[%add3A_56] : memref<320000xi32, #tpu.memory_space<hbm>> -> memref<80xi32, #tpu.memory_space<hbm>>
        %dma_wait3A_83 = tpu.memref_slice %arg4[%add3A_56] : memref<320000xi32, #tpu.memory_space<hbm>> -> memref<80xi32, #tpu.memory_space<hbm>>
        tpu.wait_dma2 semaphore(%run_scoped3A : memref<!tpu.dma_semaphore, #tpu.memory_space<semaphore_mem>>) src(%dma_wait3A_83 : memref<80xi32, #tpu.memory_space<hbm>>) dst(%arg10 : memref<80xi32, #tpu.memory_space<vmem>>)
        tpu.yield
      }) : () -> ()
      "tpu.region"() ({
        %run_scoped3A = tpu.sem_alloc : memref<!tpu.dma_semaphore, #tpu.memory_space<semaphore_mem>>
        %dma_start3A_80 = tpu.memref_slice %arg5[%add3A_56] : memref<320000xi32, #tpu.memory_space<hbm>> -> memref<80xi32, #tpu.memory_space<hbm>>
        %dma_start3A_81 = tpu.memref_slice %arg5[%add3A_56] : memref<320000xi32, #tpu.memory_space<hbm>> -> memref<80xi32, #tpu.memory_space<hbm>>
        tpu.enqueue_dma source(%dma_start3A_81 : memref<80xi32, #tpu.memory_space<hbm>>) target(%arg11 : memref<80xi32, #tpu.memory_space<vmem>>) target_semaphore(%run_scoped3A : memref<!tpu.dma_semaphore, #tpu.memory_space<semaphore_mem>>)
        %dma_wait3A_82 = tpu.memref_slice %arg5[%add3A_56] : memref<320000xi32, #tpu.memory_space<hbm>> -> memref<80xi32, #tpu.memory_space<hbm>>
        %dma_wait3A_83 = tpu.memref_slice %arg5[%add3A_56] : memref<320000xi32, #tpu.memory_space<hbm>> -> memref<80xi32, #tpu.memory_space<hbm>>
        tpu.wait_dma2 semaphore(%run_scoped3A : memref<!tpu.dma_semaphore, #tpu.memory_space<semaphore_mem>>) src(%dma_wait3A_83 : memref<80xi32, #tpu.memory_space<hbm>>) dst(%arg11 : memref<80xi32, #tpu.memory_space<vmem>>)
        tpu.yield
      }) : () -> ()
      %dma_start3A_57 = arith.constant 0 : i32
      %dma_start3A_58 = arith.constant 0 : i32
      %dma_start3A_59 = tpu.memref_slice %arg3[%dma_start3A_57, %dma_start3A_58] : memref<10000x128xf32, #tpu.memory_space<hbm>> -> memref<10000x128xf32, #tpu.memory_space<hbm>>
      tpu.enqueue_indirect_dma source(%dma_start3A_59 : memref<10000x128xf32, #tpu.memory_space<hbm>>) target(%arg12 : memref<80x128xf32, #tpu.memory_space<vmem>>) offsets(%arg10 : memref<80xi32, #tpu.memory_space<vmem>>) semaphore(%arg16 : memref<!tpu.dma_semaphore, #tpu.memory_space<semaphore_mem>>)
      %dma_wait3A_60 = arith.constant 0 : i32
      %dma_wait3A_61 = arith.constant 0 : i32
      %dma_wait3A_62 = tpu.memref_slice %arg3[%dma_wait3A_60, %dma_wait3A_61] : memref<10000x128xf32, #tpu.memory_space<hbm>> -> memref<80x128xf32, #tpu.memory_space<hbm>>
      %dma_wait3A_63 = arith.constant 0 : i32
      %dma_wait3A_64 = arith.constant 0 : i32
      %dma_wait3A_65 = tpu.memref_slice %arg3[%dma_wait3A_63, %dma_wait3A_64] : memref<10000x128xf32, #tpu.memory_space<hbm>> -> memref<80x128xf32, #tpu.memory_space<hbm>>
      tpu.wait_dma2 semaphore(%arg15 : memref<!tpu.dma_semaphore, #tpu.memory_space<semaphore_mem>>) src(%dma_wait3A_65 : memref<80x128xf32, #tpu.memory_space<hbm>>) dst(%arg9 : memref<80x128xf32, #tpu.memory_space<vmem>>)
      "tpu.region"() ({
        %run_scoped3A = tpu.sem_alloc : memref<!tpu.dma_semaphore, #tpu.memory_space<semaphore_mem>>
        %dma_start3A_80 = arith.constant 0 : i32
        %dma_start3A_81 = arith.constant 0 : i32
        %dma_start3A_82 = tpu.memref_slice %arg14[%dma_start3A_80, %dma_start3A_81] : memref<10000x128xf32, #tpu.memory_space<vmem_shared>> -> memref<10000x128xf32, #tpu.memory_space<vmem_shared>>
        tpu.enqueue_indirect_dma source(%arg9 : memref<80x128xf32, #tpu.memory_space<vmem>>) target(%dma_start3A_82 : memref<10000x128xf32, #tpu.memory_space<vmem_shared>>) offsets(%arg8 : memref<80xi32, #tpu.memory_space<vmem>>) semaphore(%run_scoped3A : memref<!tpu.dma_semaphore, #tpu.memory_space<semaphore_mem>>) {add = true}
        %dma_wait3A_83 = arith.constant 0 : i32
        %dma_wait3A_84 = arith.constant 0 : i32
        %dma_wait3A_85 = tpu.memref_slice %arg14[%dma_wait3A_83, %dma_wait3A_84] : memref<10000x128xf32, #tpu.memory_space<vmem_shared>> -> memref<10000x128xf32, #tpu.memory_space<vmem_shared>>
        tpu.wait_indirect_dma semaphore(%run_scoped3A : memref<!tpu.dma_semaphore, #tpu.memory_space<semaphore_mem>>) src(%arg9 : memref<80x128xf32, #tpu.memory_space<vmem>>) dst(%dma_wait3A_85 : memref<10000x128xf32, #tpu.memory_space<vmem_shared>>)
        tpu.yield
      }) : () -> ()
      %add3A_66 = arith.constant 2 : i32
      %add3A_67 = arith.addi %mul3A_51, %add3A_66 : i32
      %mul3A_68 = arith.constant 80 : i32
      %mul3A_69 = arith.muli %add3A_67, %mul3A_68 : i32
      %add3A_70 = arith.addi %mul3A_18, %mul3A_69 : i32
      "tpu.region"() ({
        %run_scoped3A = tpu.sem_alloc : memref<!tpu.dma_semaphore, #tpu.memory_space<semaphore_mem>>
        %dma_start3A_80 = tpu.memref_slice %arg4[%add3A_70] : memref<320000xi32, #tpu.memory_space<hbm>> -> memref<80xi32, #tpu.memory_space<hbm>>
        %dma_start3A_81 = tpu.memref_slice %arg4[%add3A_70] : memref<320000xi32, #tpu.memory_space<hbm>> -> memref<80xi32, #tpu.memory_space<hbm>>
        tpu.enqueue_dma source(%dma_start3A_81 : memref<80xi32, #tpu.memory_space<hbm>>) target(%arg7 : memref<80xi32, #tpu.memory_space<vmem>>) target_semaphore(%run_scoped3A : memref<!tpu.dma_semaphore, #tpu.memory_space<semaphore_mem>>)
        %dma_wait3A_82 = tpu.memref_slice %arg4[%add3A_70] : memref<320000xi32, #tpu.memory_space<hbm>> -> memref<80xi32, #tpu.memory_space<hbm>>
        %dma_wait3A_83 = tpu.memref_slice %arg4[%add3A_70] : memref<320000xi32, #tpu.memory_space<hbm>> -> memref<80xi32, #tpu.memory_space<hbm>>
        tpu.wait_dma2 semaphore(%run_scoped3A : memref<!tpu.dma_semaphore, #tpu.memory_space<semaphore_mem>>) src(%dma_wait3A_83 : memref<80xi32, #tpu.memory_space<hbm>>) dst(%arg7 : memref<80xi32, #tpu.memory_space<vmem>>)
        tpu.yield
      }) : () -> ()
      "tpu.region"() ({
        %run_scoped3A = tpu.sem_alloc : memref<!tpu.dma_semaphore, #tpu.memory_space<semaphore_mem>>
        %dma_start3A_80 = tpu.memref_slice %arg5[%add3A_70] : memref<320000xi32, #tpu.memory_space<hbm>> -> memref<80xi32, #tpu.memory_space<hbm>>
        %dma_start3A_81 = tpu.memref_slice %arg5[%add3A_70] : memref<320000xi32, #tpu.memory_space<hbm>> -> memref<80xi32, #tpu.memory_space<hbm>>
        tpu.enqueue_dma source(%dma_start3A_81 : memref<80xi32, #tpu.memory_space<hbm>>) target(%arg8 : memref<80xi32, #tpu.memory_space<vmem>>) target_semaphore(%run_scoped3A : memref<!tpu.dma_semaphore, #tpu.memory_space<semaphore_mem>>)
        %dma_wait3A_82 = tpu.memref_slice %arg5[%add3A_70] : memref<320000xi32, #tpu.memory_space<hbm>> -> memref<80xi32, #tpu.memory_space<hbm>>
        %dma_wait3A_83 = tpu.memref_slice %arg5[%add3A_70] : memref<320000xi32, #tpu.memory_space<hbm>> -> memref<80xi32, #tpu.memory_space<hbm>>
        tpu.wait_dma2 semaphore(%run_scoped3A : memref<!tpu.dma_semaphore, #tpu.memory_space<semaphore_mem>>) src(%dma_wait3A_83 : memref<80xi32, #tpu.memory_space<hbm>>) dst(%arg8 : memref<80xi32, #tpu.memory_space<vmem>>)
        tpu.yield
      }) : () -> ()
      %dma_start3A_71 = arith.constant 0 : i32
      %dma_start3A_72 = arith.constant 0 : i32
      %dma_start3A_73 = tpu.memref_slice %arg3[%dma_start3A_71, %dma_start3A_72] : memref<10000x128xf32, #tpu.memory_space<hbm>> -> memref<10000x128xf32, #tpu.memory_space<hbm>>
      tpu.enqueue_indirect_dma source(%dma_start3A_73 : memref<10000x128xf32, #tpu.memory_space<hbm>>) target(%arg9 : memref<80x128xf32, #tpu.memory_space<vmem>>) offsets(%arg7 : memref<80xi32, #tpu.memory_space<vmem>>) semaphore(%arg15 : memref<!tpu.dma_semaphore, #tpu.memory_space<semaphore_mem>>)
      %dma_wait3A_74 = arith.constant 0 : i32
      %dma_wait3A_75 = arith.constant 0 : i32
      %dma_wait3A_76 = tpu.memref_slice %arg3[%dma_wait3A_74, %dma_wait3A_75] : memref<10000x128xf32, #tpu.memory_space<hbm>> -> memref<80x128xf32, #tpu.memory_space<hbm>>
      %dma_wait3A_77 = arith.constant 0 : i32
      %dma_wait3A_78 = arith.constant 0 : i32
      %dma_wait3A_79 = tpu.memref_slice %arg3[%dma_wait3A_77, %dma_wait3A_78] : memref<10000x128xf32, #tpu.memory_space<hbm>> -> memref<80x128xf32, #tpu.memory_space<hbm>>
      tpu.wait_dma2 semaphore(%arg16 : memref<!tpu.dma_semaphore, #tpu.memory_space<semaphore_mem>>) src(%dma_wait3A_79 : memref<80x128xf32, #tpu.memory_space<hbm>>) dst(%arg12 : memref<80x128xf32, #tpu.memory_space<vmem>>)
      "tpu.region"() ({
        %run_scoped3A = tpu.sem_alloc : memref<!tpu.dma_semaphore, #tpu.memory_space<semaphore_mem>>
        %dma_start3A_80 = arith.constant 0 : i32
        %dma_start3A_81 = arith.constant 0 : i32
        %dma_start3A_82 = tpu.memref_slice %arg14[%dma_start3A_80, %dma_start3A_81] : memref<10000x128xf32, #tpu.memory_space<vmem_shared>> -> memref<10000x128xf32, #tpu.memory_space<vmem_shared>>
        tpu.enqueue_indirect_dma source(%arg12 : memref<80x128xf32, #tpu.memory_space<vmem>>) target(%dma_start3A_82 : memref<10000x128xf32, #tpu.memory_space<vmem_shared>>) offsets(%arg11 : memref<80xi32, #tpu.memory_space<vmem>>) semaphore(%run_scoped3A : memref<!tpu.dma_semaphore, #tpu.memory_space<semaphore_mem>>) {add = true}
        %dma_wait3A_83 = arith.constant 0 : i32
        %dma_wait3A_84 = arith.constant 0 : i32
        %dma_wait3A_85 = tpu.memref_slice %arg14[%dma_wait3A_83, %dma_wait3A_84] : memref<10000x128xf32, #tpu.memory_space<vmem_shared>> -> memref<10000x128xf32, #tpu.memory_space<vmem_shared>>
        tpu.wait_indirect_dma semaphore(%run_scoped3A : memref<!tpu.dma_semaphore, #tpu.memory_space<semaphore_mem>>) src(%arg12 : memref<80x128xf32, #tpu.memory_space<vmem>>) dst(%dma_wait3A_85 : memref<10000x128xf32, #tpu.memory_space<vmem_shared>>)
        tpu.yield
      }) : () -> ()
    }
    %scan3A_27 = arith.constant 62 : i32
    %dma_wait3A = arith.constant 0 : i32
    %dma_wait3A_28 = arith.constant 0 : i32
    %dma_wait3A_29 = tpu.memref_slice %arg3[%dma_wait3A, %dma_wait3A_28] : memref<10000x128xf32, #tpu.memory_space<hbm>> -> memref<80x128xf32, #tpu.memory_space<hbm>>
    %dma_wait3A_30 = arith.constant 0 : i32
    %dma_wait3A_31 = arith.constant 0 : i32
    %dma_wait3A_32 = tpu.memref_slice %arg3[%dma_wait3A_30, %dma_wait3A_31] : memref<10000x128xf32, #tpu.memory_space<hbm>> -> memref<80x128xf32, #tpu.memory_space<hbm>>
    tpu.wait_dma2 semaphore(%arg15 : memref<!tpu.dma_semaphore, #tpu.memory_space<semaphore_mem>>) src(%dma_wait3A_32 : memref<80x128xf32, #tpu.memory_space<hbm>>) dst(%arg9 : memref<80x128xf32, #tpu.memory_space<vmem>>)
    "tpu.region"() ({
      %run_scoped3A = tpu.sem_alloc : memref<!tpu.dma_semaphore, #tpu.memory_space<semaphore_mem>>
      %dma_start3A_49 = arith.constant 0 : i32
      %dma_start3A_50 = arith.constant 0 : i32
      %dma_start3A_51 = tpu.memref_slice %arg14[%dma_start3A_49, %dma_start3A_50] : memref<10000x128xf32, #tpu.memory_space<vmem_shared>> -> memref<10000x128xf32, #tpu.memory_space<vmem_shared>>
      tpu.enqueue_indirect_dma source(%arg9 : memref<80x128xf32, #tpu.memory_space<vmem>>) target(%dma_start3A_51 : memref<10000x128xf32, #tpu.memory_space<vmem_shared>>) offsets(%arg8 : memref<80xi32, #tpu.memory_space<vmem>>) semaphore(%run_scoped3A : memref<!tpu.dma_semaphore, #tpu.memory_space<semaphore_mem>>) {add = true}
      %dma_wait3A_52 = arith.constant 0 : i32
      %dma_wait3A_53 = arith.constant 0 : i32
      %dma_wait3A_54 = tpu.memref_slice %arg14[%dma_wait3A_52, %dma_wait3A_53] : memref<10000x128xf32, #tpu.memory_space<vmem_shared>> -> memref<10000x128xf32, #tpu.memory_space<vmem_shared>>
      tpu.wait_indirect_dma semaphore(%run_scoped3A : memref<!tpu.dma_semaphore, #tpu.memory_space<semaphore_mem>>) src(%arg9 : memref<80x128xf32, #tpu.memory_space<vmem>>) dst(%dma_wait3A_54 : memref<10000x128xf32, #tpu.memory_space<vmem_shared>>)
      tpu.yield
    }) : () -> ()
    %barrier3A_33 = arith.constant 0 : index
    tpu.barrier barrier_id(%barrier3A_33)
    %add3A_34 = arith.constant 0 : i32
    %add3A_35 = arith.addi %mul3A_2, %add3A_34 : i32
    "tpu.region"() ({
      %run_scoped3A = tpu.sem_alloc : memref<!tpu.dma_semaphore, #tpu.memory_space<semaphore_mem>>
      %dma_start3A_49 = arith.constant 0 : i32
      %dma_start3A_50 = arith.constant 0 : i32
      %dma_start3A_51 = tpu.memref_slice %arg13[%dma_start3A_49, %dma_start3A_50] : memref<104x128xf32, #tpu.memory_space<vmem>> -> memref<104x128xf32, #tpu.memory_space<vmem>>
      %dma_start3A_52 = arith.constant 0 : i32
      %dma_start3A_53 = tpu.memref_slice %arg14[%add3A_35, %dma_start3A_52] : memref<10000x128xf32, #tpu.memory_space<vmem_shared>> -> memref<104x128xf32, #tpu.memory_space<vmem_shared>>
      %dma_start3A_54 = arith.constant 0 : i32
      %dma_start3A_55 = arith.constant 0 : i32
      %dma_start3A_56 = tpu.memref_slice %arg13[%dma_start3A_54, %dma_start3A_55] : memref<104x128xf32, #tpu.memory_space<vmem>> -> memref<104x128xf32, #tpu.memory_space<vmem>>
      %dma_start3A_57 = arith.constant 0 : i32
      %dma_start3A_58 = tpu.memref_slice %arg14[%add3A_35, %dma_start3A_57] : memref<10000x128xf32, #tpu.memory_space<vmem_shared>> -> memref<104x128xf32, #tpu.memory_space<vmem_shared>>
      tpu.enqueue_dma source(%dma_start3A_58 : memref<104x128xf32, #tpu.memory_space<vmem_shared>>) target(%dma_start3A_56 : memref<104x128xf32, #tpu.memory_space<vmem>>) target_semaphore(%run_scoped3A : memref<!tpu.dma_semaphore, #tpu.memory_space<semaphore_mem>>)
      %dma_wait3A_59 = arith.constant 0 : i32
      %dma_wait3A_60 = arith.constant 0 : i32
      %dma_wait3A_61 = tpu.memref_slice %arg13[%dma_wait3A_59, %dma_wait3A_60] : memref<104x128xf32, #tpu.memory_space<vmem>> -> memref<104x128xf32, #tpu.memory_space<vmem>>
      %dma_wait3A_62 = arith.constant 0 : i32
      %dma_wait3A_63 = tpu.memref_slice %arg14[%add3A_35, %dma_wait3A_62] : memref<10000x128xf32, #tpu.memory_space<vmem_shared>> -> memref<104x128xf32, #tpu.memory_space<vmem_shared>>
      %dma_wait3A_64 = arith.constant 0 : i32
      %dma_wait3A_65 = arith.constant 0 : i32
      %dma_wait3A_66 = tpu.memref_slice %arg13[%dma_wait3A_64, %dma_wait3A_65] : memref<104x128xf32, #tpu.memory_space<vmem>> -> memref<104x128xf32, #tpu.memory_space<vmem>>
      %dma_wait3A_67 = arith.constant 0 : i32
      %dma_wait3A_68 = tpu.memref_slice %arg14[%add3A_35, %dma_wait3A_67] : memref<10000x128xf32, #tpu.memory_space<vmem_shared>> -> memref<104x128xf32, #tpu.memory_space<vmem_shared>>
      tpu.wait_dma2 semaphore(%run_scoped3A : memref<!tpu.dma_semaphore, #tpu.memory_space<semaphore_mem>>) src(%dma_wait3A_68 : memref<104x128xf32, #tpu.memory_space<vmem_shared>>) dst(%dma_wait3A_66 : memref<104x128xf32, #tpu.memory_space<vmem>>)
      tpu.yield
    }) : () -> ()
    "tpu.region"() ({
      %run_scoped3A = tpu.sem_alloc : memref<!tpu.dma_semaphore, #tpu.memory_space<semaphore_mem>>
      %dma_start3A_49 = arith.constant 0 : i32
      %dma_start3A_50 = arith.constant 0 : i32
      %dma_start3A_51 = tpu.memref_slice %arg13[%dma_start3A_49, %dma_start3A_50] : memref<104x128xf32, #tpu.memory_space<vmem>> -> memref<104x128xf32, #tpu.memory_space<vmem>>
      %dma_start3A_52 = arith.constant 0 : i32
      %dma_start3A_53 = tpu.memref_slice %arg6[%arg0, %add3A_35, %dma_start3A_52] : memref<2x10000x128xf32, #tpu.memory_space<hbm>> -> memref<1x104x128xf32, #tpu.memory_space<hbm>>
      %dma_start3A_54 = tpu.memref_squeeze %dma_start3A_53 : memref<1x104x128xf32, #tpu.memory_space<hbm>> -> memref<104x128xf32, #tpu.memory_space<hbm>>
      %dma_start3A_55 = arith.constant 0 : i32
      %dma_start3A_56 = tpu.memref_slice %arg6[%arg0, %add3A_35, %dma_start3A_55] : memref<2x10000x128xf32, #tpu.memory_space<hbm>> -> memref<1x104x128xf32, #tpu.memory_space<hbm>>
      %dma_start3A_57 = tpu.memref_squeeze %dma_start3A_56 : memref<1x104x128xf32, #tpu.memory_space<hbm>> -> memref<104x128xf32, #tpu.memory_space<hbm>>
      %dma_start3A_58 = arith.constant 0 : i32
      %dma_start3A_59 = arith.constant 0 : i32
      %dma_start3A_60 = tpu.memref_slice %arg13[%dma_start3A_58, %dma_start3A_59] : memref<104x128xf32, #tpu.memory_space<vmem>> -> memref<104x128xf32, #tpu.memory_space<vmem>>
      tpu.enqueue_dma source(%dma_start3A_60 : memref<104x128xf32, #tpu.memory_space<vmem>>) target(%dma_start3A_57 : memref<104x128xf32, #tpu.memory_space<hbm>>) target_semaphore(%run_scoped3A : memref<!tpu.dma_semaphore, #tpu.memory_space<semaphore_mem>>)
      %dma_wait3A_61 = arith.constant 0 : i32
      %dma_wait3A_62 = arith.constant 0 : i32
      %dma_wait3A_63 = tpu.memref_slice %arg13[%dma_wait3A_61, %dma_wait3A_62] : memref<104x128xf32, #tpu.memory_space<vmem>> -> memref<104x128xf32, #tpu.memory_space<vmem>>
      %dma_wait3A_64 = arith.constant 0 : i32
      %dma_wait3A_65 = tpu.memref_slice %arg6[%arg0, %add3A_35, %dma_wait3A_64] : memref<2x10000x128xf32, #tpu.memory_space<hbm>> -> memref<1x104x128xf32, #tpu.memory_space<hbm>>
      %dma_wait3A_66 = tpu.memref_squeeze %dma_wait3A_65 : memref<1x104x128xf32, #tpu.memory_space<hbm>> -> memref<104x128xf32, #tpu.memory_space<hbm>>
      %dma_wait3A_67 = arith.constant 0 : i32
      %dma_wait3A_68 = tpu.memref_slice %arg6[%arg0, %add3A_35, %dma_wait3A_67] : memref<2x10000x128xf32, #tpu.memory_space<hbm>> -> memref<1x104x128xf32, #tpu.memory_space<hbm>>
      %dma_wait3A_69 = tpu.memref_squeeze %dma_wait3A_68 : memref<1x104x128xf32, #tpu.memory_space<hbm>> -> memref<104x128xf32, #tpu.memory_space<hbm>>
      %dma_wait3A_70 = arith.constant 0 : i32
      %dma_wait3A_71 = arith.constant 0 : i32
      %dma_wait3A_72 = tpu.memref_slice %arg13[%dma_wait3A_70, %dma_wait3A_71] : memref<104x128xf32, #tpu.memory_space<vmem>> -> memref<104x128xf32, #tpu.memory_space<vmem>>
      tpu.wait_dma2 semaphore(%run_scoped3A : memref<!tpu.dma_semaphore, #tpu.memory_space<semaphore_mem>>) src(%dma_wait3A_72 : memref<104x128xf32, #tpu.memory_space<vmem>>) dst(%dma_wait3A_69 : memref<104x128xf32, #tpu.memory_space<hbm>>)
      tpu.yield
    }) : () -> ()
    %add3A_36 = arith.constant 104 : i32
    %add3A_37 = arith.addi %mul3A_2, %add3A_36 : i32
    "tpu.region"() ({
      %run_scoped3A = tpu.sem_alloc : memref<!tpu.dma_semaphore, #tpu.memory_space<semaphore_mem>>
      %dma_start3A_49 = arith.constant 0 : i32
      %dma_start3A_50 = arith.constant 0 : i32
      %dma_start3A_51 = tpu.memref_slice %arg13[%dma_start3A_49, %dma_start3A_50] : memref<104x128xf32, #tpu.memory_space<vmem>> -> memref<104x128xf32, #tpu.memory_space<vmem>>
      %dma_start3A_52 = arith.constant 0 : i32
      %dma_start3A_53 = tpu.memref_slice %arg14[%add3A_37, %dma_start3A_52] : memref<10000x128xf32, #tpu.memory_space<vmem_shared>> -> memref<104x128xf32, #tpu.memory_space<vmem_shared>>
      %dma_start3A_54 = arith.constant 0 : i32
      %dma_start3A_55 = arith.constant 0 : i32
      %dma_start3A_56 = tpu.memref_slice %arg13[%dma_start3A_54, %dma_start3A_55] : memref<104x128xf32, #tpu.memory_space<vmem>> -> memref<104x128xf32, #tpu.memory_space<vmem>>
      %dma_start3A_57 = arith.constant 0 : i32
      %dma_start3A_58 = tpu.memref_slice %arg14[%add3A_37, %dma_start3A_57] : memref<10000x128xf32, #tpu.memory_space<vmem_shared>> -> memref<104x128xf32, #tpu.memory_space<vmem_shared>>
      tpu.enqueue_dma source(%dma_start3A_58 : memref<104x128xf32, #tpu.memory_space<vmem_shared>>) target(%dma_start3A_56 : memref<104x128xf32, #tpu.memory_space<vmem>>) target_semaphore(%run_scoped3A : memref<!tpu.dma_semaphore, #tpu.memory_space<semaphore_mem>>)
      %dma_wait3A_59 = arith.constant 0 : i32
      %dma_wait3A_60 = arith.constant 0 : i32
      %dma_wait3A_61 = tpu.memref_slice %arg13[%dma_wait3A_59, %dma_wait3A_60] : memref<104x128xf32, #tpu.memory_space<vmem>> -> memref<104x128xf32, #tpu.memory_space<vmem>>
      %dma_wait3A_62 = arith.constant 0 : i32
      %dma_wait3A_63 = tpu.memref_slice %arg14[%add3A_37, %dma_wait3A_62] : memref<10000x128xf32, #tpu.memory_space<vmem_shared>> -> memref<104x128xf32, #tpu.memory_space<vmem_shared>>
      %dma_wait3A_64 = arith.constant 0 : i32
      %dma_wait3A_65 = arith.constant 0 : i32
      %dma_wait3A_66 = tpu.memref_slice %arg13[%dma_wait3A_64, %dma_wait3A_65] : memref<104x128xf32, #tpu.memory_space<vmem>> -> memref<104x128xf32, #tpu.memory_space<vmem>>
      %dma_wait3A_67 = arith.constant 0 : i32
      %dma_wait3A_68 = tpu.memref_slice %arg14[%add3A_37, %dma_wait3A_67] : memref<10000x128xf32, #tpu.memory_space<vmem_shared>> -> memref<104x128xf32, #tpu.memory_space<vmem_shared>>
      tpu.wait_dma2 semaphore(%run_scoped3A : memref<!tpu.dma_semaphore, #tpu.memory_space<semaphore_mem>>) src(%dma_wait3A_68 : memref<104x128xf32, #tpu.memory_space<vmem_shared>>) dst(%dma_wait3A_66 : memref<104x128xf32, #tpu.memory_space<vmem>>)
      tpu.yield
    }) : () -> ()
    "tpu.region"() ({
      %run_scoped3A = tpu.sem_alloc : memref<!tpu.dma_semaphore, #tpu.memory_space<semaphore_mem>>
      %dma_start3A_49 = arith.constant 0 : i32
      %dma_start3A_50 = arith.constant 0 : i32
      %dma_start3A_51 = tpu.memref_slice %arg13[%dma_start3A_49, %dma_start3A_50] : memref<104x128xf32, #tpu.memory_space<vmem>> -> memref<104x128xf32, #tpu.memory_space<vmem>>
      %dma_start3A_52 = arith.constant 0 : i32
      %dma_start3A_53 = tpu.memref_slice %arg6[%arg0, %add3A_37, %dma_start3A_52] : memref<2x10000x128xf32, #tpu.memory_space<hbm>> -> memref<1x104x128xf32, #tpu.memory_space<hbm>>
      %dma_start3A_54 = tpu.memref_squeeze %dma_start3A_53 : memref<1x104x128xf32, #tpu.memory_space<hbm>> -> memref<104x128xf32, #tpu.memory_space<hbm>>
      %dma_start3A_55 = arith.constant 0 : i32
      %dma_start3A_56 = tpu.memref_slice %arg6[%arg0, %add3A_37, %dma_start3A_55] : memref<2x10000x128xf32, #tpu.memory_space<hbm>> -> memref<1x104x128xf32, #tpu.memory_space<hbm>>
      %dma_start3A_57 = tpu.memref_squeeze %dma_start3A_56 : memref<1x104x128xf32, #tpu.memory_space<hbm>> -> memref<104x128xf32, #tpu.memory_space<hbm>>
      %dma_start3A_58 = arith.constant 0 : i32
      %dma_start3A_59 = arith.constant 0 : i32
      %dma_start3A_60 = tpu.memref_slice %arg13[%dma_start3A_58, %dma_start3A_59] : memref<104x128xf32, #tpu.memory_space<vmem>> -> memref<104x128xf32, #tpu.memory_space<vmem>>
      tpu.enqueue_dma source(%dma_start3A_60 : memref<104x128xf32, #tpu.memory_space<vmem>>) target(%dma_start3A_57 : memref<104x128xf32, #tpu.memory_space<hbm>>) target_semaphore(%run_scoped3A : memref<!tpu.dma_semaphore, #tpu.memory_space<semaphore_mem>>)
      %dma_wait3A_61 = arith.constant 0 : i32
      %dma_wait3A_62 = arith.constant 0 : i32
      %dma_wait3A_63 = tpu.memref_slice %arg13[%dma_wait3A_61, %dma_wait3A_62] : memref<104x128xf32, #tpu.memory_space<vmem>> -> memref<104x128xf32, #tpu.memory_space<vmem>>
      %dma_wait3A_64 = arith.constant 0 : i32
      %dma_wait3A_65 = tpu.memref_slice %arg6[%arg0, %add3A_37, %dma_wait3A_64] : memref<2x10000x128xf32, #tpu.memory_space<hbm>> -> memref<1x104x128xf32, #tpu.memory_space<hbm>>
      %dma_wait3A_66 = tpu.memref_squeeze %dma_wait3A_65 : memref<1x104x128xf32, #tpu.memory_space<hbm>> -> memref<104x128xf32, #tpu.memory_space<hbm>>
      %dma_wait3A_67 = arith.constant 0 : i32
      %dma_wait3A_68 = tpu.memref_slice %arg6[%arg0, %add3A_37, %dma_wait3A_67] : memref<2x10000x128xf32, #tpu.memory_space<hbm>> -> memref<1x104x128xf32, #tpu.memory_space<hbm>>
      %dma_wait3A_69 = tpu.memref_squeeze %dma_wait3A_68 : memref<1x104x128xf32, #tpu.memory_space<hbm>> -> memref<104x128xf32, #tpu.memory_space<hbm>>
      %dma_wait3A_70 = arith.constant 0 : i32
      %dma_wait3A_71 = arith.constant 0 : i32
      %dma_wait3A_72 = tpu.memref_slice %arg13[%dma_wait3A_70, %dma_wait3A_71] : memref<104x128xf32, #tpu.memory_space<vmem>> -> memref<104x128xf32, #tpu.memory_space<vmem>>
      tpu.wait_dma2 semaphore(%run_scoped3A : memref<!tpu.dma_semaphore, #tpu.memory_space<semaphore_mem>>) src(%dma_wait3A_72 : memref<104x128xf32, #tpu.memory_space<vmem>>) dst(%dma_wait3A_69 : memref<104x128xf32, #tpu.memory_space<hbm>>)
      tpu.yield
    }) : () -> ()
    %add3A_38 = arith.constant 208 : i32
    %add3A_39 = arith.addi %mul3A_2, %add3A_38 : i32
    "tpu.region"() ({
      %run_scoped3A = tpu.sem_alloc : memref<!tpu.dma_semaphore, #tpu.memory_space<semaphore_mem>>
      %dma_start3A_49 = arith.constant 0 : i32
      %dma_start3A_50 = arith.constant 0 : i32
      %dma_start3A_51 = tpu.memref_slice %arg13[%dma_start3A_49, %dma_start3A_50] : memref<104x128xf32, #tpu.memory_space<vmem>> -> memref<104x128xf32, #tpu.memory_space<vmem>>
      %dma_start3A_52 = arith.constant 0 : i32
      %dma_start3A_53 = tpu.memref_slice %arg14[%add3A_39, %dma_start3A_52] : memref<10000x128xf32, #tpu.memory_space<vmem_shared>> -> memref<104x128xf32, #tpu.memory_space<vmem_shared>>
      %dma_start3A_54 = arith.constant 0 : i32
      %dma_start3A_55 = arith.constant 0 : i32
      %dma_start3A_56 = tpu.memref_slice %arg13[%dma_start3A_54, %dma_start3A_55] : memref<104x128xf32, #tpu.memory_space<vmem>> -> memref<104x128xf32, #tpu.memory_space<vmem>>
      %dma_start3A_57 = arith.constant 0 : i32
      %dma_start3A_58 = tpu.memref_slice %arg14[%add3A_39, %dma_start3A_57] : memref<10000x128xf32, #tpu.memory_space<vmem_shared>> -> memref<104x128xf32, #tpu.memory_space<vmem_shared>>
      tpu.enqueue_dma source(%dma_start3A_58 : memref<104x128xf32, #tpu.memory_space<vmem_shared>>) target(%dma_start3A_56 : memref<104x128xf32, #tpu.memory_space<vmem>>) target_semaphore(%run_scoped3A : memref<!tpu.dma_semaphore, #tpu.memory_space<semaphore_mem>>)
      %dma_wait3A_59 = arith.constant 0 : i32
      %dma_wait3A_60 = arith.constant 0 : i32
      %dma_wait3A_61 = tpu.memref_slice %arg13[%dma_wait3A_59, %dma_wait3A_60] : memref<104x128xf32, #tpu.memory_space<vmem>> -> memref<104x128xf32, #tpu.memory_space<vmem>>
      %dma_wait3A_62 = arith.constant 0 : i32
      %dma_wait3A_63 = tpu.memref_slice %arg14[%add3A_39, %dma_wait3A_62] : memref<10000x128xf32, #tpu.memory_space<vmem_shared>> -> memref<104x128xf32, #tpu.memory_space<vmem_shared>>
      %dma_wait3A_64 = arith.constant 0 : i32
      %dma_wait3A_65 = arith.constant 0 : i32
      %dma_wait3A_66 = tpu.memref_slice %arg13[%dma_wait3A_64, %dma_wait3A_65] : memref<104x128xf32, #tpu.memory_space<vmem>> -> memref<104x128xf32, #tpu.memory_space<vmem>>
      %dma_wait3A_67 = arith.constant 0 : i32
      %dma_wait3A_68 = tpu.memref_slice %arg14[%add3A_39, %dma_wait3A_67] : memref<10000x128xf32, #tpu.memory_space<vmem_shared>> -> memref<104x128xf32, #tpu.memory_space<vmem_shared>>
      tpu.wait_dma2 semaphore(%run_scoped3A : memref<!tpu.dma_semaphore, #tpu.memory_space<semaphore_mem>>) src(%dma_wait3A_68 : memref<104x128xf32, #tpu.memory_space<vmem_shared>>) dst(%dma_wait3A_66 : memref<104x128xf32, #tpu.memory_space<vmem>>)
      tpu.yield
    }) : () -> ()
    "tpu.region"() ({
      %run_scoped3A = tpu.sem_alloc : memref<!tpu.dma_semaphore, #tpu.memory_space<semaphore_mem>>
      %dma_start3A_49 = arith.constant 0 : i32
      %dma_start3A_50 = arith.constant 0 : i32
      %dma_start3A_51 = tpu.memref_slice %arg13[%dma_start3A_49, %dma_start3A_50] : memref<104x128xf32, #tpu.memory_space<vmem>> -> memref<104x128xf32, #tpu.memory_space<vmem>>
      %dma_start3A_52 = arith.constant 0 : i32
      %dma_start3A_53 = tpu.memref_slice %arg6[%arg0, %add3A_39, %dma_start3A_52] : memref<2x10000x128xf32, #tpu.memory_space<hbm>> -> memref<1x104x128xf32, #tpu.memory_space<hbm>>
      %dma_start3A_54 = tpu.memref_squeeze %dma_start3A_53 : memref<1x104x128xf32, #tpu.memory_space<hbm>> -> memref<104x128xf32, #tpu.memory_space<hbm>>
      %dma_start3A_55 = arith.constant 0 : i32
      %dma_start3A_56 = tpu.memref_slice %arg6[%arg0, %add3A_39, %dma_start3A_55] : memref<2x10000x128xf32, #tpu.memory_space<hbm>> -> memref<1x104x128xf32, #tpu.memory_space<hbm>>
      %dma_start3A_57 = tpu.memref_squeeze %dma_start3A_56 : memref<1x104x128xf32, #tpu.memory_space<hbm>> -> memref<104x128xf32, #tpu.memory_space<hbm>>
      %dma_start3A_58 = arith.constant 0 : i32
      %dma_start3A_59 = arith.constant 0 : i32
      %dma_start3A_60 = tpu.memref_slice %arg13[%dma_start3A_58, %dma_start3A_59] : memref<104x128xf32, #tpu.memory_space<vmem>> -> memref<104x128xf32, #tpu.memory_space<vmem>>
      tpu.enqueue_dma source(%dma_start3A_60 : memref<104x128xf32, #tpu.memory_space<vmem>>) target(%dma_start3A_57 : memref<104x128xf32, #tpu.memory_space<hbm>>) target_semaphore(%run_scoped3A : memref<!tpu.dma_semaphore, #tpu.memory_space<semaphore_mem>>)
      %dma_wait3A_61 = arith.constant 0 : i32
      %dma_wait3A_62 = arith.constant 0 : i32
      %dma_wait3A_63 = tpu.memref_slice %arg13[%dma_wait3A_61, %dma_wait3A_62] : memref<104x128xf32, #tpu.memory_space<vmem>> -> memref<104x128xf32, #tpu.memory_space<vmem>>
      %dma_wait3A_64 = arith.constant 0 : i32
      %dma_wait3A_65 = tpu.memref_slice %arg6[%arg0, %add3A_39, %dma_wait3A_64] : memref<2x10000x128xf32, #tpu.memory_space<hbm>> -> memref<1x104x128xf32, #tpu.memory_space<hbm>>
      %dma_wait3A_66 = tpu.memref_squeeze %dma_wait3A_65 : memref<1x104x128xf32, #tpu.memory_space<hbm>> -> memref<104x128xf32, #tpu.memory_space<hbm>>
      %dma_wait3A_67 = arith.constant 0 : i32
      %dma_wait3A_68 = tpu.memref_slice %arg6[%arg0, %add3A_39, %dma_wait3A_67] : memref<2x10000x128xf32, #tpu.memory_space<hbm>> -> memref<1x104x128xf32, #tpu.memory_space<hbm>>
      %dma_wait3A_69 = tpu.memref_squeeze %dma_wait3A_68 : memref<1x104x128xf32, #tpu.memory_space<hbm>> -> memref<104x128xf32, #tpu.memory_space<hbm>>
      %dma_wait3A_70 = arith.constant 0 : i32
      %dma_wait3A_71 = arith.constant 0 : i32
      %dma_wait3A_72 = tpu.memref_slice %arg13[%dma_wait3A_70, %dma_wait3A_71] : memref<104x128xf32, #tpu.memory_space<vmem>> -> memref<104x128xf32, #tpu.memory_space<vmem>>
      tpu.wait_dma2 semaphore(%run_scoped3A : memref<!tpu.dma_semaphore, #tpu.memory_space<semaphore_mem>>) src(%dma_wait3A_72 : memref<104x128xf32, #tpu.memory_space<vmem>>) dst(%dma_wait3A_69 : memref<104x128xf32, #tpu.memory_space<hbm>>)
      tpu.yield
    }) : () -> ()
    %add3A_40 = arith.constant 312 : i32
    %add3A_41 = arith.addi %mul3A_2, %add3A_40 : i32
    "tpu.region"() ({
      %run_scoped3A = tpu.sem_alloc : memref<!tpu.dma_semaphore, #tpu.memory_space<semaphore_mem>>
      %dma_start3A_49 = arith.constant 0 : i32
      %dma_start3A_50 = arith.constant 0 : i32
      %dma_start3A_51 = tpu.memref_slice %arg13[%dma_start3A_49, %dma_start3A_50] : memref<104x128xf32, #tpu.memory_space<vmem>> -> memref<104x128xf32, #tpu.memory_space<vmem>>
      %dma_start3A_52 = arith.constant 0 : i32
      %dma_start3A_53 = tpu.memref_slice %arg14[%add3A_41, %dma_start3A_52] : memref<10000x128xf32, #tpu.memory_space<vmem_shared>> -> memref<104x128xf32, #tpu.memory_space<vmem_shared>>
      %dma_start3A_54 = arith.constant 0 : i32
      %dma_start3A_55 = arith.constant 0 : i32
      %dma_start3A_56 = tpu.memref_slice %arg13[%dma_start3A_54, %dma_start3A_55] : memref<104x128xf32, #tpu.memory_space<vmem>> -> memref<104x128xf32, #tpu.memory_space<vmem>>
      %dma_start3A_57 = arith.constant 0 : i32
      %dma_start3A_58 = tpu.memref_slice %arg14[%add3A_41, %dma_start3A_57] : memref<10000x128xf32, #tpu.memory_space<vmem_shared>> -> memref<104x128xf32, #tpu.memory_space<vmem_shared>>
      tpu.enqueue_dma source(%dma_start3A_58 : memref<104x128xf32, #tpu.memory_space<vmem_shared>>) target(%dma_start3A_56 : memref<104x128xf32, #tpu.memory_space<vmem>>) target_semaphore(%run_scoped3A : memref<!tpu.dma_semaphore, #tpu.memory_space<semaphore_mem>>)
      %dma_wait3A_59 = arith.constant 0 : i32
      %dma_wait3A_60 = arith.constant 0 : i32
      %dma_wait3A_61 = tpu.memref_slice %arg13[%dma_wait3A_59, %dma_wait3A_60] : memref<104x128xf32, #tpu.memory_space<vmem>> -> memref<104x128xf32, #tpu.memory_space<vmem>>
      %dma_wait3A_62 = arith.constant 0 : i32
      %dma_wait3A_63 = tpu.memref_slice %arg14[%add3A_41, %dma_wait3A_62] : memref<10000x128xf32, #tpu.memory_space<vmem_shared>> -> memref<104x128xf32, #tpu.memory_space<vmem_shared>>
      %dma_wait3A_64 = arith.constant 0 : i32
      %dma_wait3A_65 = arith.constant 0 : i32
      %dma_wait3A_66 = tpu.memref_slice %arg13[%dma_wait3A_64, %dma_wait3A_65] : memref<104x128xf32, #tpu.memory_space<vmem>> -> memref<104x128xf32, #tpu.memory_space<vmem>>
      %dma_wait3A_67 = arith.constant 0 : i32
      %dma_wait3A_68 = tpu.memref_slice %arg14[%add3A_41, %dma_wait3A_67] : memref<10000x128xf32, #tpu.memory_space<vmem_shared>> -> memref<104x128xf32, #tpu.memory_space<vmem_shared>>
      tpu.wait_dma2 semaphore(%run_scoped3A : memref<!tpu.dma_semaphore, #tpu.memory_space<semaphore_mem>>) src(%dma_wait3A_68 : memref<104x128xf32, #tpu.memory_space<vmem_shared>>) dst(%dma_wait3A_66 : memref<104x128xf32, #tpu.memory_space<vmem>>)
      tpu.yield
    }) : () -> ()
    "tpu.region"() ({
      %run_scoped3A = tpu.sem_alloc : memref<!tpu.dma_semaphore, #tpu.memory_space<semaphore_mem>>
      %dma_start3A_49 = arith.constant 0 : i32
      %dma_start3A_50 = arith.constant 0 : i32
      %dma_start3A_51 = tpu.memref_slice %arg13[%dma_start3A_49, %dma_start3A_50] : memref<104x128xf32, #tpu.memory_space<vmem>> -> memref<104x128xf32, #tpu.memory_space<vmem>>
      %dma_start3A_52 = arith.constant 0 : i32
      %dma_start3A_53 = tpu.memref_slice %arg6[%arg0, %add3A_41, %dma_start3A_52] : memref<2x10000x128xf32, #tpu.memory_space<hbm>> -> memref<1x104x128xf32, #tpu.memory_space<hbm>>
      %dma_start3A_54 = tpu.memref_squeeze %dma_start3A_53 : memref<1x104x128xf32, #tpu.memory_space<hbm>> -> memref<104x128xf32, #tpu.memory_space<hbm>>
      %dma_start3A_55 = arith.constant 0 : i32
      %dma_start3A_56 = tpu.memref_slice %arg6[%arg0, %add3A_41, %dma_start3A_55] : memref<2x10000x128xf32, #tpu.memory_space<hbm>> -> memref<1x104x128xf32, #tpu.memory_space<hbm>>
      %dma_start3A_57 = tpu.memref_squeeze %dma_start3A_56 : memref<1x104x128xf32, #tpu.memory_space<hbm>> -> memref<104x128xf32, #tpu.memory_space<hbm>>
      %dma_start3A_58 = arith.constant 0 : i32
      %dma_start3A_59 = arith.constant 0 : i32
      %dma_start3A_60 = tpu.memref_slice %arg13[%dma_start3A_58, %dma_start3A_59] : memref<104x128xf32, #tpu.memory_space<vmem>> -> memref<104x128xf32, #tpu.memory_space<vmem>>
      tpu.enqueue_dma source(%dma_start3A_60 : memref<104x128xf32, #tpu.memory_space<vmem>>) target(%dma_start3A_57 : memref<104x128xf32, #tpu.memory_space<hbm>>) target_semaphore(%run_scoped3A : memref<!tpu.dma_semaphore, #tpu.memory_space<semaphore_mem>>)
      %dma_wait3A_61 = arith.constant 0 : i32
      %dma_wait3A_62 = arith.constant 0 : i32
      %dma_wait3A_63 = tpu.memref_slice %arg13[%dma_wait3A_61, %dma_wait3A_62] : memref<104x128xf32, #tpu.memory_space<vmem>> -> memref<104x128xf32, #tpu.memory_space<vmem>>
      %dma_wait3A_64 = arith.constant 0 : i32
      %dma_wait3A_65 = tpu.memref_slice %arg6[%arg0, %add3A_41, %dma_wait3A_64] : memref<2x10000x128xf32, #tpu.memory_space<hbm>> -> memref<1x104x128xf32, #tpu.memory_space<hbm>>
      %dma_wait3A_66 = tpu.memref_squeeze %dma_wait3A_65 : memref<1x104x128xf32, #tpu.memory_space<hbm>> -> memref<104x128xf32, #tpu.memory_space<hbm>>
      %dma_wait3A_67 = arith.constant 0 : i32
      %dma_wait3A_68 = tpu.memref_slice %arg6[%arg0, %add3A_41, %dma_wait3A_67] : memref<2x10000x128xf32, #tpu.memory_space<hbm>> -> memref<1x104x128xf32, #tpu.memory_space<hbm>>
      %dma_wait3A_69 = tpu.memref_squeeze %dma_wait3A_68 : memref<1x104x128xf32, #tpu.memory_space<hbm>> -> memref<104x128xf32, #tpu.memory_space<hbm>>
      %dma_wait3A_70 = arith.constant 0 : i32
      %dma_wait3A_71 = arith.constant 0 : i32
      %dma_wait3A_72 = tpu.memref_slice %arg13[%dma_wait3A_70, %dma_wait3A_71] : memref<104x128xf32, #tpu.memory_space<vmem>> -> memref<104x128xf32, #tpu.memory_space<vmem>>
      tpu.wait_dma2 semaphore(%run_scoped3A : memref<!tpu.dma_semaphore, #tpu.memory_space<semaphore_mem>>) src(%dma_wait3A_72 : memref<104x128xf32, #tpu.memory_space<vmem>>) dst(%dma_wait3A_69 : memref<104x128xf32, #tpu.memory_space<hbm>>)
      tpu.yield
    }) : () -> ()
    %add3A_42 = arith.constant 416 : i32
    %add3A_43 = arith.addi %mul3A_2, %add3A_42 : i32
    "tpu.region"() ({
      %run_scoped3A = tpu.sem_alloc : memref<!tpu.dma_semaphore, #tpu.memory_space<semaphore_mem>>
      %dma_start3A_49 = arith.constant 0 : i32
      %dma_start3A_50 = arith.constant 0 : i32
      %dma_start3A_51 = tpu.memref_slice %arg13[%dma_start3A_49, %dma_start3A_50] : memref<104x128xf32, #tpu.memory_space<vmem>> -> memref<104x128xf32, #tpu.memory_space<vmem>>
      %dma_start3A_52 = arith.constant 0 : i32
      %dma_start3A_53 = tpu.memref_slice %arg14[%add3A_43, %dma_start3A_52] : memref<10000x128xf32, #tpu.memory_space<vmem_shared>> -> memref<104x128xf32, #tpu.memory_space<vmem_shared>>
      %dma_start3A_54 = arith.constant 0 : i32
      %dma_start3A_55 = arith.constant 0 : i32
      %dma_start3A_56 = tpu.memref_slice %arg13[%dma_start3A_54, %dma_start3A_55] : memref<104x128xf32, #tpu.memory_space<vmem>> -> memref<104x128xf32, #tpu.memory_space<vmem>>
      %dma_start3A_57 = arith.constant 0 : i32
      %dma_start3A_58 = tpu.memref_slice %arg14[%add3A_43, %dma_start3A_57] : memref<10000x128xf32, #tpu.memory_space<vmem_shared>> -> memref<104x128xf32, #tpu.memory_space<vmem_shared>>
      tpu.enqueue_dma source(%dma_start3A_58 : memref<104x128xf32, #tpu.memory_space<vmem_shared>>) target(%dma_start3A_56 : memref<104x128xf32, #tpu.memory_space<vmem>>) target_semaphore(%run_scoped3A : memref<!tpu.dma_semaphore, #tpu.memory_space<semaphore_mem>>)
      %dma_wait3A_59 = arith.constant 0 : i32
      %dma_wait3A_60 = arith.constant 0 : i32
      %dma_wait3A_61 = tpu.memref_slice %arg13[%dma_wait3A_59, %dma_wait3A_60] : memref<104x128xf32, #tpu.memory_space<vmem>> -> memref<104x128xf32, #tpu.memory_space<vmem>>
      %dma_wait3A_62 = arith.constant 0 : i32
      %dma_wait3A_63 = tpu.memref_slice %arg14[%add3A_43, %dma_wait3A_62] : memref<10000x128xf32, #tpu.memory_space<vmem_shared>> -> memref<104x128xf32, #tpu.memory_space<vmem_shared>>
      %dma_wait3A_64 = arith.constant 0 : i32
      %dma_wait3A_65 = arith.constant 0 : i32
      %dma_wait3A_66 = tpu.memref_slice %arg13[%dma_wait3A_64, %dma_wait3A_65] : memref<104x128xf32, #tpu.memory_space<vmem>> -> memref<104x128xf32, #tpu.memory_space<vmem>>
      %dma_wait3A_67 = arith.constant 0 : i32
      %dma_wait3A_68 = tpu.memref_slice %arg14[%add3A_43, %dma_wait3A_67] : memref<10000x128xf32, #tpu.memory_space<vmem_shared>> -> memref<104x128xf32, #tpu.memory_space<vmem_shared>>
      tpu.wait_dma2 semaphore(%run_scoped3A : memref<!tpu.dma_semaphore, #tpu.memory_space<semaphore_mem>>) src(%dma_wait3A_68 : memref<104x128xf32, #tpu.memory_space<vmem_shared>>) dst(%dma_wait3A_66 : memref<104x128xf32, #tpu.memory_space<vmem>>)
      tpu.yield
    }) : () -> ()
    "tpu.region"() ({
      %run_scoped3A = tpu.sem_alloc : memref<!tpu.dma_semaphore, #tpu.memory_space<semaphore_mem>>
      %dma_start3A_49 = arith.constant 0 : i32
      %dma_start3A_50 = arith.constant 0 : i32
      %dma_start3A_51 = tpu.memref_slice %arg13[%dma_start3A_49, %dma_start3A_50] : memref<104x128xf32, #tpu.memory_space<vmem>> -> memref<104x128xf32, #tpu.memory_space<vmem>>
      %dma_start3A_52 = arith.constant 0 : i32
      %dma_start3A_53 = tpu.memref_slice %arg6[%arg0, %add3A_43, %dma_start3A_52] : memref<2x10000x128xf32, #tpu.memory_space<hbm>> -> memref<1x104x128xf32, #tpu.memory_space<hbm>>
      %dma_start3A_54 = tpu.memref_squeeze %dma_start3A_53 : memref<1x104x128xf32, #tpu.memory_space<hbm>> -> memref<104x128xf32, #tpu.memory_space<hbm>>
      %dma_start3A_55 = arith.constant 0 : i32
      %dma_start3A_56 = tpu.memref_slice %arg6[%arg0, %add3A_43, %dma_start3A_55] : memref<2x10000x128xf32, #tpu.memory_space<hbm>> -> memref<1x104x128xf32, #tpu.memory_space<hbm>>
      %dma_start3A_57 = tpu.memref_squeeze %dma_start3A_56 : memref<1x104x128xf32, #tpu.memory_space<hbm>> -> memref<104x128xf32, #tpu.memory_space<hbm>>
      %dma_start3A_58 = arith.constant 0 : i32
      %dma_start3A_59 = arith.constant 0 : i32
      %dma_start3A_60 = tpu.memref_slice %arg13[%dma_start3A_58, %dma_start3A_59] : memref<104x128xf32, #tpu.memory_space<vmem>> -> memref<104x128xf32, #tpu.memory_space<vmem>>
      tpu.enqueue_dma source(%dma_start3A_60 : memref<104x128xf32, #tpu.memory_space<vmem>>) target(%dma_start3A_57 : memref<104x128xf32, #tpu.memory_space<hbm>>) target_semaphore(%run_scoped3A : memref<!tpu.dma_semaphore, #tpu.memory_space<semaphore_mem>>)
      %dma_wait3A_61 = arith.constant 0 : i32
      %dma_wait3A_62 = arith.constant 0 : i32
      %dma_wait3A_63 = tpu.memref_slice %arg13[%dma_wait3A_61, %dma_wait3A_62] : memref<104x128xf32, #tpu.memory_space<vmem>> -> memref<104x128xf32, #tpu.memory_space<vmem>>
      %dma_wait3A_64 = arith.constant 0 : i32
      %dma_wait3A_65 = tpu.memref_slice %arg6[%arg0, %add3A_43, %dma_wait3A_64] : memref<2x10000x128xf32, #tpu.memory_space<hbm>> -> memref<1x104x128xf32, #tpu.memory_space<hbm>>
      %dma_wait3A_66 = tpu.memref_squeeze %dma_wait3A_65 : memref<1x104x128xf32, #tpu.memory_space<hbm>> -> memref<104x128xf32, #tpu.memory_space<hbm>>
      %dma_wait3A_67 = arith.constant 0 : i32
      %dma_wait3A_68 = tpu.memref_slice %arg6[%arg0, %add3A_43, %dma_wait3A_67] : memref<2x10000x128xf32, #tpu.memory_space<hbm>> -> memref<1x104x128xf32, #tpu.memory_space<hbm>>
      %dma_wait3A_69 = tpu.memref_squeeze %dma_wait3A_68 : memref<1x104x128xf32, #tpu.memory_space<hbm>> -> memref<104x128xf32, #tpu.memory_space<hbm>>
      %dma_wait3A_70 = arith.constant 0 : i32
      %dma_wait3A_71 = arith.constant 0 : i32
      %dma_wait3A_72 = tpu.memref_slice %arg13[%dma_wait3A_70, %dma_wait3A_71] : memref<104x128xf32, #tpu.memory_space<vmem>> -> memref<104x128xf32, #tpu.memory_space<vmem>>
      tpu.wait_dma2 semaphore(%run_scoped3A : memref<!tpu.dma_semaphore, #tpu.memory_space<semaphore_mem>>) src(%dma_wait3A_72 : memref<104x128xf32, #tpu.memory_space<vmem>>) dst(%dma_wait3A_69 : memref<104x128xf32, #tpu.memory_space<hbm>>)
      tpu.yield
    }) : () -> ()
    %add3A_44 = arith.constant 520 : i32
    %add3A_45 = arith.addi %mul3A_2, %add3A_44 : i32
    "tpu.region"() ({
      %run_scoped3A = tpu.sem_alloc : memref<!tpu.dma_semaphore, #tpu.memory_space<semaphore_mem>>
      %dma_start3A_49 = arith.constant 0 : i32
      %dma_start3A_50 = arith.constant 0 : i32
      %dma_start3A_51 = tpu.memref_slice %arg13[%dma_start3A_49, %dma_start3A_50] : memref<104x128xf32, #tpu.memory_space<vmem>> -> memref<104x128xf32, #tpu.memory_space<vmem>>
      %dma_start3A_52 = arith.constant 0 : i32
      %dma_start3A_53 = tpu.memref_slice %arg14[%add3A_45, %dma_start3A_52] : memref<10000x128xf32, #tpu.memory_space<vmem_shared>> -> memref<104x128xf32, #tpu.memory_space<vmem_shared>>
      %dma_start3A_54 = arith.constant 0 : i32
      %dma_start3A_55 = arith.constant 0 : i32
      %dma_start3A_56 = tpu.memref_slice %arg13[%dma_start3A_54, %dma_start3A_55] : memref<104x128xf32, #tpu.memory_space<vmem>> -> memref<104x128xf32, #tpu.memory_space<vmem>>
      %dma_start3A_57 = arith.constant 0 : i32
      %dma_start3A_58 = tpu.memref_slice %arg14[%add3A_45, %dma_start3A_57] : memref<10000x128xf32, #tpu.memory_space<vmem_shared>> -> memref<104x128xf32, #tpu.memory_space<vmem_shared>>
      tpu.enqueue_dma source(%dma_start3A_58 : memref<104x128xf32, #tpu.memory_space<vmem_shared>>) target(%dma_start3A_56 : memref<104x128xf32, #tpu.memory_space<vmem>>) target_semaphore(%run_scoped3A : memref<!tpu.dma_semaphore, #tpu.memory_space<semaphore_mem>>)
      %dma_wait3A_59 = arith.constant 0 : i32
      %dma_wait3A_60 = arith.constant 0 : i32
      %dma_wait3A_61 = tpu.memref_slice %arg13[%dma_wait3A_59, %dma_wait3A_60] : memref<104x128xf32, #tpu.memory_space<vmem>> -> memref<104x128xf32, #tpu.memory_space<vmem>>
      %dma_wait3A_62 = arith.constant 0 : i32
      %dma_wait3A_63 = tpu.memref_slice %arg14[%add3A_45, %dma_wait3A_62] : memref<10000x128xf32, #tpu.memory_space<vmem_shared>> -> memref<104x128xf32, #tpu.memory_space<vmem_shared>>
      %dma_wait3A_64 = arith.constant 0 : i32
      %dma_wait3A_65 = arith.constant 0 : i32
      %dma_wait3A_66 = tpu.memref_slice %arg13[%dma_wait3A_64, %dma_wait3A_65] : memref<104x128xf32, #tpu.memory_space<vmem>> -> memref<104x128xf32, #tpu.memory_space<vmem>>
      %dma_wait3A_67 = arith.constant 0 : i32
      %dma_wait3A_68 = tpu.memref_slice %arg14[%add3A_45, %dma_wait3A_67] : memref<10000x128xf32, #tpu.memory_space<vmem_shared>> -> memref<104x128xf32, #tpu.memory_space<vmem_shared>>
      tpu.wait_dma2 semaphore(%run_scoped3A : memref<!tpu.dma_semaphore, #tpu.memory_space<semaphore_mem>>) src(%dma_wait3A_68 : memref<104x128xf32, #tpu.memory_space<vmem_shared>>) dst(%dma_wait3A_66 : memref<104x128xf32, #tpu.memory_space<vmem>>)
      tpu.yield
    }) : () -> ()
    "tpu.region"() ({
      %run_scoped3A = tpu.sem_alloc : memref<!tpu.dma_semaphore, #tpu.memory_space<semaphore_mem>>
      %dma_start3A_49 = arith.constant 0 : i32
      %dma_start3A_50 = arith.constant 0 : i32
      %dma_start3A_51 = tpu.memref_slice %arg13[%dma_start3A_49, %dma_start3A_50] : memref<104x128xf32, #tpu.memory_space<vmem>> -> memref<104x128xf32, #tpu.memory_space<vmem>>
      %dma_start3A_52 = arith.constant 0 : i32
      %dma_start3A_53 = tpu.memref_slice %arg6[%arg0, %add3A_45, %dma_start3A_52] : memref<2x10000x128xf32, #tpu.memory_space<hbm>> -> memref<1x104x128xf32, #tpu.memory_space<hbm>>
      %dma_start3A_54 = tpu.memref_squeeze %dma_start3A_53 : memref<1x104x128xf32, #tpu.memory_space<hbm>> -> memref<104x128xf32, #tpu.memory_space<hbm>>
      %dma_start3A_55 = arith.constant 0 : i32
      %dma_start3A_56 = tpu.memref_slice %arg6[%arg0, %add3A_45, %dma_start3A_55] : memref<2x10000x128xf32, #tpu.memory_space<hbm>> -> memref<1x104x128xf32, #tpu.memory_space<hbm>>
      %dma_start3A_57 = tpu.memref_squeeze %dma_start3A_56 : memref<1x104x128xf32, #tpu.memory_space<hbm>> -> memref<104x128xf32, #tpu.memory_space<hbm>>
      %dma_start3A_58 = arith.constant 0 : i32
      %dma_start3A_59 = arith.constant 0 : i32
      %dma_start3A_60 = tpu.memref_slice %arg13[%dma_start3A_58, %dma_start3A_59] : memref<104x128xf32, #tpu.memory_space<vmem>> -> memref<104x128xf32, #tpu.memory_space<vmem>>
      tpu.enqueue_dma source(%dma_start3A_60 : memref<104x128xf32, #tpu.memory_space<vmem>>) target(%dma_start3A_57 : memref<104x128xf32, #tpu.memory_space<hbm>>) target_semaphore(%run_scoped3A : memref<!tpu.dma_semaphore, #tpu.memory_space<semaphore_mem>>)
      %dma_wait3A_61 = arith.constant 0 : i32
      %dma_wait3A_62 = arith.constant 0 : i32
      %dma_wait3A_63 = tpu.memref_slice %arg13[%dma_wait3A_61, %dma_wait3A_62] : memref<104x128xf32, #tpu.memory_space<vmem>> -> memref<104x128xf32, #tpu.memory_space<vmem>>
      %dma_wait3A_64 = arith.constant 0 : i32
      %dma_wait3A_65 = tpu.memref_slice %arg6[%arg0, %add3A_45, %dma_wait3A_64] : memref<2x10000x128xf32, #tpu.memory_space<hbm>> -> memref<1x104x128xf32, #tpu.memory_space<hbm>>
      %dma_wait3A_66 = tpu.memref_squeeze %dma_wait3A_65 : memref<1x104x128xf32, #tpu.memory_space<hbm>> -> memref<104x128xf32, #tpu.memory_space<hbm>>
      %dma_wait3A_67 = arith.constant 0 : i32
      %dma_wait3A_68 = tpu.memref_slice %arg6[%arg0, %add3A_45, %dma_wait3A_67] : memref<2x10000x128xf32, #tpu.memory_space<hbm>> -> memref<1x104x128xf32, #tpu.memory_space<hbm>>
      %dma_wait3A_69 = tpu.memref_squeeze %dma_wait3A_68 : memref<1x104x128xf32, #tpu.memory_space<hbm>> -> memref<104x128xf32, #tpu.memory_space<hbm>>
      %dma_wait3A_70 = arith.constant 0 : i32
      %dma_wait3A_71 = arith.constant 0 : i32
      %dma_wait3A_72 = tpu.memref_slice %arg13[%dma_wait3A_70, %dma_wait3A_71] : memref<104x128xf32, #tpu.memory_space<vmem>> -> memref<104x128xf32, #tpu.memory_space<vmem>>
      tpu.wait_dma2 semaphore(%run_scoped3A : memref<!tpu.dma_semaphore, #tpu.memory_space<semaphore_mem>>) src(%dma_wait3A_72 : memref<104x128xf32, #tpu.memory_space<vmem>>) dst(%dma_wait3A_69 : memref<104x128xf32, #tpu.memory_space<hbm>>)
      tpu.yield
    }) : () -> ()
    %convert_element_type3A_46 = arith.extui %eq3A_3 : i1 to i32
    %cond3A_47 = arith.constant 0 : i32
    %cond3A_48 = arith.cmpi ne, %convert_element_type3A_46, %cond3A_47 : i32
    scf.if %cond3A_48 {
      "tpu.region"() ({
        %run_scoped3A = tpu.sem_alloc : memref<!tpu.dma_semaphore, #tpu.memory_space<semaphore_mem>>
        %dma_start3A_49 = arith.constant 0 : i32
        %dma_start3A_50 = arith.constant 0 : i32
        %dma_start3A_51 = tpu.memref_slice %arg13[%dma_start3A_49, %dma_start3A_50] : memref<104x128xf32, #tpu.memory_space<vmem>> -> memref<16x128xf32, #tpu.memory_space<vmem>>
        %dma_start3A_52 = arith.constant 9984 : i32
        %dma_start3A_53 = arith.constant 0 : i32
        %dma_start3A_54 = tpu.memref_slice %arg14[%dma_start3A_52, %dma_start3A_53] : memref<10000x128xf32, #tpu.memory_space<vmem_shared>> -> memref<16x128xf32, #tpu.memory_space<vmem_shared>>
        %dma_start3A_55 = arith.constant 0 : i32
        %dma_start3A_56 = arith.constant 0 : i32
        %dma_start3A_57 = tpu.memref_slice %arg13[%dma_start3A_55, %dma_start3A_56] : memref<104x128xf32, #tpu.memory_space<vmem>> -> memref<16x128xf32, #tpu.memory_space<vmem>>
        %dma_start3A_58 = arith.constant 9984 : i32
        %dma_start3A_59 = arith.constant 0 : i32
        %dma_start3A_60 = tpu.memref_slice %arg14[%dma_start3A_58, %dma_start3A_59] : memref<10000x128xf32, #tpu.memory_space<vmem_shared>> -> memref<16x128xf32, #tpu.memory_space<vmem_shared>>
        tpu.enqueue_dma source(%dma_start3A_60 : memref<16x128xf32, #tpu.memory_space<vmem_shared>>) target(%dma_start3A_57 : memref<16x128xf32, #tpu.memory_space<vmem>>) target_semaphore(%run_scoped3A : memref<!tpu.dma_semaphore, #tpu.memory_space<semaphore_mem>>)
        %dma_wait3A_61 = arith.constant 0 : i32
        %dma_wait3A_62 = arith.constant 0 : i32
        %dma_wait3A_63 = tpu.memref_slice %arg13[%dma_wait3A_61, %dma_wait3A_62] : memref<104x128xf32, #tpu.memory_space<vmem>> -> memref<16x128xf32, #tpu.memory_space<vmem>>
        %dma_wait3A_64 = arith.constant 9984 : i32
        %dma_wait3A_65 = arith.constant 0 : i32
        %dma_wait3A_66 = tpu.memref_slice %arg14[%dma_wait3A_64, %dma_wait3A_65] : memref<10000x128xf32, #tpu.memory_space<vmem_shared>> -> memref<16x128xf32, #tpu.memory_space<vmem_shared>>
        %dma_wait3A_67 = arith.constant 0 : i32
        %dma_wait3A_68 = arith.constant 0 : i32
        %dma_wait3A_69 = tpu.memref_slice %arg13[%dma_wait3A_67, %dma_wait3A_68] : memref<104x128xf32, #tpu.memory_space<vmem>> -> memref<16x128xf32, #tpu.memory_space<vmem>>
        %dma_wait3A_70 = arith.constant 9984 : i32
        %dma_wait3A_71 = arith.constant 0 : i32
        %dma_wait3A_72 = tpu.memref_slice %arg14[%dma_wait3A_70, %dma_wait3A_71] : memref<10000x128xf32, #tpu.memory_space<vmem_shared>> -> memref<16x128xf32, #tpu.memory_space<vmem_shared>>
        tpu.wait_dma2 semaphore(%run_scoped3A : memref<!tpu.dma_semaphore, #tpu.memory_space<semaphore_mem>>) src(%dma_wait3A_72 : memref<16x128xf32, #tpu.memory_space<vmem_shared>>) dst(%dma_wait3A_69 : memref<16x128xf32, #tpu.memory_space<vmem>>)
        tpu.yield
      }) : () -> ()
      "tpu.region"() ({
        %run_scoped3A = tpu.sem_alloc : memref<!tpu.dma_semaphore, #tpu.memory_space<semaphore_mem>>
        %dma_start3A_49 = arith.constant 0 : i32
        %dma_start3A_50 = arith.constant 0 : i32
        %dma_start3A_51 = tpu.memref_slice %arg13[%dma_start3A_49, %dma_start3A_50] : memref<104x128xf32, #tpu.memory_space<vmem>> -> memref<16x128xf32, #tpu.memory_space<vmem>>
        %dma_start3A_52 = arith.constant 9984 : i32
        %dma_start3A_53 = arith.constant 0 : i32
        %dma_start3A_54 = tpu.memref_slice %arg6[%arg0, %dma_start3A_52, %dma_start3A_53] : memref<2x10000x128xf32, #tpu.memory_space<hbm>> -> memref<1x16x128xf32, #tpu.memory_space<hbm>>
        %dma_start3A_55 = tpu.memref_squeeze %dma_start3A_54 : memref<1x16x128xf32, #tpu.memory_space<hbm>> -> memref<16x128xf32, #tpu.memory_space<hbm>>
        %dma_start3A_56 = arith.constant 9984 : i32
        %dma_start3A_57 = arith.constant 0 : i32
        %dma_start3A_58 = tpu.memref_slice %arg6[%arg0, %dma_start3A_56, %dma_start3A_57] : memref<2x10000x128xf32, #tpu.memory_space<hbm>> -> memref<1x16x128xf32, #tpu.memory_space<hbm>>
        %dma_start3A_59 = tpu.memref_squeeze %dma_start3A_58 : memref<1x16x128xf32, #tpu.memory_space<hbm>> -> memref<16x128xf32, #tpu.memory_space<hbm>>
        %dma_start3A_60 = arith.constant 0 : i32
        %dma_start3A_61 = arith.constant 0 : i32
        %dma_start3A_62 = tpu.memref_slice %arg13[%dma_start3A_60, %dma_start3A_61] : memref<104x128xf32, #tpu.memory_space<vmem>> -> memref<16x128xf32, #tpu.memory_space<vmem>>
        tpu.enqueue_dma source(%dma_start3A_62 : memref<16x128xf32, #tpu.memory_space<vmem>>) target(%dma_start3A_59 : memref<16x128xf32, #tpu.memory_space<hbm>>) target_semaphore(%run_scoped3A : memref<!tpu.dma_semaphore, #tpu.memory_space<semaphore_mem>>)
        %dma_wait3A_63 = arith.constant 0 : i32
        %dma_wait3A_64 = arith.constant 0 : i32
        %dma_wait3A_65 = tpu.memref_slice %arg13[%dma_wait3A_63, %dma_wait3A_64] : memref<104x128xf32, #tpu.memory_space<vmem>> -> memref<16x128xf32, #tpu.memory_space<vmem>>
        %dma_wait3A_66 = arith.constant 9984 : i32
        %dma_wait3A_67 = arith.constant 0 : i32
        %dma_wait3A_68 = tpu.memref_slice %arg6[%arg0, %dma_wait3A_66, %dma_wait3A_67] : memref<2x10000x128xf32, #tpu.memory_space<hbm>> -> memref<1x16x128xf32, #tpu.memory_space<hbm>>
        %dma_wait3A_69 = tpu.memref_squeeze %dma_wait3A_68 : memref<1x16x128xf32, #tpu.memory_space<hbm>> -> memref<16x128xf32, #tpu.memory_space<hbm>>
        %dma_wait3A_70 = arith.constant 9984 : i32
        %dma_wait3A_71 = arith.constant 0 : i32
        %dma_wait3A_72 = tpu.memref_slice %arg6[%arg0, %dma_wait3A_70, %dma_wait3A_71] : memref<2x10000x128xf32, #tpu.memory_space<hbm>> -> memref<1x16x128xf32, #tpu.memory_space<hbm>>
        %dma_wait3A_73 = tpu.memref_squeeze %dma_wait3A_72 : memref<1x16x128xf32, #tpu.memory_space<hbm>> -> memref<16x128xf32, #tpu.memory_space<hbm>>
        %dma_wait3A_74 = arith.constant 0 : i32
        %dma_wait3A_75 = arith.constant 0 : i32
        %dma_wait3A_76 = tpu.memref_slice %arg13[%dma_wait3A_74, %dma_wait3A_75] : memref<104x128xf32, #tpu.memory_space<vmem>> -> memref<16x128xf32, #tpu.memory_space<vmem>>
        tpu.wait_dma2 semaphore(%run_scoped3A : memref<!tpu.dma_semaphore, #tpu.memory_space<semaphore_mem>>) src(%dma_wait3A_76 : memref<16x128xf32, #tpu.memory_space<vmem>>) dst(%dma_wait3A_73 : memref<16x128xf32, #tpu.memory_space<hbm>>)
        tpu.yield
      }) : () -> ()
    } else {
    }
    return
  }
}

module attributes {stable_mosaic.version = 14 : i64} {
  func.func @_dense_body(%arg0: i32, %arg1: memref<400x128xf32, #tpu.memory_space<vmem>>, %arg2: memref<400x128xf32, #tpu.memory_space<vmem>>, %arg3: memref<400x128xf32, #tpu.memory_space<vmem>>, %arg4: memref<400x128xf32, #tpu.memory_space<vmem>>, %arg5: memref<400x128xf32, #tpu.memory_space<vmem>>, %arg6: memref<128x128xf32, #tpu.memory_space<vmem>>, %arg7: memref<128x128xf32, #tpu.memory_space<vmem>>, %arg8: memref<1x128xf32, #tpu.memory_space<vmem>>, %arg9: memref<400x128xf32, #tpu.memory_space<vmem>>) attributes {dimension_semantics = [#tpu.dimension_semantics<arbitrary>], iteration_bounds = array<i64: 25>, scalar_prefetch = 0 : i64, scratch_operands = 0 : i64, tpu.core_type = #tpu.core_type<tc>, window_params = [{transform_indices = @transform_0, window_bounds = array<i64: 400, 128>}, {transform_indices = @transform_1, window_bounds = array<i64: 400, 128>}, {transform_indices = @transform_2, window_bounds = array<i64: 400, 128>}, {transform_indices = @transform_3, window_bounds = array<i64: 400, 128>}, {transform_indices = @transform_4, window_bounds = array<i64: 400, 128>}, {pipeline_mode = #tpu.pipeline_mode<synchronous>, transform_indices = @transform_5, window_bounds = array<i64: 128, 128>}, {pipeline_mode = #tpu.pipeline_mode<synchronous>, transform_indices = @transform_6, window_bounds = array<i64: 128, 128>}, {pipeline_mode = #tpu.pipeline_mode<synchronous>, transform_indices = @transform_7, window_bounds = array<i64: 1, 128>}, {transform_indices = @transform_8, window_bounds = array<i64: 400, 128>}]} {
    %get3A = arith.constant 0 : index
    %get3A_0 = arith.constant 0 : index
    %get3A_1 = vector.load %arg4[%get3A, %get3A_0] : memref<400x128xf32, #tpu.memory_space<vmem>>, vector<400x1xf32>
    %get3A_2 = arith.constant 0 : index
    %get3A_3 = arith.constant 0 : index
    %get3A_4 = vector.load %arg5[%get3A_2, %get3A_3] : memref<400x128xf32, #tpu.memory_space<vmem>>, vector<400x1xf32>
    %add3A = arith.addf %get3A_1, %get3A_4 : vector<400x1xf32>
    %get3A_5 = arith.constant 0 : index
    %get3A_6 = arith.constant 0 : index
    %get3A_7 = vector.load %arg2[%get3A_5, %get3A_6] : memref<400x128xf32, #tpu.memory_space<vmem>>, vector<400x128xf32>
    %get3A_8 = arith.constant 0 : index
    %get3A_9 = arith.constant 0 : index
    %get3A_10 = vector.load %arg3[%get3A_8, %get3A_9] : memref<400x128xf32, #tpu.memory_space<vmem>>, vector<400x128xf32>
    %add3A_11 = arith.addf %get3A_7, %get3A_10 : vector<400x128xf32>
    %max3A = arith.constant 1.000000e+00 : f32
    %max3A_12 = vector.broadcast %max3A : f32 to vector<400x1xf32>
    %max3A_13 = arith.maximumf %add3A, %max3A_12 : vector<400x1xf32>
    %div3A = vector.broadcast %max3A_13 : vector<400x1xf32> to vector<400x128xf32>
    %div3A_14 = arith.divf %add3A_11, %div3A : vector<400x128xf32>
    %get3A_15 = arith.constant 0 : index
    %get3A_16 = arith.constant 0 : index
    %get3A_17 = vector.load %arg1[%get3A_15, %get3A_16] : memref<400x128xf32, #tpu.memory_space<vmem>>, vector<400x128xf32>
    %get3A_18 = arith.constant 0 : index
    %get3A_19 = arith.constant 0 : index
    %get3A_20 = vector.load %arg6[%get3A_18, %get3A_19] : memref<128x128xf32, #tpu.memory_space<vmem>>, vector<128x128xf32>
    %dot_general3A = arith.constant dense<0.000000e+00> : vector<400x128xf32>
    %dot_general3A_21 = tpu.matmul %get3A_17, %get3A_20, %dot_general3A {dimension_numbers = #tpu.dot_dimension_numbers<[1], [0], [0], [1], [0, 0, 1, 1], [], []>, transpose_lhs_hint = false} : vector<400x128xf32>, vector<128x128xf32>, vector<400x128xf32> -> vector<400x128xf32>
    %get3A_22 = arith.constant 0 : index
    %get3A_23 = arith.constant 0 : index
    %get3A_24 = vector.load %arg7[%get3A_22, %get3A_23] : memref<128x128xf32, #tpu.memory_space<vmem>>, vector<128x128xf32>
    %dot_general3A_25 = arith.constant dense<0.000000e+00> : vector<400x128xf32>
    %dot_general3A_26 = tpu.matmul %div3A_14, %get3A_24, %dot_general3A_25 {dimension_numbers = #tpu.dot_dimension_numbers<[1], [0], [0], [1], [0, 0, 1, 1], [], []>, transpose_lhs_hint = false} : vector<400x128xf32>, vector<128x128xf32>, vector<400x128xf32> -> vector<400x128xf32>
    %add3A_27 = arith.addf %dot_general3A_21, %dot_general3A_26 : vector<400x128xf32>
    %get3A_28 = arith.constant 0 : index
    %get3A_29 = arith.constant 0 : index
    %get3A_30 = vector.load %arg8[%get3A_28, %get3A_29] : memref<1x128xf32, #tpu.memory_space<vmem>>, vector<1x128xf32>
    %add3A_31 = vector.broadcast %get3A_30 : vector<1x128xf32> to vector<400x128xf32>
    %add3A_32 = arith.addf %add3A_27, %add3A_31 : vector<400x128xf32>
    %max3A_33 = arith.constant 0.000000e+00 : f32
    %max3A_34 = vector.broadcast %max3A_33 : f32 to vector<400x128xf32>
    %max3A_35 = arith.maximumf %add3A_32, %max3A_34 : vector<400x128xf32>
    %swap3A = arith.constant 0 : index
    %swap3A_36 = arith.constant 0 : index
    %swap3A_37 = vector.load %arg9[%swap3A, %swap3A_36] : memref<400x128xf32, #tpu.memory_space<vmem>>, vector<400x128xf32>
    tpu.vector_store %arg9[%swap3A, %swap3A_36], %max3A_35 {strides = array<i32>} : memref<400x128xf32, #tpu.memory_space<vmem>>, vector<400x128xf32>,
    return
  }
  func.func @transform_0(%arg0: i32) -> (i32, i32) {
    %c0_i32 = arith.constant 0 : i32
    %c0_i32_0 = arith.constant 0 : i32
    return %arg0, %c0_i32 : i32, i32
  }
  func.func @transform_1(%arg0: i32) -> (i32, i32) {
    %c0_i32 = arith.constant 0 : i32
    %c0_i32_0 = arith.constant 0 : i32
    return %arg0, %c0_i32 : i32, i32
  }
  func.func @transform_2(%arg0: i32) -> (i32, i32) {
    %c0_i32 = arith.constant 0 : i32
    %c0_i32_0 = arith.constant 0 : i32
    return %arg0, %c0_i32 : i32, i32
  }
  func.func @transform_3(%arg0: i32) -> (i32, i32) {
    %c0_i32 = arith.constant 0 : i32
    %c0_i32_0 = arith.constant 0 : i32
    return %arg0, %c0_i32 : i32, i32
  }
  func.func @transform_4(%arg0: i32) -> (i32, i32) {
    %c0_i32 = arith.constant 0 : i32
    %c0_i32_0 = arith.constant 0 : i32
    return %arg0, %c0_i32 : i32, i32
  }
  func.func @transform_5(%arg0: i32) -> (i32, i32) {
    %c0_i32 = arith.constant 0 : i32
    %c0_i32_0 = arith.constant 0 : i32
    %c0_i32_1 = arith.constant 0 : i32
    return %c0_i32, %c0_i32_0 : i32, i32
  }
  func.func @transform_6(%arg0: i32) -> (i32, i32) {
    %c0_i32 = arith.constant 0 : i32
    %c0_i32_0 = arith.constant 0 : i32
    %c0_i32_1 = arith.constant 0 : i32
    return %c0_i32, %c0_i32_0 : i32, i32
  }
  func.func @transform_7(%arg0: i32) -> (i32, i32) {
    %c0_i32 = arith.constant 0 : i32
    %c0_i32_0 = arith.constant 0 : i32
    %c0_i32_1 = arith.constant 0 : i32
    return %c0_i32, %c0_i32_0 : i32, i32
  }
  func.func @transform_8(%arg0: i32) -> (i32, i32) {
    %c0_i32 = arith.constant 0 : i32
    %c0_i32_0 = arith.constant 0 : i32
    return %arg0, %c0_i32 : i32, i32
  }
}

module attributes {stable_mosaic.version = 14 : i64} {
  func.func @_dense_body(%arg0: i32, %arg1: memref<400x128xf32, #tpu.memory_space<vmem>>, %arg2: memref<400x128xf32, #tpu.memory_space<vmem>>, %arg3: memref<400x128xf32, #tpu.memory_space<vmem>>, %arg4: memref<400x128xf32, #tpu.memory_space<vmem>>, %arg5: memref<400x128xf32, #tpu.memory_space<vmem>>, %arg6: memref<128x128xf32, #tpu.memory_space<vmem>>, %arg7: memref<128x128xf32, #tpu.memory_space<vmem>>, %arg8: memref<1x128xf32, #tpu.memory_space<vmem>>, %arg9: memref<400x128xf32, #tpu.memory_space<vmem>>) attributes {dimension_semantics = [#tpu.dimension_semantics<arbitrary>], iteration_bounds = array<i64: 25>, scalar_prefetch = 0 : i64, scratch_operands = 0 : i64, tpu.core_type = #tpu.core_type<tc>, window_params = [{transform_indices = @transform_0, window_bounds = array<i64: 400, 128>}, {transform_indices = @transform_1, window_bounds = array<i64: 400, 128>}, {transform_indices = @transform_2, window_bounds = array<i64: 400, 128>}, {transform_indices = @transform_3, window_bounds = array<i64: 400, 128>}, {transform_indices = @transform_4, window_bounds = array<i64: 400, 128>}, {pipeline_mode = #tpu.pipeline_mode<synchronous>, transform_indices = @transform_5, window_bounds = array<i64: 128, 128>}, {pipeline_mode = #tpu.pipeline_mode<synchronous>, transform_indices = @transform_6, window_bounds = array<i64: 128, 128>}, {pipeline_mode = #tpu.pipeline_mode<synchronous>, transform_indices = @transform_7, window_bounds = array<i64: 1, 128>}, {transform_indices = @transform_8, window_bounds = array<i64: 400, 128>}]} {
    %get3A = arith.constant 0 : index
    %get3A_0 = arith.constant 0 : index
    %get3A_1 = vector.load %arg4[%get3A, %get3A_0] : memref<400x128xf32, #tpu.memory_space<vmem>>, vector<400x1xf32>
    %get3A_2 = arith.constant 0 : index
    %get3A_3 = arith.constant 0 : index
    %get3A_4 = vector.load %arg5[%get3A_2, %get3A_3] : memref<400x128xf32, #tpu.memory_space<vmem>>, vector<400x1xf32>
    %add3A = arith.addf %get3A_1, %get3A_4 : vector<400x1xf32>
    %get3A_5 = arith.constant 0 : index
    %get3A_6 = arith.constant 0 : index
    %get3A_7 = vector.load %arg2[%get3A_5, %get3A_6] : memref<400x128xf32, #tpu.memory_space<vmem>>, vector<400x128xf32>
    %get3A_8 = arith.constant 0 : index
    %get3A_9 = arith.constant 0 : index
    %get3A_10 = vector.load %arg3[%get3A_8, %get3A_9] : memref<400x128xf32, #tpu.memory_space<vmem>>, vector<400x128xf32>
    %add3A_11 = arith.addf %get3A_7, %get3A_10 : vector<400x128xf32>
    %max3A = arith.constant 1.000000e+00 : f32
    %max3A_12 = vector.broadcast %max3A : f32 to vector<400x1xf32>
    %max3A_13 = arith.maximumf %add3A, %max3A_12 : vector<400x1xf32>
    %div3A = vector.broadcast %max3A_13 : vector<400x1xf32> to vector<400x128xf32>
    %div3A_14 = arith.divf %add3A_11, %div3A : vector<400x128xf32>
    %get3A_15 = arith.constant 0 : index
    %get3A_16 = arith.constant 0 : index
    %get3A_17 = vector.load %arg1[%get3A_15, %get3A_16] : memref<400x128xf32, #tpu.memory_space<vmem>>, vector<400x128xf32>
    %get3A_18 = arith.constant 0 : index
    %get3A_19 = arith.constant 0 : index
    %get3A_20 = vector.load %arg6[%get3A_18, %get3A_19] : memref<128x128xf32, #tpu.memory_space<vmem>>, vector<128x128xf32>
    %dot_general3A = arith.constant dense<0.000000e+00> : vector<400x128xf32>
    %dot_general3A_21 = tpu.matmul %get3A_17, %get3A_20, %dot_general3A {dimension_numbers = #tpu.dot_dimension_numbers<[1], [0], [0], [1], [0, 0, 1, 1], [], []>, transpose_lhs_hint = false} : vector<400x128xf32>, vector<128x128xf32>, vector<400x128xf32> -> vector<400x128xf32>
    %get3A_22 = arith.constant 0 : index
    %get3A_23 = arith.constant 0 : index
    %get3A_24 = vector.load %arg7[%get3A_22, %get3A_23] : memref<128x128xf32, #tpu.memory_space<vmem>>, vector<128x128xf32>
    %dot_general3A_25 = arith.constant dense<0.000000e+00> : vector<400x128xf32>
    %dot_general3A_26 = tpu.matmul %div3A_14, %get3A_24, %dot_general3A_25 {dimension_numbers = #tpu.dot_dimension_numbers<[1], [0], [0], [1], [0, 0, 1, 1], [], []>, transpose_lhs_hint = false} : vector<400x128xf32>, vector<128x128xf32>, vector<400x128xf32> -> vector<400x128xf32>
    %add3A_27 = arith.addf %dot_general3A_21, %dot_general3A_26 : vector<400x128xf32>
    %get3A_28 = arith.constant 0 : index
    %get3A_29 = arith.constant 0 : index
    %get3A_30 = vector.load %arg8[%get3A_28, %get3A_29] : memref<1x128xf32, #tpu.memory_space<vmem>>, vector<1x128xf32>
    %add3A_31 = vector.broadcast %get3A_30 : vector<1x128xf32> to vector<400x128xf32>
    %add3A_32 = arith.addf %add3A_27, %add3A_31 : vector<400x128xf32>
    %max3A_33 = arith.constant 0.000000e+00 : f32
    %max3A_34 = vector.broadcast %max3A_33 : f32 to vector<400x128xf32>
    %max3A_35 = arith.maximumf %add3A_32, %max3A_34 : vector<400x128xf32>
    %reduce_max3A = arith.constant dense<0xFF800000> : vector<400xf32>
    %reduce_max3A_36 = vector.multi_reduction <maximumf>, %max3A_35, %reduce_max3A [1] : vector<400x128xf32> to vector<400xf32>
    %broadcast_in_dim3A = vector.shape_cast %reduce_max3A_36 : vector<400xf32> to vector<400x1xf32>
    %sub3A = vector.broadcast %broadcast_in_dim3A : vector<400x1xf32> to vector<400x128xf32>
    %sub3A_37 = arith.subf %max3A_35, %sub3A : vector<400x128xf32>
    %exp3A = math.exp %sub3A_37 : vector<400x128xf32>
    %reduce_sum3A = arith.constant dense<0.000000e+00> : vector<400xf32>
    %reduce_sum3A_38 = vector.multi_reduction <add>, %exp3A, %reduce_sum3A [1] : vector<400x128xf32> to vector<400xf32>
    %broadcast_in_dim3A_39 = vector.shape_cast %reduce_sum3A_38 : vector<400xf32> to vector<400x1xf32>
    %div3A_40 = vector.broadcast %broadcast_in_dim3A_39 : vector<400x1xf32> to vector<400x128xf32>
    %div3A_41 = arith.divf %exp3A, %div3A_40 : vector<400x128xf32>
    %swap3A = arith.constant 0 : index
    %swap3A_42 = arith.constant 0 : index
    %swap3A_43 = vector.load %arg9[%swap3A, %swap3A_42] : memref<400x128xf32, #tpu.memory_space<vmem>>, vector<400x128xf32>
    tpu.vector_store %arg9[%swap3A, %swap3A_42], %div3A_41 {strides = array<i32>} : memref<400x128xf32, #tpu.memory_space<vmem>>, vector<400x128xf32>,
    return
  }
  func.func @transform_0(%arg0: i32) -> (i32, i32) {
    %c0_i32 = arith.constant 0 : i32
    %c0_i32_0 = arith.constant 0 : i32
    return %arg0, %c0_i32 : i32, i32
  }
  func.func @transform_1(%arg0: i32) -> (i32, i32) {
    %c0_i32 = arith.constant 0 : i32
    %c0_i32_0 = arith.constant 0 : i32
    return %arg0, %c0_i32 : i32, i32
  }
  func.func @transform_2(%arg0: i32) -> (i32, i32) {
    %c0_i32 = arith.constant 0 : i32
    %c0_i32_0 = arith.constant 0 : i32
    return %arg0, %c0_i32 : i32, i32
  }
  func.func @transform_3(%arg0: i32) -> (i32, i32) {
    %c0_i32 = arith.constant 0 : i32
    %c0_i32_0 = arith.constant 0 : i32
    return %arg0, %c0_i32 : i32, i32
  }
  func.func @transform_4(%arg0: i32) -> (i32, i32) {
    %c0_i32 = arith.constant 0 : i32
    %c0_i32_0 = arith.constant 0 : i32
    return %arg0, %c0_i32 : i32, i32
  }
  func.func @transform_5(%arg0: i32) -> (i32, i32) {
    %c0_i32 = arith.constant 0 : i32
    %c0_i32_0 = arith.constant 0 : i32
    %c0_i32_1 = arith.constant 0 : i32
    return %c0_i32, %c0_i32_0 : i32, i32
  }
  func.func @transform_6(%arg0: i32) -> (i32, i32) {
    %c0_i32 = arith.constant 0 : i32
    %c0_i32_0 = arith.constant 0 : i32
    %c0_i32_1 = arith.constant 0 : i32
    return %c0_i32, %c0_i32_0 : i32, i32
  }
  func.func @transform_7(%arg0: i32) -> (i32, i32) {
    %c0_i32 = arith.constant 0 : i32
    %c0_i32_0 = arith.constant 0 : i32
    %c0_i32_1 = arith.constant 0 : i32
    return %c0_i32, %c0_i32_0 : i32, i32
  }
  func.func @transform_8(%arg0: i32) -> (i32, i32) {
    %c0_i32 = arith.constant 0 : i32
    %c0_i32_0 = arith.constant 0 : i32
    return %arg0, %c0_i32 : i32, i32
  }
}

</mosaic_0001>

<sc_bundles>
// kernel: kernel.10.cloned.1.call-start
scs
__scs_entry_jumppad:
0x0: {  	(pc) =	sbr.rel $0x88, $3  }
0x1: {  	(tag) =	ssettag $0x0;
	lr =	simm.s32 $0x1  }
0x2: {  	[smem:$0x3F9B] =	sst lr;
	_ =	strace $0xD0000000  }
0x3: {  	_ = 	snop  }
0x4: {  	_ = 	snop  }
0x5: {  	_ = 	snop  }
0x6: {  	_ = 	snop  }
0x7: {  	_ = 	snop  }
__scs_overlays_trampoline_lowered:
0x8: {  	[smem:$0x3FAA] =	sst s0  }
0x9: {  	[smem:$0x3FAB] =	sst s1  }
0xa: {  	[smem:$0x3FAC] =	sst s2  }
0xb: {  	[smem:$0x3FAD] =	sst s3  }
0xc: {  	[smem:$0x3FAE] =	sst s4  }
0xd: {  	[smem:$0x3FAF] =	sst s5  }
0xe: {  	[smem:$0x3FB0] =	sst s6  }
0xf: {  	[smem:$0x3FB1] =	sst s7  }
0x10: {  	[smem:$0x3FB2] =	sst s8  }
0x11: {  	[smem:$0x3FB3] =	sst s9;
	s0 =	simm.s32 @!p0 $0x0  }
0x12: {  	s1 =	sld [smem:$0x3F99];
	s0 =	simm.s32 @p0 $0x1  }
0x13: {  	[smem:$0x3FB4] =	sst s0;
	s0 =	simm.s32 @!p1 $0x0  }
0x14: {  	s2 =	sld [smem:$0x3F98];
	s0 =	simm.s32 @p1 $0x1  }
0x15: {  	[smem:$0x3FB5] =	sst s0;
	s0 =	simm.s32 @!p2 $0x0  }
0x16: {  	s3 =	sld [smem:$0x3FDB];
	s0 =	simm.s32 @p2 $0x1  }
0x17: {  	s4 =	simm.s32 $0x1BF5;
	[smem:$0x3FB7] =	sst s0  }
0x18: {  	s0 =	sld [smem:$0x3F9A];
	_ =	swait.ge [sflag:s4], $0x0  }
0x19: {  	s7 =	sld [smem:$0x3F9B]  }
0x1a: {  	s8 =	sadd.s32 $0xFFFFE003, lr  }
0x1b: {  	s9 =	sadd.s32 $0xFFFFFEF7, lr;
	s5 =	simm.s32 $0xFFFFFFFF;
	p2 =	slt.u32 s8, $0xFFFFF086  }
0x1c: {  	p1 =	slt.u32 s9, $0xF7A;
	s5 =	simm.s32 @!p2 $0x0  }
0x1d: {  	s5 =	simm.s32 @p1 $0x1;
	p0 =	seq.s32 s7, s2  }
0x1e: {  	s7 =	smul.u32 @!p0 $0xF7A, s2;
	p2 =	seq.s32 @!p0 s5, $0x0  }
0x1f: {  	s9 =	smul.u32 $0xF7A, s1;
	s8 =	simm.s32 @!p0 $0x1BF5;
	p2 =	por !p2, p0  }
0x20: {  	[sflag:s8] =	ssyncset.s32 @!p0 $0xFFFFF086;
	s6 =	sadd.s32 @!p0 s3, s7;
	s7 =	simm.s32 @!p0 $0x108  }
0x21: {  	s3 =	sadd.s32 s3, s9;
	s6 =	sadd.s32 @!p0 $0x88, s6;
	s7 =	simm.s32 @p2 $0x1082  }
0x22: {  	[simem:s7], [sflag:s8] =	dma.local @!p0 [hbm:s6], $0xF7A  }
0x23: {  	s9 =	sor.u32 $0xD0000000, s2;
	s6 =	simm.s32 $0x108;
	_ =	swait.ge @!p0 [sflag:s8], $0x0  }
0x24: {  	s3 =	sadd.s32 $0x88, s3;
	s6 =	simm.s32 @!p1 $0x1082;
	[sflag:s4] =	ssyncset.s32 $0xFFFFF086  }
0x25: {  	[simem:s6], [sflag:s4] =	dma.local [hbm:s3], $0xF7A  }
0x26: {  	[smem:$0x3F9B] =	sst s1;
	(tag) =	ssettag s2;
	_ =	strace s9  }
0x27: {  	s1 =	sld [smem:$0x3FAB]  }
0x28: {  	s2 =	sld [smem:$0x3FAC]  }
0x29: {  	s4 =	sld [smem:$0x3FAE]  }
0x2a: {  	p0 =	seq.s32 s5, $0x0;
	s5 =	sld [smem:$0x3FAF]  }
0x2b: {  	s6 =	sld [smem:$0x3FB0]  }
0x2c: {  	s7 =	sld [smem:$0x3FB1]  }
0x2d: {  	s3 =	simm.s32 $0x108;
	s8 =	sld [smem:$0x3FB2]  }
0x2e: {  	s3 =	simm.s32 @!p0 $0x1082;
	s9 =	sld [smem:$0x3FB3]  }
0x2f: {  	lr =	sadd.s32 s0, s3;
	s0 =	sld [smem:$0x3FAA]  }
0x30: {  	s3 =	sld [smem:$0x3FAD]  }
0x31: {  	[smem:$0x3FB6] =	sst s10  }
0x32: {  	s10 =	sld [smem:$0x3FB4];
	_ =	sdelay $0x3  }
0x33: {  	p0 =	seq.s32 s10, $0x1;
	s10 =	sld [smem:$0x3FB6];
	_ =	sdelay $0x3  }
0x34: {  	[smem:$0x3FB6] =	sst s10  }
0x35: {  	s10 =	sld [smem:$0x3FB5];
	_ =	sdelay $0x3  }
0x36: {  	p1 =	seq.s32 s10, $0x1;
	s10 =	sld [smem:$0x3FB6];
	_ =	sdelay $0x3  }
0x37: {  	[smem:$0x3FB6] =	sst s10  }
0x38: {  	s10 =	sld [smem:$0x3FB7]  }
0x39: {  	_ = 	snop;
	(pc) =	sbr.ind lr, $3  }
0x3a: {  	_ = 	snop  }
0x3b: {  	_ = 	snop  }
0x3c: {  	p2 =	seq.s32 s10, $0x1;
	s10 =	sld [smem:$0x3FB6]  }
0x3d: {  	_ =	shalt  }
0x3e: {  	_ =	shalt  }
0x3f: {  	_ =	shalt  }
0x40: {  	_ =	shalt  }
0x41: {  	_ =	shalt  }
0x42: {  	_ =	shalt  }
0x43: {  	_ =	shalt  }
0x44: {  	_ =	shalt  }
0x45: {  	_ =	shalt  }
0x46: {  	_ =	shalt  }
0x47: {  	_ =	shalt  }
0x48: {  	_ =	shalt  }
0x49: {  	_ =	shalt  }
0x4a: {  	_ =	shalt  }
0x4b: {  	_ =	shalt  }
0x4c: {  	_ =	shalt  }
0x4d: {  	_ =	shalt  }
0x4e: {  	_ =	shalt  }
0x4f: {  	_ =	shalt  }
0x50: {  	_ =	shalt  }
0x51: {  	_ =	shalt  }
0x52: {  	_ =	shalt  }
0x53: {  	_ =	shalt  }
0x54: {  	_ =	shalt  }
0x55: {  	_ =	shalt  }
0x56: {  	_ =	shalt  }
0x57: {  	_ =	shalt  }
0x58: {  	_ =	shalt  }
0x59: {  	_ =	shalt  }
0x5a: {  	_ =	shalt  }
0x5b: {  	_ =	shalt  }
0x5c: {  	_ =	shalt  }
0x5d: {  	_ =	shalt  }
0x5e: {  	_ =	shalt  }
0x5f: {  	_ =	shalt  }
0x60: {  	_ =	shalt  }
0x61: {  	_ =	shalt  }
0x62: {  	_ =	shalt  }
0x63: {  	_ =	shalt  }
0x64: {  	_ =	shalt  }
0x65: {  	_ =	shalt  }
0x66: {  	_ =	shalt  }
0x67: {  	_ =	shalt  }
0x68: {  	_ =	shalt  }
0x69: {  	_ =	shalt  }
0x6a: {  	_ =	shalt  }
0x6b: {  	_ =	shalt  }
0x6c: {  	_ =	shalt  }
0x6d: {  	_ =	shalt  }
0x6e: {  	_ =	shalt  }
0x6f: {  	_ =	shalt  }
0x70: {  	_ =	shalt  }
0x71: {  	_ =	shalt  }
0x72: {  	_ =	shalt  }
0x73: {  	_ =	shalt  }
0x74: {  	_ =	shalt  }
0x75: {  	_ =	shalt  }
0x76: {  	_ =	shalt  }
0x77: {  	_ =	shalt  }
0x78: {  	_ =	shalt  }
0x79: {  	_ =	shalt  }
0x7a: {  	_ =	shalt  }
0x7b: {  	_ =	shalt  }
0x7c: {  	_ =	shalt  }
0x7d: {  	_ =	shalt  }
0x7e: {  	_ =	shalt  }
0x7f: {  	_ =	shalt  }
0x80: {  	_ =	shalt  }
0x81: {  	_ =	shalt  }
0x82: {  	_ =	shalt  }
0x83: {  	_ =	shalt  }
0x84: {  	_ =	shalt  }
0x85: {  	_ =	shalt  }
0x86: {  	_ =	shalt  }
0x87: {  	_ =	shalt  }
.Lfunc_end0:
.L_simem_size_0:
called_computation.1_lowered:
.L_overlay_start_0:
0x88: {  	s2 =	sld [smem:$0x3FD9]  }
0x89: {  	s3 =	sld [smem:$0x3FFE];
	_ =	sdelay $0x1  }
0x8a: {  	s1 =	srdreg.scid  }
0x8b: {  	s0 =	sand.u32 $0x1, s1  }
0x8c: {  	s17 =	sshll.u32 s0, $0xA;
	s2 =	sadd.s32 s3, s2  }
0x8d: {  	s2 =	sadd.s32 s2, s17  }
0x8e: {  	[smem:$0x3FC2] =	sst s2  }
0x8f: {  	_ = 	snop  }
0x90: {  	s2 =	sld [smem:$0x3FC9];
	(tm) =	ssettm $0x1  }
0x91: {  	s18 =	sld [smem:$0x3FFB];
	_ =	sdelay $0x3  }
0x92: {  	_ =	strace s18  }
0x93: {  	s3 =	sld [smem:$0x3FFC];
	_ =	sdelay $0x3  }
0x94: {  	_ =	strace s3  }
0x95: {  	s3 =	sld [smem:$0x3FFD];
	_ =	sdelay $0x3  }
0x96: {  	_ =	strace s3  }
0x97: {  	_ =	strace $0x8FFFFFFF  }
0x98: {  	s19 =	sld [smem:$0x3FDB];
	_ =	sdelay $0x1  }
0x99: {  	s4 =	simm.s32 $_scs_section_size  }
0x9a: {  	s5 =	simm.s32 $_size__tile_overlayer_lowered;
	s6 =	simm.s32 $_tile_overlayer_lowered  }
0x9b: {  	s22 =	simm.s32 $0x1BFF;
	s21 =	sshll.u32 s6, $0x1;
	s3 =	sadd.s32 s4, s19  }
0x9c: {  	s7 =	simm.s32 $0x0;
	s20 =	sshll.u32 s5, $0x1;
	s5 =	sadd.s32 s21, s3  }
0x9d: {  	[timem:s7], [sflag:s22] =	dma.local [hbm:s5], s20  }
0x9e: {  	_ =	swait.ge [sflag:s22], s20  }
0x9f: {  	s4 =	ssub.s32 $0x0, s20;
	[sflag:s22] =	ssyncset.done $0x0  }
0xa0: {  	[sflag:s22] =	ssyncadd.s32 s4;
	_ =	sdelay $0x1  }
0xa1: {  	s23 =	simm.s32 $0x1B8B  }
0xa2: {  	_ =	swait.ge [sflag:s23], $0x1  }
0xa3: {  	[sflag:s23] =	ssyncset.done $0x0  }
0xa4: {  	s25 =	simm.s32 $0x1B8E;
	s24 =	sld [smem:$0x3FFE];
	[sflag:s23] =	ssyncadd.s32 $0xFFFFFFFF  }
0xa5: {  	s26 =	simm.s32 $execute0_lowered;
	[smem:$0x3FD2] =	sst s25  }
0xa6: {  	s5 =	sshll.u32 s26, $0x1;
	_ =	strace $0x80000046;
	[dreg:$0x1] =	wrdreg $0xFFFFFFFF  }
0xa7: {  	s28 =	simm.s32 $_size_execute0_lowered;
	s3 =	sadd.s32 s3, s5;
	[dreg:$0x0] =	wrdreg $0x0  }
0xa8: {  	s5 =	sshll.u32 s28, $0x1;
	[dreg:$0x2] =	wrdreg s3  }
0xa9: {  	[dreg:$0x3] =	wrdreg s5  }
0xaa: {  	[dreg:$0x4] =	wrdreg $0xC0  }
0xab: {  	_ =	task [dreg:s7], $0x5FFFF  }
0xac: {  	[dreg:$0x1] =	wrdreg $0xFFFFFFFF  }
0xad: {  	[dreg:$0x0] =	wrdreg $0x60  }
0xae: {  	[dreg:$0x2] =	wrdreg s24  }
0xaf: {  	[dreg:$0x3] =	wrdreg s2  }
0xb0: {  	[dreg:$0x4] =	wrdreg $0x86000  }
0xb1: {  	[dreg:$0x5] =	wrdreg $0xA  }
0xb2: {  	_ =	task.clear_ibuf [dreg:s7], $0x6FFFF;
	_ =	strace $0x90000046  }
0xb3: {  	s29 =	simm.s32 $0xA;
	_ =	strace $0x80000048  }
0xb4: {  	_ =	swait.ge [sflag:s29], $0x1  }
0xb5: {  	[sflag:s29] =	ssyncadd.s32 $0xFFFFFFFF  }
0xb6: {  	_ =	strace $0x90000048  }
0xb7: {  	_ =	sfence  }
0xb8: {  	s30 =	sld [smem:$0x0];
	_ =	sdelay $0x2  }
0xb9: {  	s31 =	sshll.u32 s1, $0xD;
	s1 =	sshrl.u32 s1, $0x2  }
0xba: {  	s3 =	sand.u32 $0x4000, s31;
	s1 =	sadd.s32 s1, s30  }
0xbb: {  	s0 =	sor.u32 s3, s0;
	s1 =	sshll.u32 s1, $0x11  }
0xbc: {  	s0 =	sor.u32 s1, s0  }
0xbd: {  	s0 =	sadd.s32 $0x8F2B, s0  }
0xbe: {  	[sflag:s0] =	ssyncadd.remote.s32 $0x1  }
0xbf: {  	_ =	sfence.sel $0xFFFF  }
0xc0: {  	[dreg:$0x0] =	wrdreg $0xFFFFFFFF;
	(pc) =	sbr.abs _section_cstart, $3  }
0xc1: {  	[dreg:$0x1] =	wrdreg $0xFFFFFFFF  }
0xc2: {  	_ =	task.clear_ibuf [dreg:s7], $0x2FFFF;
	_ =	strace $0x9FFFFFFF  }
0xc3: {  	(tm) =	ssettm $0x7FFFFFFF  }
tec
execute0_lowered:
.L_overlay_start_1:
0x0: {  	(tag) =	ssettag $0x1  }
0x1: {  	s0 =	rddreg [dreg:$0x0]  }
0x2: {  	s1 =	rddreg [dreg:$0x1]  }
0x3: {  	s2 =	rddreg [dreg:$0x2];
	s3 =	simm.s32 $0x0;
	s24 =	srdreg.scid  }
0x4: {  	s23 =	stileid.u32;
	s29 =	simm.s32 $0x5200;
	s30 =	simm.s32 $0x3  }
0x5: {  	s31 =	simm.s32 $0x80;
	[smem:$0x7FF] =	sst s3;
	s4 =	sadd.s32 $0x16A00, s0  }
0x6: {  	s6 =	sadd.s32 $0xCC00, s0;
	s7 =	sadd.s32 $0x2E00, s0;
	s8 =	smul.u32 $0x4E000, s23  }
0x7: {  	s0 =	sadd.s32 $0x17200, s0;
	s14 =	smul.u32 $0x13800, s23;
	s25 =	sshll.u32 s23, $0x1  }
0x8: {  	s21 =	smul.u32 $0x4E20, s23;
	p0 =	sne.s32 s23, $0xF;
	s28 =	sadd.s32 $0x138000, s2  }
0x9: {  	_ =	strace $0x80000047;
	[dreg:$0x4] =	wrdreg s4;
	s4 =	sand.u32 $0x1, s24  }
0xa: {  	s5 =	ssub.s32 $0x2, s4;
	s8 =	sshrl.u32 s8, $0x2;
	s10 =	sor.u32 s4, s25  }
0xb: {  	s15 =	sadd.s32 $0x3400, s14;
	s16 =	sadd.s32 $0x6800, s14;
	s18 =	sadd.s32 $0x9C00, s14  }
0xc: {  	s19 =	smul.u32 $0x138800, s4;
	s20 =	sadd.s32 $0xD000, s14;
	s22 =	sadd.s32 $0x10400, s14  }
0xd: {  	s4 =	smul.u32 $0x2710, s4;
	s9 =	sshrl.u32 s5, $0x1;
	s8 =	sadd.s32 s8, s2  }
0xe: {  	s17 =	smul.u32 $0x2710, s10;
	s10 =	sadd.s32 s16, s2;
	s12 =	sadd.s32 s18, s2  }
0xf: {  	s13 =	sadd.s32 s20, s2;
	s24 =	sadd.s32 s22, s2;
	s5 =	ssub.s32 s5, s9  }
0x10: {  	s9 =	sadd.s32 s15, s2;
	s14 =	sadd.s32 s14, s19;
	s4 =	sadd.s32 s4, s21  }
0x11: {  	s21 =	smov.u32 s8;
	s15 =	sadd.s32 s19, s15;
	s16 =	sadd.s32 s19, s16  }
0x12: {  	s23 =	smov.u32 s10;
	s17 =	sshrl.u32 s17, $0x3;
	s14 =	sshrl.u32 s14, $0x3  }
0x13: {  	s25 =	sshrl.u32 s16, $0x3;
	s16 =	sadd.s32 s19, s22;
	s5 =	smax.u32 s5, $0x1  }
0x14: {  	s22 =	smov.u32 s9;
	s26 =	sadd.s32 s6, s17;
	[dreg:$0xe] =	wrdreg s5  }
0x15: {  	s11 =	sadd.s32 s7, s17;
	s14 =	sadd.s32 s0, s14;
	[dreg:$0x5] =	wrdreg s26  }
0x16: {  	s17 =	sadd.s32 s19, s18;
	s5 =	simm.s32 $0x2900;
	[dreg:$0x6] =	wrdreg s11  }
0x17: {  	[dreg:$0x7] =	wrdreg s14;
	s14 =	sshrl.u32 s15, $0x3;
	s26 =	sshrl.u32 s17, $0x3  }
0x18: {  	s11 =	sadd.s32 s0, s25;
	s15 =	sadd.s32 s19, s20;
	s17 =	sshrl.u32 s19, $0x3  }
0x19: {  	s19 =	sshrl.u32 s16, $0x3;
	s16 =	simm.s32 $0x1;
	s18 =	sadd.s32 s0, s14  }
0x1a: {  	[dreg:$0x9] =	wrdreg s11;
	s14 =	sadd.s32 s0, s26;
	s20 =	sadd.s32 s0, s17  }
0x1b: {  	s26 =	sadd.s32 $0x50, s4;
	s4 =	sadd.s32 $0xA0, s4;
	[dreg:$0x8] =	wrdreg s18  }
0x1c: {  	s17 =	simm.s32 $0x2;
	[dreg:$0xa] =	wrdreg s14;
	s14 =	sshrl.u32 s15, $0x3  }
0x1d: {  	s25 =	sadd.s32 $0x27000, s20;
	[dreg:$0xf] =	wrdreg s4;
	s4 =	simm.s32 $0x100  }
0x1e: {  	s15 =	simm.s32 $0x2A00;
	s18 =	sadd.s32 s0, s14;
	[dreg:$0xd] =	wrdreg s25  }
0x1f: {  	s0 =	sadd.s32 s0, s19;
	s14 =	simm.s32 $0x2980;
	[dreg:$0xb] =	wrdreg s18  }
0x20: {  	[dreg:$0xc] =	wrdreg s0;
	s0 =	sshrl.u32 s26, $0x3;
	s18 =	simm.s32 $0x0  }
0x21: {  	s25 =	sadd.s32 s0, s7;
	s26 =	sadd.s32 s0, s6;
	s0 =	simm.s32 $0x50  }
.LBB2_1:
0x22: {  	s8 =	rddreg [dreg:$0x4]  }
0x23: {  	[tilespmem:s29], [sflag:$0x3] =	stream.linear.gather [hbm4b:s8+s3], $0x3400, $0x38;
	[tilespmem:$0x1BE80] =	vst v63  }
0x24: {  	_ =	swait.ge [sflag:s30], $0x3400  }
0x25: {  	[sflag:s30] =	ssyncset.done $0x0  }
0x26: {  	[sflag:s30] =	ssyncadd.s32 $0xFFFFCC00  }
0x27: {  	[spmem:s21] =	stream.linear.scatter [tilespmem:s29], [sflag:$0x3], $0x3400, $0x38;
	[tilespmem:$0x1BE80] =	vst v63  }
0x28: {  	_ =	swait.ge [sflag:s30], $0x3400  }
0x29: {  	[sflag:s30] =	ssyncset.done $0x0  }
0x2a: {  	[sflag:s30] =	ssyncadd.s32 $0xFFFFCC00  }
0x2b: {  	[spmem:s22] =	stream.linear.scatter [tilespmem:s29], [sflag:$0x3], $0x3400, $0x38;
	[tilespmem:$0x1BE80] =	vst v63  }
0x2c: {  	_ =	swait.ge [sflag:s30], $0x3400  }
0x2d: {  	[sflag:s30] =	ssyncset.done $0x0  }
0x2e: {  	[sflag:s30] =	ssyncadd.s32 $0xFFFFCC00  }
0x2f: {  	[spmem:s23] =	stream.linear.scatter [tilespmem:s29], [sflag:$0x3], $0x3400, $0x38;
	[tilespmem:$0x1BE80] =	vst v63  }
0x30: {  	_ =	swait.ge [sflag:s30], $0x3400  }
0x31: {  	[sflag:s30] =	ssyncset.done $0x0  }
0x32: {  	[sflag:s30] =	ssyncadd.s32 $0xFFFFCC00  }
0x33: {  	[spmem:s12] =	stream.linear.scatter [tilespmem:s29], [sflag:$0x3], $0x3400, $0x38;
	[tilespmem:$0x1BE80] =	vst v63  }
0x34: {  	_ =	swait.ge [sflag:s30], $0x3400  }
0x35: {  	[sflag:s30] =	ssyncset.done $0x0  }
0x36: {  	[sflag:s30] =	ssyncadd.s32 $0xFFFFCC00  }
0x37: {  	[spmem:s13] =	stream.linear.scatter [tilespmem:s29], [sflag:$0x3], $0x3400, $0x38;
	[tilespmem:$0x1BE80] =	vst v63  }
0x38: {  	_ =	swait.ge [sflag:s30], $0x3400  }
0x39: {  	[sflag:s30] =	ssyncset.done $0x0  }
0x3a: {  	[sflag:s30] =	ssyncadd.s32 $0xFFFFCC00  }
0x3b: {  	[spmem:s24] =	stream.linear.scatter [tilespmem:s29], [sflag:$0x3], $0x3400, $0x38;
	[tilespmem:$0x1BE80] =	vst v63  }
0x3c: {  	_ =	swait.ge [sflag:s30], $0x3400  }
0x3d: {  	[sflag:s30] =	ssyncset.done $0x0  }
0x3e: {  	s19 =	simm.s32 @!p0 $0x5200;
	[sflag:s30] =	ssyncadd.s32 $0xFFFFCC00  }
0x3f: {  	[spmem:s28] =	stream.linear.scatter @!p0 [tilespmem:s19], [sflag:$0x3], $0x800, $0x38;
	[tilespmem:$0x1BE80] =	vst v63  }
0x40: {  	s19 =	simm.s32 @!p0 $0x3  }
0x41: {  	_ =	swait.ge @!p0 [sflag:s19], $0x800  }
0x42: {  	[sflag:s19] =	ssyncset.done @!p0 $0x0  }
0x43: {  	[sflag:s19] =	ssyncadd.s32 @!p0 $0xFFFFF800  }
0x44: {  	[bflag:$0x0] =	sbarrier.arrive $0xFFFF  }
0x45: {  	s11 =	smov.u32 s23;
	s23 =	rddreg [dreg:$0x5]  }
0x46: {  	[tilespmem:s3], [sflag:$0x3] =	stream.linear.gather [hbm4b:s23+s3], $0x50, $0x38;
	[tilespmem:$0x1BE80] =	vst v63  }
0x47: {  	_ =	swait.ge [sflag:s30], $0x50  }
0x48: {  	[sflag:s30] =	ssyncset.done $0x0  }
0x49: {  	s19 =	rddreg [dreg:$0x6];
	[sflag:s30] =	ssyncadd.s32 $0xFFFFFFB0  }
0x4a: {  	[tilespmem:s31], [sflag:$0x3] =	stream.linear.gather [hbm4b:s19+s3], $0x50, $0x38;
	[tilespmem:$0x1BE80] =	vst v63  }
0x4b: {  	_ =	swait.ge [sflag:s30], $0x50  }
0x4c: {  	[sflag:s30] =	ssyncset.done $0x0  }
0x4d: {  	[sflag:s30] =	ssyncadd.s32 $0xFFFFFFB0  }
0x4e: {  	[tilespmem:s4], [sflag:$0x1] =	stream.indirect.gather [hbm4b:s1+s0], $0x80, s3, s0, $0xb8;
	[tilespmem:$0x1BE80] =	vst v63  }
0x4f: {  	s20 =	sadd.s32 $0x0, s26  }
0x50: {  	[tilespmem:s5], [sflag:$0x3] =	stream.linear.gather [hbm4b:s20+s3], $0x50, $0x38;
	[tilespmem:$0x1BE80] =	vst v63  }
0x51: {  	_ =	swait.ge [sflag:s30], $0x50  }
0x52: {  	[sflag:s30] =	ssyncset.done $0x0  }
0x53: {  	s9 =	smov.u32 s21;
	s21 =	sadd.s32 $0x0, s25;
	[sflag:s30] =	ssyncadd.s32 $0xFFFFFFB0  }
0x54: {  	[tilespmem:s14], [sflag:$0x3] =	stream.linear.gather [hbm4b:s21+s3], $0x50, $0x38;
	[tilespmem:$0x1BE80] =	vst v63  }
0x55: {  	_ =	swait.ge [sflag:s30], $0x50  }
0x56: {  	[sflag:s30] =	ssyncset.done $0x0  }
0x57: {  	[sflag:s30] =	ssyncadd.s32 $0xFFFFFFB0  }
0x58: {  	[tilespmem:s15], [sflag:$0x2] =	stream.indirect.gather [hbm4b:s1+s0], $0x80, s5, s0, $0xb8;
	[tilespmem:$0x1BE80] =	vst v63  }
0x59: {  	_ =	swait.ge [sflag:s16], $0x2800  }
0x5a: {  	[sflag:s16] =	ssyncset.done $0x0  }
0x5b: {  	[sflag:s16] =	ssyncadd.s32 $0xFFFFD800  }
0x5c: {  	[spmem:s2] =	stream.indirect.scatter.add.f32 [tilespmem:s4], [sflag:$0x3], $0x80, s31, s0, $0xb8;
	[tilespmem:$0x1BE80] =	vst v63  }
0x5d: {  	_ =	swait.ge [sflag:s30], $0x2800  }
0x5e: {  	s10 =	smov.u32 s22;
	s22 =	rddreg [dreg:$0xf]  }
0x5f: {  	[sflag:s30] =	ssyncset.done $0x0;
	s23 =	sshrl.u32 s22, $0x3  }
0x60: {  	[sflag:s30] =	ssyncadd.s32 $0xFFFFD800;
	s20 =	sadd.s32 s6, s23  }
0x61: {  	[tilespmem:s3], [sflag:$0x3] =	stream.linear.gather [hbm4b:s20+s3], $0x50, $0x38;
	[tilespmem:$0x1BE80] =	vst v63  }
0x62: {  	_ =	swait.ge [sflag:s30], $0x50  }
0x63: {  	[sflag:s30] =	ssyncset.done $0x0  }
0x64: {  	s19 =	sadd.s32 s7, s23;
	[sflag:s30] =	ssyncadd.s32 $0xFFFFFFB0  }
0x65: {  	[tilespmem:s31], [sflag:$0x3] =	stream.linear.gather [hbm4b:s19+s3], $0x50, $0x38;
	[tilespmem:$0x1BE80] =	vst v63  }
0x66: {  	_ =	swait.ge [sflag:s30], $0x50  }
0x67: {  	[sflag:s30] =	ssyncset.done $0x0  }
0x68: {  	[sflag:s30] =	ssyncadd.s32 $0xFFFFFFB0  }
0x69: {  	[tilespmem:s4], [sflag:$0x1] =	stream.indirect.gather [hbm4b:s1+s0], $0x80, s3, s0, $0xb8;
	[tilespmem:$0x1BE80] =	vst v63  }
0x6a: {  	_ =	swait.ge [sflag:s17], $0x2800  }
0x6b: {  	[sflag:s17] =	ssyncset.done $0x0  }
0x6c: {  	[sflag:s17] =	ssyncadd.s32 $0xFFFFD800  }
0x6d: {  	[spmem:s2] =	stream.indirect.scatter.add.f32 [tilespmem:s15], [sflag:$0x3], $0x80, s14, s0, $0xb8;
	[tilespmem:$0x1BE80] =	vst v63  }
0x6e: {  	s21 =	simm.s32 $0x28;
	_ =	swait.ge [sflag:s30], $0x2800  }
0x6f: {  	s20 =	simm.s32 $0x14;
	s19 =	sadd.s32 $0xA0, s22;
	[sflag:s30] =	ssyncset.done $0x0  }
.LBB2_2:
0x70: {  	s23 =	sadd.s32 s20, s26  }
0x71: {  	[sflag:s30] =	ssyncadd.s32 $0xFFFFD800;
	s8 =	smov.u32 s21;
	s22 =	sadd.s32 $0x14, s21  }
0x72: {  	[tilespmem:s5], [sflag:$0x3] =	stream.linear.gather [hbm4b:s23+s3], $0x50, $0x38;
	[tilespmem:$0x1BE80] =	vst v63  }
0x73: {  	p1 =	sne.s32 s21, $0x4C4;
	_ =	swait.ge [sflag:s30], $0x50  }
0x74: {  	[sflag:s30] =	ssyncset.done $0x0  }
0x75: {  	s21 =	sadd.s32 s20, s25;
	s20 =	smov.u32 s8;
	[sflag:s30] =	ssyncadd.s32 $0xFFFFFFB0  }
0x76: {  	[tilespmem:s14], [sflag:$0x3] =	stream.linear.gather [hbm4b:s21+s3], $0x50, $0x38;
	[tilespmem:$0x1BE80] =	vst v63  }
0x77: {  	_ =	swait.ge [sflag:s30], $0x50  }
0x78: {  	[sflag:s30] =	ssyncset.done $0x0  }
0x79: {  	[sflag:s30] =	ssyncadd.s32 $0xFFFFFFB0  }
0x7a: {  	[tilespmem:s15], [sflag:$0x2] =	stream.indirect.gather [hbm4b:s1+s0], $0x80, s5, s0, $0xb8;
	[tilespmem:$0x1BE80] =	vst v63  }
0x7b: {  	_ =	swait.ge [sflag:s16], $0x2800  }
0x7c: {  	[sflag:s16] =	ssyncset.done $0x0  }
0x7d: {  	[sflag:s16] =	ssyncadd.s32 $0xFFFFD800  }
0x7e: {  	[spmem:s2] =	stream.indirect.scatter.add.f32 [tilespmem:s4], [sflag:$0x3], $0x80, s31, s0, $0xb8;
	[tilespmem:$0x1BE80] =	vst v63  }
0x7f: {  	_ =	swait.ge [sflag:s30], $0x2800  }
0x80: {  	s8 =	sshrl.u32 s19, $0x3;
	[sflag:s30] =	ssyncset.done $0x0  }
0x81: {  	s21 =	sadd.s32 s6, s8;
	[sflag:s30] =	ssyncadd.s32 $0xFFFFD800  }
0x82: {  	[tilespmem:s3], [sflag:$0x3] =	stream.linear.gather [hbm4b:s21+s3], $0x50, $0x38;
	[tilespmem:$0x1BE80] =	vst v63  }
0x83: {  	_ =	swait.ge [sflag:s30], $0x50  }
0x84: {  	[sflag:s30] =	ssyncset.done $0x0  }
0x85: {  	s8 =	sadd.s32 s7, s8;
	[sflag:s30] =	ssyncadd.s32 $0xFFFFFFB0  }
0x86: {  	[tilespmem:s31], [sflag:$0x3] =	stream.linear.gather [hbm4b:s8+s3], $0x50, $0x38;
	[tilespmem:$0x1BE80] =	vst v63  }
0x87: {  	_ =	swait.ge [sflag:s30], $0x50  }
0x88: {  	[sflag:s30] =	ssyncset.done $0x0  }
0x89: {  	[sflag:s30] =	ssyncadd.s32 $0xFFFFFFB0  }
0x8a: {  	[tilespmem:s4], [sflag:$0x1] =	stream.indirect.gather [hbm4b:s1+s0], $0x80, s3, s0, $0xb8;
	[tilespmem:$0x1BE80] =	vst v63  }
0x8b: {  	_ =	swait.ge [sflag:s17], $0x2800  }
.Ltmp0:
0x8c: {  	[sflag:s17] =	ssyncset.done $0x0;
	(pc) =	sbr.rel @p1 .LBB2_2-.Ltmp0, $4  }
0x8d: {  	[sflag:s17] =	ssyncadd.s32 $0xFFFFD800  }
0x8e: {  	[spmem:s2] =	stream.indirect.scatter.add.f32 [tilespmem:s15], [sflag:$0x3], $0x80, s14, s0, $0xb8;
	[tilespmem:$0x1BE80] =	vst v63  }
0x8f: {  	_ =	swait.ge [sflag:s30], $0x2800  }
0x90: {  	s19 =	sadd.s32 $0xA0, s19;
	s21 =	smov.u32 s22;
	[sflag:s30] =	ssyncset.done $0x0  }
0x91: {  	s8 =	sadd.s32 s20, s26;
	[sflag:s30] =	ssyncadd.s32 $0xFFFFD800  }
0x92: {  	[tilespmem:s5], [sflag:$0x3] =	stream.linear.gather [hbm4b:s8+s3], $0x50, $0x38;
	[tilespmem:$0x1BE80] =	vst v63  }
0x93: {  	_ =	swait.ge [sflag:s30], $0x50  }
0x94: {  	[sflag:s30] =	ssyncset.done $0x0  }
0x95: {  	s20 =	sadd.s32 s20, s25;
	[sflag:s30] =	ssyncadd.s32 $0xFFFFFFB0  }
0x96: {  	[tilespmem:s14], [sflag:$0x3] =	stream.linear.gather [hbm4b:s20+s3], $0x50, $0x38;
	[tilespmem:$0x1BE80] =	vst v63  }
0x97: {  	_ =	swait.ge [sflag:s30], $0x50  }
0x98: {  	[sflag:s30] =	ssyncset.done $0x0  }
0x99: {  	[sflag:s30] =	ssyncadd.s32 $0xFFFFFFB0  }
0x9a: {  	[tilespmem:s15], [sflag:$0x2] =	stream.indirect.gather [hbm4b:s1+s0], $0x80, s5, s0, $0xb8;
	[tilespmem:$0x1BE80] =	vst v63  }
0x9b: {  	_ =	swait.ge [sflag:s16], $0x2800  }
0x9c: {  	[sflag:s16] =	ssyncset.done $0x0  }
0x9d: {  	[sflag:s16] =	ssyncadd.s32 $0xFFFFD800  }
0x9e: {  	[spmem:s2] =	stream.indirect.scatter.add.f32 [tilespmem:s4], [sflag:$0x3], $0x80, s31, s0, $0xb8;
	[tilespmem:$0x1BE80] =	vst v63  }
0x9f: {  	_ =	swait.ge [sflag:s30], $0x2800  }
0xa0: {  	s21 =	sshrl.u32 s19, $0x3;
	[sflag:s30] =	ssyncset.done $0x0  }
0xa1: {  	s19 =	sadd.s32 s6, s21;
	[sflag:s30] =	ssyncadd.s32 $0xFFFFD800  }
0xa2: {  	[tilespmem:s3], [sflag:$0x3] =	stream.linear.gather [hbm4b:s19+s3], $0x50, $0x38;
	[tilespmem:$0x1BE80] =	vst v63  }
0xa3: {  	_ =	swait.ge [sflag:s30], $0x50  }
0xa4: {  	[sflag:s30] =	ssyncset.done $0x0  }
0xa5: {  	s8 =	sadd.s32 s7, s21;
	[sflag:s30] =	ssyncadd.s32 $0xFFFFFFB0  }
0xa6: {  	[tilespmem:s31], [sflag:$0x3] =	stream.linear.gather [hbm4b:s8+s3], $0x50, $0x38;
	[tilespmem:$0x1BE80] =	vst v63  }
0xa7: {  	_ =	swait.ge [sflag:s30], $0x50  }
0xa8: {  	[sflag:s30] =	ssyncset.done $0x0  }
0xa9: {  	[sflag:s30] =	ssyncadd.s32 $0xFFFFFFB0  }
0xaa: {  	[tilespmem:s4], [sflag:$0x1] =	stream.indirect.gather [hbm4b:s1+s0], $0x80, s3, s0, $0xb8;
	[tilespmem:$0x1BE80] =	vst v63  }
0xab: {  	_ =	swait.ge [sflag:s17], $0x2800  }
0xac: {  	[sflag:s17] =	ssyncset.done $0x0  }
0xad: {  	[sflag:s17] =	ssyncadd.s32 $0xFFFFD800  }
0xae: {  	[spmem:s2] =	stream.indirect.scatter.add.f32 [tilespmem:s15], [sflag:$0x3], $0x80, s14, s0, $0xb8;
	[tilespmem:$0x1BE80] =	vst v63  }
0xaf: {  	_ =	swait.ge [sflag:s30], $0x2800  }
0xb0: {  	[sflag:s30] =	ssyncset.done $0x0  }
0xb1: {  	[sflag:s30] =	ssyncadd.s32 $0xFFFFD800  }
0xb2: {  	_ =	swait.ge [sflag:s16], $0x2800  }
0xb3: {  	[sflag:s16] =	ssyncset.done $0x0  }
0xb4: {  	[sflag:s16] =	ssyncadd.s32 $0xFFFFD800  }
0xb5: {  	[spmem:s2] =	stream.indirect.scatter.add.f32 [tilespmem:s4], [sflag:$0x3], $0x80, s31, s0, $0xb8;
	[tilespmem:$0x1BE80] =	vst v63  }
0xb6: {  	_ =	swait.ge [sflag:s30], $0x2800  }
0xb7: {  	[sflag:s30] =	ssyncset.done $0x0  }
0xb8: {  	[sflag:s30] =	ssyncadd.s32 $0xFFFFD800  }
0xb9: {  	[bflag:$0x0] =	sbarrier.arrive $0xFFFF  }
0xba: {  	[tilespmem:s29], [sflag:$0x3] =	stream.linear.gather [spmem:s9], $0x3400, $0x38;
	[tilespmem:$0x1BE80] =	vst v63  }
0xbb: {  	_ =	swait.ge [sflag:s30], $0x3400  }
0xbc: {  	[sflag:s30] =	ssyncset.done $0x0  }
0xbd: {  	s22 =	rddreg [dreg:$0x7];
	[sflag:s30] =	ssyncadd.s32 $0xFFFFCC00  }
0xbe: {  	[hbm4b:s22+s3] =	stream.linear.scatter [tilespmem:s29], [sflag:$0x3], $0x3400, $0x38;
	[tilespmem:$0x1BE80] =	vst v63  }
0xbf: {  	_ =	swait.ge [sflag:s30], $0x3400  }
0xc0: {  	[sflag:s30] =	ssyncset.done $0x0  }
0xc1: {  	[sflag:s30] =	ssyncadd.s32 $0xFFFFCC00  }
0xc2: {  	[tilespmem:s29], [sflag:$0x3] =	stream.linear.gather [spmem:s10], $0x3400, $0x38;
	[tilespmem:$0x1BE80] =	vst v63  }
0xc3: {  	_ =	swait.ge [sflag:s30], $0x3400  }
0xc4: {  	[sflag:s30] =	ssyncset.done $0x0  }
0xc5: {  	s23 =	rddreg [dreg:$0x8];
	[sflag:s30] =	ssyncadd.s32 $0xFFFFCC00  }
0xc6: {  	[hbm4b:s23+s3] =	stream.linear.scatter [tilespmem:s29], [sflag:$0x3], $0x3400, $0x38;
	[tilespmem:$0x1BE80] =	vst v63  }
0xc7: {  	_ =	swait.ge [sflag:s30], $0x3400  }
0xc8: {  	[sflag:s30] =	ssyncset.done $0x0  }
0xc9: {  	[sflag:s30] =	ssyncadd.s32 $0xFFFFCC00  }
0xca: {  	[tilespmem:s29], [sflag:$0x3] =	stream.linear.gather [spmem:s11], $0x3400, $0x38;
	[tilespmem:$0x1BE80] =	vst v63  }
0xcb: {  	_ =	swait.ge [sflag:s30], $0x3400  }
0xcc: {  	[sflag:s30] =	ssyncset.done $0x0  }
0xcd: {  	s21 =	smov.u32 s9;
	s9 =	rddreg [dreg:$0x9];
	[sflag:s30] =	ssyncadd.s32 $0xFFFFCC00  }
0xce: {  	[hbm4b:s9+s3] =	stream.linear.scatter [tilespmem:s29], [sflag:$0x3], $0x3400, $0x38;
	[tilespmem:$0x1BE80] =	vst v63  }
0xcf: {  	_ =	swait.ge [sflag:s30], $0x3400  }
0xd0: {  	[sflag:s30] =	ssyncset.done $0x0  }
0xd1: {  	[sflag:s30] =	ssyncadd.s32 $0xFFFFCC00  }
0xd2: {  	[tilespmem:s29], [sflag:$0x3] =	stream.linear.gather [spmem:s12], $0x3400, $0x38;
	[tilespmem:$0x1BE80] =	vst v63  }
0xd3: {  	_ =	swait.ge [sflag:s30], $0x3400  }
0xd4: {  	[sflag:s30] =	ssyncset.done $0x0  }
0xd5: {  	s22 =	smov.u32 s10;
	s10 =	rddreg [dreg:$0xa];
	[sflag:s30] =	ssyncadd.s32 $0xFFFFCC00  }
0xd6: {  	[hbm4b:s10+s3] =	stream.linear.scatter [tilespmem:s29], [sflag:$0x3], $0x3400, $0x38;
	[tilespmem:$0x1BE80] =	vst v63  }
0xd7: {  	_ =	swait.ge [sflag:s30], $0x3400  }
0xd8: {  	[sflag:s30] =	ssyncset.done $0x0  }
0xd9: {  	[sflag:s30] =	ssyncadd.s32 $0xFFFFCC00  }
0xda: {  	[tilespmem:s29], [sflag:$0x3] =	stream.linear.gather [spmem:s13], $0x3400, $0x38;
	[tilespmem:$0x1BE80] =	vst v63  }
0xdb: {  	_ =	swait.ge [sflag:s30], $0x3400  }
0xdc: {  	[sflag:s30] =	ssyncset.done $0x0  }
0xdd: {  	s23 =	smov.u32 s11;
	s11 =	rddreg [dreg:$0xb];
	[sflag:s30] =	ssyncadd.s32 $0xFFFFCC00  }
0xde: {  	[hbm4b:s11+s3] =	stream.linear.scatter [tilespmem:s29], [sflag:$0x3], $0x3400, $0x38;
	[tilespmem:$0x1BE80] =	vst v63  }
0xdf: {  	_ =	swait.ge [sflag:s30], $0x3400  }
0xe0: {  	[sflag:s30] =	ssyncset.done $0x0  }
0xe1: {  	[sflag:s30] =	ssyncadd.s32 $0xFFFFCC00  }
0xe2: {  	[tilespmem:s29], [sflag:$0x3] =	stream.linear.gather [spmem:s24], $0x3400, $0x38;
	[tilespmem:$0x1BE80] =	vst v63  }
0xe3: {  	_ =	swait.ge [sflag:s30], $0x3400  }
0xe4: {  	[sflag:s30] =	ssyncset.done $0x0  }
0xe5: {  	s19 =	rddreg [dreg:$0xc];
	[sflag:s30] =	ssyncadd.s32 $0xFFFFCC00  }
0xe6: {  	[hbm4b:s19+s3] =	stream.linear.scatter [tilespmem:s29], [sflag:$0x3], $0x3400, $0x38;
	[tilespmem:$0x1BE80] =	vst v63  }
0xe7: {  	_ =	swait.ge [sflag:s30], $0x3400  }
0xe8: {  	[sflag:s30] =	ssyncset.done $0x0  }
0xe9: {  	s8 =	simm.s32 @!p0 $0x5200;
	s19 =	simm.s32 @!p0 $0x3;
	[sflag:s30] =	ssyncadd.s32 $0xFFFFCC00  }
0xea: {  	[tilespmem:s8], [sflag:$0x3] =	stream.linear.gather @!p0 [spmem:s28], $0x800, $0x38;
	[tilespmem:$0x1BE80] =	vst v63  }
0xeb: {  	_ =	swait.ge @!p0 [sflag:s19], $0x800  }
0xec: {  	[sflag:s19] =	ssyncset.done @!p0 $0x0  }
0xed: {  	s20 =	simm.s32 @!p0 $0x0;
	s9 =	rddreg [dreg:$0xd];
	[sflag:s19] =	ssyncadd.s32 @!p0 $0xFFFFF800  }
0xee: {  	[hbm4b:s9+s20] =	stream.linear.scatter @!p0 [tilespmem:s8], [sflag:$0x3], $0x800, $0x38;
	[tilespmem:$0x1BE80] =	vst v63  }
0xef: {  	_ =	swait.ge @!p0 [sflag:s19], $0x800  }
0xf0: {  	s18 =	sadd.s32 $0x1, s18;
	s20 =	rddreg [dreg:$0xe]  }
0xf1: {  	p1 =	sne.s32 s18, s20  }
.Ltmp1:
0xf2: {  	_ = 	snop;
	(pc) =	sbr.rel @p1 .LBB2_1-.Ltmp1, $3  }
0xf3: {  	_ =	sdelay $0x1  }
0xf4: {  	[sflag:s19] =	ssyncset.done @!p0 $0x0  }
0xf5: {  	[sflag:s19] =	ssyncadd.s32 @!p0 $0xFFFFF800  }
0xf6: {  	_ =	sfence.sel $0x180000  }
0xf7: {  	[bflag:$0x0] =	sbarrier.arrive $0xFFFF  }
0xf8: {  	_ =	strace $0x90000047  }
0xf9: {  	s0 =	stileid.u32;
	[bflag:$0x2] =	sbarrier.arrive $0xFFFF  }
0xfa: {  	p0 =	sne.s32 s0, $0x0;
	s0 =	rddreg [dreg:$0x3]  }
0xfb: {  	s0 =	sadd.s32 @!p0 $0x100000, s0  }
0xfc: {  	[sflag:s0] =	ssyncadd.tile.s32 @!p0 $0x1;
	_ =	shalt  }
.Lfunc_end2:
_tile_overlayer_lowered:
.L_overlay_start_2:
0xfd: {  	(tag) =	ssettag $0x2  }
0xfe: {  	s0 =	rddreg [dreg:$0x0];
	s2 =	stileid.u32  }
0xff: {  	s1 =	rddreg [dreg:$0x1];
	p0 =	sne.s32 s2, $0x0  }
0x100: {  	s3 =	rddreg [dreg:$0x2];
	[bflag:$0x3] =	sbarrier.arrive $0xFFFF;
	s2 =	simm.s32 @!p0 $0x1C03  }
0x101: {  	[timem:s3], [sflag:s2] =	dma.local @!p0 [hbm:s0], s1  }
0x102: {  	s0 =	simm.s32 @!p0 $0x3  }
0x103: {  	_ =	swait.ge @!p0 [sflag:s0], s1  }
0x104: {  	s1 =	ssub.s32 @!p0 $0x0, s1;
	[sflag:s0] =	ssyncset.done @!p0 $0x0  }
0x105: {  	[sflag:s0] =	ssyncadd.s32 @!p0 s1  }
0x106: {  	[bflag:$0x3] =	sbarrier.arrive $0xFFFF  }
0x107: {  	_ =	shalt  }

// kernel: kernel.13.cloned.1.call-start
scs
__scs_entry_jumppad:
0x0: {  	(pc) =	sbr.rel $0x88, $3  }
0x1: {  	(tag) =	ssettag $0x0;
	lr =	simm.s32 $0x1  }
0x2: {  	[smem:$0x3F9B] =	sst lr;
	_ =	strace $0xD0000000  }
0x3: {  	_ = 	snop  }
0x4: {  	_ = 	snop  }
0x5: {  	_ = 	snop  }
0x6: {  	_ = 	snop  }
0x7: {  	_ = 	snop  }
__scs_overlays_trampoline_lowered:
0x8: {  	[smem:$0x3FAA] =	sst s0  }
0x9: {  	[smem:$0x3FAB] =	sst s1  }
0xa: {  	[smem:$0x3FAC] =	sst s2  }
0xb: {  	[smem:$0x3FAD] =	sst s3  }
0xc: {  	[smem:$0x3FAE] =	sst s4  }
0xd: {  	[smem:$0x3FAF] =	sst s5  }
0xe: {  	[smem:$0x3FB0] =	sst s6  }
0xf: {  	[smem:$0x3FB1] =	sst s7  }
0x10: {  	[smem:$0x3FB2] =	sst s8  }
0x11: {  	[smem:$0x3FB3] =	sst s9;
	s0 =	simm.s32 @!p0 $0x0  }
0x12: {  	s1 =	sld [smem:$0x3F99];
	s0 =	simm.s32 @p0 $0x1  }
0x13: {  	[smem:$0x3FB4] =	sst s0;
	s0 =	simm.s32 @!p1 $0x0  }
0x14: {  	s2 =	sld [smem:$0x3F98];
	s0 =	simm.s32 @p1 $0x1  }
0x15: {  	[smem:$0x3FB5] =	sst s0;
	s0 =	simm.s32 @!p2 $0x0  }
0x16: {  	s3 =	sld [smem:$0x3FDB];
	s0 =	simm.s32 @p2 $0x1  }
0x17: {  	s4 =	simm.s32 $0x1BF5;
	[smem:$0x3FB7] =	sst s0  }
0x18: {  	s0 =	sld [smem:$0x3F9A];
	_ =	swait.ge [sflag:s4], $0x0  }
0x19: {  	s7 =	sld [smem:$0x3F9B]  }
0x1a: {  	s8 =	sadd.s32 $0xFFFFE003, lr  }
0x1b: {  	s9 =	sadd.s32 $0xFFFFFEF7, lr;
	s5 =	simm.s32 $0xFFFFFFFF;
	p2 =	slt.u32 s8, $0xFFFFF086  }
0x1c: {  	p1 =	slt.u32 s9, $0xF7A;
	s5 =	simm.s32 @!p2 $0x0  }
0x1d: {  	s5 =	simm.s32 @p1 $0x1;
	p0 =	seq.s32 s7, s2  }
0x1e: {  	s7 =	smul.u32 @!p0 $0xF7A, s2;
	p2 =	seq.s32 @!p0 s5, $0x0  }
0x1f: {  	s9 =	smul.u32 $0xF7A, s1;
	s8 =	simm.s32 @!p0 $0x1BF5;
	p2 =	por !p2, p0  }
0x20: {  	[sflag:s8] =	ssyncset.s32 @!p0 $0xFFFFF086;
	s6 =	sadd.s32 @!p0 s3, s7;
	s7 =	simm.s32 @!p0 $0x108  }
0x21: {  	s3 =	sadd.s32 s3, s9;
	s6 =	sadd.s32 @!p0 $0x88, s6;
	s7 =	simm.s32 @p2 $0x1082  }
0x22: {  	[simem:s7], [sflag:s8] =	dma.local @!p0 [hbm:s6], $0xF7A  }
0x23: {  	s9 =	sor.u32 $0xD0000000, s2;
	s6 =	simm.s32 $0x108;
	_ =	swait.ge @!p0 [sflag:s8], $0x0  }
0x24: {  	s3 =	sadd.s32 $0x88, s3;
	s6 =	simm.s32 @!p1 $0x1082;
	[sflag:s4] =	ssyncset.s32 $0xFFFFF086  }
0x25: {  	[simem:s6], [sflag:s4] =	dma.local [hbm:s3], $0xF7A  }
0x26: {  	[smem:$0x3F9B] =	sst s1;
	(tag) =	ssettag s2;
	_ =	strace s9  }
0x27: {  	s1 =	sld [smem:$0x3FAB]  }
0x28: {  	s2 =	sld [smem:$0x3FAC]  }
0x29: {  	s4 =	sld [smem:$0x3FAE]  }
0x2a: {  	p0 =	seq.s32 s5, $0x0;
	s5 =	sld [smem:$0x3FAF]  }
0x2b: {  	s6 =	sld [smem:$0x3FB0]  }
0x2c: {  	s7 =	sld [smem:$0x3FB1]  }
0x2d: {  	s3 =	simm.s32 $0x108;
	s8 =	sld [smem:$0x3FB2]  }
0x2e: {  	s3 =	simm.s32 @!p0 $0x1082;
	s9 =	sld [smem:$0x3FB3]  }
0x2f: {  	lr =	sadd.s32 s0, s3;
	s0 =	sld [smem:$0x3FAA]  }
0x30: {  	s3 =	sld [smem:$0x3FAD]  }
0x31: {  	[smem:$0x3FB6] =	sst s10  }
0x32: {  	s10 =	sld [smem:$0x3FB4];
	_ =	sdelay $0x3  }
0x33: {  	p0 =	seq.s32 s10, $0x1;
	s10 =	sld [smem:$0x3FB6];
	_ =	sdelay $0x3  }
0x34: {  	[smem:$0x3FB6] =	sst s10  }
0x35: {  	s10 =	sld [smem:$0x3FB5];
	_ =	sdelay $0x3  }
0x36: {  	p1 =	seq.s32 s10, $0x1;
	s10 =	sld [smem:$0x3FB6];
	_ =	sdelay $0x3  }
0x37: {  	[smem:$0x3FB6] =	sst s10  }
0x38: {  	s10 =	sld [smem:$0x3FB7]  }
0x39: {  	_ = 	snop;
	(pc) =	sbr.ind lr, $3  }
0x3a: {  	_ = 	snop  }
0x3b: {  	_ = 	snop  }
0x3c: {  	p2 =	seq.s32 s10, $0x1;
	s10 =	sld [smem:$0x3FB6]  }
0x3d: {  	_ =	shalt  }
0x3e: {  	_ =	shalt  }
0x3f: {  	_ =	shalt  }
0x40: {  	_ =	shalt  }
0x41: {  	_ =	shalt  }
0x42: {  	_ =	shalt  }
0x43: {  	_ =	shalt  }
0x44: {  	_ =	shalt  }
0x45: {  	_ =	shalt  }
0x46: {  	_ =	shalt  }
0x47: {  	_ =	shalt  }
0x48: {  	_ =	shalt  }
0x49: {  	_ =	shalt  }
0x4a: {  	_ =	shalt  }
0x4b: {  	_ =	shalt  }
0x4c: {  	_ =	shalt  }
0x4d: {  	_ =	shalt  }
0x4e: {  	_ =	shalt  }
0x4f: {  	_ =	shalt  }
0x50: {  	_ =	shalt  }
0x51: {  	_ =	shalt  }
0x52: {  	_ =	shalt  }
0x53: {  	_ =	shalt  }
0x54: {  	_ =	shalt  }
0x55: {  	_ =	shalt  }
0x56: {  	_ =	shalt  }
0x57: {  	_ =	shalt  }
0x58: {  	_ =	shalt  }
0x59: {  	_ =	shalt  }
0x5a: {  	_ =	shalt  }
0x5b: {  	_ =	shalt  }
0x5c: {  	_ =	shalt  }
0x5d: {  	_ =	shalt  }
0x5e: {  	_ =	shalt  }
0x5f: {  	_ =	shalt  }
0x60: {  	_ =	shalt  }
0x61: {  	_ =	shalt  }
0x62: {  	_ =	shalt  }
0x63: {  	_ =	shalt  }
0x64: {  	_ =	shalt  }
0x65: {  	_ =	shalt  }
0x66: {  	_ =	shalt  }
0x67: {  	_ =	shalt  }
0x68: {  	_ =	shalt  }
0x69: {  	_ =	shalt  }
0x6a: {  	_ =	shalt  }
0x6b: {  	_ =	shalt  }
0x6c: {  	_ =	shalt  }
0x6d: {  	_ =	shalt  }
0x6e: {  	_ =	shalt  }
0x6f: {  	_ =	shalt  }
0x70: {  	_ =	shalt  }
0x71: {  	_ =	shalt  }
0x72: {  	_ =	shalt  }
0x73: {  	_ =	shalt  }
0x74: {  	_ =	shalt  }
0x75: {  	_ =	shalt  }
0x76: {  	_ =	shalt  }
0x77: {  	_ =	shalt  }
0x78: {  	_ =	shalt  }
0x79: {  	_ =	shalt  }
0x7a: {  	_ =	shalt  }
0x7b: {  	_ =	shalt  }
0x7c: {  	_ =	shalt  }
0x7d: {  	_ =	shalt  }
0x7e: {  	_ =	shalt  }
0x7f: {  	_ =	shalt  }
0x80: {  	_ =	shalt  }
0x81: {  	_ =	shalt  }
0x82: {  	_ =	shalt  }
0x83: {  	_ =	shalt  }
0x84: {  	_ =	shalt  }
0x85: {  	_ =	shalt  }
0x86: {  	_ =	shalt  }
0x87: {  	_ =	shalt  }
.Lfunc_end0:
.L_simem_size_0:
called_computation.2_lowered:
.L_overlay_start_0:
0x88: {  	s2 =	sld [smem:$0x3FD9]  }
0x89: {  	s3 =	sld [smem:$0x3FFE];
	_ =	sdelay $0x1  }
0x8a: {  	s1 =	srdreg.scid  }
0x8b: {  	s0 =	sand.u32 $0x1, s1  }
0x8c: {  	s16 =	sshll.u32 s0, $0xA;
	s2 =	sadd.s32 s3, s2  }
0x8d: {  	s2 =	sadd.s32 s2, s16  }
0x8e: {  	[smem:$0x3FC2] =	sst s2  }
0x8f: {  	_ = 	snop  }
0x90: {  	(tm) =	ssettm $0x1  }
0x91: {  	s17 =	sld [smem:$0x3FFB];
	_ =	sdelay $0x3  }
0x92: {  	_ =	strace s17  }
0x93: {  	s2 =	sld [smem:$0x3FFC];
	_ =	sdelay $0x3  }
0x94: {  	_ =	strace s2  }
0x95: {  	s2 =	sld [smem:$0x3FFD];
	_ =	sdelay $0x3  }
0x96: {  	_ =	strace s2  }
0x97: {  	_ =	strace $0x8FFFFFFF  }
0x98: {  	s18 =	sld [smem:$0x3FDB];
	_ =	sdelay $0x1  }
0x99: {  	s19 =	simm.s32 $_scs_section_size  }
0x9a: {  	s4 =	simm.s32 $_size__tile_overlayer_lowered;
	s5 =	simm.s32 $_tile_overlayer_lowered  }
0x9b: {  	s22 =	simm.s32 $0x1BFF;
	s21 =	sshll.u32 s5, $0x1;
	s2 =	sadd.s32 s19, s18  }
0x9c: {  	s6 =	simm.s32 $0x0;
	s20 =	sshll.u32 s4, $0x1;
	s4 =	sadd.s32 s21, s2  }
0x9d: {  	[timem:s6], [sflag:s22] =	dma.local [hbm:s4], s20  }
0x9e: {  	_ =	swait.ge [sflag:s22], s20  }
0x9f: {  	s3 =	ssub.s32 $0x0, s20;
	[sflag:s22] =	ssyncset.done $0x0  }
0xa0: {  	[sflag:s22] =	ssyncadd.s32 s3;
	_ =	sdelay $0x1  }
0xa1: {  	s23 =	simm.s32 $0x1B8B  }
0xa2: {  	_ =	swait.ge [sflag:s23], $0x1  }
0xa3: {  	[sflag:s23] =	ssyncset.done $0x0  }
0xa4: {  	s25 =	simm.s32 $0x1B8E;
	s24 =	sld [smem:$0x3FFE];
	[sflag:s23] =	ssyncadd.s32 $0xFFFFFFFF  }
0xa5: {  	s26 =	simm.s32 $execute0_lowered;
	[smem:$0x3FD2] =	sst s25  }
0xa6: {  	s4 =	sshll.u32 s26, $0x1;
	_ =	strace $0x8000004C;
	[dreg:$0x1] =	wrdreg $0xFFFFFFFF  }
0xa7: {  	s28 =	simm.s32 $_size_execute0_lowered;
	s2 =	sadd.s32 s2, s4;
	[dreg:$0x0] =	wrdreg $0x0  }
0xa8: {  	s4 =	sshll.u32 s28, $0x1;
	[dreg:$0x2] =	wrdreg s2  }
0xa9: {  	[dreg:$0x3] =	wrdreg s4  }
0xaa: {  	[dreg:$0x4] =	wrdreg $0xC0  }
0xab: {  	_ =	task [dreg:s6], $0x5FFFF  }
0xac: {  	[dreg:$0x1] =	wrdreg $0xFFFFFFFF  }
0xad: {  	[dreg:$0x0] =	wrdreg $0x60  }
0xae: {  	[dreg:$0x2] =	wrdreg s24  }
0xaf: {  	[dreg:$0x3] =	wrdreg $0x86000  }
0xb0: {  	[dreg:$0x4] =	wrdreg $0x9  }
0xb1: {  	_ =	task.clear_ibuf [dreg:s6], $0x5FFFF;
	_ =	strace $0x9000004C  }
0xb2: {  	s29 =	simm.s32 $0x9;
	_ =	strace $0x8000004E  }
0xb3: {  	_ =	swait.ge [sflag:s29], $0x1  }
0xb4: {  	[sflag:s29] =	ssyncadd.s32 $0xFFFFFFFF  }
0xb5: {  	_ =	strace $0x9000004E  }
0xb6: {  	_ =	sfence  }
0xb7: {  	s30 =	sld [smem:$0x0];
	_ =	sdelay $0x2  }
0xb8: {  	s31 =	sshll.u32 s1, $0xD;
	s1 =	sshrl.u32 s1, $0x2  }
0xb9: {  	s3 =	sand.u32 $0x4000, s31;
	s1 =	sadd.s32 s1, s30  }
0xba: {  	s0 =	sor.u32 s3, s0;
	s1 =	sshll.u32 s1, $0x11  }
0xbb: {  	s0 =	sor.u32 s1, s0  }
0xbc: {  	s0 =	sadd.s32 $0x8F2B, s0  }
0xbd: {  	[sflag:s0] =	ssyncadd.remote.s32 $0x1  }
0xbe: {  	_ =	sfence.sel $0xFFFF  }
0xbf: {  	[dreg:$0x0] =	wrdreg $0xFFFFFFFF;
	(pc) =	sbr.abs _section_cstart, $3  }
0xc0: {  	[dreg:$0x1] =	wrdreg $0xFFFFFFFF  }
0xc1: {  	_ =	task.clear_ibuf [dreg:s6], $0x2FFFF;
	_ =	strace $0x9FFFFFFF  }
0xc2: {  	(tm) =	ssettm $0x7FFFFFFF  }
0xc3: {  	_ =	shalt  }
tec
execute0_lowered:
.L_overlay_start_1:
0x0: {  	(tag) =	ssettag $0x1  }
0x1: {  	s0 =	rddreg [dreg:$0x0]  }
0x2: {  	s1 =	rddreg [dreg:$0x1]  }
0x3: {  	s2 =	simm.s32 $0x0;
	s24 =	srdreg.scid;
	s23 =	stileid.u32  }
0x4: {  	s29 =	simm.s32 $0x5200;
	s30 =	simm.s32 $0x3;
	s31 =	simm.s32 $0x80  }
0x5: {  	[smem:$0x7FF] =	sst s2;
	s3 =	sadd.s32 $0x16A00, s0;
	s5 =	sadd.s32 $0x17200, s0  }
0x6: {  	s6 =	sadd.s32 $0xCC00, s0;
	s7 =	sadd.s32 $0x2E00, s0;
	s8 =	smul.u32 $0x4E000, s23  }
0x7: {  	s0 =	sadd.s32 $0x3E400, s0;
	s14 =	smul.u32 $0x13800, s23;
	s25 =	sshll.u32 s23, $0x1  }
0x8: {  	s21 =	smul.u32 $0x4E20, s23;
	p0 =	sne.s32 s23, $0xF;
	s28 =	sadd.s32 $0x138000, s1  }
0x9: {  	_ =	strace $0x8000004D;
	[dreg:$0x3] =	wrdreg s3;
	s3 =	sand.u32 $0x1, s24  }
0xa: {  	s4 =	ssub.s32 $0x2, s3;
	s8 =	sshrl.u32 s8, $0x2;
	s10 =	sor.u32 s3, s25  }
0xb: {  	s15 =	sadd.s32 $0x3400, s14;
	s16 =	sadd.s32 $0x6800, s14;
	s18 =	sadd.s32 $0x9C00, s14  }
0xc: {  	s19 =	smul.u32 $0x138800, s3;
	s20 =	sadd.s32 $0xD000, s14;
	s22 =	sadd.s32 $0x10400, s14  }
0xd: {  	s3 =	smul.u32 $0x2710, s3;
	s9 =	sshrl.u32 s4, $0x1;
	s8 =	sadd.s32 s8, s1  }
0xe: {  	s17 =	smul.u32 $0x2710, s10;
	s10 =	sadd.s32 s16, s1;
	s12 =	sadd.s32 s18, s1  }
0xf: {  	s13 =	sadd.s32 s20, s1;
	s24 =	sadd.s32 s22, s1;
	s4 =	ssub.s32 s4, s9  }
0x10: {  	s9 =	sadd.s32 s15, s1;
	s14 =	sadd.s32 s14, s19;
	s3 =	sadd.s32 s3, s21  }
0x11: {  	s21 =	smov.u32 s8;
	s15 =	sadd.s32 s19, s15;
	s16 =	sadd.s32 s19, s16  }
0x12: {  	s23 =	smov.u32 s10;
	s17 =	sshrl.u32 s17, $0x3;
	s14 =	sshrl.u32 s14, $0x3  }
0x13: {  	s25 =	sshrl.u32 s16, $0x3;
	s16 =	sadd.s32 s19, s22;
	s4 =	smax.u32 s4, $0x1  }
0x14: {  	s22 =	smov.u32 s9;
	s26 =	sadd.s32 s6, s17;
	[dreg:$0xd] =	wrdreg s4  }
0x15: {  	s11 =	sadd.s32 s7, s17;
	s14 =	sadd.s32 s0, s14;
	[dreg:$0x4] =	wrdreg s26  }
0x16: {  	s17 =	sadd.s32 s19, s18;
	s4 =	simm.s32 $0x2900;
	[dreg:$0x5] =	wrdreg s11  }
0x17: {  	[dreg:$0x6] =	wrdreg s14;
	s14 =	sshrl.u32 s15, $0x3;
	s26 =	sshrl.u32 s17, $0x3  }
0x18: {  	s11 =	sadd.s32 s0, s25;
	s15 =	sadd.s32 s19, s20;
	s17 =	sshrl.u32 s19, $0x3  }
0x19: {  	s19 =	sshrl.u32 s16, $0x3;
	s16 =	simm.s32 $0x1;
	s18 =	sadd.s32 s0, s14  }
0x1a: {  	[dreg:$0x8] =	wrdreg s11;
	s14 =	sadd.s32 s0, s26;
	s20 =	sadd.s32 s0, s17  }
0x1b: {  	s26 =	sadd.s32 $0x50, s3;
	s3 =	sadd.s32 $0xA0, s3;
	[dreg:$0x7] =	wrdreg s18  }
0x1c: {  	s17 =	simm.s32 $0x2;
	[dreg:$0x9] =	wrdreg s14;
	s14 =	sshrl.u32 s15, $0x3  }
0x1d: {  	s25 =	sadd.s32 $0x27000, s20;
	[dreg:$0xe] =	wrdreg s3;
	s3 =	simm.s32 $0x100  }
0x1e: {  	s15 =	simm.s32 $0x2A00;
	s18 =	sadd.s32 s0, s14;
	[dreg:$0xc] =	wrdreg s25  }
0x1f: {  	s0 =	sadd.s32 s0, s19;
	s14 =	simm.s32 $0x2980;
	[dreg:$0xa] =	wrdreg s18  }
0x20: {  	[dreg:$0xb] =	wrdreg s0;
	s0 =	sshrl.u32 s26, $0x3;
	s18 =	simm.s32 $0x0  }
0x21: {  	s25 =	sadd.s32 s0, s7;
	s26 =	sadd.s32 s0, s6;
	s0 =	simm.s32 $0x50  }
.LBB2_1:
0x22: {  	s8 =	rddreg [dreg:$0x3]  }
0x23: {  	[tilespmem:s29], [sflag:$0x3] =	stream.linear.gather [hbm4b:s8+s2], $0x3400, $0x38;
	[tilespmem:$0x1BE80] =	vst v63  }
0x24: {  	_ =	swait.ge [sflag:s30], $0x3400  }
0x25: {  	[sflag:s30] =	ssyncset.done $0x0  }
0x26: {  	[sflag:s30] =	ssyncadd.s32 $0xFFFFCC00  }
0x27: {  	[spmem:s21] =	stream.linear.scatter [tilespmem:s29], [sflag:$0x3], $0x3400, $0x38;
	[tilespmem:$0x1BE80] =	vst v63  }
0x28: {  	_ =	swait.ge [sflag:s30], $0x3400  }
0x29: {  	[sflag:s30] =	ssyncset.done $0x0  }
0x2a: {  	[sflag:s30] =	ssyncadd.s32 $0xFFFFCC00  }
0x2b: {  	[spmem:s22] =	stream.linear.scatter [tilespmem:s29], [sflag:$0x3], $0x3400, $0x38;
	[tilespmem:$0x1BE80] =	vst v63  }
0x2c: {  	_ =	swait.ge [sflag:s30], $0x3400  }
0x2d: {  	[sflag:s30] =	ssyncset.done $0x0  }
0x2e: {  	[sflag:s30] =	ssyncadd.s32 $0xFFFFCC00  }
0x2f: {  	[spmem:s23] =	stream.linear.scatter [tilespmem:s29], [sflag:$0x3], $0x3400, $0x38;
	[tilespmem:$0x1BE80] =	vst v63  }
0x30: {  	_ =	swait.ge [sflag:s30], $0x3400  }
0x31: {  	[sflag:s30] =	ssyncset.done $0x0  }
0x32: {  	[sflag:s30] =	ssyncadd.s32 $0xFFFFCC00  }
0x33: {  	[spmem:s12] =	stream.linear.scatter [tilespmem:s29], [sflag:$0x3], $0x3400, $0x38;
	[tilespmem:$0x1BE80] =	vst v63  }
0x34: {  	_ =	swait.ge [sflag:s30], $0x3400  }
0x35: {  	[sflag:s30] =	ssyncset.done $0x0  }
0x36: {  	[sflag:s30] =	ssyncadd.s32 $0xFFFFCC00  }
0x37: {  	[spmem:s13] =	stream.linear.scatter [tilespmem:s29], [sflag:$0x3], $0x3400, $0x38;
	[tilespmem:$0x1BE80] =	vst v63  }
0x38: {  	_ =	swait.ge [sflag:s30], $0x3400  }
0x39: {  	[sflag:s30] =	ssyncset.done $0x0  }
0x3a: {  	[sflag:s30] =	ssyncadd.s32 $0xFFFFCC00  }
0x3b: {  	[spmem:s24] =	stream.linear.scatter [tilespmem:s29], [sflag:$0x3], $0x3400, $0x38;
	[tilespmem:$0x1BE80] =	vst v63  }
0x3c: {  	_ =	swait.ge [sflag:s30], $0x3400  }
0x3d: {  	[sflag:s30] =	ssyncset.done $0x0  }
0x3e: {  	s19 =	simm.s32 @!p0 $0x5200;
	[sflag:s30] =	ssyncadd.s32 $0xFFFFCC00  }
0x3f: {  	[spmem:s28] =	stream.linear.scatter @!p0 [tilespmem:s19], [sflag:$0x3], $0x800, $0x38;
	[tilespmem:$0x1BE80] =	vst v63  }
0x40: {  	s19 =	simm.s32 @!p0 $0x3  }
0x41: {  	_ =	swait.ge @!p0 [sflag:s19], $0x800  }
0x42: {  	[sflag:s19] =	ssyncset.done @!p0 $0x0  }
0x43: {  	[sflag:s19] =	ssyncadd.s32 @!p0 $0xFFFFF800  }
0x44: {  	[bflag:$0x0] =	sbarrier.arrive $0xFFFF  }
0x45: {  	s11 =	smov.u32 s23;
	s23 =	rddreg [dreg:$0x4]  }
0x46: {  	[tilespmem:s2], [sflag:$0x3] =	stream.linear.gather [hbm4b:s23+s2], $0x50, $0x38;
	[tilespmem:$0x1BE80] =	vst v63  }
0x47: {  	_ =	swait.ge [sflag:s30], $0x50  }
0x48: {  	[sflag:s30] =	ssyncset.done $0x0  }
0x49: {  	s19 =	rddreg [dreg:$0x5];
	[sflag:s30] =	ssyncadd.s32 $0xFFFFFFB0  }
0x4a: {  	[tilespmem:s31], [sflag:$0x3] =	stream.linear.gather [hbm4b:s19+s2], $0x50, $0x38;
	[tilespmem:$0x1BE80] =	vst v63  }
0x4b: {  	_ =	swait.ge [sflag:s30], $0x50  }
0x4c: {  	[sflag:s30] =	ssyncset.done $0x0  }
0x4d: {  	[sflag:s30] =	ssyncadd.s32 $0xFFFFFFB0  }
0x4e: {  	[tilespmem:s3], [sflag:$0x1] =	stream.indirect.gather [hbm4b:s5+s0], $0x80, s2, s0, $0xb8;
	[tilespmem:$0x1BE80] =	vst v63  }
0x4f: {  	s20 =	sadd.s32 $0x0, s26  }
0x50: {  	[tilespmem:s4], [sflag:$0x3] =	stream.linear.gather [hbm4b:s20+s2], $0x50, $0x38;
	[tilespmem:$0x1BE80] =	vst v63  }
0x51: {  	_ =	swait.ge [sflag:s30], $0x50  }
0x52: {  	[sflag:s30] =	ssyncset.done $0x0  }
0x53: {  	s9 =	smov.u32 s21;
	s21 =	sadd.s32 $0x0, s25;
	[sflag:s30] =	ssyncadd.s32 $0xFFFFFFB0  }
0x54: {  	[tilespmem:s14], [sflag:$0x3] =	stream.linear.gather [hbm4b:s21+s2], $0x50, $0x38;
	[tilespmem:$0x1BE80] =	vst v63  }
0x55: {  	_ =	swait.ge [sflag:s30], $0x50  }
0x56: {  	[sflag:s30] =	ssyncset.done $0x0  }
0x57: {  	[sflag:s30] =	ssyncadd.s32 $0xFFFFFFB0  }
0x58: {  	[tilespmem:s15], [sflag:$0x2] =	stream.indirect.gather [hbm4b:s5+s0], $0x80, s4, s0, $0xb8;
	[tilespmem:$0x1BE80] =	vst v63  }
0x59: {  	_ =	swait.ge [sflag:s16], $0x2800  }
0x5a: {  	[sflag:s16] =	ssyncset.done $0x0  }
0x5b: {  	[sflag:s16] =	ssyncadd.s32 $0xFFFFD800  }
0x5c: {  	[spmem:s1] =	stream.indirect.scatter.add.f32 [tilespmem:s3], [sflag:$0x3], $0x80, s31, s0, $0xb8;
	[tilespmem:$0x1BE80] =	vst v63  }
0x5d: {  	_ =	swait.ge [sflag:s30], $0x2800  }
0x5e: {  	s10 =	smov.u32 s22;
	s22 =	rddreg [dreg:$0xe]  }
0x5f: {  	[sflag:s30] =	ssyncset.done $0x0;
	s23 =	sshrl.u32 s22, $0x3  }
0x60: {  	[sflag:s30] =	ssyncadd.s32 $0xFFFFD800;
	s20 =	sadd.s32 s6, s23  }
0x61: {  	[tilespmem:s2], [sflag:$0x3] =	stream.linear.gather [hbm4b:s20+s2], $0x50, $0x38;
	[tilespmem:$0x1BE80] =	vst v63  }
0x62: {  	_ =	swait.ge [sflag:s30], $0x50  }
0x63: {  	[sflag:s30] =	ssyncset.done $0x0  }
0x64: {  	s19 =	sadd.s32 s7, s23;
	[sflag:s30] =	ssyncadd.s32 $0xFFFFFFB0  }
0x65: {  	[tilespmem:s31], [sflag:$0x3] =	stream.linear.gather [hbm4b:s19+s2], $0x50, $0x38;
	[tilespmem:$0x1BE80] =	vst v63  }
0x66: {  	_ =	swait.ge [sflag:s30], $0x50  }
0x67: {  	[sflag:s30] =	ssyncset.done $0x0  }
0x68: {  	[sflag:s30] =	ssyncadd.s32 $0xFFFFFFB0  }
0x69: {  	[tilespmem:s3], [sflag:$0x1] =	stream.indirect.gather [hbm4b:s5+s0], $0x80, s2, s0, $0xb8;
	[tilespmem:$0x1BE80] =	vst v63  }
0x6a: {  	_ =	swait.ge [sflag:s17], $0x2800  }
0x6b: {  	[sflag:s17] =	ssyncset.done $0x0  }
0x6c: {  	[sflag:s17] =	ssyncadd.s32 $0xFFFFD800  }
0x6d: {  	[spmem:s1] =	stream.indirect.scatter.add.f32 [tilespmem:s15], [sflag:$0x3], $0x80, s14, s0, $0xb8;
	[tilespmem:$0x1BE80] =	vst v63  }
0x6e: {  	s21 =	simm.s32 $0x28;
	_ =	swait.ge [sflag:s30], $0x2800  }
0x6f: {  	s20 =	simm.s32 $0x14;
	s19 =	sadd.s32 $0xA0, s22;
	[sflag:s30] =	ssyncset.done $0x0  }
.LBB2_2:
0x70: {  	s23 =	sadd.s32 s20, s26  }
0x71: {  	[sflag:s30] =	ssyncadd.s32 $0xFFFFD800;
	s8 =	smov.u32 s21;
	s22 =	sadd.s32 $0x14, s21  }
0x72: {  	[tilespmem:s4], [sflag:$0x3] =	stream.linear.gather [hbm4b:s23+s2], $0x50, $0x38;
	[tilespmem:$0x1BE80] =	vst v63  }
0x73: {  	p1 =	sne.s32 s21, $0x4C4;
	_ =	swait.ge [sflag:s30], $0x50  }
0x74: {  	[sflag:s30] =	ssyncset.done $0x0  }
0x75: {  	s21 =	sadd.s32 s20, s25;
	s20 =	smov.u32 s8;
	[sflag:s30] =	ssyncadd.s32 $0xFFFFFFB0  }
0x76: {  	[tilespmem:s14], [sflag:$0x3] =	stream.linear.gather [hbm4b:s21+s2], $0x50, $0x38;
	[tilespmem:$0x1BE80] =	vst v63  }
0x77: {  	_ =	swait.ge [sflag:s30], $0x50  }
0x78: {  	[sflag:s30] =	ssyncset.done $0x0  }
0x79: {  	[sflag:s30] =	ssyncadd.s32 $0xFFFFFFB0  }
0x7a: {  	[tilespmem:s15], [sflag:$0x2] =	stream.indirect.gather [hbm4b:s5+s0], $0x80, s4, s0, $0xb8;
	[tilespmem:$0x1BE80] =	vst v63  }
0x7b: {  	_ =	swait.ge [sflag:s16], $0x2800  }
0x7c: {  	[sflag:s16] =	ssyncset.done $0x0  }
0x7d: {  	[sflag:s16] =	ssyncadd.s32 $0xFFFFD800  }
0x7e: {  	[spmem:s1] =	stream.indirect.scatter.add.f32 [tilespmem:s3], [sflag:$0x3], $0x80, s31, s0, $0xb8;
	[tilespmem:$0x1BE80] =	vst v63  }
0x7f: {  	_ =	swait.ge [sflag:s30], $0x2800  }
0x80: {  	s8 =	sshrl.u32 s19, $0x3;
	[sflag:s30] =	ssyncset.done $0x0  }
0x81: {  	s21 =	sadd.s32 s6, s8;
	[sflag:s30] =	ssyncadd.s32 $0xFFFFD800  }
0x82: {  	[tilespmem:s2], [sflag:$0x3] =	stream.linear.gather [hbm4b:s21+s2], $0x50, $0x38;
	[tilespmem:$0x1BE80] =	vst v63  }
0x83: {  	_ =	swait.ge [sflag:s30], $0x50  }
0x84: {  	[sflag:s30] =	ssyncset.done $0x0  }
0x85: {  	s8 =	sadd.s32 s7, s8;
	[sflag:s30] =	ssyncadd.s32 $0xFFFFFFB0  }
0x86: {  	[tilespmem:s31], [sflag:$0x3] =	stream.linear.gather [hbm4b:s8+s2], $0x50, $0x38;
	[tilespmem:$0x1BE80] =	vst v63  }
0x87: {  	_ =	swait.ge [sflag:s30], $0x50  }
0x88: {  	[sflag:s30] =	ssyncset.done $0x0  }
0x89: {  	[sflag:s30] =	ssyncadd.s32 $0xFFFFFFB0  }
0x8a: {  	[tilespmem:s3], [sflag:$0x1] =	stream.indirect.gather [hbm4b:s5+s0], $0x80, s2, s0, $0xb8;
	[tilespmem:$0x1BE80] =	vst v63  }
0x8b: {  	_ =	swait.ge [sflag:s17], $0x2800  }
.Ltmp0:
0x8c: {  	[sflag:s17] =	ssyncset.done $0x0;
	(pc) =	sbr.rel @p1 .LBB2_2-.Ltmp0, $4  }
0x8d: {  	[sflag:s17] =	ssyncadd.s32 $0xFFFFD800  }
0x8e: {  	[spmem:s1] =	stream.indirect.scatter.add.f32 [tilespmem:s15], [sflag:$0x3], $0x80, s14, s0, $0xb8;
	[tilespmem:$0x1BE80] =	vst v63  }
0x8f: {  	_ =	swait.ge [sflag:s30], $0x2800  }
0x90: {  	s19 =	sadd.s32 $0xA0, s19;
	s21 =	smov.u32 s22;
	[sflag:s30] =	ssyncset.done $0x0  }
0x91: {  	s8 =	sadd.s32 s20, s26;
	[sflag:s30] =	ssyncadd.s32 $0xFFFFD800  }
0x92: {  	[tilespmem:s4], [sflag:$0x3] =	stream.linear.gather [hbm4b:s8+s2], $0x50, $0x38;
	[tilespmem:$0x1BE80] =	vst v63  }
0x93: {  	_ =	swait.ge [sflag:s30], $0x50  }
0x94: {  	[sflag:s30] =	ssyncset.done $0x0  }
0x95: {  	s20 =	sadd.s32 s20, s25;
	[sflag:s30] =	ssyncadd.s32 $0xFFFFFFB0  }
0x96: {  	[tilespmem:s14], [sflag:$0x3] =	stream.linear.gather [hbm4b:s20+s2], $0x50, $0x38;
	[tilespmem:$0x1BE80] =	vst v63  }
0x97: {  	_ =	swait.ge [sflag:s30], $0x50  }
0x98: {  	[sflag:s30] =	ssyncset.done $0x0  }
0x99: {  	[sflag:s30] =	ssyncadd.s32 $0xFFFFFFB0  }
0x9a: {  	[tilespmem:s15], [sflag:$0x2] =	stream.indirect.gather [hbm4b:s5+s0], $0x80, s4, s0, $0xb8;
	[tilespmem:$0x1BE80] =	vst v63  }
0x9b: {  	_ =	swait.ge [sflag:s16], $0x2800  }
0x9c: {  	[sflag:s16] =	ssyncset.done $0x0  }
0x9d: {  	[sflag:s16] =	ssyncadd.s32 $0xFFFFD800  }
0x9e: {  	[spmem:s1] =	stream.indirect.scatter.add.f32 [tilespmem:s3], [sflag:$0x3], $0x80, s31, s0, $0xb8;
	[tilespmem:$0x1BE80] =	vst v63  }
0x9f: {  	_ =	swait.ge [sflag:s30], $0x2800  }
0xa0: {  	s21 =	sshrl.u32 s19, $0x3;
	[sflag:s30] =	ssyncset.done $0x0  }
0xa1: {  	s19 =	sadd.s32 s6, s21;
	[sflag:s30] =	ssyncadd.s32 $0xFFFFD800  }
0xa2: {  	[tilespmem:s2], [sflag:$0x3] =	stream.linear.gather [hbm4b:s19+s2], $0x50, $0x38;
	[tilespmem:$0x1BE80] =	vst v63  }
0xa3: {  	_ =	swait.ge [sflag:s30], $0x50  }
0xa4: {  	[sflag:s30] =	ssyncset.done $0x0  }
0xa5: {  	s8 =	sadd.s32 s7, s21;
	[sflag:s30] =	ssyncadd.s32 $0xFFFFFFB0  }
0xa6: {  	[tilespmem:s31], [sflag:$0x3] =	stream.linear.gather [hbm4b:s8+s2], $0x50, $0x38;
	[tilespmem:$0x1BE80] =	vst v63  }
0xa7: {  	_ =	swait.ge [sflag:s30], $0x50  }
0xa8: {  	[sflag:s30] =	ssyncset.done $0x0  }
0xa9: {  	[sflag:s30] =	ssyncadd.s32 $0xFFFFFFB0  }
0xaa: {  	[tilespmem:s3], [sflag:$0x1] =	stream.indirect.gather [hbm4b:s5+s0], $0x80, s2, s0, $0xb8;
	[tilespmem:$0x1BE80] =	vst v63  }
0xab: {  	_ =	swait.ge [sflag:s17], $0x2800  }
0xac: {  	[sflag:s17] =	ssyncset.done $0x0  }
0xad: {  	[sflag:s17] =	ssyncadd.s32 $0xFFFFD800  }
0xae: {  	[spmem:s1] =	stream.indirect.scatter.add.f32 [tilespmem:s15], [sflag:$0x3], $0x80, s14, s0, $0xb8;
	[tilespmem:$0x1BE80] =	vst v63  }
0xaf: {  	_ =	swait.ge [sflag:s30], $0x2800  }
0xb0: {  	[sflag:s30] =	ssyncset.done $0x0  }
0xb1: {  	[sflag:s30] =	ssyncadd.s32 $0xFFFFD800  }
0xb2: {  	_ =	swait.ge [sflag:s16], $0x2800  }
0xb3: {  	[sflag:s16] =	ssyncset.done $0x0  }
0xb4: {  	[sflag:s16] =	ssyncadd.s32 $0xFFFFD800  }
0xb5: {  	[spmem:s1] =	stream.indirect.scatter.add.f32 [tilespmem:s3], [sflag:$0x3], $0x80, s31, s0, $0xb8;
	[tilespmem:$0x1BE80] =	vst v63  }
0xb6: {  	_ =	swait.ge [sflag:s30], $0x2800  }
0xb7: {  	[sflag:s30] =	ssyncset.done $0x0  }
0xb8: {  	[sflag:s30] =	ssyncadd.s32 $0xFFFFD800  }
0xb9: {  	[bflag:$0x0] =	sbarrier.arrive $0xFFFF  }
0xba: {  	[tilespmem:s29], [sflag:$0x3] =	stream.linear.gather [spmem:s9], $0x3400, $0x38;
	[tilespmem:$0x1BE80] =	vst v63  }
0xbb: {  	_ =	swait.ge [sflag:s30], $0x3400  }
0xbc: {  	[sflag:s30] =	ssyncset.done $0x0  }
0xbd: {  	s22 =	rddreg [dreg:$0x6];
	[sflag:s30] =	ssyncadd.s32 $0xFFFFCC00  }
0xbe: {  	[hbm4b:s22+s2] =	stream.linear.scatter [tilespmem:s29], [sflag:$0x3], $0x3400, $0x38;
	[tilespmem:$0x1BE80] =	vst v63  }
0xbf: {  	_ =	swait.ge [sflag:s30], $0x3400  }
0xc0: {  	[sflag:s30] =	ssyncset.done $0x0  }
0xc1: {  	[sflag:s30] =	ssyncadd.s32 $0xFFFFCC00  }
0xc2: {  	[tilespmem:s29], [sflag:$0x3] =	stream.linear.gather [spmem:s10], $0x3400, $0x38;
	[tilespmem:$0x1BE80] =	vst v63  }
0xc3: {  	_ =	swait.ge [sflag:s30], $0x3400  }
0xc4: {  	[sflag:s30] =	ssyncset.done $0x0  }
0xc5: {  	s23 =	rddreg [dreg:$0x7];
	[sflag:s30] =	ssyncadd.s32 $0xFFFFCC00  }
0xc6: {  	[hbm4b:s23+s2] =	stream.linear.scatter [tilespmem:s29], [sflag:$0x3], $0x3400, $0x38;
	[tilespmem:$0x1BE80] =	vst v63  }
0xc7: {  	_ =	swait.ge [sflag:s30], $0x3400  }
0xc8: {  	[sflag:s30] =	ssyncset.done $0x0  }
0xc9: {  	[sflag:s30] =	ssyncadd.s32 $0xFFFFCC00  }
0xca: {  	[tilespmem:s29], [sflag:$0x3] =	stream.linear.gather [spmem:s11], $0x3400, $0x38;
	[tilespmem:$0x1BE80] =	vst v63  }
0xcb: {  	_ =	swait.ge [sflag:s30], $0x3400  }
0xcc: {  	[sflag:s30] =	ssyncset.done $0x0  }
0xcd: {  	s21 =	smov.u32 s9;
	s9 =	rddreg [dreg:$0x8];
	[sflag:s30] =	ssyncadd.s32 $0xFFFFCC00  }
0xce: {  	[hbm4b:s9+s2] =	stream.linear.scatter [tilespmem:s29], [sflag:$0x3], $0x3400, $0x38;
	[tilespmem:$0x1BE80] =	vst v63  }
0xcf: {  	_ =	swait.ge [sflag:s30], $0x3400  }
0xd0: {  	[sflag:s30] =	ssyncset.done $0x0  }
0xd1: {  	[sflag:s30] =	ssyncadd.s32 $0xFFFFCC00  }
0xd2: {  	[tilespmem:s29], [sflag:$0x3] =	stream.linear.gather [spmem:s12], $0x3400, $0x38;
	[tilespmem:$0x1BE80] =	vst v63  }
0xd3: {  	_ =	swait.ge [sflag:s30], $0x3400  }
0xd4: {  	[sflag:s30] =	ssyncset.done $0x0  }
0xd5: {  	s22 =	smov.u32 s10;
	s10 =	rddreg [dreg:$0x9];
	[sflag:s30] =	ssyncadd.s32 $0xFFFFCC00  }
0xd6: {  	[hbm4b:s10+s2] =	stream.linear.scatter [tilespmem:s29], [sflag:$0x3], $0x3400, $0x38;
	[tilespmem:$0x1BE80] =	vst v63  }
0xd7: {  	_ =	swait.ge [sflag:s30], $0x3400  }
0xd8: {  	[sflag:s30] =	ssyncset.done $0x0  }
0xd9: {  	[sflag:s30] =	ssyncadd.s32 $0xFFFFCC00  }
0xda: {  	[tilespmem:s29], [sflag:$0x3] =	stream.linear.gather [spmem:s13], $0x3400, $0x38;
	[tilespmem:$0x1BE80] =	vst v63  }
0xdb: {  	_ =	swait.ge [sflag:s30], $0x3400  }
0xdc: {  	[sflag:s30] =	ssyncset.done $0x0  }
0xdd: {  	s23 =	smov.u32 s11;
	s11 =	rddreg [dreg:$0xa];
	[sflag:s30] =	ssyncadd.s32 $0xFFFFCC00  }
0xde: {  	[hbm4b:s11+s2] =	stream.linear.scatter [tilespmem:s29], [sflag:$0x3], $0x3400, $0x38;
	[tilespmem:$0x1BE80] =	vst v63  }
0xdf: {  	_ =	swait.ge [sflag:s30], $0x3400  }
0xe0: {  	[sflag:s30] =	ssyncset.done $0x0  }
0xe1: {  	[sflag:s30] =	ssyncadd.s32 $0xFFFFCC00  }
0xe2: {  	[tilespmem:s29], [sflag:$0x3] =	stream.linear.gather [spmem:s24], $0x3400, $0x38;
	[tilespmem:$0x1BE80] =	vst v63  }
0xe3: {  	_ =	swait.ge [sflag:s30], $0x3400  }
0xe4: {  	[sflag:s30] =	ssyncset.done $0x0  }
0xe5: {  	s19 =	rddreg [dreg:$0xb];
	[sflag:s30] =	ssyncadd.s32 $0xFFFFCC00  }
0xe6: {  	[hbm4b:s19+s2] =	stream.linear.scatter [tilespmem:s29], [sflag:$0x3], $0x3400, $0x38;
	[tilespmem:$0x1BE80] =	vst v63  }
0xe7: {  	_ =	swait.ge [sflag:s30], $0x3400  }
0xe8: {  	[sflag:s30] =	ssyncset.done $0x0  }
0xe9: {  	s8 =	simm.s32 @!p0 $0x5200;
	s19 =	simm.s32 @!p0 $0x3;
	[sflag:s30] =	ssyncadd.s32 $0xFFFFCC00  }
0xea: {  	[tilespmem:s8], [sflag:$0x3] =	stream.linear.gather @!p0 [spmem:s28], $0x800, $0x38;
	[tilespmem:$0x1BE80] =	vst v63  }
0xeb: {  	_ =	swait.ge @!p0 [sflag:s19], $0x800  }
0xec: {  	[sflag:s19] =	ssyncset.done @!p0 $0x0  }
0xed: {  	s20 =	simm.s32 @!p0 $0x0;
	s9 =	rddreg [dreg:$0xc];
	[sflag:s19] =	ssyncadd.s32 @!p0 $0xFFFFF800  }
0xee: {  	[hbm4b:s9+s20] =	stream.linear.scatter @!p0 [tilespmem:s8], [sflag:$0x3], $0x800, $0x38;
	[tilespmem:$0x1BE80] =	vst v63  }
0xef: {  	_ =	swait.ge @!p0 [sflag:s19], $0x800  }
0xf0: {  	s18 =	sadd.s32 $0x1, s18;
	s20 =	rddreg [dreg:$0xd]  }
0xf1: {  	p1 =	sne.s32 s18, s20  }
.Ltmp1:
0xf2: {  	_ = 	snop;
	(pc) =	sbr.rel @p1 .LBB2_1-.Ltmp1, $3  }
0xf3: {  	_ =	sdelay $0x1  }
0xf4: {  	[sflag:s19] =	ssyncset.done @!p0 $0x0  }
0xf5: {  	[sflag:s19] =	ssyncadd.s32 @!p0 $0xFFFFF800  }
0xf6: {  	_ =	sfence.sel $0x180000  }
0xf7: {  	[bflag:$0x0] =	sbarrier.arrive $0xFFFF  }
0xf8: {  	_ =	strace $0x9000004D  }
0xf9: {  	s0 =	stileid.u32;
	[bflag:$0x2] =	sbarrier.arrive $0xFFFF  }
0xfa: {  	p0 =	sne.s32 s0, $0x0;
	s0 =	rddreg [dreg:$0x2]  }
0xfb: {  	s0 =	sadd.s32 @!p0 $0x100000, s0  }
0xfc: {  	[sflag:s0] =	ssyncadd.tile.s32 @!p0 $0x1;
	_ =	shalt  }
.Lfunc_end2:
_tile_overlayer_lowered:
.L_overlay_start_2:
0xfd: {  	(tag) =	ssettag $0x2  }
0xfe: {  	s0 =	rddreg [dreg:$0x0];
	s2 =	stileid.u32  }
0xff: {  	s1 =	rddreg [dreg:$0x1];
	p0 =	sne.s32 s2, $0x0  }
0x100: {  	s3 =	rddreg [dreg:$0x2];
	[bflag:$0x3] =	sbarrier.arrive $0xFFFF;
	s2 =	simm.s32 @!p0 $0x1C03  }
0x101: {  	[timem:s3], [sflag:s2] =	dma.local @!p0 [hbm:s0], s1  }
0x102: {  	s0 =	simm.s32 @!p0 $0x3  }
0x103: {  	_ =	swait.ge @!p0 [sflag:s0], s1  }
0x104: {  	s1 =	ssub.s32 @!p0 $0x0, s1;
	[sflag:s0] =	ssyncset.done @!p0 $0x0  }
0x105: {  	[sflag:s0] =	ssyncadd.s32 @!p0 s1  }
0x106: {  	[bflag:$0x3] =	sbarrier.arrive $0xFFFF  }
0x107: {  	_ =	shalt  }

// kernel: kernel.7.cloned.1.call-start
scs
__scs_entry_jumppad:
0x0: {  	(pc) =	sbr.rel $0x88, $3  }
0x1: {  	(tag) =	ssettag $0x0;
	lr =	simm.s32 $0x1  }
0x2: {  	[smem:$0x3F9B] =	sst lr;
	_ =	strace $0xD0000000  }
0x3: {  	_ = 	snop  }
0x4: {  	_ = 	snop  }
0x5: {  	_ = 	snop  }
0x6: {  	_ = 	snop  }
0x7: {  	_ = 	snop  }
__scs_overlays_trampoline_lowered:
0x8: {  	[smem:$0x3FAA] =	sst s0  }
0x9: {  	[smem:$0x3FAB] =	sst s1  }
0xa: {  	[smem:$0x3FAC] =	sst s2  }
0xb: {  	[smem:$0x3FAD] =	sst s3  }
0xc: {  	[smem:$0x3FAE] =	sst s4  }
0xd: {  	[smem:$0x3FAF] =	sst s5  }
0xe: {  	[smem:$0x3FB0] =	sst s6  }
0xf: {  	[smem:$0x3FB1] =	sst s7  }
0x10: {  	[smem:$0x3FB2] =	sst s8  }
0x11: {  	[smem:$0x3FB3] =	sst s9;
	s0 =	simm.s32 @!p0 $0x0  }
0x12: {  	s1 =	sld [smem:$0x3F99];
	s0 =	simm.s32 @p0 $0x1  }
0x13: {  	[smem:$0x3FB4] =	sst s0;
	s0 =	simm.s32 @!p1 $0x0  }
0x14: {  	s2 =	sld [smem:$0x3F98];
	s0 =	simm.s32 @p1 $0x1  }
0x15: {  	[smem:$0x3FB5] =	sst s0;
	s0 =	simm.s32 @!p2 $0x0  }
0x16: {  	s3 =	sld [smem:$0x3FDB];
	s0 =	simm.s32 @p2 $0x1  }
0x17: {  	s4 =	simm.s32 $0x1BF5;
	[smem:$0x3FB7] =	sst s0  }
0x18: {  	s0 =	sld [smem:$0x3F9A];
	_ =	swait.ge [sflag:s4], $0x0  }
0x19: {  	s7 =	sld [smem:$0x3F9B]  }
0x1a: {  	s8 =	sadd.s32 $0xFFFFE003, lr  }
0x1b: {  	s9 =	sadd.s32 $0xFFFFFEF7, lr;
	s5 =	simm.s32 $0xFFFFFFFF;
	p2 =	slt.u32 s8, $0xFFFFF086  }
0x1c: {  	p1 =	slt.u32 s9, $0xF7A;
	s5 =	simm.s32 @!p2 $0x0  }
0x1d: {  	s5 =	simm.s32 @p1 $0x1;
	p0 =	seq.s32 s7, s2  }
0x1e: {  	s7 =	smul.u32 @!p0 $0xF7A, s2;
	p2 =	seq.s32 @!p0 s5, $0x0  }
0x1f: {  	s9 =	smul.u32 $0xF7A, s1;
	s8 =	simm.s32 @!p0 $0x1BF5;
	p2 =	por !p2, p0  }
0x20: {  	[sflag:s8] =	ssyncset.s32 @!p0 $0xFFFFF086;
	s6 =	sadd.s32 @!p0 s3, s7;
	s7 =	simm.s32 @!p0 $0x108  }
0x21: {  	s3 =	sadd.s32 s3, s9;
	s6 =	sadd.s32 @!p0 $0x88, s6;
	s7 =	simm.s32 @p2 $0x1082  }
0x22: {  	[simem:s7], [sflag:s8] =	dma.local @!p0 [hbm:s6], $0xF7A  }
0x23: {  	s9 =	sor.u32 $0xD0000000, s2;
	s6 =	simm.s32 $0x108;
	_ =	swait.ge @!p0 [sflag:s8], $0x0  }
0x24: {  	s3 =	sadd.s32 $0x88, s3;
	s6 =	simm.s32 @!p1 $0x1082;
	[sflag:s4] =	ssyncset.s32 $0xFFFFF086  }
0x25: {  	[simem:s6], [sflag:s4] =	dma.local [hbm:s3], $0xF7A  }
0x26: {  	[smem:$0x3F9B] =	sst s1;
	(tag) =	ssettag s2;
	_ =	strace s9  }
0x27: {  	s1 =	sld [smem:$0x3FAB]  }
0x28: {  	s2 =	sld [smem:$0x3FAC]  }
0x29: {  	s4 =	sld [smem:$0x3FAE]  }
0x2a: {  	p0 =	seq.s32 s5, $0x0;
	s5 =	sld [smem:$0x3FAF]  }
0x2b: {  	s6 =	sld [smem:$0x3FB0]  }
0x2c: {  	s7 =	sld [smem:$0x3FB1]  }
0x2d: {  	s3 =	simm.s32 $0x108;
	s8 =	sld [smem:$0x3FB2]  }
0x2e: {  	s3 =	simm.s32 @!p0 $0x1082;
	s9 =	sld [smem:$0x3FB3]  }
0x2f: {  	lr =	sadd.s32 s0, s3;
	s0 =	sld [smem:$0x3FAA]  }
0x30: {  	s3 =	sld [smem:$0x3FAD]  }
0x31: {  	[smem:$0x3FB6] =	sst s10  }
0x32: {  	s10 =	sld [smem:$0x3FB4];
	_ =	sdelay $0x3  }
0x33: {  	p0 =	seq.s32 s10, $0x1;
	s10 =	sld [smem:$0x3FB6];
	_ =	sdelay $0x3  }
0x34: {  	[smem:$0x3FB6] =	sst s10  }
0x35: {  	s10 =	sld [smem:$0x3FB5];
	_ =	sdelay $0x3  }
0x36: {  	p1 =	seq.s32 s10, $0x1;
	s10 =	sld [smem:$0x3FB6];
	_ =	sdelay $0x3  }
0x37: {  	[smem:$0x3FB6] =	sst s10  }
0x38: {  	s10 =	sld [smem:$0x3FB7]  }
0x39: {  	_ = 	snop;
	(pc) =	sbr.ind lr, $3  }
0x3a: {  	_ = 	snop  }
0x3b: {  	_ = 	snop  }
0x3c: {  	p2 =	seq.s32 s10, $0x1;
	s10 =	sld [smem:$0x3FB6]  }
0x3d: {  	_ =	shalt  }
0x3e: {  	_ =	shalt  }
0x3f: {  	_ =	shalt  }
0x40: {  	_ =	shalt  }
0x41: {  	_ =	shalt  }
0x42: {  	_ =	shalt  }
0x43: {  	_ =	shalt  }
0x44: {  	_ =	shalt  }
0x45: {  	_ =	shalt  }
0x46: {  	_ =	shalt  }
0x47: {  	_ =	shalt  }
0x48: {  	_ =	shalt  }
0x49: {  	_ =	shalt  }
0x4a: {  	_ =	shalt  }
0x4b: {  	_ =	shalt  }
0x4c: {  	_ =	shalt  }
0x4d: {  	_ =	shalt  }
0x4e: {  	_ =	shalt  }
0x4f: {  	_ =	shalt  }
0x50: {  	_ =	shalt  }
0x51: {  	_ =	shalt  }
0x52: {  	_ =	shalt  }
0x53: {  	_ =	shalt  }
0x54: {  	_ =	shalt  }
0x55: {  	_ =	shalt  }
0x56: {  	_ =	shalt  }
0x57: {  	_ =	shalt  }
0x58: {  	_ =	shalt  }
0x59: {  	_ =	shalt  }
0x5a: {  	_ =	shalt  }
0x5b: {  	_ =	shalt  }
0x5c: {  	_ =	shalt  }
0x5d: {  	_ =	shalt  }
0x5e: {  	_ =	shalt  }
0x5f: {  	_ =	shalt  }
0x60: {  	_ =	shalt  }
0x61: {  	_ =	shalt  }
0x62: {  	_ =	shalt  }
0x63: {  	_ =	shalt  }
0x64: {  	_ =	shalt  }
0x65: {  	_ =	shalt  }
0x66: {  	_ =	shalt  }
0x67: {  	_ =	shalt  }
0x68: {  	_ =	shalt  }
0x69: {  	_ =	shalt  }
0x6a: {  	_ =	shalt  }
0x6b: {  	_ =	shalt  }
0x6c: {  	_ =	shalt  }
0x6d: {  	_ =	shalt  }
0x6e: {  	_ =	shalt  }
0x6f: {  	_ =	shalt  }
0x70: {  	_ =	shalt  }
0x71: {  	_ =	shalt  }
0x72: {  	_ =	shalt  }
0x73: {  	_ =	shalt  }
0x74: {  	_ =	shalt  }
0x75: {  	_ =	shalt  }
0x76: {  	_ =	shalt  }
0x77: {  	_ =	shalt  }
0x78: {  	_ =	shalt  }
0x79: {  	_ =	shalt  }
0x7a: {  	_ =	shalt  }
0x7b: {  	_ =	shalt  }
0x7c: {  	_ =	shalt  }
0x7d: {  	_ =	shalt  }
0x7e: {  	_ =	shalt  }
0x7f: {  	_ =	shalt  }
0x80: {  	_ =	shalt  }
0x81: {  	_ =	shalt  }
0x82: {  	_ =	shalt  }
0x83: {  	_ =	shalt  }
0x84: {  	_ =	shalt  }
0x85: {  	_ =	shalt  }
0x86: {  	_ =	shalt  }
0x87: {  	_ =	shalt  }
.Lfunc_end0:
.L_simem_size_0:
called_computation_lowered:
.L_overlay_start_0:
0x88: {  	s2 =	sld [smem:$0x3FD9]  }
0x89: {  	s3 =	sld [smem:$0x3FFE];
	_ =	sdelay $0x1  }
0x8a: {  	s1 =	srdreg.scid  }
0x8b: {  	s0 =	sand.u32 $0x1, s1  }
0x8c: {  	s17 =	sshll.u32 s0, $0xA;
	s2 =	sadd.s32 s3, s2  }
0x8d: {  	s2 =	sadd.s32 s2, s17  }
0x8e: {  	[smem:$0x3FC2] =	sst s2  }
0x8f: {  	_ = 	snop  }
0x90: {  	s18 =	sld [smem:$0x3FD0];
	(tm) =	ssettm $0x1  }
0x91: {  	s19 =	sld [smem:$0x3FFB];
	_ =	sdelay $0x3  }
0x92: {  	_ =	strace s19  }
0x93: {  	s2 =	sld [smem:$0x3FFC];
	_ =	sdelay $0x3  }
0x94: {  	_ =	strace s2  }
0x95: {  	s2 =	sld [smem:$0x3FFD];
	_ =	sdelay $0x3  }
0x96: {  	_ =	strace s2  }
0x97: {  	_ =	strace $0x8FFFFFFF  }
0x98: {  	s20 =	sld [smem:$0x3FDB];
	_ =	sdelay $0x1  }
0x99: {  	s4 =	simm.s32 $_scs_section_size  }
0x9a: {  	s5 =	simm.s32 $_size__tile_overlayer_lowered;
	s6 =	simm.s32 $_tile_overlayer_lowered  }
0x9b: {  	s7 =	simm.s32 $0x1BFF;
	s21 =	sshll.u32 s6, $0x1;
	s4 =	sadd.s32 s4, s20  }
0x9c: {  	s22 =	simm.s32 $0x0;
	s5 =	sshll.u32 s5, $0x1;
	s6 =	sadd.s32 s21, s4  }
0x9d: {  	[timem:s22], [sflag:s7] =	dma.local [hbm:s6], s5  }
0x9e: {  	_ =	swait.ge [sflag:s7], s5  }
0x9f: {  	s5 =	ssub.s32 $0x0, s5;
	[sflag:s7] =	ssyncset.done $0x0  }
0xa0: {  	[sflag:s7] =	ssyncadd.s32 s5;
	_ =	sdelay $0x1  }
0xa1: {  	s23 =	simm.s32 $0x1B8B  }
0xa2: {  	_ =	swait.ge [sflag:s23], $0x1  }
0xa3: {  	[sflag:s23] =	ssyncset.done $0x0  }
0xa4: {  	[sflag:s23] =	ssyncadd.s32 $0xFFFFFFFF  }
0xa5: {  	s5 =	sld [smem:$0x0]  }
0xa6: {  	s6 =	sand.u32 $0xFFFFFFFE, s1  }
0xa7: {  	p0 =	sne.s32 s1, s6  }
0xa8: {  	s6 =	sshll.u32 @p0 s6, $0xE  }
0xa9: {  	s6 =	sadd.s32 @p0 $0x11B8D, s6;
	s7 =	sshll.u32 @p0 s5, $0x11  }
0xaa: {  	s6 =	sor.u32 @p0 s7, s6  }
0xab: {  	[sflag:s6] =	ssyncadd.remote.s32 @p0 $0x1;
	_ =	sdelay $0x1  }
0xac: {  	s6 =	simm.s32 @p0 $0x1B8D  }
0xad: {  	_ =	swait.eq @p0 [sflag:s6], $0x1  }
0xae: {  	[sflag:s6] =	ssyncadd.s32 @p0 $0xFFFFFFFF  }
0xaf: {  	s7 =	sshll.u32 @!p0 s1, $0xE  }
0xb0: {  	s7 =	sor.u32 @!p0 $0x4000, s7;
	s6 =	simm.s32 @!p0 $0x1B8D  }
0xb1: {  	s5 =	sshll.u32 @!p0 s5, $0x11;
	s7 =	sadd.s32 @!p0 $0x11B8D, s7;
	_ =	swait.eq @!p0 [sflag:s6], $0x1  }
0xb2: {  	s5 =	sor.u32 @!p0 s5, s7;
	[sflag:s6] =	ssyncadd.s32 @!p0 $0xFFFFFFFF  }
0xb3: {  	s25 =	simm.s32 $0x1B8E;
	s24 =	sld [smem:$0x3FFE];
	[sflag:s5] =	ssyncadd.remote.s32 @!p0 $0x1  }
0xb4: {  	s26 =	simm.s32 $execute0_lowered;
	[smem:$0x3FD2] =	sst s25  }
0xb5: {  	s6 =	sshll.u32 s26, $0x1;
	_ =	strace $0x80000049;
	[dreg:$0x1] =	wrdreg $0xFFFFFFFF  }
0xb6: {  	s28 =	simm.s32 $_size_execute0_lowered;
	s4 =	sadd.s32 s4, s6;
	[dreg:$0x0] =	wrdreg $0x0  }
0xb7: {  	s6 =	sshll.u32 s28, $0x1;
	[dreg:$0x2] =	wrdreg s4  }
0xb8: {  	[dreg:$0x3] =	wrdreg s6  }
0xb9: {  	[dreg:$0x4] =	wrdreg $0xC0  }
0xba: {  	_ =	task [dreg:s22], $0x5FFFF  }
0xbb: {  	[dreg:$0x1] =	wrdreg $0xFFFFFFFF  }
0xbc: {  	[dreg:$0x0] =	wrdreg $0x60  }
0xbd: {  	[dreg:$0x2] =	wrdreg s24  }
0xbe: {  	[dreg:$0x3] =	wrdreg s18  }
0xbf: {  	[dreg:$0x4] =	wrdreg $0x5C800  }
0xc0: {  	[dreg:$0x5] =	wrdreg $0x9  }
0xc1: {  	_ =	task.clear_ibuf [dreg:s22], $0x6FFFF;
	_ =	strace $0x90000049  }
0xc2: {  	s29 =	simm.s32 $0x9;
	_ =	strace $0x8000004B  }
0xc3: {  	_ =	swait.ge [sflag:s29], $0x1  }
0xc4: {  	[sflag:s29] =	ssyncadd.s32 $0xFFFFFFFF  }
0xc5: {  	_ =	strace $0x9000004B  }
0xc6: {  	_ =	sfence  }
0xc7: {  	s30 =	sld [smem:$0x0];
	_ =	sdelay $0x2  }
0xc8: {  	s31 =	sshll.u32 s1, $0xD;
	s1 =	sshrl.u32 s1, $0x2  }
0xc9: {  	s4 =	sand.u32 $0x4000, s31;
	s1 =	sadd.s32 s1, s30  }
0xca: {  	s0 =	sor.u32 s4, s0;
	s1 =	sshll.u32 s1, $0x11  }
0xcb: {  	s0 =	sor.u32 s1, s0  }
0xcc: {  	s0 =	sadd.s32 $0x8F2B, s0  }
0xcd: {  	[sflag:s0] =	ssyncadd.remote.s32 $0x1  }
0xce: {  	_ =	sfence.sel $0xFFFF  }
0xcf: {  	[dreg:$0x0] =	wrdreg $0xFFFFFFFF;
	(pc) =	sbr.abs _section_cstart, $3  }
0xd0: {  	[dreg:$0x1] =	wrdreg $0xFFFFFFFF  }
0xd1: {  	_ =	task.clear_ibuf [dreg:s22], $0x2FFFF;
	_ =	strace $0x9FFFFFFF  }
0xd2: {  	(tm) =	ssettm $0x7FFFFFFF  }
0xd3: {  	_ =	shalt  }
tec
execute0_lowered:
.L_overlay_start_1:
0x0: {  	(tag) =	ssettag $0x1  }
0x1: {  	s6 =	rddreg [dreg:$0x0]  }
0x2: {  	s2 =	rddreg [dreg:$0x1];
	s1 =	srdreg.scid  }
0x3: {  	s0 =	stileid.u32;
	s3 =	rddreg [dreg:$0x2]  }
0x4: {  	s4 =	simm.s32 $0x0;
	s24 =	simm.s32 $0x80;
	s25 =	simm.s32 $0x50  }
0x5: {  	s8 =	sand.u32 $0x1, s1;
	s5 =	smul.u32 $0x4E20, s0;
	s1 =	rddreg [dreg:$0x3]  }
0x6: {  	s26 =	simm.s32 $0x0;
	[smem:$0x7FF] =	sst s4;
	s9 =	smul.u32 $0x4E000, s0  }
0x7: {  	s11 =	smul.u32 $0x13800, s0;
	s19 =	sadd.s32 $0x65400, s6;
	s12 =	sadd.s32 $0x138000, s3  }
0x8: {  	p0 =	sne.s32 s0, $0xF;
	s7 =	smul.u32 $0x2710, s8;
	s30 =	ssub.s32 $0x2, s8  }
0x9: {  	_ =	strace $0x8000004A;
	s17 =	smul.u32 $0x138800, s8;
	s31 =	sshrl.u32 s30, $0x1  }
0xa: {  	s9 =	sshrl.u32 s9, $0x2;
	s14 =	sadd.s32 $0x3400, s11;
	s15 =	sadd.s32 $0x6800, s11  }
0xb: {  	s16 =	sadd.s32 $0x9C00, s11;
	s18 =	sadd.s32 $0xD000, s11;
	s22 =	sadd.s32 $0x10400, s11  }
0xc: {  	s7 =	sadd.s32 s7, s5;
	s5 =	sadd.s32 $0x16A00, s6;
	s20 =	ssub.s32 s30, s31  }
0xd: {  	s8 =	sadd.s32 s15, s3;
	s10 =	sadd.s32 s18, s3;
	s13 =	sadd.s32 s11, s17  }
0xe: {  	s11 =	sadd.s32 s22, s3;
	s15 =	sadd.s32 s17, s15;
	s18 =	sadd.s32 s17, s18  }
0xf: {  	s22 =	sadd.s32 s17, s22;
	s23 =	sshrl.u32 s17, $0x3;
	s7 =	sshrl.u32 s7, $0x3  }
0x10: {  	s13 =	sshrl.u32 s13, $0x3;
	s15 =	sshrl.u32 s15, $0x3;
	s18 =	sshrl.u32 s18, $0x3  }
0x11: {  	s22 =	sshrl.u32 s22, $0x3;
	s20 =	smax.u32 s20, $0x1;
	s21 =	sadd.s32 s7, s6  }
0x12: {  	s6 =	sadd.s32 s9, s3;
	s7 =	sadd.s32 s14, s3;
	s9 =	sadd.s32 s16, s3  }
0x13: {  	s13 =	sadd.s32 s19, s13;
	s14 =	sadd.s32 s17, s14;
	s16 =	sadd.s32 s17, s16  }
0x14: {  	s15 =	sadd.s32 s19, s15;
	s17 =	sadd.s32 s19, s18;
	s18 =	sadd.s32 s19, s22  }
0x15: {  	s22 =	simm.s32 $0x2880;
	s14 =	sshrl.u32 s14, $0x3;
	s16 =	sshrl.u32 s16, $0x3  }
0x16: {  	s14 =	sadd.s32 s19, s14;
	s16 =	sadd.s32 s19, s16;
	s19 =	sadd.s32 s19, s23  }
0x17: {  	s21 =	sadd.s32 $0x2E00, s21;
	s23 =	simm.s32 $0x1;
	s19 =	sadd.s32 $0x27000, s19  }
.LBB2_1:
0x18: {  	[tilespmem:s22], [sflag:$0x1] =	stream.linear.gather [hbm4b:s5+s4], $0x3400, $0x38;
	[tilespmem:$0x19500] =	vst v63  }
0x19: {  	_ =	swait.ge [sflag:s23], $0x3400  }
0x1a: {  	[sflag:s23] =	ssyncset.done $0x0  }
0x1b: {  	[sflag:s23] =	ssyncadd.s32 $0xFFFFCC00  }
0x1c: {  	[spmem:s6] =	stream.linear.scatter [tilespmem:s22], [sflag:$0x1], $0x3400, $0x38;
	[tilespmem:$0x19500] =	vst v63  }
0x1d: {  	_ =	swait.ge [sflag:s23], $0x3400  }
0x1e: {  	[sflag:s23] =	ssyncset.done $0x0  }
0x1f: {  	[sflag:s23] =	ssyncadd.s32 $0xFFFFCC00  }
0x20: {  	[spmem:s7] =	stream.linear.scatter [tilespmem:s22], [sflag:$0x1], $0x3400, $0x38;
	[tilespmem:$0x19500] =	vst v63  }
0x21: {  	_ =	swait.ge [sflag:s23], $0x3400  }
0x22: {  	[sflag:s23] =	ssyncset.done $0x0  }
0x23: {  	[sflag:s23] =	ssyncadd.s32 $0xFFFFCC00  }
0x24: {  	[spmem:s8] =	stream.linear.scatter [tilespmem:s22], [sflag:$0x1], $0x3400, $0x38;
	[tilespmem:$0x19500] =	vst v63  }
0x25: {  	_ =	swait.ge [sflag:s23], $0x3400  }
0x26: {  	[sflag:s23] =	ssyncset.done $0x0  }
0x27: {  	[sflag:s23] =	ssyncadd.s32 $0xFFFFCC00  }
0x28: {  	[spmem:s9] =	stream.linear.scatter [tilespmem:s22], [sflag:$0x1], $0x3400, $0x38;
	[tilespmem:$0x19500] =	vst v63  }
0x29: {  	_ =	swait.ge [sflag:s23], $0x3400  }
0x2a: {  	[sflag:s23] =	ssyncset.done $0x0  }
0x2b: {  	[sflag:s23] =	ssyncadd.s32 $0xFFFFCC00  }
0x2c: {  	[spmem:s10] =	stream.linear.scatter [tilespmem:s22], [sflag:$0x1], $0x3400, $0x38;
	[tilespmem:$0x19500] =	vst v63  }
0x2d: {  	_ =	swait.ge [sflag:s23], $0x3400  }
0x2e: {  	[sflag:s23] =	ssyncset.done $0x0  }
0x2f: {  	[sflag:s23] =	ssyncadd.s32 $0xFFFFCC00  }
0x30: {  	[spmem:s11] =	stream.linear.scatter [tilespmem:s22], [sflag:$0x1], $0x3400, $0x38;
	[tilespmem:$0x19500] =	vst v63  }
0x31: {  	_ =	swait.ge [sflag:s23], $0x3400  }
0x32: {  	[sflag:s23] =	ssyncset.done $0x0  }
0x33: {  	s28 =	simm.s32 @!p0 $0x2880;
	[sflag:s23] =	ssyncadd.s32 $0xFFFFCC00  }
0x34: {  	[spmem:s12] =	stream.linear.scatter @!p0 [tilespmem:s28], [sflag:$0x1], $0x800, $0x38;
	[tilespmem:$0x19500] =	vst v63  }
0x35: {  	s28 =	simm.s32 @!p0 $0x1  }
0x36: {  	_ =	swait.ge @!p0 [sflag:s28], $0x800  }
0x37: {  	[sflag:s28] =	ssyncset.done @!p0 $0x0  }
0x38: {  	[sflag:s28] =	ssyncadd.s32 @!p0 $0xFFFFF800  }
0x39: {  	[bflag:$0x0] =	sbarrier.arrive $0xFFFF  }
0x3a: {  	[tilespmem:s24], [sflag:$0x1] =	stream.linear.gather [hbm4b:s2+s4], $0x2800, $0x38;
	[tilespmem:$0x19500] =	vst v63  }
0x3b: {  	_ =	swait.ge [sflag:s23], $0x2800  }
0x3c: {  	[sflag:s23] =	ssyncset.done $0x0  }
0x3d: {  	s28 =	sadd.s32 $0x0, s21;
	[sflag:s23] =	ssyncadd.s32 $0xFFFFD800  }
0x3e: {  	[tilespmem:s4], [sflag:$0x1] =	stream.linear.gather [hbm4b:s28+s4], $0x50, $0x38;
	[tilespmem:$0x19500] =	vst v63  }
0x3f: {  	_ =	swait.ge [sflag:s23], $0x50  }
0x40: {  	[sflag:s23] =	ssyncset.done $0x0  }
0x41: {  	[sflag:s23] =	ssyncadd.s32 $0xFFFFFFB0  }
0x42: {  	[spmem:s3] =	stream.indirect.scatter.add.f32 [tilespmem:s24], [sflag:$0x1], $0x80, s4, s25, $0xb8;
	[tilespmem:$0x19500] =	vst v63  }
0x43: {  	_ =	swait.ge [sflag:s23], $0x2800  }
0x44: {  	s29 =	simm.s32 $0x14;
	s28 =	simm.s32 $0xA;
	[sflag:s23] =	ssyncset.done $0x0  }
.LBB2_2:
0x45: {  	s30 =	sadd.s32 s28, s21  }
0x46: {  	[sflag:s23] =	ssyncadd.s32 $0xFFFFD800;
	s28 =	smov.u32 s29;
	s31 =	sadd.s32 $0xA, s29  }
0x47: {  	[tilespmem:s4], [sflag:$0x1] =	stream.linear.gather [hbm4b:s30+s4], $0x50, $0x38;
	[tilespmem:$0x19500] =	vst v63  }
0x48: {  	p1 =	sne.s32 s29, $0x4D8;
	_ =	swait.ge [sflag:s23], $0x50  }
.Ltmp0:
0x49: {  	[sflag:s23] =	ssyncset.done $0x0;
	(pc) =	sbr.rel @p1 .LBB2_2-.Ltmp0, $4  }
0x4a: {  	[sflag:s23] =	ssyncadd.s32 $0xFFFFFFB0  }
0x4b: {  	[spmem:s3] =	stream.indirect.scatter.add.f32 [tilespmem:s24], [sflag:$0x1], $0x80, s4, s25, $0xb8;
	[tilespmem:$0x19500] =	vst v63  }
0x4c: {  	_ =	swait.ge [sflag:s23], $0x2800  }
0x4d: {  	s29 =	smov.u32 s31;
	[sflag:s23] =	ssyncset.done $0x0  }
0x4e: {  	s28 =	sadd.s32 s28, s21;
	[sflag:s23] =	ssyncadd.s32 $0xFFFFD800  }
0x4f: {  	[tilespmem:s4], [sflag:$0x1] =	stream.linear.gather [hbm4b:s28+s4], $0x50, $0x38;
	[tilespmem:$0x19500] =	vst v63  }
0x50: {  	_ =	swait.ge [sflag:s23], $0x50  }
0x51: {  	[sflag:s23] =	ssyncset.done $0x0  }
0x52: {  	[sflag:s23] =	ssyncadd.s32 $0xFFFFFFB0  }
0x53: {  	[spmem:s3] =	stream.indirect.scatter.add.f32 [tilespmem:s24], [sflag:$0x1], $0x80, s4, s25, $0xb8;
	[tilespmem:$0x19500] =	vst v63  }
0x54: {  	_ =	swait.ge [sflag:s23], $0x2800  }
0x55: {  	[sflag:s23] =	ssyncset.done $0x0  }
0x56: {  	[sflag:s23] =	ssyncadd.s32 $0xFFFFD800  }
0x57: {  	[bflag:$0x0] =	sbarrier.arrive $0xFFFF  }
0x58: {  	[tilespmem:s22], [sflag:$0x1] =	stream.linear.gather [spmem:s6], $0x3400, $0x38;
	[tilespmem:$0x19500] =	vst v63  }
0x59: {  	_ =	swait.ge [sflag:s23], $0x3400  }
0x5a: {  	[sflag:s23] =	ssyncset.done $0x0  }
0x5b: {  	[sflag:s23] =	ssyncadd.s32 $0xFFFFCC00  }
0x5c: {  	[hbm4b:s13+s4] =	stream.linear.scatter [tilespmem:s22], [sflag:$0x1], $0x3400, $0x38;
	[tilespmem:$0x19500] =	vst v63  }
0x5d: {  	_ =	swait.ge [sflag:s23], $0x3400  }
0x5e: {  	[sflag:s23] =	ssyncset.done $0x0  }
0x5f: {  	[sflag:s23] =	ssyncadd.s32 $0xFFFFCC00  }
0x60: {  	[tilespmem:s22], [sflag:$0x1] =	stream.linear.gather [spmem:s7], $0x3400, $0x38;
	[tilespmem:$0x19500] =	vst v63  }
0x61: {  	_ =	swait.ge [sflag:s23], $0x3400  }
0x62: {  	[sflag:s23] =	ssyncset.done $0x0  }
0x63: {  	[sflag:s23] =	ssyncadd.s32 $0xFFFFCC00  }
0x64: {  	[hbm4b:s14+s4] =	stream.linear.scatter [tilespmem:s22], [sflag:$0x1], $0x3400, $0x38;
	[tilespmem:$0x19500] =	vst v63  }
0x65: {  	_ =	swait.ge [sflag:s23], $0x3400  }
0x66: {  	[sflag:s23] =	ssyncset.done $0x0  }
0x67: {  	[sflag:s23] =	ssyncadd.s32 $0xFFFFCC00  }
0x68: {  	[tilespmem:s22], [sflag:$0x1] =	stream.linear.gather [spmem:s8], $0x3400, $0x38;
	[tilespmem:$0x19500] =	vst v63  }
0x69: {  	_ =	swait.ge [sflag:s23], $0x3400  }
0x6a: {  	[sflag:s23] =	ssyncset.done $0x0  }
0x6b: {  	[sflag:s23] =	ssyncadd.s32 $0xFFFFCC00  }
0x6c: {  	[hbm4b:s15+s4] =	stream.linear.scatter [tilespmem:s22], [sflag:$0x1], $0x3400, $0x38;
	[tilespmem:$0x19500] =	vst v63  }
0x6d: {  	_ =	swait.ge [sflag:s23], $0x3400  }
0x6e: {  	[sflag:s23] =	ssyncset.done $0x0  }
0x6f: {  	[sflag:s23] =	ssyncadd.s32 $0xFFFFCC00  }
0x70: {  	[tilespmem:s22], [sflag:$0x1] =	stream.linear.gather [spmem:s9], $0x3400, $0x38;
	[tilespmem:$0x19500] =	vst v63  }
0x71: {  	_ =	swait.ge [sflag:s23], $0x3400  }
0x72: {  	[sflag:s23] =	ssyncset.done $0x0  }
0x73: {  	[sflag:s23] =	ssyncadd.s32 $0xFFFFCC00  }
0x74: {  	[hbm4b:s16+s4] =	stream.linear.scatter [tilespmem:s22], [sflag:$0x1], $0x3400, $0x38;
	[tilespmem:$0x19500] =	vst v63  }
0x75: {  	_ =	swait.ge [sflag:s23], $0x3400  }
0x76: {  	[sflag:s23] =	ssyncset.done $0x0  }
0x77: {  	[sflag:s23] =	ssyncadd.s32 $0xFFFFCC00  }
0x78: {  	[tilespmem:s22], [sflag:$0x1] =	stream.linear.gather [spmem:s10], $0x3400, $0x38;
	[tilespmem:$0x19500] =	vst v63  }
0x79: {  	_ =	swait.ge [sflag:s23], $0x3400  }
0x7a: {  	[sflag:s23] =	ssyncset.done $0x0  }
0x7b: {  	[sflag:s23] =	ssyncadd.s32 $0xFFFFCC00  }
0x7c: {  	[hbm4b:s17+s4] =	stream.linear.scatter [tilespmem:s22], [sflag:$0x1], $0x3400, $0x38;
	[tilespmem:$0x19500] =	vst v63  }
0x7d: {  	_ =	swait.ge [sflag:s23], $0x3400  }
0x7e: {  	[sflag:s23] =	ssyncset.done $0x0  }
0x7f: {  	[sflag:s23] =	ssyncadd.s32 $0xFFFFCC00  }
0x80: {  	[tilespmem:s22], [sflag:$0x1] =	stream.linear.gather [spmem:s11], $0x3400, $0x38;
	[tilespmem:$0x19500] =	vst v63  }
0x81: {  	_ =	swait.ge [sflag:s23], $0x3400  }
0x82: {  	[sflag:s23] =	ssyncset.done $0x0  }
0x83: {  	[sflag:s23] =	ssyncadd.s32 $0xFFFFCC00  }
0x84: {  	[hbm4b:s18+s4] =	stream.linear.scatter [tilespmem:s22], [sflag:$0x1], $0x3400, $0x38;
	[tilespmem:$0x19500] =	vst v63  }
0x85: {  	_ =	swait.ge [sflag:s23], $0x3400  }
0x86: {  	[sflag:s23] =	ssyncset.done $0x0  }
0x87: {  	s29 =	simm.s32 @!p0 $0x1;
	s28 =	simm.s32 @!p0 $0x2880;
	[sflag:s23] =	ssyncadd.s32 $0xFFFFCC00  }
0x88: {  	[tilespmem:s28], [sflag:$0x1] =	stream.linear.gather @!p0 [spmem:s12], $0x800, $0x38;
	[tilespmem:$0x19500] =	vst v63  }
0x89: {  	s26 =	sadd.s32 $0x1, s26;
	_ =	swait.ge @!p0 [sflag:s29], $0x800  }
0x8a: {  	p1 =	sne.s32 s26, s20;
	[sflag:s29] =	ssyncset.done @!p0 $0x0  }
.Ltmp1:
0x8b: {  	s30 =	simm.s32 @!p0 $0x0;
	[sflag:s29] =	ssyncadd.s32 @!p0 $0xFFFFF800;
	(pc) =	sbr.rel @p1 .LBB2_1-.Ltmp1, $4  }
0x8c: {  	[hbm4b:s19+s30] =	stream.linear.scatter @!p0 [tilespmem:s28], [sflag:$0x1], $0x800, $0x38;
	[tilespmem:$0x19500] =	vst v63  }
0x8d: {  	_ =	swait.ge @!p0 [sflag:s29], $0x800  }
0x8e: {  	[sflag:s29] =	ssyncset.done @!p0 $0x0  }
0x8f: {  	[sflag:s29] =	ssyncadd.s32 @!p0 $0xFFFFF800  }
0x90: {  	_ =	sfence.sel $0x180000  }
0x91: {  	[bflag:$0x0] =	sbarrier.arrive $0xFFFF  }
0x92: {  	p0 =	sne.s32 s0, $0x0;
	_ =	strace $0x9000004A  }
0x93: {  	s0 =	sadd.s32 @!p0 $0x100000, s1;
	[bflag:$0x2] =	sbarrier.arrive $0xFFFF  }
0x94: {  	[sflag:s0] =	ssyncadd.tile.s32 @!p0 $0x1;
	_ =	shalt  }
.Lfunc_end2:
_tile_overlayer_lowered:
.L_overlay_start_2:
0x95: {  	(tag) =	ssettag $0x2  }
0x96: {  	s0 =	rddreg [dreg:$0x0];
	s2 =	stileid.u32  }
0x97: {  	s1 =	rddreg [dreg:$0x1];
	p0 =	sne.s32 s2, $0x0  }
0x98: {  	s3 =	rddreg [dreg:$0x2];
	[bflag:$0x3] =	sbarrier.arrive $0xFFFF;
	s2 =	simm.s32 @!p0 $0x1C01  }
0x99: {  	[timem:s3], [sflag:s2] =	dma.local @!p0 [hbm:s0], s1  }
0x9a: {  	s0 =	simm.s32 @!p0 $0x1  }
0x9b: {  	_ =	swait.ge @!p0 [sflag:s0], s1  }
0x9c: {  	s1 =	ssub.s32 @!p0 $0x0, s1;
	[sflag:s0] =	ssyncset.done @!p0 $0x0  }
0x9d: {  	[sflag:s0] =	ssyncadd.s32 @!p0 s1  }
0x9e: {  	[bflag:$0x3] =	sbarrier.arrive $0xFFFF  }
0x9f: {  	_ =	shalt  }

</sc_bundles>
